<compile_context>
chip_gen: v7x
topology: tpu7x:2x2x1
jax: 0.10.2.dev20260603
libtpu: 0.0.44.dev20260713+nightly
codegen_flags: <defaults>
</compile_context>

<pallas_src>
import jax
import jax.numpy as jnp
from jax import lax
from jax.experimental import pallas as pl
from jax.experimental.pallas import tpu as pltpu
from jax.experimental.pallas import tpu_sc as plsc

B = 16384
K = 32
L = 16
TW = 128

_info = plsc.get_sparse_core_info()
NC, NS = _info.num_cores, _info.num_subcores
NW = NC * NS
BPW = B // NW
WAVE = 4
N_GROUPS = BPW // L
N_CHUNKS = BPW // L


def _gmf_body(uid_hbm, iid_hbm, user_t, item_t, wb_hbm, out_hbm,
              uidx, iidx, ublk, iblk, grows, girows, outv, wbv,
              sem_idx, sem_a, sem_b):
    wid = lax.axis_index("s") * NC + lax.axis_index("c")
    base = wid * BPW

    cp_u = pltpu.make_async_copy(uid_hbm.at[pl.ds(base, BPW)], uidx, sem_idx)
    cp_i = pltpu.make_async_copy(iid_hbm.at[pl.ds(base, BPW)], iidx, sem_idx)
    cp_u.start()
    cp_i.start()
    pltpu.sync_copy(wb_hbm, wbv)
    cp_u.wait()
    cp_i.wait()

    iota = lax.iota(jnp.int32, L)
    lo = iota
    hi = iota + jnp.int32(L)

    def _fetch_wave(uvec, ivec, w, ring, sem):
        for l in range(WAVE):
            ru = uvec[w * WAVE + l]
            ri = ivec[w * WAVE + l]
            bu = pl.multiple_of((ru // TW) * TW, TW)
            bi = pl.multiple_of((ri // TW) * TW, TW)
            pltpu.make_async_copy(
                user_t.at[:, pl.ds(bu, TW)], ublk.at[ring, l], sem).start()
            pltpu.make_async_copy(
                item_t.at[:, pl.ds(bi, TW)], iblk.at[ring, l], sem).start()

    def _drain_wave(ring, sem):
        dummy = user_t.at[pl.ds(0, K), pl.ds(0, TW)]
        for l in range(WAVE):
            pltpu.make_async_copy(dummy, ublk.at[ring, l], sem).wait()
            pltpu.make_async_copy(dummy, iblk.at[ring, l], sem).wait()

    def _extract_wave(uvec, ivec, w, ring):
        for l in range(WAVE):
            p = w * WAVE + l
            cu = jnp.full((L,), uvec[w * WAVE + l] % TW, jnp.int32)
            ci = jnp.full((L,), ivec[w * WAVE + l] % TW, jnp.int32)
            grows[p, pl.ds(0, L)] = plsc.load_gather(ublk.at[ring, l], [lo, cu])
            grows[p, pl.ds(L, L)] = plsc.load_gather(ublk.at[ring, l], [hi, cu])
            girows[p, pl.ds(0, L)] = plsc.load_gather(iblk.at[ring, l], [lo, ci])
            girows[p, pl.ds(L, L)] = plsc.load_gather(iblk.at[ring, l], [hi, ci])

    n_waves = L // WAVE

    w0 = wbv[0, pl.ds(0, L)]
    w1 = wbv[0, pl.ds(L, L)]
    bvec = wbv[0, pl.ds(K, L)]
    wk = [jnp.full((L,), (w0 if k < L else w1)[k % L], jnp.float32)
          for k in range(K)]
    bias = jnp.full((L,), bvec[0], jnp.float32)

    def group_body(g, carry):
        uvec = uidx[pl.ds(g * L, L)]
        ivec = iidx[pl.ds(g * L, L)]
        _fetch_wave(uvec, ivec, 0, 0, sem_a)
        for w in range(n_waves):
            ring, sem = w % 2, (sem_a if w % 2 == 0 else sem_b)
            if w + 1 < n_waves:
                nring = (w + 1) % 2
                nsem = sem_a if (w + 1) % 2 == 0 else sem_b
                _fetch_wave(uvec, ivec, w + 1, nring, nsem)
            _drain_wave(ring, sem)
            _extract_wave(uvec, ivec, w, ring)
        acc0 = bias
        acc1 = jnp.zeros((L,), jnp.float32)
        for k in range(K):
            kidx = jnp.full((L,), k, jnp.int32)
            term = (plsc.load_gather(grows, [iota, kidx])
                    * plsc.load_gather(girows, [iota, kidx]) * wk[k])
            if k % 2 == 0:
                acc0 = acc0 + term
            else:
                acc1 = acc1 + term
        acc = acc0 + acc1
        outv[pl.ds(g * L, L)] = 1.0 / (1.0 + jnp.exp(-acc))
        return carry

    lax.fori_loop(0, N_GROUPS, group_body, 0)
    pltpu.sync_copy(outv, out_hbm.at[pl.ds(base, BPW)])


@jax.jit
def kernel(uid, iid, user_mat, item_mat, affine_w, affine_b):
    mesh = plsc.VectorSubcoreMesh(core_axis_name="c", subcore_axis_name="s")
    f = pl.kernel(
        _gmf_body,
        out_type=jax.ShapeDtypeStruct((B,), jnp.float32),
        mesh=mesh,
        compiler_params=pltpu.CompilerParams(needs_layout_passes=False),
        scratch_types=[
            pltpu.VMEM((BPW,), jnp.int32),
            pltpu.VMEM((BPW,), jnp.int32),
            pltpu.VMEM((2, WAVE, K, TW), jnp.float32),
            pltpu.VMEM((2, WAVE, K, TW), jnp.float32),
            pltpu.VMEM((L, K), jnp.float32),
            pltpu.VMEM((L, K), jnp.float32),
            pltpu.VMEM((BPW,), jnp.float32),
            pltpu.VMEM((1, 128), jnp.float32),
            pltpu.SemaphoreType.DMA,
            pltpu.SemaphoreType.DMA,
            pltpu.SemaphoreType.DMA,
        ],
    )
    wb = jnp.zeros((128,), jnp.float32)
    wb = wb.at[:K].set(affine_w[0]).at[K].set(affine_b[0]).reshape(1, 128)
    return f(uid, iid, user_mat.T, item_mat.T, wb)

# --- scband reference (transcript-rebuilt; emitter-appended) ---
"""Pipeline reference for scband-gmf-65180423684279 (READ-ONLY COPY).

The authoritative reference and input builder live on the scoring server;
editing this copy changes nothing except your own understanding.
"""

import jax, jax.numpy as jnp
import numpy as np

N_USER = 1000000
N_ITEM = 1000000
K = 32
BATCH = 16384

def setup_inputs(seed: int = 0) -> dict:
    key = jax.random.key(seed)
    k1, k2, k3, k4, k5, k6 = jax.random.split(key, 6)
    uid = jax.random.randint(k1, (BATCH,), 0, N_USER, dtype=jnp.int64 if jax.config.jax_enable_x64 else jnp.int32)
    iid = jax.random.randint(k2, (BATCH,), 0, N_ITEM, dtype=jnp.int64 if jax.config.jax_enable_x64 else jnp.int32)
    user_mat = jax.random.normal(k3, (N_USER, K), dtype=jnp.float32) * 1.0  # STD=1
    item_mat = jax.random.normal(k4, (N_ITEM, K), dtype=jnp.float32) * 1.0
    # xavier_uniform for affine weight [1, K]
    limit = float(np.sqrt(6.0 / (K + 1)))
    affine_w = jax.random.uniform(k5, (1, K), dtype=jnp.float32, minval=-limit, maxval=limit)
    bound = float(1.0 / np.sqrt(K))
    affine_b = jax.random.uniform(k6, (1,), dtype=jnp.float32, minval=-bound, maxval=bound)
    return {"uid": uid, "iid": iid, "user_mat": user_mat, "item_mat": item_mat, "affine_w": affine_w, "affine_b": affine_b}

def reference(uid, iid, user_mat, item_mat, affine_w, affine_b):
    user_embedding = jnp.take(user_mat, uid, axis=0)          # [B, K]
    item_embedding = jnp.take(item_mat, iid, axis=0)          # [B, K]
    prod = user_embedding * item_embedding                     # [B, K]
    logits = prod @ affine_w.T + affine_b                      # [B, 1]
    rating = jax.nn.sigmoid(logits)
    return jnp.squeeze(rating, axis=-1)                        # [B]

if __name__ == "__main__":
    import jax
    _d = setup_inputs()
    print(jax.jit(kernel)(*tuple(_d.values())))

</pallas_src>

<mosaic_0001>
#map = affine_map<(d0, d1) -> (0)>
#map1 = affine_map<(d0, d1) -> (0, 0)>
module attributes {stable_mosaic.version = 14 : i64} {
  func.func @_gmf_body(%arg0: i32, %arg1: i32, %arg2: memref<16384xi32, #tpu.memory_space<hbm>>, %arg3: memref<16384xi32, #tpu.memory_space<hbm>>, %arg4: memref<32x1000000xf32, #tpu.memory_space<hbm>>, %arg5: memref<32x1000000xf32, #tpu.memory_space<hbm>>, %arg6: memref<1x128xf32, #tpu.memory_space<hbm>>, %arg7: memref<16384xf32, #tpu.memory_space<hbm>>, %arg8: memref<512xi32, #tpu.memory_space<vmem>>, %arg9: memref<512xi32, #tpu.memory_space<vmem>>, %arg10: memref<2x4x32x128xf32, #tpu.memory_space<vmem>>, %arg11: memref<2x4x32x128xf32, #tpu.memory_space<vmem>>, %arg12: memref<16x32xf32, #tpu.memory_space<vmem>>, %arg13: memref<16x32xf32, #tpu.memory_space<vmem>>, %arg14: memref<512xf32, #tpu.memory_space<vmem>>, %arg15: memref<1x128xf32, #tpu.memory_space<vmem>>, %arg16: memref<!tpu.dma_semaphore, #tpu.memory_space<semaphore_mem>>, %arg17: memref<!tpu.dma_semaphore, #tpu.memory_space<semaphore_mem>>, %arg18: memref<!tpu.dma_semaphore, #tpu.memory_space<semaphore_mem>>) attributes {dimension_semantics = [#tpu.dimension_semantics<core_parallel>, #tpu.dimension_semantics<subcore_parallel>], iteration_bounds = array<i64: 2, 16>, scalar_prefetch = 0 : i64, scratch_operands = 11 : i64, tpu.core_type = #tpu.core_type<sc_vector_subcore>, window_params = [{transform_indices = #map}, {transform_indices = #map}, {transform_indices = #map1}, {transform_indices = #map1}, {transform_indices = #map1}, {transform_indices = #map}]} {
    %mul3A = arith.constant 2 : i32
    %mul3A_0 = arith.muli %arg1, %mul3A : i32
    %add3A = arith.addi %mul3A_0, %arg0 : i32
    %mul3A_1 = arith.constant 512 : i32
    %mul3A_2 = arith.muli %add3A, %mul3A_1 : i32
    %dma_start3A = tpu.memref_slice %arg2[%mul3A_2] : memref<16384xi32, #tpu.memory_space<hbm>> -> memref<512xi32, #tpu.memory_space<hbm>>
    %dma_start3A_3 = tpu.memref_slice %arg2[%mul3A_2] : memref<16384xi32, #tpu.memory_space<hbm>> -> memref<512xi32, #tpu.memory_space<hbm>>
    tpu.enqueue_dma source(%dma_start3A_3 : memref<512xi32, #tpu.memory_space<hbm>>) target(%arg8 : memref<512xi32, #tpu.memory_space<vmem>>) target_semaphore(%arg16 : memref<!tpu.dma_semaphore, #tpu.memory_space<semaphore_mem>>)
    %dma_start3A_4 = tpu.memref_slice %arg3[%mul3A_2] : memref<16384xi32, #tpu.memory_space<hbm>> -> memref<512xi32, #tpu.memory_space<hbm>>
    %dma_start3A_5 = tpu.memref_slice %arg3[%mul3A_2] : memref<16384xi32, #tpu.memory_space<hbm>> -> memref<512xi32, #tpu.memory_space<hbm>>
    tpu.enqueue_dma source(%dma_start3A_5 : memref<512xi32, #tpu.memory_space<hbm>>) target(%arg9 : memref<512xi32, #tpu.memory_space<vmem>>) target_semaphore(%arg16 : memref<!tpu.dma_semaphore, #tpu.memory_space<semaphore_mem>>)
    "tpu.region"() ({
      %run_scoped3A = tpu.sem_alloc : memref<!tpu.dma_semaphore, #tpu.memory_space<semaphore_mem>>
      tpu.enqueue_dma source(%arg6 : memref<1x128xf32, #tpu.memory_space<hbm>>) target(%arg15 : memref<1x128xf32, #tpu.memory_space<vmem>>) target_semaphore(%run_scoped3A : memref<!tpu.dma_semaphore, #tpu.memory_space<semaphore_mem>>)
      tpu.wait_dma2 semaphore(%run_scoped3A : memref<!tpu.dma_semaphore, #tpu.memory_space<semaphore_mem>>) src(%arg6 : memref<1x128xf32, #tpu.memory_space<hbm>>) dst(%arg15 : memref<1x128xf32, #tpu.memory_space<vmem>>)
      tpu.yield
    }) : () -> ()
    %dma_wait3A = tpu.memref_slice %arg2[%mul3A_2] : memref<16384xi32, #tpu.memory_space<hbm>> -> memref<512xi32, #tpu.memory_space<hbm>>
    %dma_wait3A_6 = tpu.memref_slice %arg2[%mul3A_2] : memref<16384xi32, #tpu.memory_space<hbm>> -> memref<512xi32, #tpu.memory_space<hbm>>
    tpu.wait_dma2 semaphore(%arg16 : memref<!tpu.dma_semaphore, #tpu.memory_space<semaphore_mem>>) src(%dma_wait3A_6 : memref<512xi32, #tpu.memory_space<hbm>>) dst(%arg8 : memref<512xi32, #tpu.memory_space<vmem>>)
    %dma_wait3A_7 = tpu.memref_slice %arg3[%mul3A_2] : memref<16384xi32, #tpu.memory_space<hbm>> -> memref<512xi32, #tpu.memory_space<hbm>>
    %dma_wait3A_8 = tpu.memref_slice %arg3[%mul3A_2] : memref<16384xi32, #tpu.memory_space<hbm>> -> memref<512xi32, #tpu.memory_space<hbm>>
    tpu.wait_dma2 semaphore(%arg16 : memref<!tpu.dma_semaphore, #tpu.memory_space<semaphore_mem>>) src(%dma_wait3A_8 : memref<512xi32, #tpu.memory_space<hbm>>) dst(%arg9 : memref<512xi32, #tpu.memory_space<vmem>>)
    %iota3A = tpu.iota {dimensions = array<i32: 0>} : vector<16xi32>
    %add3A_9 = arith.constant 16 : i32
    %add3A_10 = vector.broadcast %add3A_9 : i32 to vector<16xi32>
    %add3A_11 = arith.addi %iota3A, %add3A_10 : vector<16xi32>
    %get3A = arith.constant 0 : i32
    %get3A_12 = arith.index_cast %get3A : i32 to index
    %get3A_13 = arith.constant 0 : index
    %get3A_14 = tpu.vector_load %arg15[%get3A_12, %get3A_13] {strides = array<i32>} : memref<1x128xf32, #tpu.memory_space<vmem>>, vector<16xf32>,
    %get3A_15 = arith.constant 0 : i32
    %get3A_16 = arith.index_cast %get3A_15 : i32 to index
    %get3A_17 = arith.constant 16 : index
    %get3A_18 = tpu.vector_load %arg15[%get3A_16, %get3A_17] {strides = array<i32>} : memref<1x128xf32, #tpu.memory_space<vmem>>, vector<16xf32>,
    %get3A_19 = arith.constant 0 : i32
    %get3A_20 = arith.index_cast %get3A_19 : i32 to index
    %get3A_21 = arith.constant 32 : index
    %get3A_22 = tpu.vector_load %arg15[%get3A_20, %get3A_21] {strides = array<i32>} : memref<1x128xf32, #tpu.memory_space<vmem>>, vector<16xf32>,
    %slice3A = vector.extract_strided_slice %get3A_14 {offsets = [0], sizes = [1], strides = [1]} : vector<16xf32> to vector<1xf32>
    %squeeze3A = vector.extract %slice3A[0] : f32 from vector<1xf32>
    %broadcast_in_dim3A = vector.broadcast %squeeze3A : f32 to vector<16xf32>
    %slice3A_23 = vector.extract_strided_slice %get3A_14 {offsets = [1], sizes = [1], strides = [1]} : vector<16xf32> to vector<1xf32>
    %squeeze3A_24 = vector.extract %slice3A_23[0] : f32 from vector<1xf32>
    %broadcast_in_dim3A_25 = vector.broadcast %squeeze3A_24 : f32 to vector<16xf32>
    %slice3A_26 = vector.extract_strided_slice %get3A_14 {offsets = [2], sizes = [1], strides = [1]} : vector<16xf32> to vector<1xf32>
    %squeeze3A_27 = vector.extract %slice3A_26[0] : f32 from vector<1xf32>
    %broadcast_in_dim3A_28 = vector.broadcast %squeeze3A_27 : f32 to vector<16xf32>
    %slice3A_29 = vector.extract_strided_slice %get3A_14 {offsets = [3], sizes = [1], strides = [1]} : vector<16xf32> to vector<1xf32>
    %squeeze3A_30 = vector.extract %slice3A_29[0] : f32 from vector<1xf32>
    %broadcast_in_dim3A_31 = vector.broadcast %squeeze3A_30 : f32 to vector<16xf32>
    %slice3A_32 = vector.extract_strided_slice %get3A_14 {offsets = [4], sizes = [1], strides = [1]} : vector<16xf32> to vector<1xf32>
    %squeeze3A_33 = vector.extract %slice3A_32[0] : f32 from vector<1xf32>
    %broadcast_in_dim3A_34 = vector.broadcast %squeeze3A_33 : f32 to vector<16xf32>
    %slice3A_35 = vector.extract_strided_slice %get3A_14 {offsets = [5], sizes = [1], strides = [1]} : vector<16xf32> to vector<1xf32>
    %squeeze3A_36 = vector.extract %slice3A_35[0] : f32 from vector<1xf32>
    %broadcast_in_dim3A_37 = vector.broadcast %squeeze3A_36 : f32 to vector<16xf32>
    %slice3A_38 = vector.extract_strided_slice %get3A_14 {offsets = [6], sizes = [1], strides = [1]} : vector<16xf32> to vector<1xf32>
    %squeeze3A_39 = vector.extract %slice3A_38[0] : f32 from vector<1xf32>
    %broadcast_in_dim3A_40 = vector.broadcast %squeeze3A_39 : f32 to vector<16xf32>
    %slice3A_41 = vector.extract_strided_slice %get3A_14 {offsets = [7], sizes = [1], strides = [1]} : vector<16xf32> to vector<1xf32>
    %squeeze3A_42 = vector.extract %slice3A_41[0] : f32 from vector<1xf32>
    %broadcast_in_dim3A_43 = vector.broadcast %squeeze3A_42 : f32 to vector<16xf32>
    %slice3A_44 = vector.extract_strided_slice %get3A_14 {offsets = [8], sizes = [1], strides = [1]} : vector<16xf32> to vector<1xf32>
    %squeeze3A_45 = vector.extract %slice3A_44[0] : f32 from vector<1xf32>
    %broadcast_in_dim3A_46 = vector.broadcast %squeeze3A_45 : f32 to vector<16xf32>
    %slice3A_47 = vector.extract_strided_slice %get3A_14 {offsets = [9], sizes = [1], strides = [1]} : vector<16xf32> to vector<1xf32>
    %squeeze3A_48 = vector.extract %slice3A_47[0] : f32 from vector<1xf32>
    %broadcast_in_dim3A_49 = vector.broadcast %squeeze3A_48 : f32 to vector<16xf32>
    %slice3A_50 = vector.extract_strided_slice %get3A_14 {offsets = [10], sizes = [1], strides = [1]} : vector<16xf32> to vector<1xf32>
    %squeeze3A_51 = vector.extract %slice3A_50[0] : f32 from vector<1xf32>
    %broadcast_in_dim3A_52 = vector.broadcast %squeeze3A_51 : f32 to vector<16xf32>
    %slice3A_53 = vector.extract_strided_slice %get3A_14 {offsets = [11], sizes = [1], strides = [1]} : vector<16xf32> to vector<1xf32>
    %squeeze3A_54 = vector.extract %slice3A_53[0] : f32 from vector<1xf32>
    %broadcast_in_dim3A_55 = vector.broadcast %squeeze3A_54 : f32 to vector<16xf32>
    %slice3A_56 = vector.extract_strided_slice %get3A_14 {offsets = [12], sizes = [1], strides = [1]} : vector<16xf32> to vector<1xf32>
    %squeeze3A_57 = vector.extract %slice3A_56[0] : f32 from vector<1xf32>
    %broadcast_in_dim3A_58 = vector.broadcast %squeeze3A_57 : f32 to vector<16xf32>
    %slice3A_59 = vector.extract_strided_slice %get3A_14 {offsets = [13], sizes = [1], strides = [1]} : vector<16xf32> to vector<1xf32>
    %squeeze3A_60 = vector.extract %slice3A_59[0] : f32 from vector<1xf32>
    %broadcast_in_dim3A_61 = vector.broadcast %squeeze3A_60 : f32 to vector<16xf32>
    %slice3A_62 = vector.extract_strided_slice %get3A_14 {offsets = [14], sizes = [1], strides = [1]} : vector<16xf32> to vector<1xf32>
    %squeeze3A_63 = vector.extract %slice3A_62[0] : f32 from vector<1xf32>
    %broadcast_in_dim3A_64 = vector.broadcast %squeeze3A_63 : f32 to vector<16xf32>
    %slice3A_65 = vector.extract_strided_slice %get3A_14 {offsets = [15], sizes = [1], strides = [1]} : vector<16xf32> to vector<1xf32>
    %squeeze3A_66 = vector.extract %slice3A_65[0] : f32 from vector<1xf32>
    %broadcast_in_dim3A_67 = vector.broadcast %squeeze3A_66 : f32 to vector<16xf32>
    %slice3A_68 = vector.extract_strided_slice %get3A_18 {offsets = [0], sizes = [1], strides = [1]} : vector<16xf32> to vector<1xf32>
    %squeeze3A_69 = vector.extract %slice3A_68[0] : f32 from vector<1xf32>
    %broadcast_in_dim3A_70 = vector.broadcast %squeeze3A_69 : f32 to vector<16xf32>
    %slice3A_71 = vector.extract_strided_slice %get3A_18 {offsets = [1], sizes = [1], strides = [1]} : vector<16xf32> to vector<1xf32>
    %squeeze3A_72 = vector.extract %slice3A_71[0] : f32 from vector<1xf32>
    %broadcast_in_dim3A_73 = vector.broadcast %squeeze3A_72 : f32 to vector<16xf32>
    %slice3A_74 = vector.extract_strided_slice %get3A_18 {offsets = [2], sizes = [1], strides = [1]} : vector<16xf32> to vector<1xf32>
    %squeeze3A_75 = vector.extract %slice3A_74[0] : f32 from vector<1xf32>
    %broadcast_in_dim3A_76 = vector.broadcast %squeeze3A_75 : f32 to vector<16xf32>
    %slice3A_77 = vector.extract_strided_slice %get3A_18 {offsets = [3], sizes = [1], strides = [1]} : vector<16xf32> to vector<1xf32>
    %squeeze3A_78 = vector.extract %slice3A_77[0] : f32 from vector<1xf32>
    %broadcast_in_dim3A_79 = vector.broadcast %squeeze3A_78 : f32 to vector<16xf32>
    %slice3A_80 = vector.extract_strided_slice %get3A_18 {offsets = [4], sizes = [1], strides = [1]} : vector<16xf32> to vector<1xf32>
    %squeeze3A_81 = vector.extract %slice3A_80[0] : f32 from vector<1xf32>
    %broadcast_in_dim3A_82 = vector.broadcast %squeeze3A_81 : f32 to vector<16xf32>
    %slice3A_83 = vector.extract_strided_slice %get3A_18 {offsets = [5], sizes = [1], strides = [1]} : vector<16xf32> to vector<1xf32>
    %squeeze3A_84 = vector.extract %slice3A_83[0] : f32 from vector<1xf32>
    %broadcast_in_dim3A_85 = vector.broadcast %squeeze3A_84 : f32 to vector<16xf32>
    %slice3A_86 = vector.extract_strided_slice %get3A_18 {offsets = [6], sizes = [1], strides = [1]} : vector<16xf32> to vector<1xf32>
    %squeeze3A_87 = vector.extract %slice3A_86[0] : f32 from vector<1xf32>
    %broadcast_in_dim3A_88 = vector.broadcast %squeeze3A_87 : f32 to vector<16xf32>
    %slice3A_89 = vector.extract_strided_slice %get3A_18 {offsets = [7], sizes = [1], strides = [1]} : vector<16xf32> to vector<1xf32>
    %squeeze3A_90 = vector.extract %slice3A_89[0] : f32 from vector<1xf32>
    %broadcast_in_dim3A_91 = vector.broadcast %squeeze3A_90 : f32 to vector<16xf32>
    %slice3A_92 = vector.extract_strided_slice %get3A_18 {offsets = [8], sizes = [1], strides = [1]} : vector<16xf32> to vector<1xf32>
    %squeeze3A_93 = vector.extract %slice3A_92[0] : f32 from vector<1xf32>
    %broadcast_in_dim3A_94 = vector.broadcast %squeeze3A_93 : f32 to vector<16xf32>
    %slice3A_95 = vector.extract_strided_slice %get3A_18 {offsets = [9], sizes = [1], strides = [1]} : vector<16xf32> to vector<1xf32>
    %squeeze3A_96 = vector.extract %slice3A_95[0] : f32 from vector<1xf32>
    %broadcast_in_dim3A_97 = vector.broadcast %squeeze3A_96 : f32 to vector<16xf32>
    %slice3A_98 = vector.extract_strided_slice %get3A_18 {offsets = [10], sizes = [1], strides = [1]} : vector<16xf32> to vector<1xf32>
    %squeeze3A_99 = vector.extract %slice3A_98[0] : f32 from vector<1xf32>
    %broadcast_in_dim3A_100 = vector.broadcast %squeeze3A_99 : f32 to vector<16xf32>
    %slice3A_101 = vector.extract_strided_slice %get3A_18 {offsets = [11], sizes = [1], strides = [1]} : vector<16xf32> to vector<1xf32>
    %squeeze3A_102 = vector.extract %slice3A_101[0] : f32 from vector<1xf32>
    %broadcast_in_dim3A_103 = vector.broadcast %squeeze3A_102 : f32 to vector<16xf32>
    %slice3A_104 = vector.extract_strided_slice %get3A_18 {offsets = [12], sizes = [1], strides = [1]} : vector<16xf32> to vector<1xf32>
    %squeeze3A_105 = vector.extract %slice3A_104[0] : f32 from vector<1xf32>
    %broadcast_in_dim3A_106 = vector.broadcast %squeeze3A_105 : f32 to vector<16xf32>
    %slice3A_107 = vector.extract_strided_slice %get3A_18 {offsets = [13], sizes = [1], strides = [1]} : vector<16xf32> to vector<1xf32>
    %squeeze3A_108 = vector.extract %slice3A_107[0] : f32 from vector<1xf32>
    %broadcast_in_dim3A_109 = vector.broadcast %squeeze3A_108 : f32 to vector<16xf32>
    %slice3A_110 = vector.extract_strided_slice %get3A_18 {offsets = [14], sizes = [1], strides = [1]} : vector<16xf32> to vector<1xf32>
    %squeeze3A_111 = vector.extract %slice3A_110[0] : f32 from vector<1xf32>
    %broadcast_in_dim3A_112 = vector.broadcast %squeeze3A_111 : f32 to vector<16xf32>
    %slice3A_113 = vector.extract_strided_slice %get3A_18 {offsets = [15], sizes = [1], strides = [1]} : vector<16xf32> to vector<1xf32>
    %squeeze3A_114 = vector.extract %slice3A_113[0] : f32 from vector<1xf32>
    %broadcast_in_dim3A_115 = vector.broadcast %squeeze3A_114 : f32 to vector<16xf32>
    %slice3A_116 = vector.extract_strided_slice %get3A_22 {offsets = [0], sizes = [1], strides = [1]} : vector<16xf32> to vector<1xf32>
    %squeeze3A_117 = vector.extract %slice3A_116[0] : f32 from vector<1xf32>
    %broadcast_in_dim3A_118 = vector.broadcast %squeeze3A_117 : f32 to vector<16xf32>
    %scan3A = arith.constant 0 : i32
    %scan3A_119 = arith.constant 0 : i32
    %scan3A_120 = arith.constant 32 : i32
    %scan3A_121 = arith.addi %scan3A_119, %scan3A_120 : i32
    %scan3A_122 = arith.constant 1 : i32
    scf.for %scan3A_124 = %scan3A_119 to %scan3A_121 step %scan3A_122  : i32 {
      %mul3A_125 = arith.constant 16 : i32
      %mul3A_126 = arith.muli %scan3A_124, %mul3A_125 : i32
      %get3A_127 = arith.index_cast %mul3A_126 : i32 to index
      %get3A_128 = tpu.vector_load %arg8[%get3A_127] {strides = array<i32>} : memref<512xi32, #tpu.memory_space<vmem>>, vector<16xi32>,
      %mul3A_129 = arith.constant 16 : i32
      %mul3A_130 = arith.muli %scan3A_124, %mul3A_129 : i32
      %get3A_131 = arith.index_cast %mul3A_130 : i32 to index
      %get3A_132 = tpu.vector_load %arg9[%get3A_131] {strides = array<i32>} : memref<512xi32, #tpu.memory_space<vmem>>, vector<16xi32>,
      %slice3A_133 = vector.extract_strided_slice %get3A_128 {offsets = [0], sizes = [1], strides = [1]} : vector<16xi32> to vector<1xi32>
      %squeeze3A_134 = vector.extract %slice3A_133[0] : i32 from vector<1xi32>
      %slice3A_135 = vector.extract_strided_slice %get3A_132 {offsets = [0], sizes = [1], strides = [1]} : vector<16xi32> to vector<1xi32>
      %squeeze3A_136 = vector.extract %slice3A_135[0] : i32 from vector<1xi32>
      %jit3A = arith.constant 128 : i32
      %div3A = arith.divsi %squeeze3A_134, %jit3A : i32
      %sign3A = arith.constant 0 : i32
      %sign3A_137 = arith.cmpi sgt, %squeeze3A_134, %sign3A : i32
      %sign3A_138 = arith.extui %sign3A_137 : i1 to i32
      %sign3A_139 = arith.constant 0 : i32
      %sign3A_140 = arith.cmpi slt, %squeeze3A_134, %sign3A_139 : i32
      %sign3A_141 = arith.extui %sign3A_140 : i1 to i32
      %sign3A_142 = arith.subi %sign3A_138, %sign3A_141 : i32
      %sign3A_143 = arith.constant 0 : i32
      %sign3A_144 = arith.cmpi sgt, %jit3A, %sign3A_143 : i32
      %sign3A_145 = arith.extui %sign3A_144 : i1 to i32
      %sign3A_146 = arith.constant 0 : i32
      %sign3A_147 = arith.cmpi slt, %jit3A, %sign3A_146 : i32
      %sign3A_148 = arith.extui %sign3A_147 : i1 to i32
      %sign3A_149 = arith.subi %sign3A_145, %sign3A_148 : i32
      %ne3A = arith.cmpi ne, %sign3A_142, %sign3A_149 : i32
      %rem3A = arith.remsi %squeeze3A_134, %jit3A : i32
      %ne3A_150 = arith.constant 0 : i32
      %ne3A_151 = arith.cmpi ne, %rem3A, %ne3A_150 : i32
      %and3A = arith.andi %ne3A, %ne3A_151 : i1
      %sub3A = arith.constant 1 : i32
      %sub3A_152 = arith.subi %div3A, %sub3A : i32
      %select_n3A = arith.select %and3A, %sub3A_152, %div3A : i32
      %mul3A_153 = arith.constant 128 : i32
      %mul3A_154 = arith.muli %select_n3A, %mul3A_153 : i32
      %multiple_of3A = tpu.assume_multiple %mul3A_154, 128 : i32
      %jit3A_155 = arith.constant 128 : i32
      %div3A_156 = arith.divsi %squeeze3A_136, %jit3A_155 : i32
      %sign3A_157 = arith.constant 0 : i32
      %sign3A_158 = arith.cmpi sgt, %squeeze3A_136, %sign3A_157 : i32
      %sign3A_159 = arith.extui %sign3A_158 : i1 to i32
      %sign3A_160 = arith.constant 0 : i32
      %sign3A_161 = arith.cmpi slt, %squeeze3A_136, %sign3A_160 : i32
      %sign3A_162 = arith.extui %sign3A_161 : i1 to i32
      %sign3A_163 = arith.subi %sign3A_159, %sign3A_162 : i32
      %sign3A_164 = arith.constant 0 : i32
      %sign3A_165 = arith.cmpi sgt, %jit3A_155, %sign3A_164 : i32
      %sign3A_166 = arith.extui %sign3A_165 : i1 to i32
      %sign3A_167 = arith.constant 0 : i32
      %sign3A_168 = arith.cmpi slt, %jit3A_155, %sign3A_167 : i32
      %sign3A_169 = arith.extui %sign3A_168 : i1 to i32
      %sign3A_170 = arith.subi %sign3A_166, %sign3A_169 : i32
      %ne3A_171 = arith.cmpi ne, %sign3A_163, %sign3A_170 : i32
      %rem3A_172 = arith.remsi %squeeze3A_136, %jit3A_155 : i32
      %ne3A_173 = arith.constant 0 : i32
      %ne3A_174 = arith.cmpi ne, %rem3A_172, %ne3A_173 : i32
      %and3A_175 = arith.andi %ne3A_171, %ne3A_174 : i1
      %sub3A_176 = arith.constant 1 : i32
      %sub3A_177 = arith.subi %div3A_156, %sub3A_176 : i32
      %select_n3A_178 = arith.select %and3A_175, %sub3A_177, %div3A_156 : i32
      %mul3A_179 = arith.constant 128 : i32
      %mul3A_180 = arith.muli %select_n3A_178, %mul3A_179 : i32
      %multiple_of3A_181 = tpu.assume_multiple %mul3A_180, 128 : i32
      %dma_start3A_182 = arith.constant 0 : i32
      %dma_start3A_183 = arith.constant 0 : i32
      %dma_start3A_184 = arith.constant 0 : i32
      %dma_start3A_185 = arith.constant 0 : i32
      %dma_start3A_186 = tpu.memref_slice %arg10[%dma_start3A_182, %dma_start3A_183, %dma_start3A_184, %dma_start3A_185] : memref<2x4x32x128xf32, #tpu.memory_space<vmem>> -> memref<1x1x32x128xf32, #tpu.memory_space<vmem>>
      %dma_start3A_187 = tpu.memref_squeeze %dma_start3A_186 : memref<1x1x32x128xf32, #tpu.memory_space<vmem>> -> memref<32x128xf32, #tpu.memory_space<vmem>>
      %dma_start3A_188 = arith.constant 0 : i32
      %dma_start3A_189 = tpu.memref_slice %arg4[%dma_start3A_188, %multiple_of3A] : memref<32x1000000xf32, #tpu.memory_space<hbm>> -> memref<32x128xf32, #tpu.memory_space<hbm>>
      %dma_start3A_190 = arith.constant 0 : i32
      %dma_start3A_191 = arith.constant 0 : i32
      %dma_start3A_192 = tpu.memref_slice %arg10[%dma_start3A_182, %dma_start3A_183, %dma_start3A_190, %dma_start3A_191] : memref<2x4x32x128xf32, #tpu.memory_space<vmem>> -> memref<1x1x32x128xf32, #tpu.memory_space<vmem>>
      %dma_start3A_193 = tpu.memref_squeeze %dma_start3A_192 : memref<1x1x32x128xf32, #tpu.memory_space<vmem>> -> memref<32x128xf32, #tpu.memory_space<vmem>>
      %dma_start3A_194 = arith.constant 0 : i32
      %dma_start3A_195 = tpu.memref_slice %arg4[%dma_start3A_194, %multiple_of3A] : memref<32x1000000xf32, #tpu.memory_space<hbm>> -> memref<32x128xf32, #tpu.memory_space<hbm>>
      tpu.enqueue_dma source(%dma_start3A_195 : memref<32x128xf32, #tpu.memory_space<hbm>>) target(%dma_start3A_193 : memref<32x128xf32, #tpu.memory_space<vmem>>) target_semaphore(%arg17 : memref<!tpu.dma_semaphore, #tpu.memory_space<semaphore_mem>>)
      %dma_start3A_196 = arith.constant 0 : i32
      %dma_start3A_197 = arith.constant 0 : i32
      %dma_start3A_198 = arith.constant 0 : i32
      %dma_start3A_199 = arith.constant 0 : i32
      %dma_start3A_200 = tpu.memref_slice %arg11[%dma_start3A_196, %dma_start3A_197, %dma_start3A_198, %dma_start3A_199] : memref<2x4x32x128xf32, #tpu.memory_space<vmem>> -> memref<1x1x32x128xf32, #tpu.memory_space<vmem>>
      %dma_start3A_201 = tpu.memref_squeeze %dma_start3A_200 : memref<1x1x32x128xf32, #tpu.memory_space<vmem>> -> memref<32x128xf32, #tpu.memory_space<vmem>>
      %dma_start3A_202 = arith.constant 0 : i32
      %dma_start3A_203 = tpu.memref_slice %arg5[%dma_start3A_202, %multiple_of3A_181] : memref<32x1000000xf32, #tpu.memory_space<hbm>> -> memref<32x128xf32, #tpu.memory_space<hbm>>
      %dma_start3A_204 = arith.constant 0 : i32
      %dma_start3A_205 = arith.constant 0 : i32
      %dma_start3A_206 = tpu.memref_slice %arg11[%dma_start3A_196, %dma_start3A_197, %dma_start3A_204, %dma_start3A_205] : memref<2x4x32x128xf32, #tpu.memory_space<vmem>> -> memref<1x1x32x128xf32, #tpu.memory_space<vmem>>
      %dma_start3A_207 = tpu.memref_squeeze %dma_start3A_206 : memref<1x1x32x128xf32, #tpu.memory_space<vmem>> -> memref<32x128xf32, #tpu.memory_space<vmem>>
      %dma_start3A_208 = arith.constant 0 : i32
      %dma_start3A_209 = tpu.memref_slice %arg5[%dma_start3A_208, %multiple_of3A_181] : memref<32x1000000xf32, #tpu.memory_space<hbm>> -> memref<32x128xf32, #tpu.memory_space<hbm>>
      tpu.enqueue_dma source(%dma_start3A_209 : memref<32x128xf32, #tpu.memory_space<hbm>>) target(%dma_start3A_207 : memref<32x128xf32, #tpu.memory_space<vmem>>) target_semaphore(%arg17 : memref<!tpu.dma_semaphore, #tpu.memory_space<semaphore_mem>>)
      %slice3A_210 = vector.extract_strided_slice %get3A_128 {offsets = [1], sizes = [1], strides = [1]} : vector<16xi32> to vector<1xi32>
      %squeeze3A_211 = vector.extract %slice3A_210[0] : i32 from vector<1xi32>
      %slice3A_212 = vector.extract_strided_slice %get3A_132 {offsets = [1], sizes = [1], strides = [1]} : vector<16xi32> to vector<1xi32>
      %squeeze3A_213 = vector.extract %slice3A_212[0] : i32 from vector<1xi32>
      %jit3A_214 = arith.constant 128 : i32
      %div3A_215 = arith.divsi %squeeze3A_211, %jit3A_214 : i32
      %sign3A_216 = arith.constant 0 : i32
      %sign3A_217 = arith.cmpi sgt, %squeeze3A_211, %sign3A_216 : i32
      %sign3A_218 = arith.extui %sign3A_217 : i1 to i32
      %sign3A_219 = arith.constant 0 : i32
      %sign3A_220 = arith.cmpi slt, %squeeze3A_211, %sign3A_219 : i32
      %sign3A_221 = arith.extui %sign3A_220 : i1 to i32
      %sign3A_222 = arith.subi %sign3A_218, %sign3A_221 : i32
      %sign3A_223 = arith.constant 0 : i32
      %sign3A_224 = arith.cmpi sgt, %jit3A_214, %sign3A_223 : i32
      %sign3A_225 = arith.extui %sign3A_224 : i1 to i32
      %sign3A_226 = arith.constant 0 : i32
      %sign3A_227 = arith.cmpi slt, %jit3A_214, %sign3A_226 : i32
      %sign3A_228 = arith.extui %sign3A_227 : i1 to i32
      %sign3A_229 = arith.subi %sign3A_225, %sign3A_228 : i32
      %ne3A_230 = arith.cmpi ne, %sign3A_222, %sign3A_229 : i32
      %rem3A_231 = arith.remsi %squeeze3A_211, %jit3A_214 : i32
      %ne3A_232 = arith.constant 0 : i32
      %ne3A_233 = arith.cmpi ne, %rem3A_231, %ne3A_232 : i32
      %and3A_234 = arith.andi %ne3A_230, %ne3A_233 : i1
      %sub3A_235 = arith.constant 1 : i32
      %sub3A_236 = arith.subi %div3A_215, %sub3A_235 : i32
      %select_n3A_237 = arith.select %and3A_234, %sub3A_236, %div3A_215 : i32
      %mul3A_238 = arith.constant 128 : i32
      %mul3A_239 = arith.muli %select_n3A_237, %mul3A_238 : i32
      %multiple_of3A_240 = tpu.assume_multiple %mul3A_239, 128 : i32
      %jit3A_241 = arith.constant 128 : i32
      %div3A_242 = arith.divsi %squeeze3A_213, %jit3A_241 : i32
      %sign3A_243 = arith.constant 0 : i32
      %sign3A_244 = arith.cmpi sgt, %squeeze3A_213, %sign3A_243 : i32
      %sign3A_245 = arith.extui %sign3A_244 : i1 to i32
      %sign3A_246 = arith.constant 0 : i32
      %sign3A_247 = arith.cmpi slt, %squeeze3A_213, %sign3A_246 : i32
      %sign3A_248 = arith.extui %sign3A_247 : i1 to i32
      %sign3A_249 = arith.subi %sign3A_245, %sign3A_248 : i32
      %sign3A_250 = arith.constant 0 : i32
      %sign3A_251 = arith.cmpi sgt, %jit3A_241, %sign3A_250 : i32
      %sign3A_252 = arith.extui %sign3A_251 : i1 to i32
      %sign3A_253 = arith.constant 0 : i32
      %sign3A_254 = arith.cmpi slt, %jit3A_241, %sign3A_253 : i32
      %sign3A_255 = arith.extui %sign3A_254 : i1 to i32
      %sign3A_256 = arith.subi %sign3A_252, %sign3A_255 : i32
      %ne3A_257 = arith.cmpi ne, %sign3A_249, %sign3A_256 : i32
      %rem3A_258 = arith.remsi %squeeze3A_213, %jit3A_241 : i32
      %ne3A_259 = arith.constant 0 : i32
      %ne3A_260 = arith.cmpi ne, %rem3A_258, %ne3A_259 : i32
      %and3A_261 = arith.andi %ne3A_257, %ne3A_260 : i1
      %sub3A_262 = arith.constant 1 : i32
      %sub3A_263 = arith.subi %div3A_242, %sub3A_262 : i32
      %select_n3A_264 = arith.select %and3A_261, %sub3A_263, %div3A_242 : i32
      %mul3A_265 = arith.constant 128 : i32
      %mul3A_266 = arith.muli %select_n3A_264, %mul3A_265 : i32
      %multiple_of3A_267 = tpu.assume_multiple %mul3A_266, 128 : i32
      %dma_start3A_268 = arith.constant 0 : i32
      %dma_start3A_269 = arith.constant 1 : i32
      %dma_start3A_270 = arith.constant 0 : i32
      %dma_start3A_271 = arith.constant 0 : i32
      %dma_start3A_272 = tpu.memref_slice %arg10[%dma_start3A_268, %dma_start3A_269, %dma_start3A_270, %dma_start3A_271] : memref<2x4x32x128xf32, #tpu.memory_space<vmem>> -> memref<1x1x32x128xf32, #tpu.memory_space<vmem>>
      %dma_start3A_273 = tpu.memref_squeeze %dma_start3A_272 : memref<1x1x32x128xf32, #tpu.memory_space<vmem>> -> memref<32x128xf32, #tpu.memory_space<vmem>>
      %dma_start3A_274 = arith.constant 0 : i32
      %dma_start3A_275 = tpu.memref_slice %arg4[%dma_start3A_274, %multiple_of3A_240] : memref<32x1000000xf32, #tpu.memory_space<hbm>> -> memref<32x128xf32, #tpu.memory_space<hbm>>
      %dma_start3A_276 = arith.constant 0 : i32
      %dma_start3A_277 = arith.constant 0 : i32
      %dma_start3A_278 = tpu.memref_slice %arg10[%dma_start3A_268, %dma_start3A_269, %dma_start3A_276, %dma_start3A_277] : memref<2x4x32x128xf32, #tpu.memory_space<vmem>> -> memref<1x1x32x128xf32, #tpu.memory_space<vmem>>
      %dma_start3A_279 = tpu.memref_squeeze %dma_start3A_278 : memref<1x1x32x128xf32, #tpu.memory_space<vmem>> -> memref<32x128xf32, #tpu.memory_space<vmem>>
      %dma_start3A_280 = arith.constant 0 : i32
      %dma_start3A_281 = tpu.memref_slice %arg4[%dma_start3A_280, %multiple_of3A_240] : memref<32x1000000xf32, #tpu.memory_space<hbm>> -> memref<32x128xf32, #tpu.memory_space<hbm>>
      tpu.enqueue_dma source(%dma_start3A_281 : memref<32x128xf32, #tpu.memory_space<hbm>>) target(%dma_start3A_279 : memref<32x128xf32, #tpu.memory_space<vmem>>) target_semaphore(%arg17 : memref<!tpu.dma_semaphore, #tpu.memory_space<semaphore_mem>>)
      %dma_start3A_282 = arith.constant 0 : i32
      %dma_start3A_283 = arith.constant 1 : i32
      %dma_start3A_284 = arith.constant 0 : i32
      %dma_start3A_285 = arith.constant 0 : i32
      %dma_start3A_286 = tpu.memref_slice %arg11[%dma_start3A_282, %dma_start3A_283, %dma_start3A_284, %dma_start3A_285] : memref<2x4x32x128xf32, #tpu.memory_space<vmem>> -> memref<1x1x32x128xf32, #tpu.memory_space<vmem>>
      %dma_start3A_287 = tpu.memref_squeeze %dma_start3A_286 : memref<1x1x32x128xf32, #tpu.memory_space<vmem>> -> memref<32x128xf32, #tpu.memory_space<vmem>>
      %dma_start3A_288 = arith.constant 0 : i32
      %dma_start3A_289 = tpu.memref_slice %arg5[%dma_start3A_288, %multiple_of3A_267] : memref<32x1000000xf32, #tpu.memory_space<hbm>> -> memref<32x128xf32, #tpu.memory_space<hbm>>
      %dma_start3A_290 = arith.constant 0 : i32
      %dma_start3A_291 = arith.constant 0 : i32
      %dma_start3A_292 = tpu.memref_slice %arg11[%dma_start3A_282, %dma_start3A_283, %dma_start3A_290, %dma_start3A_291] : memref<2x4x32x128xf32, #tpu.memory_space<vmem>> -> memref<1x1x32x128xf32, #tpu.memory_space<vmem>>
      %dma_start3A_293 = tpu.memref_squeeze %dma_start3A_292 : memref<1x1x32x128xf32, #tpu.memory_space<vmem>> -> memref<32x128xf32, #tpu.memory_space<vmem>>
      %dma_start3A_294 = arith.constant 0 : i32
      %dma_start3A_295 = tpu.memref_slice %arg5[%dma_start3A_294, %multiple_of3A_267] : memref<32x1000000xf32, #tpu.memory_space<hbm>> -> memref<32x128xf32, #tpu.memory_space<hbm>>
      tpu.enqueue_dma source(%dma_start3A_295 : memref<32x128xf32, #tpu.memory_space<hbm>>) target(%dma_start3A_293 : memref<32x128xf32, #tpu.memory_space<vmem>>) target_semaphore(%arg17 : memref<!tpu.dma_semaphore, #tpu.memory_space<semaphore_mem>>)
      %slice3A_296 = vector.extract_strided_slice %get3A_128 {offsets = [2], sizes = [1], strides = [1]} : vector<16xi32> to vector<1xi32>
      %squeeze3A_297 = vector.extract %slice3A_296[0] : i32 from vector<1xi32>
      %slice3A_298 = vector.extract_strided_slice %get3A_132 {offsets = [2], sizes = [1], strides = [1]} : vector<16xi32> to vector<1xi32>
      %squeeze3A_299 = vector.extract %slice3A_298[0] : i32 from vector<1xi32>
      %jit3A_300 = arith.constant 128 : i32
      %div3A_301 = arith.divsi %squeeze3A_297, %jit3A_300 : i32
      %sign3A_302 = arith.constant 0 : i32
      %sign3A_303 = arith.cmpi sgt, %squeeze3A_297, %sign3A_302 : i32
      %sign3A_304 = arith.extui %sign3A_303 : i1 to i32
      %sign3A_305 = arith.constant 0 : i32
      %sign3A_306 = arith.cmpi slt, %squeeze3A_297, %sign3A_305 : i32
      %sign3A_307 = arith.extui %sign3A_306 : i1 to i32
      %sign3A_308 = arith.subi %sign3A_304, %sign3A_307 : i32
      %sign3A_309 = arith.constant 0 : i32
      %sign3A_310 = arith.cmpi sgt, %jit3A_300, %sign3A_309 : i32
      %sign3A_311 = arith.extui %sign3A_310 : i1 to i32
      %sign3A_312 = arith.constant 0 : i32
      %sign3A_313 = arith.cmpi slt, %jit3A_300, %sign3A_312 : i32
      %sign3A_314 = arith.extui %sign3A_313 : i1 to i32
      %sign3A_315 = arith.subi %sign3A_311, %sign3A_314 : i32
      %ne3A_316 = arith.cmpi ne, %sign3A_308, %sign3A_315 : i32
      %rem3A_317 = arith.remsi %squeeze3A_297, %jit3A_300 : i32
      %ne3A_318 = arith.constant 0 : i32
      %ne3A_319 = arith.cmpi ne, %rem3A_317, %ne3A_318 : i32
      %and3A_320 = arith.andi %ne3A_316, %ne3A_319 : i1
      %sub3A_321 = arith.constant 1 : i32
      %sub3A_322 = arith.subi %div3A_301, %sub3A_321 : i32
      %select_n3A_323 = arith.select %and3A_320, %sub3A_322, %div3A_301 : i32
      %mul3A_324 = arith.constant 128 : i32
      %mul3A_325 = arith.muli %select_n3A_323, %mul3A_324 : i32
      %multiple_of3A_326 = tpu.assume_multiple %mul3A_325, 128 : i32
      %jit3A_327 = arith.constant 128 : i32
      %div3A_328 = arith.divsi %squeeze3A_299, %jit3A_327 : i32
      %sign3A_329 = arith.constant 0 : i32
      %sign3A_330 = arith.cmpi sgt, %squeeze3A_299, %sign3A_329 : i32
      %sign3A_331 = arith.extui %sign3A_330 : i1 to i32
      %sign3A_332 = arith.constant 0 : i32
      %sign3A_333 = arith.cmpi slt, %squeeze3A_299, %sign3A_332 : i32
      %sign3A_334 = arith.extui %sign3A_333 : i1 to i32
      %sign3A_335 = arith.subi %sign3A_331, %sign3A_334 : i32
      %sign3A_336 = arith.constant 0 : i32
      %sign3A_337 = arith.cmpi sgt, %jit3A_327, %sign3A_336 : i32
      %sign3A_338 = arith.extui %sign3A_337 : i1 to i32
      %sign3A_339 = arith.constant 0 : i32
      %sign3A_340 = arith.cmpi slt, %jit3A_327, %sign3A_339 : i32
      %sign3A_341 = arith.extui %sign3A_340 : i1 to i32
      %sign3A_342 = arith.subi %sign3A_338, %sign3A_341 : i32
      %ne3A_343 = arith.cmpi ne, %sign3A_335, %sign3A_342 : i32
      %rem3A_344 = arith.remsi %squeeze3A_299, %jit3A_327 : i32
      %ne3A_345 = arith.constant 0 : i32
      %ne3A_346 = arith.cmpi ne, %rem3A_344, %ne3A_345 : i32
      %and3A_347 = arith.andi %ne3A_343, %ne3A_346 : i1
      %sub3A_348 = arith.constant 1 : i32
      %sub3A_349 = arith.subi %div3A_328, %sub3A_348 : i32
      %select_n3A_350 = arith.select %and3A_347, %sub3A_349, %div3A_328 : i32
      %mul3A_351 = arith.constant 128 : i32
      %mul3A_352 = arith.muli %select_n3A_350, %mul3A_351 : i32
      %multiple_of3A_353 = tpu.assume_multiple %mul3A_352, 128 : i32
      %dma_start3A_354 = arith.constant 0 : i32
      %dma_start3A_355 = arith.constant 2 : i32
      %dma_start3A_356 = arith.constant 0 : i32
      %dma_start3A_357 = arith.constant 0 : i32
      %dma_start3A_358 = tpu.memref_slice %arg10[%dma_start3A_354, %dma_start3A_355, %dma_start3A_356, %dma_start3A_357] : memref<2x4x32x128xf32, #tpu.memory_space<vmem>> -> memref<1x1x32x128xf32, #tpu.memory_space<vmem>>
      %dma_start3A_359 = tpu.memref_squeeze %dma_start3A_358 : memref<1x1x32x128xf32, #tpu.memory_space<vmem>> -> memref<32x128xf32, #tpu.memory_space<vmem>>
      %dma_start3A_360 = arith.constant 0 : i32
      %dma_start3A_361 = tpu.memref_slice %arg4[%dma_start3A_360, %multiple_of3A_326] : memref<32x1000000xf32, #tpu.memory_space<hbm>> -> memref<32x128xf32, #tpu.memory_space<hbm>>
      %dma_start3A_362 = arith.constant 0 : i32
      %dma_start3A_363 = arith.constant 0 : i32
      %dma_start3A_364 = tpu.memref_slice %arg10[%dma_start3A_354, %dma_start3A_355, %dma_start3A_362, %dma_start3A_363] : memref<2x4x32x128xf32, #tpu.memory_space<vmem>> -> memref<1x1x32x128xf32, #tpu.memory_space<vmem>>
      %dma_start3A_365 = tpu.memref_squeeze %dma_start3A_364 : memref<1x1x32x128xf32, #tpu.memory_space<vmem>> -> memref<32x128xf32, #tpu.memory_space<vmem>>
      %dma_start3A_366 = arith.constant 0 : i32
      %dma_start3A_367 = tpu.memref_slice %arg4[%dma_start3A_366, %multiple_of3A_326] : memref<32x1000000xf32, #tpu.memory_space<hbm>> -> memref<32x128xf32, #tpu.memory_space<hbm>>
      tpu.enqueue_dma source(%dma_start3A_367 : memref<32x128xf32, #tpu.memory_space<hbm>>) target(%dma_start3A_365 : memref<32x128xf32, #tpu.memory_space<vmem>>) target_semaphore(%arg17 : memref<!tpu.dma_semaphore, #tpu.memory_space<semaphore_mem>>)
      %dma_start3A_368 = arith.constant 0 : i32
      %dma_start3A_369 = arith.constant 2 : i32
      %dma_start3A_370 = arith.constant 0 : i32
      %dma_start3A_371 = arith.constant 0 : i32
      %dma_start3A_372 = tpu.memref_slice %arg11[%dma_start3A_368, %dma_start3A_369, %dma_start3A_370, %dma_start3A_371] : memref<2x4x32x128xf32, #tpu.memory_space<vmem>> -> memref<1x1x32x128xf32, #tpu.memory_space<vmem>>
      %dma_start3A_373 = tpu.memref_squeeze %dma_start3A_372 : memref<1x1x32x128xf32, #tpu.memory_space<vmem>> -> memref<32x128xf32, #tpu.memory_space<vmem>>
      %dma_start3A_374 = arith.constant 0 : i32
      %dma_start3A_375 = tpu.memref_slice %arg5[%dma_start3A_374, %multiple_of3A_353] : memref<32x1000000xf32, #tpu.memory_space<hbm>> -> memref<32x128xf32, #tpu.memory_space<hbm>>
      %dma_start3A_376 = arith.constant 0 : i32
      %dma_start3A_377 = arith.constant 0 : i32
      %dma_start3A_378 = tpu.memref_slice %arg11[%dma_start3A_368, %dma_start3A_369, %dma_start3A_376, %dma_start3A_377] : memref<2x4x32x128xf32, #tpu.memory_space<vmem>> -> memref<1x1x32x128xf32, #tpu.memory_space<vmem>>
      %dma_start3A_379 = tpu.memref_squeeze %dma_start3A_378 : memref<1x1x32x128xf32, #tpu.memory_space<vmem>> -> memref<32x128xf32, #tpu.memory_space<vmem>>
      %dma_start3A_380 = arith.constant 0 : i32
      %dma_start3A_381 = tpu.memref_slice %arg5[%dma_start3A_380, %multiple_of3A_353] : memref<32x1000000xf32, #tpu.memory_space<hbm>> -> memref<32x128xf32, #tpu.memory_space<hbm>>
      tpu.enqueue_dma source(%dma_start3A_381 : memref<32x128xf32, #tpu.memory_space<hbm>>) target(%dma_start3A_379 : memref<32x128xf32, #tpu.memory_space<vmem>>) target_semaphore(%arg17 : memref<!tpu.dma_semaphore, #tpu.memory_space<semaphore_mem>>)
      %slice3A_382 = vector.extract_strided_slice %get3A_128 {offsets = [3], sizes = [1], strides = [1]} : vector<16xi32> to vector<1xi32>
      %squeeze3A_383 = vector.extract %slice3A_382[0] : i32 from vector<1xi32>
      %slice3A_384 = vector.extract_strided_slice %get3A_132 {offsets = [3], sizes = [1], strides = [1]} : vector<16xi32> to vector<1xi32>
      %squeeze3A_385 = vector.extract %slice3A_384[0] : i32 from vector<1xi32>
      %jit3A_386 = arith.constant 128 : i32
      %div3A_387 = arith.divsi %squeeze3A_383, %jit3A_386 : i32
      %sign3A_388 = arith.constant 0 : i32
      %sign3A_389 = arith.cmpi sgt, %squeeze3A_383, %sign3A_388 : i32
      %sign3A_390 = arith.extui %sign3A_389 : i1 to i32
      %sign3A_391 = arith.constant 0 : i32
      %sign3A_392 = arith.cmpi slt, %squeeze3A_383, %sign3A_391 : i32
      %sign3A_393 = arith.extui %sign3A_392 : i1 to i32
      %sign3A_394 = arith.subi %sign3A_390, %sign3A_393 : i32
      %sign3A_395 = arith.constant 0 : i32
      %sign3A_396 = arith.cmpi sgt, %jit3A_386, %sign3A_395 : i32
      %sign3A_397 = arith.extui %sign3A_396 : i1 to i32
      %sign3A_398 = arith.constant 0 : i32
      %sign3A_399 = arith.cmpi slt, %jit3A_386, %sign3A_398 : i32
      %sign3A_400 = arith.extui %sign3A_399 : i1 to i32
      %sign3A_401 = arith.subi %sign3A_397, %sign3A_400 : i32
      %ne3A_402 = arith.cmpi ne, %sign3A_394, %sign3A_401 : i32
      %rem3A_403 = arith.remsi %squeeze3A_383, %jit3A_386 : i32
      %ne3A_404 = arith.constant 0 : i32
      %ne3A_405 = arith.cmpi ne, %rem3A_403, %ne3A_404 : i32
      %and3A_406 = arith.andi %ne3A_402, %ne3A_405 : i1
      %sub3A_407 = arith.constant 1 : i32
      %sub3A_408 = arith.subi %div3A_387, %sub3A_407 : i32
      %select_n3A_409 = arith.select %and3A_406, %sub3A_408, %div3A_387 : i32
      %mul3A_410 = arith.constant 128 : i32
      %mul3A_411 = arith.muli %select_n3A_409, %mul3A_410 : i32
      %multiple_of3A_412 = tpu.assume_multiple %mul3A_411, 128 : i32
      %jit3A_413 = arith.constant 128 : i32
      %div3A_414 = arith.divsi %squeeze3A_385, %jit3A_413 : i32
      %sign3A_415 = arith.constant 0 : i32
      %sign3A_416 = arith.cmpi sgt, %squeeze3A_385, %sign3A_415 : i32
      %sign3A_417 = arith.extui %sign3A_416 : i1 to i32
      %sign3A_418 = arith.constant 0 : i32
      %sign3A_419 = arith.cmpi slt, %squeeze3A_385, %sign3A_418 : i32
      %sign3A_420 = arith.extui %sign3A_419 : i1 to i32
      %sign3A_421 = arith.subi %sign3A_417, %sign3A_420 : i32
      %sign3A_422 = arith.constant 0 : i32
      %sign3A_423 = arith.cmpi sgt, %jit3A_413, %sign3A_422 : i32
      %sign3A_424 = arith.extui %sign3A_423 : i1 to i32
      %sign3A_425 = arith.constant 0 : i32
      %sign3A_426 = arith.cmpi slt, %jit3A_413, %sign3A_425 : i32
      %sign3A_427 = arith.extui %sign3A_426 : i1 to i32
      %sign3A_428 = arith.subi %sign3A_424, %sign3A_427 : i32
      %ne3A_429 = arith.cmpi ne, %sign3A_421, %sign3A_428 : i32
      %rem3A_430 = arith.remsi %squeeze3A_385, %jit3A_413 : i32
      %ne3A_431 = arith.constant 0 : i32
      %ne3A_432 = arith.cmpi ne, %rem3A_430, %ne3A_431 : i32
      %and3A_433 = arith.andi %ne3A_429, %ne3A_432 : i1
      %sub3A_434 = arith.constant 1 : i32
      %sub3A_435 = arith.subi %div3A_414, %sub3A_434 : i32
      %select_n3A_436 = arith.select %and3A_433, %sub3A_435, %div3A_414 : i32
      %mul3A_437 = arith.constant 128 : i32
      %mul3A_438 = arith.muli %select_n3A_436, %mul3A_437 : i32
      %multiple_of3A_439 = tpu.assume_multiple %mul3A_438, 128 : i32
      %dma_start3A_440 = arith.constant 0 : i32
      %dma_start3A_441 = arith.constant 3 : i32
      %dma_start3A_442 = arith.constant 0 : i32
      %dma_start3A_443 = arith.constant 0 : i32
      %dma_start3A_444 = tpu.memref_slice %arg10[%dma_start3A_440, %dma_start3A_441, %dma_start3A_442, %dma_start3A_443] : memref<2x4x32x128xf32, #tpu.memory_space<vmem>> -> memref<1x1x32x128xf32, #tpu.memory_space<vmem>>
      %dma_start3A_445 = tpu.memref_squeeze %dma_start3A_444 : memref<1x1x32x128xf32, #tpu.memory_space<vmem>> -> memref<32x128xf32, #tpu.memory_space<vmem>>
      %dma_start3A_446 = arith.constant 0 : i32
      %dma_start3A_447 = tpu.memref_slice %arg4[%dma_start3A_446, %multiple_of3A_412] : memref<32x1000000xf32, #tpu.memory_space<hbm>> -> memref<32x128xf32, #tpu.memory_space<hbm>>
      %dma_start3A_448 = arith.constant 0 : i32
      %dma_start3A_449 = arith.constant 0 : i32
      %dma_start3A_450 = tpu.memref_slice %arg10[%dma_start3A_440, %dma_start3A_441, %dma_start3A_448, %dma_start3A_449] : memref<2x4x32x128xf32, #tpu.memory_space<vmem>> -> memref<1x1x32x128xf32, #tpu.memory_space<vmem>>
      %dma_start3A_451 = tpu.memref_squeeze %dma_start3A_450 : memref<1x1x32x128xf32, #tpu.memory_space<vmem>> -> memref<32x128xf32, #tpu.memory_space<vmem>>
      %dma_start3A_452 = arith.constant 0 : i32
      %dma_start3A_453 = tpu.memref_slice %arg4[%dma_start3A_452, %multiple_of3A_412] : memref<32x1000000xf32, #tpu.memory_space<hbm>> -> memref<32x128xf32, #tpu.memory_space<hbm>>
      tpu.enqueue_dma source(%dma_start3A_453 : memref<32x128xf32, #tpu.memory_space<hbm>>) target(%dma_start3A_451 : memref<32x128xf32, #tpu.memory_space<vmem>>) target_semaphore(%arg17 : memref<!tpu.dma_semaphore, #tpu.memory_space<semaphore_mem>>)
      %dma_start3A_454 = arith.constant 0 : i32
      %dma_start3A_455 = arith.constant 3 : i32
      %dma_start3A_456 = arith.constant 0 : i32
      %dma_start3A_457 = arith.constant 0 : i32
      %dma_start3A_458 = tpu.memref_slice %arg11[%dma_start3A_454, %dma_start3A_455, %dma_start3A_456, %dma_start3A_457] : memref<2x4x32x128xf32, #tpu.memory_space<vmem>> -> memref<1x1x32x128xf32, #tpu.memory_space<vmem>>
      %dma_start3A_459 = tpu.memref_squeeze %dma_start3A_458 : memref<1x1x32x128xf32, #tpu.memory_space<vmem>> -> memref<32x128xf32, #tpu.memory_space<vmem>>
      %dma_start3A_460 = arith.constant 0 : i32
      %dma_start3A_461 = tpu.memref_slice %arg5[%dma_start3A_460, %multiple_of3A_439] : memref<32x1000000xf32, #tpu.memory_space<hbm>> -> memref<32x128xf32, #tpu.memory_space<hbm>>
      %dma_start3A_462 = arith.constant 0 : i32
      %dma_start3A_463 = arith.constant 0 : i32
      %dma_start3A_464 = tpu.memref_slice %arg11[%dma_start3A_454, %dma_start3A_455, %dma_start3A_462, %dma_start3A_463] : memref<2x4x32x128xf32, #tpu.memory_space<vmem>> -> memref<1x1x32x128xf32, #tpu.memory_space<vmem>>
      %dma_start3A_465 = tpu.memref_squeeze %dma_start3A_464 : memref<1x1x32x128xf32, #tpu.memory_space<vmem>> -> memref<32x128xf32, #tpu.memory_space<vmem>>
      %dma_start3A_466 = arith.constant 0 : i32
      %dma_start3A_467 = tpu.memref_slice %arg5[%dma_start3A_466, %multiple_of3A_439] : memref<32x1000000xf32, #tpu.memory_space<hbm>> -> memref<32x128xf32, #tpu.memory_space<hbm>>
      tpu.enqueue_dma source(%dma_start3A_467 : memref<32x128xf32, #tpu.memory_space<hbm>>) target(%dma_start3A_465 : memref<32x128xf32, #tpu.memory_space<vmem>>) target_semaphore(%arg17 : memref<!tpu.dma_semaphore, #tpu.memory_space<semaphore_mem>>)
      %slice3A_468 = vector.extract_strided_slice %get3A_128 {offsets = [4], sizes = [1], strides = [1]} : vector<16xi32> to vector<1xi32>
      %squeeze3A_469 = vector.extract %slice3A_468[0] : i32 from vector<1xi32>
      %slice3A_470 = vector.extract_strided_slice %get3A_132 {offsets = [4], sizes = [1], strides = [1]} : vector<16xi32> to vector<1xi32>
      %squeeze3A_471 = vector.extract %slice3A_470[0] : i32 from vector<1xi32>
      %jit3A_472 = arith.constant 128 : i32
      %div3A_473 = arith.divsi %squeeze3A_469, %jit3A_472 : i32
      %sign3A_474 = arith.constant 0 : i32
      %sign3A_475 = arith.cmpi sgt, %squeeze3A_469, %sign3A_474 : i32
      %sign3A_476 = arith.extui %sign3A_475 : i1 to i32
      %sign3A_477 = arith.constant 0 : i32
      %sign3A_478 = arith.cmpi slt, %squeeze3A_469, %sign3A_477 : i32
      %sign3A_479 = arith.extui %sign3A_478 : i1 to i32
      %sign3A_480 = arith.subi %sign3A_476, %sign3A_479 : i32
      %sign3A_481 = arith.constant 0 : i32
      %sign3A_482 = arith.cmpi sgt, %jit3A_472, %sign3A_481 : i32
      %sign3A_483 = arith.extui %sign3A_482 : i1 to i32
      %sign3A_484 = arith.constant 0 : i32
      %sign3A_485 = arith.cmpi slt, %jit3A_472, %sign3A_484 : i32
      %sign3A_486 = arith.extui %sign3A_485 : i1 to i32
      %sign3A_487 = arith.subi %sign3A_483, %sign3A_486 : i32
      %ne3A_488 = arith.cmpi ne, %sign3A_480, %sign3A_487 : i32
      %rem3A_489 = arith.remsi %squeeze3A_469, %jit3A_472 : i32
      %ne3A_490 = arith.constant 0 : i32
      %ne3A_491 = arith.cmpi ne, %rem3A_489, %ne3A_490 : i32
      %and3A_492 = arith.andi %ne3A_488, %ne3A_491 : i1
      %sub3A_493 = arith.constant 1 : i32
      %sub3A_494 = arith.subi %div3A_473, %sub3A_493 : i32
      %select_n3A_495 = arith.select %and3A_492, %sub3A_494, %div3A_473 : i32
      %mul3A_496 = arith.constant 128 : i32
      %mul3A_497 = arith.muli %select_n3A_495, %mul3A_496 : i32
      %multiple_of3A_498 = tpu.assume_multiple %mul3A_497, 128 : i32
      %jit3A_499 = arith.constant 128 : i32
      %div3A_500 = arith.divsi %squeeze3A_471, %jit3A_499 : i32
      %sign3A_501 = arith.constant 0 : i32
      %sign3A_502 = arith.cmpi sgt, %squeeze3A_471, %sign3A_501 : i32
      %sign3A_503 = arith.extui %sign3A_502 : i1 to i32
      %sign3A_504 = arith.constant 0 : i32
      %sign3A_505 = arith.cmpi slt, %squeeze3A_471, %sign3A_504 : i32
      %sign3A_506 = arith.extui %sign3A_505 : i1 to i32
      %sign3A_507 = arith.subi %sign3A_503, %sign3A_506 : i32
      %sign3A_508 = arith.constant 0 : i32
      %sign3A_509 = arith.cmpi sgt, %jit3A_499, %sign3A_508 : i32
      %sign3A_510 = arith.extui %sign3A_509 : i1 to i32
      %sign3A_511 = arith.constant 0 : i32
      %sign3A_512 = arith.cmpi slt, %jit3A_499, %sign3A_511 : i32
      %sign3A_513 = arith.extui %sign3A_512 : i1 to i32
      %sign3A_514 = arith.subi %sign3A_510, %sign3A_513 : i32
      %ne3A_515 = arith.cmpi ne, %sign3A_507, %sign3A_514 : i32
      %rem3A_516 = arith.remsi %squeeze3A_471, %jit3A_499 : i32
      %ne3A_517 = arith.constant 0 : i32
      %ne3A_518 = arith.cmpi ne, %rem3A_516, %ne3A_517 : i32
      %and3A_519 = arith.andi %ne3A_515, %ne3A_518 : i1
      %sub3A_520 = arith.constant 1 : i32
      %sub3A_521 = arith.subi %div3A_500, %sub3A_520 : i32
      %select_n3A_522 = arith.select %and3A_519, %sub3A_521, %div3A_500 : i32
      %mul3A_523 = arith.constant 128 : i32
      %mul3A_524 = arith.muli %select_n3A_522, %mul3A_523 : i32
      %multiple_of3A_525 = tpu.assume_multiple %mul3A_524, 128 : i32
      %dma_start3A_526 = arith.constant 1 : i32
      %dma_start3A_527 = arith.constant 0 : i32
      %dma_start3A_528 = arith.constant 0 : i32
      %dma_start3A_529 = arith.constant 0 : i32
      %dma_start3A_530 = tpu.memref_slice %arg10[%dma_start3A_526, %dma_start3A_527, %dma_start3A_528, %dma_start3A_529] : memref<2x4x32x128xf32, #tpu.memory_space<vmem>> -> memref<1x1x32x128xf32, #tpu.memory_space<vmem>>
      %dma_start3A_531 = tpu.memref_squeeze %dma_start3A_530 : memref<1x1x32x128xf32, #tpu.memory_space<vmem>> -> memref<32x128xf32, #tpu.memory_space<vmem>>
      %dma_start3A_532 = arith.constant 0 : i32
      %dma_start3A_533 = tpu.memref_slice %arg4[%dma_start3A_532, %multiple_of3A_498] : memref<32x1000000xf32, #tpu.memory_space<hbm>> -> memref<32x128xf32, #tpu.memory_space<hbm>>
      %dma_start3A_534 = arith.constant 0 : i32
      %dma_start3A_535 = arith.constant 0 : i32
      %dma_start3A_536 = tpu.memref_slice %arg10[%dma_start3A_526, %dma_start3A_527, %dma_start3A_534, %dma_start3A_535] : memref<2x4x32x128xf32, #tpu.memory_space<vmem>> -> memref<1x1x32x128xf32, #tpu.memory_space<vmem>>
      %dma_start3A_537 = tpu.memref_squeeze %dma_start3A_536 : memref<1x1x32x128xf32, #tpu.memory_space<vmem>> -> memref<32x128xf32, #tpu.memory_space<vmem>>
      %dma_start3A_538 = arith.constant 0 : i32
      %dma_start3A_539 = tpu.memref_slice %arg4[%dma_start3A_538, %multiple_of3A_498] : memref<32x1000000xf32, #tpu.memory_space<hbm>> -> memref<32x128xf32, #tpu.memory_space<hbm>>
      tpu.enqueue_dma source(%dma_start3A_539 : memref<32x128xf32, #tpu.memory_space<hbm>>) target(%dma_start3A_537 : memref<32x128xf32, #tpu.memory_space<vmem>>) target_semaphore(%arg18 : memref<!tpu.dma_semaphore, #tpu.memory_space<semaphore_mem>>)
      %dma_start3A_540 = arith.constant 1 : i32
      %dma_start3A_541 = arith.constant 0 : i32
      %dma_start3A_542 = arith.constant 0 : i32
      %dma_start3A_543 = arith.constant 0 : i32
      %dma_start3A_544 = tpu.memref_slice %arg11[%dma_start3A_540, %dma_start3A_541, %dma_start3A_542, %dma_start3A_543] : memref<2x4x32x128xf32, #tpu.memory_space<vmem>> -> memref<1x1x32x128xf32, #tpu.memory_space<vmem>>
      %dma_start3A_545 = tpu.memref_squeeze %dma_start3A_544 : memref<1x1x32x128xf32, #tpu.memory_space<vmem>> -> memref<32x128xf32, #tpu.memory_space<vmem>>
      %dma_start3A_546 = arith.constant 0 : i32
      %dma_start3A_547 = tpu.memref_slice %arg5[%dma_start3A_546, %multiple_of3A_525] : memref<32x1000000xf32, #tpu.memory_space<hbm>> -> memref<32x128xf32, #tpu.memory_space<hbm>>
      %dma_start3A_548 = arith.constant 0 : i32
      %dma_start3A_549 = arith.constant 0 : i32
      %dma_start3A_550 = tpu.memref_slice %arg11[%dma_start3A_540, %dma_start3A_541, %dma_start3A_548, %dma_start3A_549] : memref<2x4x32x128xf32, #tpu.memory_space<vmem>> -> memref<1x1x32x128xf32, #tpu.memory_space<vmem>>
      %dma_start3A_551 = tpu.memref_squeeze %dma_start3A_550 : memref<1x1x32x128xf32, #tpu.memory_space<vmem>> -> memref<32x128xf32, #tpu.memory_space<vmem>>
      %dma_start3A_552 = arith.constant 0 : i32
      %dma_start3A_553 = tpu.memref_slice %arg5[%dma_start3A_552, %multiple_of3A_525] : memref<32x1000000xf32, #tpu.memory_space<hbm>> -> memref<32x128xf32, #tpu.memory_space<hbm>>
      tpu.enqueue_dma source(%dma_start3A_553 : memref<32x128xf32, #tpu.memory_space<hbm>>) target(%dma_start3A_551 : memref<32x128xf32, #tpu.memory_space<vmem>>) target_semaphore(%arg18 : memref<!tpu.dma_semaphore, #tpu.memory_space<semaphore_mem>>)
      %slice3A_554 = vector.extract_strided_slice %get3A_128 {offsets = [5], sizes = [1], strides = [1]} : vector<16xi32> to vector<1xi32>
      %squeeze3A_555 = vector.extract %slice3A_554[0] : i32 from vector<1xi32>
      %slice3A_556 = vector.extract_strided_slice %get3A_132 {offsets = [5], sizes = [1], strides = [1]} : vector<16xi32> to vector<1xi32>
      %squeeze3A_557 = vector.extract %slice3A_556[0] : i32 from vector<1xi32>
      %jit3A_558 = arith.constant 128 : i32
      %div3A_559 = arith.divsi %squeeze3A_555, %jit3A_558 : i32
      %sign3A_560 = arith.constant 0 : i32
      %sign3A_561 = arith.cmpi sgt, %squeeze3A_555, %sign3A_560 : i32
      %sign3A_562 = arith.extui %sign3A_561 : i1 to i32
      %sign3A_563 = arith.constant 0 : i32
      %sign3A_564 = arith.cmpi slt, %squeeze3A_555, %sign3A_563 : i32
      %sign3A_565 = arith.extui %sign3A_564 : i1 to i32
      %sign3A_566 = arith.subi %sign3A_562, %sign3A_565 : i32
      %sign3A_567 = arith.constant 0 : i32
      %sign3A_568 = arith.cmpi sgt, %jit3A_558, %sign3A_567 : i32
      %sign3A_569 = arith.extui %sign3A_568 : i1 to i32
      %sign3A_570 = arith.constant 0 : i32
      %sign3A_571 = arith.cmpi slt, %jit3A_558, %sign3A_570 : i32
      %sign3A_572 = arith.extui %sign3A_571 : i1 to i32
      %sign3A_573 = arith.subi %sign3A_569, %sign3A_572 : i32
      %ne3A_574 = arith.cmpi ne, %sign3A_566, %sign3A_573 : i32
      %rem3A_575 = arith.remsi %squeeze3A_555, %jit3A_558 : i32
      %ne3A_576 = arith.constant 0 : i32
      %ne3A_577 = arith.cmpi ne, %rem3A_575, %ne3A_576 : i32
      %and3A_578 = arith.andi %ne3A_574, %ne3A_577 : i1
      %sub3A_579 = arith.constant 1 : i32
      %sub3A_580 = arith.subi %div3A_559, %sub3A_579 : i32
      %select_n3A_581 = arith.select %and3A_578, %sub3A_580, %div3A_559 : i32
      %mul3A_582 = arith.constant 128 : i32
      %mul3A_583 = arith.muli %select_n3A_581, %mul3A_582 : i32
      %multiple_of3A_584 = tpu.assume_multiple %mul3A_583, 128 : i32
      %jit3A_585 = arith.constant 128 : i32
      %div3A_586 = arith.divsi %squeeze3A_557, %jit3A_585 : i32
      %sign3A_587 = arith.constant 0 : i32
      %sign3A_588 = arith.cmpi sgt, %squeeze3A_557, %sign3A_587 : i32
      %sign3A_589 = arith.extui %sign3A_588 : i1 to i32
      %sign3A_590 = arith.constant 0 : i32
      %sign3A_591 = arith.cmpi slt, %squeeze3A_557, %sign3A_590 : i32
      %sign3A_592 = arith.extui %sign3A_591 : i1 to i32
      %sign3A_593 = arith.subi %sign3A_589, %sign3A_592 : i32
      %sign3A_594 = arith.constant 0 : i32
      %sign3A_595 = arith.cmpi sgt, %jit3A_585, %sign3A_594 : i32
      %sign3A_596 = arith.extui %sign3A_595 : i1 to i32
      %sign3A_597 = arith.constant 0 : i32
      %sign3A_598 = arith.cmpi slt, %jit3A_585, %sign3A_597 : i32
      %sign3A_599 = arith.extui %sign3A_598 : i1 to i32
      %sign3A_600 = arith.subi %sign3A_596, %sign3A_599 : i32
      %ne3A_601 = arith.cmpi ne, %sign3A_593, %sign3A_600 : i32
      %rem3A_602 = arith.remsi %squeeze3A_557, %jit3A_585 : i32
      %ne3A_603 = arith.constant 0 : i32
      %ne3A_604 = arith.cmpi ne, %rem3A_602, %ne3A_603 : i32
      %and3A_605 = arith.andi %ne3A_601, %ne3A_604 : i1
      %sub3A_606 = arith.constant 1 : i32
      %sub3A_607 = arith.subi %div3A_586, %sub3A_606 : i32
      %select_n3A_608 = arith.select %and3A_605, %sub3A_607, %div3A_586 : i32
      %mul3A_609 = arith.constant 128 : i32
      %mul3A_610 = arith.muli %select_n3A_608, %mul3A_609 : i32
      %multiple_of3A_611 = tpu.assume_multiple %mul3A_610, 128 : i32
      %dma_start3A_612 = arith.constant 1 : i32
      %dma_start3A_613 = arith.constant 1 : i32
      %dma_start3A_614 = arith.constant 0 : i32
      %dma_start3A_615 = arith.constant 0 : i32
      %dma_start3A_616 = tpu.memref_slice %arg10[%dma_start3A_612, %dma_start3A_613, %dma_start3A_614, %dma_start3A_615] : memref<2x4x32x128xf32, #tpu.memory_space<vmem>> -> memref<1x1x32x128xf32, #tpu.memory_space<vmem>>
      %dma_start3A_617 = tpu.memref_squeeze %dma_start3A_616 : memref<1x1x32x128xf32, #tpu.memory_space<vmem>> -> memref<32x128xf32, #tpu.memory_space<vmem>>
      %dma_start3A_618 = arith.constant 0 : i32
      %dma_start3A_619 = tpu.memref_slice %arg4[%dma_start3A_618, %multiple_of3A_584] : memref<32x1000000xf32, #tpu.memory_space<hbm>> -> memref<32x128xf32, #tpu.memory_space<hbm>>
      %dma_start3A_620 = arith.constant 0 : i32
      %dma_start3A_621 = arith.constant 0 : i32
      %dma_start3A_622 = tpu.memref_slice %arg10[%dma_start3A_612, %dma_start3A_613, %dma_start3A_620, %dma_start3A_621] : memref<2x4x32x128xf32, #tpu.memory_space<vmem>> -> memref<1x1x32x128xf32, #tpu.memory_space<vmem>>
      %dma_start3A_623 = tpu.memref_squeeze %dma_start3A_622 : memref<1x1x32x128xf32, #tpu.memory_space<vmem>> -> memref<32x128xf32, #tpu.memory_space<vmem>>
      %dma_start3A_624 = arith.constant 0 : i32
      %dma_start3A_625 = tpu.memref_slice %arg4[%dma_start3A_624, %multiple_of3A_584] : memref<32x1000000xf32, #tpu.memory_space<hbm>> -> memref<32x128xf32, #tpu.memory_space<hbm>>
      tpu.enqueue_dma source(%dma_start3A_625 : memref<32x128xf32, #tpu.memory_space<hbm>>) target(%dma_start3A_623 : memref<32x128xf32, #tpu.memory_space<vmem>>) target_semaphore(%arg18 : memref<!tpu.dma_semaphore, #tpu.memory_space<semaphore_mem>>)
      %dma_start3A_626 = arith.constant 1 : i32
      %dma_start3A_627 = arith.constant 1 : i32
      %dma_start3A_628 = arith.constant 0 : i32
      %dma_start3A_629 = arith.constant 0 : i32
      %dma_start3A_630 = tpu.memref_slice %arg11[%dma_start3A_626, %dma_start3A_627, %dma_start3A_628, %dma_start3A_629] : memref<2x4x32x128xf32, #tpu.memory_space<vmem>> -> memref<1x1x32x128xf32, #tpu.memory_space<vmem>>
      %dma_start3A_631 = tpu.memref_squeeze %dma_start3A_630 : memref<1x1x32x128xf32, #tpu.memory_space<vmem>> -> memref<32x128xf32, #tpu.memory_space<vmem>>
      %dma_start3A_632 = arith.constant 0 : i32
      %dma_start3A_633 = tpu.memref_slice %arg5[%dma_start3A_632, %multiple_of3A_611] : memref<32x1000000xf32, #tpu.memory_space<hbm>> -> memref<32x128xf32, #tpu.memory_space<hbm>>
      %dma_start3A_634 = arith.constant 0 : i32
      %dma_start3A_635 = arith.constant 0 : i32
      %dma_start3A_636 = tpu.memref_slice %arg11[%dma_start3A_626, %dma_start3A_627, %dma_start3A_634, %dma_start3A_635] : memref<2x4x32x128xf32, #tpu.memory_space<vmem>> -> memref<1x1x32x128xf32, #tpu.memory_space<vmem>>
      %dma_start3A_637 = tpu.memref_squeeze %dma_start3A_636 : memref<1x1x32x128xf32, #tpu.memory_space<vmem>> -> memref<32x128xf32, #tpu.memory_space<vmem>>
      %dma_start3A_638 = arith.constant 0 : i32
      %dma_start3A_639 = tpu.memref_slice %arg5[%dma_start3A_638, %multiple_of3A_611] : memref<32x1000000xf32, #tpu.memory_space<hbm>> -> memref<32x128xf32, #tpu.memory_space<hbm>>
      tpu.enqueue_dma source(%dma_start3A_639 : memref<32x128xf32, #tpu.memory_space<hbm>>) target(%dma_start3A_637 : memref<32x128xf32, #tpu.memory_space<vmem>>) target_semaphore(%arg18 : memref<!tpu.dma_semaphore, #tpu.memory_space<semaphore_mem>>)
      %slice3A_640 = vector.extract_strided_slice %get3A_128 {offsets = [6], sizes = [1], strides = [1]} : vector<16xi32> to vector<1xi32>
      %squeeze3A_641 = vector.extract %slice3A_640[0] : i32 from vector<1xi32>
      %slice3A_642 = vector.extract_strided_slice %get3A_132 {offsets = [6], sizes = [1], strides = [1]} : vector<16xi32> to vector<1xi32>
      %squeeze3A_643 = vector.extract %slice3A_642[0] : i32 from vector<1xi32>
      %jit3A_644 = arith.constant 128 : i32
      %div3A_645 = arith.divsi %squeeze3A_641, %jit3A_644 : i32
      %sign3A_646 = arith.constant 0 : i32
      %sign3A_647 = arith.cmpi sgt, %squeeze3A_641, %sign3A_646 : i32
      %sign3A_648 = arith.extui %sign3A_647 : i1 to i32
      %sign3A_649 = arith.constant 0 : i32
      %sign3A_650 = arith.cmpi slt, %squeeze3A_641, %sign3A_649 : i32
      %sign3A_651 = arith.extui %sign3A_650 : i1 to i32
      %sign3A_652 = arith.subi %sign3A_648, %sign3A_651 : i32
      %sign3A_653 = arith.constant 0 : i32
      %sign3A_654 = arith.cmpi sgt, %jit3A_644, %sign3A_653 : i32
      %sign3A_655 = arith.extui %sign3A_654 : i1 to i32
      %sign3A_656 = arith.constant 0 : i32
      %sign3A_657 = arith.cmpi slt, %jit3A_644, %sign3A_656 : i32
      %sign3A_658 = arith.extui %sign3A_657 : i1 to i32
      %sign3A_659 = arith.subi %sign3A_655, %sign3A_658 : i32
      %ne3A_660 = arith.cmpi ne, %sign3A_652, %sign3A_659 : i32
      %rem3A_661 = arith.remsi %squeeze3A_641, %jit3A_644 : i32
      %ne3A_662 = arith.constant 0 : i32
      %ne3A_663 = arith.cmpi ne, %rem3A_661, %ne3A_662 : i32
      %and3A_664 = arith.andi %ne3A_660, %ne3A_663 : i1
      %sub3A_665 = arith.constant 1 : i32
      %sub3A_666 = arith.subi %div3A_645, %sub3A_665 : i32
      %select_n3A_667 = arith.select %and3A_664, %sub3A_666, %div3A_645 : i32
      %mul3A_668 = arith.constant 128 : i32
      %mul3A_669 = arith.muli %select_n3A_667, %mul3A_668 : i32
      %multiple_of3A_670 = tpu.assume_multiple %mul3A_669, 128 : i32
      %jit3A_671 = arith.constant 128 : i32
      %div3A_672 = arith.divsi %squeeze3A_643, %jit3A_671 : i32
      %sign3A_673 = arith.constant 0 : i32
      %sign3A_674 = arith.cmpi sgt, %squeeze3A_643, %sign3A_673 : i32
      %sign3A_675 = arith.extui %sign3A_674 : i1 to i32
      %sign3A_676 = arith.constant 0 : i32
      %sign3A_677 = arith.cmpi slt, %squeeze3A_643, %sign3A_676 : i32
      %sign3A_678 = arith.extui %sign3A_677 : i1 to i32
      %sign3A_679 = arith.subi %sign3A_675, %sign3A_678 : i32
      %sign3A_680 = arith.constant 0 : i32
      %sign3A_681 = arith.cmpi sgt, %jit3A_671, %sign3A_680 : i32
      %sign3A_682 = arith.extui %sign3A_681 : i1 to i32
      %sign3A_683 = arith.constant 0 : i32
      %sign3A_684 = arith.cmpi slt, %jit3A_671, %sign3A_683 : i32
      %sign3A_685 = arith.extui %sign3A_684 : i1 to i32
      %sign3A_686 = arith.subi %sign3A_682, %sign3A_685 : i32
      %ne3A_687 = arith.cmpi ne, %sign3A_679, %sign3A_686 : i32
      %rem3A_688 = arith.remsi %squeeze3A_643, %jit3A_671 : i32
      %ne3A_689 = arith.constant 0 : i32
      %ne3A_690 = arith.cmpi ne, %rem3A_688, %ne3A_689 : i32
      %and3A_691 = arith.andi %ne3A_687, %ne3A_690 : i1
      %sub3A_692 = arith.constant 1 : i32
      %sub3A_693 = arith.subi %div3A_672, %sub3A_692 : i32
      %select_n3A_694 = arith.select %and3A_691, %sub3A_693, %div3A_672 : i32
      %mul3A_695 = arith.constant 128 : i32
      %mul3A_696 = arith.muli %select_n3A_694, %mul3A_695 : i32
      %multiple_of3A_697 = tpu.assume_multiple %mul3A_696, 128 : i32
      %dma_start3A_698 = arith.constant 1 : i32
      %dma_start3A_699 = arith.constant 2 : i32
      %dma_start3A_700 = arith.constant 0 : i32
      %dma_start3A_701 = arith.constant 0 : i32
      %dma_start3A_702 = tpu.memref_slice %arg10[%dma_start3A_698, %dma_start3A_699, %dma_start3A_700, %dma_start3A_701] : memref<2x4x32x128xf32, #tpu.memory_space<vmem>> -> memref<1x1x32x128xf32, #tpu.memory_space<vmem>>
      %dma_start3A_703 = tpu.memref_squeeze %dma_start3A_702 : memref<1x1x32x128xf32, #tpu.memory_space<vmem>> -> memref<32x128xf32, #tpu.memory_space<vmem>>
      %dma_start3A_704 = arith.constant 0 : i32
      %dma_start3A_705 = tpu.memref_slice %arg4[%dma_start3A_704, %multiple_of3A_670] : memref<32x1000000xf32, #tpu.memory_space<hbm>> -> memref<32x128xf32, #tpu.memory_space<hbm>>
      %dma_start3A_706 = arith.constant 0 : i32
      %dma_start3A_707 = arith.constant 0 : i32
      %dma_start3A_708 = tpu.memref_slice %arg10[%dma_start3A_698, %dma_start3A_699, %dma_start3A_706, %dma_start3A_707] : memref<2x4x32x128xf32, #tpu.memory_space<vmem>> -> memref<1x1x32x128xf32, #tpu.memory_space<vmem>>
      %dma_start3A_709 = tpu.memref_squeeze %dma_start3A_708 : memref<1x1x32x128xf32, #tpu.memory_space<vmem>> -> memref<32x128xf32, #tpu.memory_space<vmem>>
      %dma_start3A_710 = arith.constant 0 : i32
      %dma_start3A_711 = tpu.memref_slice %arg4[%dma_start3A_710, %multiple_of3A_670] : memref<32x1000000xf32, #tpu.memory_space<hbm>> -> memref<32x128xf32, #tpu.memory_space<hbm>>
      tpu.enqueue_dma source(%dma_start3A_711 : memref<32x128xf32, #tpu.memory_space<hbm>>) target(%dma_start3A_709 : memref<32x128xf32, #tpu.memory_space<vmem>>) target_semaphore(%arg18 : memref<!tpu.dma_semaphore, #tpu.memory_space<semaphore_mem>>)
      %dma_start3A_712 = arith.constant 1 : i32
      %dma_start3A_713 = arith.constant 2 : i32
      %dma_start3A_714 = arith.constant 0 : i32
      %dma_start3A_715 = arith.constant 0 : i32
      %dma_start3A_716 = tpu.memref_slice %arg11[%dma_start3A_712, %dma_start3A_713, %dma_start3A_714, %dma_start3A_715] : memref<2x4x32x128xf32, #tpu.memory_space<vmem>> -> memref<1x1x32x128xf32, #tpu.memory_space<vmem>>
      %dma_start3A_717 = tpu.memref_squeeze %dma_start3A_716 : memref<1x1x32x128xf32, #tpu.memory_space<vmem>> -> memref<32x128xf32, #tpu.memory_space<vmem>>
      %dma_start3A_718 = arith.constant 0 : i32
      %dma_start3A_719 = tpu.memref_slice %arg5[%dma_start3A_718, %multiple_of3A_697] : memref<32x1000000xf32, #tpu.memory_space<hbm>> -> memref<32x128xf32, #tpu.memory_space<hbm>>
      %dma_start3A_720 = arith.constant 0 : i32
      %dma_start3A_721 = arith.constant 0 : i32
      %dma_start3A_722 = tpu.memref_slice %arg11[%dma_start3A_712, %dma_start3A_713, %dma_start3A_720, %dma_start3A_721] : memref<2x4x32x128xf32, #tpu.memory_space<vmem>> -> memref<1x1x32x128xf32, #tpu.memory_space<vmem>>
      %dma_start3A_723 = tpu.memref_squeeze %dma_start3A_722 : memref<1x1x32x128xf32, #tpu.memory_space<vmem>> -> memref<32x128xf32, #tpu.memory_space<vmem>>
      %dma_start3A_724 = arith.constant 0 : i32
      %dma_start3A_725 = tpu.memref_slice %arg5[%dma_start3A_724, %multiple_of3A_697] : memref<32x1000000xf32, #tpu.memory_space<hbm>> -> memref<32x128xf32, #tpu.memory_space<hbm>>
      tpu.enqueue_dma source(%dma_start3A_725 : memref<32x128xf32, #tpu.memory_space<hbm>>) target(%dma_start3A_723 : memref<32x128xf32, #tpu.memory_space<vmem>>) target_semaphore(%arg18 : memref<!tpu.dma_semaphore, #tpu.memory_space<semaphore_mem>>)
      %slice3A_726 = vector.extract_strided_slice %get3A_128 {offsets = [7], sizes = [1], strides = [1]} : vector<16xi32> to vector<1xi32>
      %squeeze3A_727 = vector.extract %slice3A_726[0] : i32 from vector<1xi32>
      %slice3A_728 = vector.extract_strided_slice %get3A_132 {offsets = [7], sizes = [1], strides = [1]} : vector<16xi32> to vector<1xi32>
      %squeeze3A_729 = vector.extract %slice3A_728[0] : i32 from vector<1xi32>
      %jit3A_730 = arith.constant 128 : i32
      %div3A_731 = arith.divsi %squeeze3A_727, %jit3A_730 : i32
      %sign3A_732 = arith.constant 0 : i32
      %sign3A_733 = arith.cmpi sgt, %squeeze3A_727, %sign3A_732 : i32
      %sign3A_734 = arith.extui %sign3A_733 : i1 to i32
      %sign3A_735 = arith.constant 0 : i32
      %sign3A_736 = arith.cmpi slt, %squeeze3A_727, %sign3A_735 : i32
      %sign3A_737 = arith.extui %sign3A_736 : i1 to i32
      %sign3A_738 = arith.subi %sign3A_734, %sign3A_737 : i32
      %sign3A_739 = arith.constant 0 : i32
      %sign3A_740 = arith.cmpi sgt, %jit3A_730, %sign3A_739 : i32
      %sign3A_741 = arith.extui %sign3A_740 : i1 to i32
      %sign3A_742 = arith.constant 0 : i32
      %sign3A_743 = arith.cmpi slt, %jit3A_730, %sign3A_742 : i32
      %sign3A_744 = arith.extui %sign3A_743 : i1 to i32
      %sign3A_745 = arith.subi %sign3A_741, %sign3A_744 : i32
      %ne3A_746 = arith.cmpi ne, %sign3A_738, %sign3A_745 : i32
      %rem3A_747 = arith.remsi %squeeze3A_727, %jit3A_730 : i32
      %ne3A_748 = arith.constant 0 : i32
      %ne3A_749 = arith.cmpi ne, %rem3A_747, %ne3A_748 : i32
      %and3A_750 = arith.andi %ne3A_746, %ne3A_749 : i1
      %sub3A_751 = arith.constant 1 : i32
      %sub3A_752 = arith.subi %div3A_731, %sub3A_751 : i32
      %select_n3A_753 = arith.select %and3A_750, %sub3A_752, %div3A_731 : i32
      %mul3A_754 = arith.constant 128 : i32
      %mul3A_755 = arith.muli %select_n3A_753, %mul3A_754 : i32
      %multiple_of3A_756 = tpu.assume_multiple %mul3A_755, 128 : i32
      %jit3A_757 = arith.constant 128 : i32
      %div3A_758 = arith.divsi %squeeze3A_729, %jit3A_757 : i32
      %sign3A_759 = arith.constant 0 : i32
      %sign3A_760 = arith.cmpi sgt, %squeeze3A_729, %sign3A_759 : i32
      %sign3A_761 = arith.extui %sign3A_760 : i1 to i32
      %sign3A_762 = arith.constant 0 : i32
      %sign3A_763 = arith.cmpi slt, %squeeze3A_729, %sign3A_762 : i32
      %sign3A_764 = arith.extui %sign3A_763 : i1 to i32
      %sign3A_765 = arith.subi %sign3A_761, %sign3A_764 : i32
      %sign3A_766 = arith.constant 0 : i32
      %sign3A_767 = arith.cmpi sgt, %jit3A_757, %sign3A_766 : i32
      %sign3A_768 = arith.extui %sign3A_767 : i1 to i32
      %sign3A_769 = arith.constant 0 : i32
      %sign3A_770 = arith.cmpi slt, %jit3A_757, %sign3A_769 : i32
      %sign3A_771 = arith.extui %sign3A_770 : i1 to i32
      %sign3A_772 = arith.subi %sign3A_768, %sign3A_771 : i32
      %ne3A_773 = arith.cmpi ne, %sign3A_765, %sign3A_772 : i32
      %rem3A_774 = arith.remsi %squeeze3A_729, %jit3A_757 : i32
      %ne3A_775 = arith.constant 0 : i32
      %ne3A_776 = arith.cmpi ne, %rem3A_774, %ne3A_775 : i32
      %and3A_777 = arith.andi %ne3A_773, %ne3A_776 : i1
      %sub3A_778 = arith.constant 1 : i32
      %sub3A_779 = arith.subi %div3A_758, %sub3A_778 : i32
      %select_n3A_780 = arith.select %and3A_777, %sub3A_779, %div3A_758 : i32
      %mul3A_781 = arith.constant 128 : i32
      %mul3A_782 = arith.muli %select_n3A_780, %mul3A_781 : i32
      %multiple_of3A_783 = tpu.assume_multiple %mul3A_782, 128 : i32
      %dma_start3A_784 = arith.constant 1 : i32
      %dma_start3A_785 = arith.constant 3 : i32
      %dma_start3A_786 = arith.constant 0 : i32
      %dma_start3A_787 = arith.constant 0 : i32
      %dma_start3A_788 = tpu.memref_slice %arg10[%dma_start3A_784, %dma_start3A_785, %dma_start3A_786, %dma_start3A_787] : memref<2x4x32x128xf32, #tpu.memory_space<vmem>> -> memref<1x1x32x128xf32, #tpu.memory_space<vmem>>
      %dma_start3A_789 = tpu.memref_squeeze %dma_start3A_788 : memref<1x1x32x128xf32, #tpu.memory_space<vmem>> -> memref<32x128xf32, #tpu.memory_space<vmem>>
      %dma_start3A_790 = arith.constant 0 : i32
      %dma_start3A_791 = tpu.memref_slice %arg4[%dma_start3A_790, %multiple_of3A_756] : memref<32x1000000xf32, #tpu.memory_space<hbm>> -> memref<32x128xf32, #tpu.memory_space<hbm>>
      %dma_start3A_792 = arith.constant 0 : i32
      %dma_start3A_793 = arith.constant 0 : i32
      %dma_start3A_794 = tpu.memref_slice %arg10[%dma_start3A_784, %dma_start3A_785, %dma_start3A_792, %dma_start3A_793] : memref<2x4x32x128xf32, #tpu.memory_space<vmem>> -> memref<1x1x32x128xf32, #tpu.memory_space<vmem>>
      %dma_start3A_795 = tpu.memref_squeeze %dma_start3A_794 : memref<1x1x32x128xf32, #tpu.memory_space<vmem>> -> memref<32x128xf32, #tpu.memory_space<vmem>>
      %dma_start3A_796 = arith.constant 0 : i32
      %dma_start3A_797 = tpu.memref_slice %arg4[%dma_start3A_796, %multiple_of3A_756] : memref<32x1000000xf32, #tpu.memory_space<hbm>> -> memref<32x128xf32, #tpu.memory_space<hbm>>
      tpu.enqueue_dma source(%dma_start3A_797 : memref<32x128xf32, #tpu.memory_space<hbm>>) target(%dma_start3A_795 : memref<32x128xf32, #tpu.memory_space<vmem>>) target_semaphore(%arg18 : memref<!tpu.dma_semaphore, #tpu.memory_space<semaphore_mem>>)
      %dma_start3A_798 = arith.constant 1 : i32
      %dma_start3A_799 = arith.constant 3 : i32
      %dma_start3A_800 = arith.constant 0 : i32
      %dma_start3A_801 = arith.constant 0 : i32
      %dma_start3A_802 = tpu.memref_slice %arg11[%dma_start3A_798, %dma_start3A_799, %dma_start3A_800, %dma_start3A_801] : memref<2x4x32x128xf32, #tpu.memory_space<vmem>> -> memref<1x1x32x128xf32, #tpu.memory_space<vmem>>
      %dma_start3A_803 = tpu.memref_squeeze %dma_start3A_802 : memref<1x1x32x128xf32, #tpu.memory_space<vmem>> -> memref<32x128xf32, #tpu.memory_space<vmem>>
      %dma_start3A_804 = arith.constant 0 : i32
      %dma_start3A_805 = tpu.memref_slice %arg5[%dma_start3A_804, %multiple_of3A_783] : memref<32x1000000xf32, #tpu.memory_space<hbm>> -> memref<32x128xf32, #tpu.memory_space<hbm>>
      %dma_start3A_806 = arith.constant 0 : i32
      %dma_start3A_807 = arith.constant 0 : i32
      %dma_start3A_808 = tpu.memref_slice %arg11[%dma_start3A_798, %dma_start3A_799, %dma_start3A_806, %dma_start3A_807] : memref<2x4x32x128xf32, #tpu.memory_space<vmem>> -> memref<1x1x32x128xf32, #tpu.memory_space<vmem>>
      %dma_start3A_809 = tpu.memref_squeeze %dma_start3A_808 : memref<1x1x32x128xf32, #tpu.memory_space<vmem>> -> memref<32x128xf32, #tpu.memory_space<vmem>>
      %dma_start3A_810 = arith.constant 0 : i32
      %dma_start3A_811 = tpu.memref_slice %arg5[%dma_start3A_810, %multiple_of3A_783] : memref<32x1000000xf32, #tpu.memory_space<hbm>> -> memref<32x128xf32, #tpu.memory_space<hbm>>
      tpu.enqueue_dma source(%dma_start3A_811 : memref<32x128xf32, #tpu.memory_space<hbm>>) target(%dma_start3A_809 : memref<32x128xf32, #tpu.memory_space<vmem>>) target_semaphore(%arg18 : memref<!tpu.dma_semaphore, #tpu.memory_space<semaphore_mem>>)
      %dma_wait3A_812 = arith.constant 0 : i32
      %dma_wait3A_813 = arith.constant 0 : i32
      %dma_wait3A_814 = arith.constant 0 : i32
      %dma_wait3A_815 = arith.constant 0 : i32
      %dma_wait3A_816 = tpu.memref_slice %arg10[%dma_wait3A_812, %dma_wait3A_813, %dma_wait3A_814, %dma_wait3A_815] : memref<2x4x32x128xf32, #tpu.memory_space<vmem>> -> memref<1x1x32x128xf32, #tpu.memory_space<vmem>>
      %dma_wait3A_817 = tpu.memref_squeeze %dma_wait3A_816 : memref<1x1x32x128xf32, #tpu.memory_space<vmem>> -> memref<32x128xf32, #tpu.memory_space<vmem>>
      %dma_wait3A_818 = arith.constant 0 : i32
      %dma_wait3A_819 = arith.constant 0 : i32
      %dma_wait3A_820 = tpu.memref_slice %arg4[%dma_wait3A_818, %dma_wait3A_819] : memref<32x1000000xf32, #tpu.memory_space<hbm>> -> memref<32x128xf32, #tpu.memory_space<hbm>>
      %dma_wait3A_821 = arith.constant 0 : i32
      %dma_wait3A_822 = arith.constant 0 : i32
      %dma_wait3A_823 = tpu.memref_slice %arg10[%dma_wait3A_812, %dma_wait3A_813, %dma_wait3A_821, %dma_wait3A_822] : memref<2x4x32x128xf32, #tpu.memory_space<vmem>> -> memref<1x1x32x128xf32, #tpu.memory_space<vmem>>
      %dma_wait3A_824 = tpu.memref_squeeze %dma_wait3A_823 : memref<1x1x32x128xf32, #tpu.memory_space<vmem>> -> memref<32x128xf32, #tpu.memory_space<vmem>>
      %dma_wait3A_825 = arith.constant 0 : i32
      %dma_wait3A_826 = arith.constant 0 : i32
      %dma_wait3A_827 = tpu.memref_slice %arg4[%dma_wait3A_825, %dma_wait3A_826] : memref<32x1000000xf32, #tpu.memory_space<hbm>> -> memref<32x128xf32, #tpu.memory_space<hbm>>
      tpu.wait_dma2 semaphore(%arg17 : memref<!tpu.dma_semaphore, #tpu.memory_space<semaphore_mem>>) src(%dma_wait3A_827 : memref<32x128xf32, #tpu.memory_space<hbm>>) dst(%dma_wait3A_824 : memref<32x128xf32, #tpu.memory_space<vmem>>)
      %dma_wait3A_828 = arith.constant 0 : i32
      %dma_wait3A_829 = arith.constant 0 : i32
      %dma_wait3A_830 = arith.constant 0 : i32
      %dma_wait3A_831 = arith.constant 0 : i32
      %dma_wait3A_832 = tpu.memref_slice %arg11[%dma_wait3A_828, %dma_wait3A_829, %dma_wait3A_830, %dma_wait3A_831] : memref<2x4x32x128xf32, #tpu.memory_space<vmem>> -> memref<1x1x32x128xf32, #tpu.memory_space<vmem>>
      %dma_wait3A_833 = tpu.memref_squeeze %dma_wait3A_832 : memref<1x1x32x128xf32, #tpu.memory_space<vmem>> -> memref<32x128xf32, #tpu.memory_space<vmem>>
      %dma_wait3A_834 = arith.constant 0 : i32
      %dma_wait3A_835 = arith.constant 0 : i32
      %dma_wait3A_836 = tpu.memref_slice %arg4[%dma_wait3A_834, %dma_wait3A_835] : memref<32x1000000xf32, #tpu.memory_space<hbm>> -> memref<32x128xf32, #tpu.memory_space<hbm>>
      %dma_wait3A_837 = arith.constant 0 : i32
      %dma_wait3A_838 = arith.constant 0 : i32
      %dma_wait3A_839 = tpu.memref_slice %arg11[%dma_wait3A_828, %dma_wait3A_829, %dma_wait3A_837, %dma_wait3A_838] : memref<2x4x32x128xf32, #tpu.memory_space<vmem>> -> memref<1x1x32x128xf32, #tpu.memory_space<vmem>>
      %dma_wait3A_840 = tpu.memref_squeeze %dma_wait3A_839 : memref<1x1x32x128xf32, #tpu.memory_space<vmem>> -> memref<32x128xf32, #tpu.memory_space<vmem>>
      %dma_wait3A_841 = arith.constant 0 : i32
      %dma_wait3A_842 = arith.constant 0 : i32
      %dma_wait3A_843 = tpu.memref_slice %arg4[%dma_wait3A_841, %dma_wait3A_842] : memref<32x1000000xf32, #tpu.memory_space<hbm>> -> memref<32x128xf32, #tpu.memory_space<hbm>>
      tpu.wait_dma2 semaphore(%arg17 : memref<!tpu.dma_semaphore, #tpu.memory_space<semaphore_mem>>) src(%dma_wait3A_843 : memref<32x128xf32, #tpu.memory_space<hbm>>) dst(%dma_wait3A_840 : memref<32x128xf32, #tpu.memory_space<vmem>>)
      %dma_wait3A_844 = arith.constant 0 : i32
      %dma_wait3A_845 = arith.constant 1 : i32
      %dma_wait3A_846 = arith.constant 0 : i32
      %dma_wait3A_847 = arith.constant 0 : i32
      %dma_wait3A_848 = tpu.memref_slice %arg10[%dma_wait3A_844, %dma_wait3A_845, %dma_wait3A_846, %dma_wait3A_847] : memref<2x4x32x128xf32, #tpu.memory_space<vmem>> -> memref<1x1x32x128xf32, #tpu.memory_space<vmem>>
      %dma_wait3A_849 = tpu.memref_squeeze %dma_wait3A_848 : memref<1x1x32x128xf32, #tpu.memory_space<vmem>> -> memref<32x128xf32, #tpu.memory_space<vmem>>
      %dma_wait3A_850 = arith.constant 0 : i32
      %dma_wait3A_851 = arith.constant 0 : i32
      %dma_wait3A_852 = tpu.memref_slice %arg4[%dma_wait3A_850, %dma_wait3A_851] : memref<32x1000000xf32, #tpu.memory_space<hbm>> -> memref<32x128xf32, #tpu.memory_space<hbm>>
      %dma_wait3A_853 = arith.constant 0 : i32
      %dma_wait3A_854 = arith.constant 0 : i32
      %dma_wait3A_855 = tpu.memref_slice %arg10[%dma_wait3A_844, %dma_wait3A_845, %dma_wait3A_853, %dma_wait3A_854] : memref<2x4x32x128xf32, #tpu.memory_space<vmem>> -> memref<1x1x32x128xf32, #tpu.memory_space<vmem>>
      %dma_wait3A_856 = tpu.memref_squeeze %dma_wait3A_855 : memref<1x1x32x128xf32, #tpu.memory_space<vmem>> -> memref<32x128xf32, #tpu.memory_space<vmem>>
      %dma_wait3A_857 = arith.constant 0 : i32
      %dma_wait3A_858 = arith.constant 0 : i32
      %dma_wait3A_859 = tpu.memref_slice %arg4[%dma_wait3A_857, %dma_wait3A_858] : memref<32x1000000xf32, #tpu.memory_space<hbm>> -> memref<32x128xf32, #tpu.memory_space<hbm>>
      tpu.wait_dma2 semaphore(%arg17 : memref<!tpu.dma_semaphore, #tpu.memory_space<semaphore_mem>>) src(%dma_wait3A_859 : memref<32x128xf32, #tpu.memory_space<hbm>>) dst(%dma_wait3A_856 : memref<32x128xf32, #tpu.memory_space<vmem>>)
      %dma_wait3A_860 = arith.constant 0 : i32
      %dma_wait3A_861 = arith.constant 1 : i32
      %dma_wait3A_862 = arith.constant 0 : i32
      %dma_wait3A_863 = arith.constant 0 : i32
      %dma_wait3A_864 = tpu.memref_slice %arg11[%dma_wait3A_860, %dma_wait3A_861, %dma_wait3A_862, %dma_wait3A_863] : memref<2x4x32x128xf32, #tpu.memory_space<vmem>> -> memref<1x1x32x128xf32, #tpu.memory_space<vmem>>
      %dma_wait3A_865 = tpu.memref_squeeze %dma_wait3A_864 : memref<1x1x32x128xf32, #tpu.memory_space<vmem>> -> memref<32x128xf32, #tpu.memory_space<vmem>>
      %dma_wait3A_866 = arith.constant 0 : i32
      %dma_wait3A_867 = arith.constant 0 : i32
      %dma_wait3A_868 = tpu.memref_slice %arg4[%dma_wait3A_866, %dma_wait3A_867] : memref<32x1000000xf32, #tpu.memory_space<hbm>> -> memref<32x128xf32, #tpu.memory_space<hbm>>
      %dma_wait3A_869 = arith.constant 0 : i32
      %dma_wait3A_870 = arith.constant 0 : i32
      %dma_wait3A_871 = tpu.memref_slice %arg11[%dma_wait3A_860, %dma_wait3A_861, %dma_wait3A_869, %dma_wait3A_870] : memref<2x4x32x128xf32, #tpu.memory_space<vmem>> -> memref<1x1x32x128xf32, #tpu.memory_space<vmem>>
      %dma_wait3A_872 = tpu.memref_squeeze %dma_wait3A_871 : memref<1x1x32x128xf32, #tpu.memory_space<vmem>> -> memref<32x128xf32, #tpu.memory_space<vmem>>
      %dma_wait3A_873 = arith.constant 0 : i32
      %dma_wait3A_874 = arith.constant 0 : i32
      %dma_wait3A_875 = tpu.memref_slice %arg4[%dma_wait3A_873, %dma_wait3A_874] : memref<32x1000000xf32, #tpu.memory_space<hbm>> -> memref<32x128xf32, #tpu.memory_space<hbm>>
      tpu.wait_dma2 semaphore(%arg17 : memref<!tpu.dma_semaphore, #tpu.memory_space<semaphore_mem>>) src(%dma_wait3A_875 : memref<32x128xf32, #tpu.memory_space<hbm>>) dst(%dma_wait3A_872 : memref<32x128xf32, #tpu.memory_space<vmem>>)
      %dma_wait3A_876 = arith.constant 0 : i32
      %dma_wait3A_877 = arith.constant 2 : i32
      %dma_wait3A_878 = arith.constant 0 : i32
      %dma_wait3A_879 = arith.constant 0 : i32
      %dma_wait3A_880 = tpu.memref_slice %arg10[%dma_wait3A_876, %dma_wait3A_877, %dma_wait3A_878, %dma_wait3A_879] : memref<2x4x32x128xf32, #tpu.memory_space<vmem>> -> memref<1x1x32x128xf32, #tpu.memory_space<vmem>>
      %dma_wait3A_881 = tpu.memref_squeeze %dma_wait3A_880 : memref<1x1x32x128xf32, #tpu.memory_space<vmem>> -> memref<32x128xf32, #tpu.memory_space<vmem>>
      %dma_wait3A_882 = arith.constant 0 : i32
      %dma_wait3A_883 = arith.constant 0 : i32
      %dma_wait3A_884 = tpu.memref_slice %arg4[%dma_wait3A_882, %dma_wait3A_883] : memref<32x1000000xf32, #tpu.memory_space<hbm>> -> memref<32x128xf32, #tpu.memory_space<hbm>>
      %dma_wait3A_885 = arith.constant 0 : i32
      %dma_wait3A_886 = arith.constant 0 : i32
      %dma_wait3A_887 = tpu.memref_slice %arg10[%dma_wait3A_876, %dma_wait3A_877, %dma_wait3A_885, %dma_wait3A_886] : memref<2x4x32x128xf32, #tpu.memory_space<vmem>> -> memref<1x1x32x128xf32, #tpu.memory_space<vmem>>
      %dma_wait3A_888 = tpu.memref_squeeze %dma_wait3A_887 : memref<1x1x32x128xf32, #tpu.memory_space<vmem>> -> memref<32x128xf32, #tpu.memory_space<vmem>>
      %dma_wait3A_889 = arith.constant 0 : i32
      %dma_wait3A_890 = arith.constant 0 : i32
      %dma_wait3A_891 = tpu.memref_slice %arg4[%dma_wait3A_889, %dma_wait3A_890] : memref<32x1000000xf32, #tpu.memory_space<hbm>> -> memref<32x128xf32, #tpu.memory_space<hbm>>
      tpu.wait_dma2 semaphore(%arg17 : memref<!tpu.dma_semaphore, #tpu.memory_space<semaphore_mem>>) src(%dma_wait3A_891 : memref<32x128xf32, #tpu.memory_space<hbm>>) dst(%dma_wait3A_888 : memref<32x128xf32, #tpu.memory_space<vmem>>)
      %dma_wait3A_892 = arith.constant 0 : i32
      %dma_wait3A_893 = arith.constant 2 : i32
      %dma_wait3A_894 = arith.constant 0 : i32
      %dma_wait3A_895 = arith.constant 0 : i32
      %dma_wait3A_896 = tpu.memref_slice %arg11[%dma_wait3A_892, %dma_wait3A_893, %dma_wait3A_894, %dma_wait3A_895] : memref<2x4x32x128xf32, #tpu.memory_space<vmem>> -> memref<1x1x32x128xf32, #tpu.memory_space<vmem>>
      %dma_wait3A_897 = tpu.memref_squeeze %dma_wait3A_896 : memref<1x1x32x128xf32, #tpu.memory_space<vmem>> -> memref<32x128xf32, #tpu.memory_space<vmem>>
      %dma_wait3A_898 = arith.constant 0 : i32
      %dma_wait3A_899 = arith.constant 0 : i32
      %dma_wait3A_900 = tpu.memref_slice %arg4[%dma_wait3A_898, %dma_wait3A_899] : memref<32x1000000xf32, #tpu.memory_space<hbm>> -> memref<32x128xf32, #tpu.memory_space<hbm>>
      %dma_wait3A_901 = arith.constant 0 : i32
      %dma_wait3A_902 = arith.constant 0 : i32
      %dma_wait3A_903 = tpu.memref_slice %arg11[%dma_wait3A_892, %dma_wait3A_893, %dma_wait3A_901, %dma_wait3A_902] : memref<2x4x32x128xf32, #tpu.memory_space<vmem>> -> memref<1x1x32x128xf32, #tpu.memory_space<vmem>>
      %dma_wait3A_904 = tpu.memref_squeeze %dma_wait3A_903 : memref<1x1x32x128xf32, #tpu.memory_space<vmem>> -> memref<32x128xf32, #tpu.memory_space<vmem>>
      %dma_wait3A_905 = arith.constant 0 : i32
      %dma_wait3A_906 = arith.constant 0 : i32
      %dma_wait3A_907 = tpu.memref_slice %arg4[%dma_wait3A_905, %dma_wait3A_906] : memref<32x1000000xf32, #tpu.memory_space<hbm>> -> memref<32x128xf32, #tpu.memory_space<hbm>>
      tpu.wait_dma2 semaphore(%arg17 : memref<!tpu.dma_semaphore, #tpu.memory_space<semaphore_mem>>) src(%dma_wait3A_907 : memref<32x128xf32, #tpu.memory_space<hbm>>) dst(%dma_wait3A_904 : memref<32x128xf32, #tpu.memory_space<vmem>>)
      %dma_wait3A_908 = arith.constant 0 : i32
      %dma_wait3A_909 = arith.constant 3 : i32
      %dma_wait3A_910 = arith.constant 0 : i32
      %dma_wait3A_911 = arith.constant 0 : i32
      %dma_wait3A_912 = tpu.memref_slice %arg10[%dma_wait3A_908, %dma_wait3A_909, %dma_wait3A_910, %dma_wait3A_911] : memref<2x4x32x128xf32, #tpu.memory_space<vmem>> -> memref<1x1x32x128xf32, #tpu.memory_space<vmem>>
      %dma_wait3A_913 = tpu.memref_squeeze %dma_wait3A_912 : memref<1x1x32x128xf32, #tpu.memory_space<vmem>> -> memref<32x128xf32, #tpu.memory_space<vmem>>
      %dma_wait3A_914 = arith.constant 0 : i32
      %dma_wait3A_915 = arith.constant 0 : i32
      %dma_wait3A_916 = tpu.memref_slice %arg4[%dma_wait3A_914, %dma_wait3A_915] : memref<32x1000000xf32, #tpu.memory_space<hbm>> -> memref<32x128xf32, #tpu.memory_space<hbm>>
      %dma_wait3A_917 = arith.constant 0 : i32
      %dma_wait3A_918 = arith.constant 0 : i32
      %dma_wait3A_919 = tpu.memref_slice %arg10[%dma_wait3A_908, %dma_wait3A_909, %dma_wait3A_917, %dma_wait3A_918] : memref<2x4x32x128xf32, #tpu.memory_space<vmem>> -> memref<1x1x32x128xf32, #tpu.memory_space<vmem>>
      %dma_wait3A_920 = tpu.memref_squeeze %dma_wait3A_919 : memref<1x1x32x128xf32, #tpu.memory_space<vmem>> -> memref<32x128xf32, #tpu.memory_space<vmem>>
      %dma_wait3A_921 = arith.constant 0 : i32
      %dma_wait3A_922 = arith.constant 0 : i32
      %dma_wait3A_923 = tpu.memref_slice %arg4[%dma_wait3A_921, %dma_wait3A_922] : memref<32x1000000xf32, #tpu.memory_space<hbm>> -> memref<32x128xf32, #tpu.memory_space<hbm>>
      tpu.wait_dma2 semaphore(%arg17 : memref<!tpu.dma_semaphore, #tpu.memory_space<semaphore_mem>>) src(%dma_wait3A_923 : memref<32x128xf32, #tpu.memory_space<hbm>>) dst(%dma_wait3A_920 : memref<32x128xf32, #tpu.memory_space<vmem>>)
      %dma_wait3A_924 = arith.constant 0 : i32
      %dma_wait3A_925 = arith.constant 3 : i32
      %dma_wait3A_926 = arith.constant 0 : i32
      %dma_wait3A_927 = arith.constant 0 : i32
      %dma_wait3A_928 = tpu.memref_slice %arg11[%dma_wait3A_924, %dma_wait3A_925, %dma_wait3A_926, %dma_wait3A_927] : memref<2x4x32x128xf32, #tpu.memory_space<vmem>> -> memref<1x1x32x128xf32, #tpu.memory_space<vmem>>
      %dma_wait3A_929 = tpu.memref_squeeze %dma_wait3A_928 : memref<1x1x32x128xf32, #tpu.memory_space<vmem>> -> memref<32x128xf32, #tpu.memory_space<vmem>>
      %dma_wait3A_930 = arith.constant 0 : i32
      %dma_wait3A_931 = arith.constant 0 : i32
      %dma_wait3A_932 = tpu.memref_slice %arg4[%dma_wait3A_930, %dma_wait3A_931] : memref<32x1000000xf32, #tpu.memory_space<hbm>> -> memref<32x128xf32, #tpu.memory_space<hbm>>
      %dma_wait3A_933 = arith.constant 0 : i32
      %dma_wait3A_934 = arith.constant 0 : i32
      %dma_wait3A_935 = tpu.memref_slice %arg11[%dma_wait3A_924, %dma_wait3A_925, %dma_wait3A_933, %dma_wait3A_934] : memref<2x4x32x128xf32, #tpu.memory_space<vmem>> -> memref<1x1x32x128xf32, #tpu.memory_space<vmem>>
      %dma_wait3A_936 = tpu.memref_squeeze %dma_wait3A_935 : memref<1x1x32x128xf32, #tpu.memory_space<vmem>> -> memref<32x128xf32, #tpu.memory_space<vmem>>
      %dma_wait3A_937 = arith.constant 0 : i32
      %dma_wait3A_938 = arith.constant 0 : i32
      %dma_wait3A_939 = tpu.memref_slice %arg4[%dma_wait3A_937, %dma_wait3A_938] : memref<32x1000000xf32, #tpu.memory_space<hbm>> -> memref<32x128xf32, #tpu.memory_space<hbm>>
      tpu.wait_dma2 semaphore(%arg17 : memref<!tpu.dma_semaphore, #tpu.memory_space<semaphore_mem>>) src(%dma_wait3A_939 : memref<32x128xf32, #tpu.memory_space<hbm>>) dst(%dma_wait3A_936 : memref<32x128xf32, #tpu.memory_space<vmem>>)
      %slice3A_940 = vector.extract_strided_slice %get3A_128 {offsets = [0], sizes = [1], strides = [1]} : vector<16xi32> to vector<1xi32>
      %squeeze3A_941 = vector.extract %slice3A_940[0] : i32 from vector<1xi32>
      %jit3A_942 = arith.constant 128 : i32
      %eq3A = arith.constant 0 : i32
      %eq3A_943 = arith.cmpi eq, %jit3A_942, %eq3A : i32
      %jit3A_944 = arith.constant 1 : i32
      %select_n3A_945 = arith.select %eq3A_943, %jit3A_944, %jit3A_942 : i32
      %rem3A_946 = arith.remsi %squeeze3A_941, %select_n3A_945 : i32
      %ne3A_947 = arith.constant 0 : i32
      %ne3A_948 = arith.cmpi ne, %rem3A_946, %ne3A_947 : i32
      %lt3A = arith.constant 0 : i32
      %lt3A_949 = arith.cmpi slt, %rem3A_946, %lt3A : i32
      %lt3A_950 = arith.constant 0 : i32
      %lt3A_951 = arith.cmpi slt, %select_n3A_945, %lt3A_950 : i32
      %ne3A_952 = arith.xori %lt3A_949, %lt3A_951 : i1
      %and3A_953 = arith.andi %ne3A_952, %ne3A_948 : i1
      %add3A_954 = arith.addi %rem3A_946, %select_n3A_945 : i32
      %select_n3A_955 = arith.select %and3A_953, %add3A_954, %rem3A_946 : i32
      %broadcast_in_dim3A_956 = vector.broadcast %select_n3A_955 : i32 to vector<16xi32>
      %slice3A_957 = vector.extract_strided_slice %get3A_132 {offsets = [0], sizes = [1], strides = [1]} : vector<16xi32> to vector<1xi32>
      %squeeze3A_958 = vector.extract %slice3A_957[0] : i32 from vector<1xi32>
      %jit3A_959 = arith.constant 128 : i32
      %eq3A_960 = arith.constant 0 : i32
      %eq3A_961 = arith.cmpi eq, %jit3A_959, %eq3A_960 : i32
      %jit3A_962 = arith.constant 1 : i32
      %select_n3A_963 = arith.select %eq3A_961, %jit3A_962, %jit3A_959 : i32
      %rem3A_964 = arith.remsi %squeeze3A_958, %select_n3A_963 : i32
      %ne3A_965 = arith.constant 0 : i32
      %ne3A_966 = arith.cmpi ne, %rem3A_964, %ne3A_965 : i32
      %lt3A_967 = arith.constant 0 : i32
      %lt3A_968 = arith.cmpi slt, %rem3A_964, %lt3A_967 : i32
      %lt3A_969 = arith.constant 0 : i32
      %lt3A_970 = arith.cmpi slt, %select_n3A_963, %lt3A_969 : i32
      %ne3A_971 = arith.xori %lt3A_968, %lt3A_970 : i1
      %and3A_972 = arith.andi %ne3A_971, %ne3A_966 : i1
      %add3A_973 = arith.addi %rem3A_964, %select_n3A_963 : i32
      %select_n3A_974 = arith.select %and3A_972, %add3A_973, %rem3A_964 : i32
      %broadcast_in_dim3A_975 = vector.broadcast %select_n3A_974 : i32 to vector<16xi32>
      %gather3A = arith.constant 0 : i32
      %gather3A_976 = arith.constant 0 : i32
      %gather3A_977 = arith.constant 0 : i32
      %gather3A_978 = arith.constant 0 : i32
      %gather3A_979 = tpu.memref_slice %arg10[%gather3A, %gather3A_976, %gather3A_977, %gather3A_978] : memref<2x4x32x128xf32, #tpu.memory_space<vmem>> -> memref<1x1x32x128xf32, #tpu.memory_space<vmem>>
      %gather3A_980 = tpu.memref_squeeze %gather3A_979 : memref<1x1x32x128xf32, #tpu.memory_space<vmem>> -> memref<32x128xf32, #tpu.memory_space<vmem>>
      %gather3A_981 = tpu.vector_load_idx %gather3A_980[%iota3A, %broadcast_in_dim3A_956] : memref<32x128xf32, #tpu.memory_space<vmem>>[vector<16xi32>, vector<16xi32>], vector<16xf32>,
      %swap3A = arith.constant 0 : i32
      %swap3A_982 = arith.index_cast %swap3A : i32 to index
      %swap3A_983 = arith.constant 0 : index
      %swap3A_984 = tpu.vector_load %arg12[%swap3A_982, %swap3A_983] {strides = array<i32>} : memref<16x32xf32, #tpu.memory_space<vmem>>, vector<16xf32>,
      tpu.vector_store %arg12[%swap3A_982, %swap3A_983], %gather3A_981 {strides = array<i32>} : memref<16x32xf32, #tpu.memory_space<vmem>>, vector<16xf32>,
      %gather3A_985 = arith.constant 0 : i32
      %gather3A_986 = arith.constant 0 : i32
      %gather3A_987 = arith.constant 0 : i32
      %gather3A_988 = arith.constant 0 : i32
      %gather3A_989 = tpu.memref_slice %arg10[%gather3A_985, %gather3A_986, %gather3A_987, %gather3A_988] : memref<2x4x32x128xf32, #tpu.memory_space<vmem>> -> memref<1x1x32x128xf32, #tpu.memory_space<vmem>>
      %gather3A_990 = tpu.memref_squeeze %gather3A_989 : memref<1x1x32x128xf32, #tpu.memory_space<vmem>> -> memref<32x128xf32, #tpu.memory_space<vmem>>
      %gather3A_991 = tpu.vector_load_idx %gather3A_990[%add3A_11, %broadcast_in_dim3A_956] : memref<32x128xf32, #tpu.memory_space<vmem>>[vector<16xi32>, vector<16xi32>], vector<16xf32>,
      %swap3A_992 = arith.constant 0 : i32
      %swap3A_993 = arith.index_cast %swap3A_992 : i32 to index
      %swap3A_994 = arith.constant 16 : index
      %swap3A_995 = tpu.vector_load %arg12[%swap3A_993, %swap3A_994] {strides = array<i32>} : memref<16x32xf32, #tpu.memory_space<vmem>>, vector<16xf32>,
      tpu.vector_store %arg12[%swap3A_993, %swap3A_994], %gather3A_991 {strides = array<i32>} : memref<16x32xf32, #tpu.memory_space<vmem>>, vector<16xf32>,
      %gather3A_996 = arith.constant 0 : i32
      %gather3A_997 = arith.constant 0 : i32
      %gather3A_998 = arith.constant 0 : i32
      %gather3A_999 = arith.constant 0 : i32
      %gather3A_1000 = tpu.memref_slice %arg11[%gather3A_996, %gather3A_997, %gather3A_998, %gather3A_999] : memref<2x4x32x128xf32, #tpu.memory_space<vmem>> -> memref<1x1x32x128xf32, #tpu.memory_space<vmem>>
      %gather3A_1001 = tpu.memref_squeeze %gather3A_1000 : memref<1x1x32x128xf32, #tpu.memory_space<vmem>> -> memref<32x128xf32, #tpu.memory_space<vmem>>
      %gather3A_1002 = tpu.vector_load_idx %gather3A_1001[%iota3A, %broadcast_in_dim3A_975] : memref<32x128xf32, #tpu.memory_space<vmem>>[vector<16xi32>, vector<16xi32>], vector<16xf32>,
      %swap3A_1003 = arith.constant 0 : i32
      %swap3A_1004 = arith.index_cast %swap3A_1003 : i32 to index
      %swap3A_1005 = arith.constant 0 : index
      %swap3A_1006 = tpu.vector_load %arg13[%swap3A_1004, %swap3A_1005] {strides = array<i32>} : memref<16x32xf32, #tpu.memory_space<vmem>>, vector<16xf32>,
      tpu.vector_store %arg13[%swap3A_1004, %swap3A_1005], %gather3A_1002 {strides = array<i32>} : memref<16x32xf32, #tpu.memory_space<vmem>>, vector<16xf32>,
      %gather3A_1007 = arith.constant 0 : i32
      %gather3A_1008 = arith.constant 0 : i32
      %gather3A_1009 = arith.constant 0 : i32
      %gather3A_1010 = arith.constant 0 : i32
      %gather3A_1011 = tpu.memref_slice %arg11[%gather3A_1007, %gather3A_1008, %gather3A_1009, %gather3A_1010] : memref<2x4x32x128xf32, #tpu.memory_space<vmem>> -> memref<1x1x32x128xf32, #tpu.memory_space<vmem>>
      %gather3A_1012 = tpu.memref_squeeze %gather3A_1011 : memref<1x1x32x128xf32, #tpu.memory_space<vmem>> -> memref<32x128xf32, #tpu.memory_space<vmem>>
      %gather3A_1013 = tpu.vector_load_idx %gather3A_1012[%add3A_11, %broadcast_in_dim3A_975] : memref<32x128xf32, #tpu.memory_space<vmem>>[vector<16xi32>, vector<16xi32>], vector<16xf32>,
      %swap3A_1014 = arith.constant 0 : i32
      %swap3A_1015 = arith.index_cast %swap3A_1014 : i32 to index
      %swap3A_1016 = arith.constant 16 : index
      %swap3A_1017 = tpu.vector_load %arg13[%swap3A_1015, %swap3A_1016] {strides = array<i32>} : memref<16x32xf32, #tpu.memory_space<vmem>>, vector<16xf32>,
      tpu.vector_store %arg13[%swap3A_1015, %swap3A_1016], %gather3A_1013 {strides = array<i32>} : memref<16x32xf32, #tpu.memory_space<vmem>>, vector<16xf32>,
      %slice3A_1018 = vector.extract_strided_slice %get3A_128 {offsets = [1], sizes = [1], strides = [1]} : vector<16xi32> to vector<1xi32>
      %squeeze3A_1019 = vector.extract %slice3A_1018[0] : i32 from vector<1xi32>
      %jit3A_1020 = arith.constant 128 : i32
      %eq3A_1021 = arith.constant 0 : i32
      %eq3A_1022 = arith.cmpi eq, %jit3A_1020, %eq3A_1021 : i32
      %jit3A_1023 = arith.constant 1 : i32
      %select_n3A_1024 = arith.select %eq3A_1022, %jit3A_1023, %jit3A_1020 : i32
      %rem3A_1025 = arith.remsi %squeeze3A_1019, %select_n3A_1024 : i32
      %ne3A_1026 = arith.constant 0 : i32
      %ne3A_1027 = arith.cmpi ne, %rem3A_1025, %ne3A_1026 : i32
      %lt3A_1028 = arith.constant 0 : i32
      %lt3A_1029 = arith.cmpi slt, %rem3A_1025, %lt3A_1028 : i32
      %lt3A_1030 = arith.constant 0 : i32
      %lt3A_1031 = arith.cmpi slt, %select_n3A_1024, %lt3A_1030 : i32
      %ne3A_1032 = arith.xori %lt3A_1029, %lt3A_1031 : i1
      %and3A_1033 = arith.andi %ne3A_1032, %ne3A_1027 : i1
      %add3A_1034 = arith.addi %rem3A_1025, %select_n3A_1024 : i32
      %select_n3A_1035 = arith.select %and3A_1033, %add3A_1034, %rem3A_1025 : i32
      %broadcast_in_dim3A_1036 = vector.broadcast %select_n3A_1035 : i32 to vector<16xi32>
      %slice3A_1037 = vector.extract_strided_slice %get3A_132 {offsets = [1], sizes = [1], strides = [1]} : vector<16xi32> to vector<1xi32>
      %squeeze3A_1038 = vector.extract %slice3A_1037[0] : i32 from vector<1xi32>
      %jit3A_1039 = arith.constant 128 : i32
      %eq3A_1040 = arith.constant 0 : i32
      %eq3A_1041 = arith.cmpi eq, %jit3A_1039, %eq3A_1040 : i32
      %jit3A_1042 = arith.constant 1 : i32
      %select_n3A_1043 = arith.select %eq3A_1041, %jit3A_1042, %jit3A_1039 : i32
      %rem3A_1044 = arith.remsi %squeeze3A_1038, %select_n3A_1043 : i32
      %ne3A_1045 = arith.constant 0 : i32
      %ne3A_1046 = arith.cmpi ne, %rem3A_1044, %ne3A_1045 : i32
      %lt3A_1047 = arith.constant 0 : i32
      %lt3A_1048 = arith.cmpi slt, %rem3A_1044, %lt3A_1047 : i32
      %lt3A_1049 = arith.constant 0 : i32
      %lt3A_1050 = arith.cmpi slt, %select_n3A_1043, %lt3A_1049 : i32
      %ne3A_1051 = arith.xori %lt3A_1048, %lt3A_1050 : i1
      %and3A_1052 = arith.andi %ne3A_1051, %ne3A_1046 : i1
      %add3A_1053 = arith.addi %rem3A_1044, %select_n3A_1043 : i32
      %select_n3A_1054 = arith.select %and3A_1052, %add3A_1053, %rem3A_1044 : i32
      %broadcast_in_dim3A_1055 = vector.broadcast %select_n3A_1054 : i32 to vector<16xi32>
      %gather3A_1056 = arith.constant 0 : i32
      %gather3A_1057 = arith.constant 1 : i32
      %gather3A_1058 = arith.constant 0 : i32
      %gather3A_1059 = arith.constant 0 : i32
      %gather3A_1060 = tpu.memref_slice %arg10[%gather3A_1056, %gather3A_1057, %gather3A_1058, %gather3A_1059] : memref<2x4x32x128xf32, #tpu.memory_space<vmem>> -> memref<1x1x32x128xf32, #tpu.memory_space<vmem>>
      %gather3A_1061 = tpu.memref_squeeze %gather3A_1060 : memref<1x1x32x128xf32, #tpu.memory_space<vmem>> -> memref<32x128xf32, #tpu.memory_space<vmem>>
      %gather3A_1062 = tpu.vector_load_idx %gather3A_1061[%iota3A, %broadcast_in_dim3A_1036] : memref<32x128xf32, #tpu.memory_space<vmem>>[vector<16xi32>, vector<16xi32>], vector<16xf32>,
      %swap3A_1063 = arith.constant 1 : i32
      %swap3A_1064 = arith.index_cast %swap3A_1063 : i32 to index
      %swap3A_1065 = arith.constant 0 : index
      %swap3A_1066 = tpu.vector_load %arg12[%swap3A_1064, %swap3A_1065] {strides = array<i32>} : memref<16x32xf32, #tpu.memory_space<vmem>>, vector<16xf32>,
      tpu.vector_store %arg12[%swap3A_1064, %swap3A_1065], %gather3A_1062 {strides = array<i32>} : memref<16x32xf32, #tpu.memory_space<vmem>>, vector<16xf32>,
      %gather3A_1067 = arith.constant 0 : i32
      %gather3A_1068 = arith.constant 1 : i32
      %gather3A_1069 = arith.constant 0 : i32
      %gather3A_1070 = arith.constant 0 : i32
      %gather3A_1071 = tpu.memref_slice %arg10[%gather3A_1067, %gather3A_1068, %gather3A_1069, %gather3A_1070] : memref<2x4x32x128xf32, #tpu.memory_space<vmem>> -> memref<1x1x32x128xf32, #tpu.memory_space<vmem>>
      %gather3A_1072 = tpu.memref_squeeze %gather3A_1071 : memref<1x1x32x128xf32, #tpu.memory_space<vmem>> -> memref<32x128xf32, #tpu.memory_space<vmem>>
      %gather3A_1073 = tpu.vector_load_idx %gather3A_1072[%add3A_11, %broadcast_in_dim3A_1036] : memref<32x128xf32, #tpu.memory_space<vmem>>[vector<16xi32>, vector<16xi32>], vector<16xf32>,
      %swap3A_1074 = arith.constant 1 : i32
      %swap3A_1075 = arith.index_cast %swap3A_1074 : i32 to index
      %swap3A_1076 = arith.constant 16 : index
      %swap3A_1077 = tpu.vector_load %arg12[%swap3A_1075, %swap3A_1076] {strides = array<i32>} : memref<16x32xf32, #tpu.memory_space<vmem>>, vector<16xf32>,
      tpu.vector_store %arg12[%swap3A_1075, %swap3A_1076], %gather3A_1073 {strides = array<i32>} : memref<16x32xf32, #tpu.memory_space<vmem>>, vector<16xf32>,
      %gather3A_1078 = arith.constant 0 : i32
      %gather3A_1079 = arith.constant 1 : i32
      %gather3A_1080 = arith.constant 0 : i32
      %gather3A_1081 = arith.constant 0 : i32
      %gather3A_1082 = tpu.memref_slice %arg11[%gather3A_1078, %gather3A_1079, %gather3A_1080, %gather3A_1081] : memref<2x4x32x128xf32, #tpu.memory_space<vmem>> -> memref<1x1x32x128xf32, #tpu.memory_space<vmem>>
      %gather3A_1083 = tpu.memref_squeeze %gather3A_1082 : memref<1x1x32x128xf32, #tpu.memory_space<vmem>> -> memref<32x128xf32, #tpu.memory_space<vmem>>
      %gather3A_1084 = tpu.vector_load_idx %gather3A_1083[%iota3A, %broadcast_in_dim3A_1055] : memref<32x128xf32, #tpu.memory_space<vmem>>[vector<16xi32>, vector<16xi32>], vector<16xf32>,
      %swap3A_1085 = arith.constant 1 : i32
      %swap3A_1086 = arith.index_cast %swap3A_1085 : i32 to index
      %swap3A_1087 = arith.constant 0 : index
      %swap3A_1088 = tpu.vector_load %arg13[%swap3A_1086, %swap3A_1087] {strides = array<i32>} : memref<16x32xf32, #tpu.memory_space<vmem>>, vector<16xf32>,
      tpu.vector_store %arg13[%swap3A_1086, %swap3A_1087], %gather3A_1084 {strides = array<i32>} : memref<16x32xf32, #tpu.memory_space<vmem>>, vector<16xf32>,
      %gather3A_1089 = arith.constant 0 : i32
      %gather3A_1090 = arith.constant 1 : i32
      %gather3A_1091 = arith.constant 0 : i32
      %gather3A_1092 = arith.constant 0 : i32
      %gather3A_1093 = tpu.memref_slice %arg11[%gather3A_1089, %gather3A_1090, %gather3A_1091, %gather3A_1092] : memref<2x4x32x128xf32, #tpu.memory_space<vmem>> -> memref<1x1x32x128xf32, #tpu.memory_space<vmem>>
      %gather3A_1094 = tpu.memref_squeeze %gather3A_1093 : memref<1x1x32x128xf32, #tpu.memory_space<vmem>> -> memref<32x128xf32, #tpu.memory_space<vmem>>
      %gather3A_1095 = tpu.vector_load_idx %gather3A_1094[%add3A_11, %broadcast_in_dim3A_1055] : memref<32x128xf32, #tpu.memory_space<vmem>>[vector<16xi32>, vector<16xi32>], vector<16xf32>,
      %swap3A_1096 = arith.constant 1 : i32
      %swap3A_1097 = arith.index_cast %swap3A_1096 : i32 to index
      %swap3A_1098 = arith.constant 16 : index
      %swap3A_1099 = tpu.vector_load %arg13[%swap3A_1097, %swap3A_1098] {strides = array<i32>} : memref<16x32xf32, #tpu.memory_space<vmem>>, vector<16xf32>,
      tpu.vector_store %arg13[%swap3A_1097, %swap3A_1098], %gather3A_1095 {strides = array<i32>} : memref<16x32xf32, #tpu.memory_space<vmem>>, vector<16xf32>,
      %slice3A_1100 = vector.extract_strided_slice %get3A_128 {offsets = [2], sizes = [1], strides = [1]} : vector<16xi32> to vector<1xi32>
      %squeeze3A_1101 = vector.extract %slice3A_1100[0] : i32 from vector<1xi32>
      %jit3A_1102 = arith.constant 128 : i32
      %eq3A_1103 = arith.constant 0 : i32
      %eq3A_1104 = arith.cmpi eq, %jit3A_1102, %eq3A_1103 : i32
      %jit3A_1105 = arith.constant 1 : i32
      %select_n3A_1106 = arith.select %eq3A_1104, %jit3A_1105, %jit3A_1102 : i32
      %rem3A_1107 = arith.remsi %squeeze3A_1101, %select_n3A_1106 : i32
      %ne3A_1108 = arith.constant 0 : i32
      %ne3A_1109 = arith.cmpi ne, %rem3A_1107, %ne3A_1108 : i32
      %lt3A_1110 = arith.constant 0 : i32
      %lt3A_1111 = arith.cmpi slt, %rem3A_1107, %lt3A_1110 : i32
      %lt3A_1112 = arith.constant 0 : i32
      %lt3A_1113 = arith.cmpi slt, %select_n3A_1106, %lt3A_1112 : i32
      %ne3A_1114 = arith.xori %lt3A_1111, %lt3A_1113 : i1
      %and3A_1115 = arith.andi %ne3A_1114, %ne3A_1109 : i1
      %add3A_1116 = arith.addi %rem3A_1107, %select_n3A_1106 : i32
      %select_n3A_1117 = arith.select %and3A_1115, %add3A_1116, %rem3A_1107 : i32
      %broadcast_in_dim3A_1118 = vector.broadcast %select_n3A_1117 : i32 to vector<16xi32>
      %slice3A_1119 = vector.extract_strided_slice %get3A_132 {offsets = [2], sizes = [1], strides = [1]} : vector<16xi32> to vector<1xi32>
      %squeeze3A_1120 = vector.extract %slice3A_1119[0] : i32 from vector<1xi32>
      %jit3A_1121 = arith.constant 128 : i32
      %eq3A_1122 = arith.constant 0 : i32
      %eq3A_1123 = arith.cmpi eq, %jit3A_1121, %eq3A_1122 : i32
      %jit3A_1124 = arith.constant 1 : i32
      %select_n3A_1125 = arith.select %eq3A_1123, %jit3A_1124, %jit3A_1121 : i32
      %rem3A_1126 = arith.remsi %squeeze3A_1120, %select_n3A_1125 : i32
      %ne3A_1127 = arith.constant 0 : i32
      %ne3A_1128 = arith.cmpi ne, %rem3A_1126, %ne3A_1127 : i32
      %lt3A_1129 = arith.constant 0 : i32
      %lt3A_1130 = arith.cmpi slt, %rem3A_1126, %lt3A_1129 : i32
      %lt3A_1131 = arith.constant 0 : i32
      %lt3A_1132 = arith.cmpi slt, %select_n3A_1125, %lt3A_1131 : i32
      %ne3A_1133 = arith.xori %lt3A_1130, %lt3A_1132 : i1
      %and3A_1134 = arith.andi %ne3A_1133, %ne3A_1128 : i1
      %add3A_1135 = arith.addi %rem3A_1126, %select_n3A_1125 : i32
      %select_n3A_1136 = arith.select %and3A_1134, %add3A_1135, %rem3A_1126 : i32
      %broadcast_in_dim3A_1137 = vector.broadcast %select_n3A_1136 : i32 to vector<16xi32>
      %gather3A_1138 = arith.constant 0 : i32
      %gather3A_1139 = arith.constant 2 : i32
      %gather3A_1140 = arith.constant 0 : i32
      %gather3A_1141 = arith.constant 0 : i32
      %gather3A_1142 = tpu.memref_slice %arg10[%gather3A_1138, %gather3A_1139, %gather3A_1140, %gather3A_1141] : memref<2x4x32x128xf32, #tpu.memory_space<vmem>> -> memref<1x1x32x128xf32, #tpu.memory_space<vmem>>
      %gather3A_1143 = tpu.memref_squeeze %gather3A_1142 : memref<1x1x32x128xf32, #tpu.memory_space<vmem>> -> memref<32x128xf32, #tpu.memory_space<vmem>>
      %gather3A_1144 = tpu.vector_load_idx %gather3A_1143[%iota3A, %broadcast_in_dim3A_1118] : memref<32x128xf32, #tpu.memory_space<vmem>>[vector<16xi32>, vector<16xi32>], vector<16xf32>,
      %swap3A_1145 = arith.constant 2 : i32
      %swap3A_1146 = arith.index_cast %swap3A_1145 : i32 to index
      %swap3A_1147 = arith.constant 0 : index
      %swap3A_1148 = tpu.vector_load %arg12[%swap3A_1146, %swap3A_1147] {strides = array<i32>} : memref<16x32xf32, #tpu.memory_space<vmem>>, vector<16xf32>,
      tpu.vector_store %arg12[%swap3A_1146, %swap3A_1147], %gather3A_1144 {strides = array<i32>} : memref<16x32xf32, #tpu.memory_space<vmem>>, vector<16xf32>,
      %gather3A_1149 = arith.constant 0 : i32
      %gather3A_1150 = arith.constant 2 : i32
      %gather3A_1151 = arith.constant 0 : i32
      %gather3A_1152 = arith.constant 0 : i32
      %gather3A_1153 = tpu.memref_slice %arg10[%gather3A_1149, %gather3A_1150, %gather3A_1151, %gather3A_1152] : memref<2x4x32x128xf32, #tpu.memory_space<vmem>> -> memref<1x1x32x128xf32, #tpu.memory_space<vmem>>
      %gather3A_1154 = tpu.memref_squeeze %gather3A_1153 : memref<1x1x32x128xf32, #tpu.memory_space<vmem>> -> memref<32x128xf32, #tpu.memory_space<vmem>>
      %gather3A_1155 = tpu.vector_load_idx %gather3A_1154[%add3A_11, %broadcast_in_dim3A_1118] : memref<32x128xf32, #tpu.memory_space<vmem>>[vector<16xi32>, vector<16xi32>], vector<16xf32>,
      %swap3A_1156 = arith.constant 2 : i32
      %swap3A_1157 = arith.index_cast %swap3A_1156 : i32 to index
      %swap3A_1158 = arith.constant 16 : index
      %swap3A_1159 = tpu.vector_load %arg12[%swap3A_1157, %swap3A_1158] {strides = array<i32>} : memref<16x32xf32, #tpu.memory_space<vmem>>, vector<16xf32>,
      tpu.vector_store %arg12[%swap3A_1157, %swap3A_1158], %gather3A_1155 {strides = array<i32>} : memref<16x32xf32, #tpu.memory_space<vmem>>, vector<16xf32>,
      %gather3A_1160 = arith.constant 0 : i32
      %gather3A_1161 = arith.constant 2 : i32
      %gather3A_1162 = arith.constant 0 : i32
      %gather3A_1163 = arith.constant 0 : i32
      %gather3A_1164 = tpu.memref_slice %arg11[%gather3A_1160, %gather3A_1161, %gather3A_1162, %gather3A_1163] : memref<2x4x32x128xf32, #tpu.memory_space<vmem>> -> memref<1x1x32x128xf32, #tpu.memory_space<vmem>>
      %gather3A_1165 = tpu.memref_squeeze %gather3A_1164 : memref<1x1x32x128xf32, #tpu.memory_space<vmem>> -> memref<32x128xf32, #tpu.memory_space<vmem>>
      %gather3A_1166 = tpu.vector_load_idx %gather3A_1165[%iota3A, %broadcast_in_dim3A_1137] : memref<32x128xf32, #tpu.memory_space<vmem>>[vector<16xi32>, vector<16xi32>], vector<16xf32>,
      %swap3A_1167 = arith.constant 2 : i32
      %swap3A_1168 = arith.index_cast %swap3A_1167 : i32 to index
      %swap3A_1169 = arith.constant 0 : index
      %swap3A_1170 = tpu.vector_load %arg13[%swap3A_1168, %swap3A_1169] {strides = array<i32>} : memref<16x32xf32, #tpu.memory_space<vmem>>, vector<16xf32>,
      tpu.vector_store %arg13[%swap3A_1168, %swap3A_1169], %gather3A_1166 {strides = array<i32>} : memref<16x32xf32, #tpu.memory_space<vmem>>, vector<16xf32>,
      %gather3A_1171 = arith.constant 0 : i32
      %gather3A_1172 = arith.constant 2 : i32
      %gather3A_1173 = arith.constant 0 : i32
      %gather3A_1174 = arith.constant 0 : i32
      %gather3A_1175 = tpu.memref_slice %arg11[%gather3A_1171, %gather3A_1172, %gather3A_1173, %gather3A_1174] : memref<2x4x32x128xf32, #tpu.memory_space<vmem>> -> memref<1x1x32x128xf32, #tpu.memory_space<vmem>>
      %gather3A_1176 = tpu.memref_squeeze %gather3A_1175 : memref<1x1x32x128xf32, #tpu.memory_space<vmem>> -> memref<32x128xf32, #tpu.memory_space<vmem>>
      %gather3A_1177 = tpu.vector_load_idx %gather3A_1176[%add3A_11, %broadcast_in_dim3A_1137] : memref<32x128xf32, #tpu.memory_space<vmem>>[vector<16xi32>, vector<16xi32>], vector<16xf32>,
      %swap3A_1178 = arith.constant 2 : i32
      %swap3A_1179 = arith.index_cast %swap3A_1178 : i32 to index
      %swap3A_1180 = arith.constant 16 : index
      %swap3A_1181 = tpu.vector_load %arg13[%swap3A_1179, %swap3A_1180] {strides = array<i32>} : memref<16x32xf32, #tpu.memory_space<vmem>>, vector<16xf32>,
      tpu.vector_store %arg13[%swap3A_1179, %swap3A_1180], %gather3A_1177 {strides = array<i32>} : memref<16x32xf32, #tpu.memory_space<vmem>>, vector<16xf32>,
      %slice3A_1182 = vector.extract_strided_slice %get3A_128 {offsets = [3], sizes = [1], strides = [1]} : vector<16xi32> to vector<1xi32>
      %squeeze3A_1183 = vector.extract %slice3A_1182[0] : i32 from vector<1xi32>
      %jit3A_1184 = arith.constant 128 : i32
      %eq3A_1185 = arith.constant 0 : i32
      %eq3A_1186 = arith.cmpi eq, %jit3A_1184, %eq3A_1185 : i32
      %jit3A_1187 = arith.constant 1 : i32
      %select_n3A_1188 = arith.select %eq3A_1186, %jit3A_1187, %jit3A_1184 : i32
      %rem3A_1189 = arith.remsi %squeeze3A_1183, %select_n3A_1188 : i32
      %ne3A_1190 = arith.constant 0 : i32
      %ne3A_1191 = arith.cmpi ne, %rem3A_1189, %ne3A_1190 : i32
      %lt3A_1192 = arith.constant 0 : i32
      %lt3A_1193 = arith.cmpi slt, %rem3A_1189, %lt3A_1192 : i32
      %lt3A_1194 = arith.constant 0 : i32
      %lt3A_1195 = arith.cmpi slt, %select_n3A_1188, %lt3A_1194 : i32
      %ne3A_1196 = arith.xori %lt3A_1193, %lt3A_1195 : i1
      %and3A_1197 = arith.andi %ne3A_1196, %ne3A_1191 : i1
      %add3A_1198 = arith.addi %rem3A_1189, %select_n3A_1188 : i32
      %select_n3A_1199 = arith.select %and3A_1197, %add3A_1198, %rem3A_1189 : i32
      %broadcast_in_dim3A_1200 = vector.broadcast %select_n3A_1199 : i32 to vector<16xi32>
      %slice3A_1201 = vector.extract_strided_slice %get3A_132 {offsets = [3], sizes = [1], strides = [1]} : vector<16xi32> to vector<1xi32>
      %squeeze3A_1202 = vector.extract %slice3A_1201[0] : i32 from vector<1xi32>
      %jit3A_1203 = arith.constant 128 : i32
      %eq3A_1204 = arith.constant 0 : i32
      %eq3A_1205 = arith.cmpi eq, %jit3A_1203, %eq3A_1204 : i32
      %jit3A_1206 = arith.constant 1 : i32
      %select_n3A_1207 = arith.select %eq3A_1205, %jit3A_1206, %jit3A_1203 : i32
      %rem3A_1208 = arith.remsi %squeeze3A_1202, %select_n3A_1207 : i32
      %ne3A_1209 = arith.constant 0 : i32
      %ne3A_1210 = arith.cmpi ne, %rem3A_1208, %ne3A_1209 : i32
      %lt3A_1211 = arith.constant 0 : i32
      %lt3A_1212 = arith.cmpi slt, %rem3A_1208, %lt3A_1211 : i32
      %lt3A_1213 = arith.constant 0 : i32
      %lt3A_1214 = arith.cmpi slt, %select_n3A_1207, %lt3A_1213 : i32
      %ne3A_1215 = arith.xori %lt3A_1212, %lt3A_1214 : i1
      %and3A_1216 = arith.andi %ne3A_1215, %ne3A_1210 : i1
      %add3A_1217 = arith.addi %rem3A_1208, %select_n3A_1207 : i32
      %select_n3A_1218 = arith.select %and3A_1216, %add3A_1217, %rem3A_1208 : i32
      %broadcast_in_dim3A_1219 = vector.broadcast %select_n3A_1218 : i32 to vector<16xi32>
      %gather3A_1220 = arith.constant 0 : i32
      %gather3A_1221 = arith.constant 3 : i32
      %gather3A_1222 = arith.constant 0 : i32
      %gather3A_1223 = arith.constant 0 : i32
      %gather3A_1224 = tpu.memref_slice %arg10[%gather3A_1220, %gather3A_1221, %gather3A_1222, %gather3A_1223] : memref<2x4x32x128xf32, #tpu.memory_space<vmem>> -> memref<1x1x32x128xf32, #tpu.memory_space<vmem>>
      %gather3A_1225 = tpu.memref_squeeze %gather3A_1224 : memref<1x1x32x128xf32, #tpu.memory_space<vmem>> -> memref<32x128xf32, #tpu.memory_space<vmem>>
      %gather3A_1226 = tpu.vector_load_idx %gather3A_1225[%iota3A, %broadcast_in_dim3A_1200] : memref<32x128xf32, #tpu.memory_space<vmem>>[vector<16xi32>, vector<16xi32>], vector<16xf32>,
      %swap3A_1227 = arith.constant 3 : i32
      %swap3A_1228 = arith.index_cast %swap3A_1227 : i32 to index
      %swap3A_1229 = arith.constant 0 : index
      %swap3A_1230 = tpu.vector_load %arg12[%swap3A_1228, %swap3A_1229] {strides = array<i32>} : memref<16x32xf32, #tpu.memory_space<vmem>>, vector<16xf32>,
      tpu.vector_store %arg12[%swap3A_1228, %swap3A_1229], %gather3A_1226 {strides = array<i32>} : memref<16x32xf32, #tpu.memory_space<vmem>>, vector<16xf32>,
      %gather3A_1231 = arith.constant 0 : i32
      %gather3A_1232 = arith.constant 3 : i32
      %gather3A_1233 = arith.constant 0 : i32
      %gather3A_1234 = arith.constant 0 : i32
      %gather3A_1235 = tpu.memref_slice %arg10[%gather3A_1231, %gather3A_1232, %gather3A_1233, %gather3A_1234] : memref<2x4x32x128xf32, #tpu.memory_space<vmem>> -> memref<1x1x32x128xf32, #tpu.memory_space<vmem>>
      %gather3A_1236 = tpu.memref_squeeze %gather3A_1235 : memref<1x1x32x128xf32, #tpu.memory_space<vmem>> -> memref<32x128xf32, #tpu.memory_space<vmem>>
      %gather3A_1237 = tpu.vector_load_idx %gather3A_1236[%add3A_11, %broadcast_in_dim3A_1200] : memref<32x128xf32, #tpu.memory_space<vmem>>[vector<16xi32>, vector<16xi32>], vector<16xf32>,
      %swap3A_1238 = arith.constant 3 : i32
      %swap3A_1239 = arith.index_cast %swap3A_1238 : i32 to index
      %swap3A_1240 = arith.constant 16 : index
      %swap3A_1241 = tpu.vector_load %arg12[%swap3A_1239, %swap3A_1240] {strides = array<i32>} : memref<16x32xf32, #tpu.memory_space<vmem>>, vector<16xf32>,
      tpu.vector_store %arg12[%swap3A_1239, %swap3A_1240], %gather3A_1237 {strides = array<i32>} : memref<16x32xf32, #tpu.memory_space<vmem>>, vector<16xf32>,
      %gather3A_1242 = arith.constant 0 : i32
      %gather3A_1243 = arith.constant 3 : i32
      %gather3A_1244 = arith.constant 0 : i32
      %gather3A_1245 = arith.constant 0 : i32
      %gather3A_1246 = tpu.memref_slice %arg11[%gather3A_1242, %gather3A_1243, %gather3A_1244, %gather3A_1245] : memref<2x4x32x128xf32, #tpu.memory_space<vmem>> -> memref<1x1x32x128xf32, #tpu.memory_space<vmem>>
      %gather3A_1247 = tpu.memref_squeeze %gather3A_1246 : memref<1x1x32x128xf32, #tpu.memory_space<vmem>> -> memref<32x128xf32, #tpu.memory_space<vmem>>
      %gather3A_1248 = tpu.vector_load_idx %gather3A_1247[%iota3A, %broadcast_in_dim3A_1219] : memref<32x128xf32, #tpu.memory_space<vmem>>[vector<16xi32>, vector<16xi32>], vector<16xf32>,
      %swap3A_1249 = arith.constant 3 : i32
      %swap3A_1250 = arith.index_cast %swap3A_1249 : i32 to index
      %swap3A_1251 = arith.constant 0 : index
      %swap3A_1252 = tpu.vector_load %arg13[%swap3A_1250, %swap3A_1251] {strides = array<i32>} : memref<16x32xf32, #tpu.memory_space<vmem>>, vector<16xf32>,
      tpu.vector_store %arg13[%swap3A_1250, %swap3A_1251], %gather3A_1248 {strides = array<i32>} : memref<16x32xf32, #tpu.memory_space<vmem>>, vector<16xf32>,
      %gather3A_1253 = arith.constant 0 : i32
      %gather3A_1254 = arith.constant 3 : i32
      %gather3A_1255 = arith.constant 0 : i32
      %gather3A_1256 = arith.constant 0 : i32
      %gather3A_1257 = tpu.memref_slice %arg11[%gather3A_1253, %gather3A_1254, %gather3A_1255, %gather3A_1256] : memref<2x4x32x128xf32, #tpu.memory_space<vmem>> -> memref<1x1x32x128xf32, #tpu.memory_space<vmem>>
      %gather3A_1258 = tpu.memref_squeeze %gather3A_1257 : memref<1x1x32x128xf32, #tpu.memory_space<vmem>> -> memref<32x128xf32, #tpu.memory_space<vmem>>
      %gather3A_1259 = tpu.vector_load_idx %gather3A_1258[%add3A_11, %broadcast_in_dim3A_1219] : memref<32x128xf32, #tpu.memory_space<vmem>>[vector<16xi32>, vector<16xi32>], vector<16xf32>,
      %swap3A_1260 = arith.constant 3 : i32
      %swap3A_1261 = arith.index_cast %swap3A_1260 : i32 to index
      %swap3A_1262 = arith.constant 16 : index
      %swap3A_1263 = tpu.vector_load %arg13[%swap3A_1261, %swap3A_1262] {strides = array<i32>} : memref<16x32xf32, #tpu.memory_space<vmem>>, vector<16xf32>,
      tpu.vector_store %arg13[%swap3A_1261, %swap3A_1262], %gather3A_1259 {strides = array<i32>} : memref<16x32xf32, #tpu.memory_space<vmem>>, vector<16xf32>,
      %slice3A_1264 = vector.extract_strided_slice %get3A_128 {offsets = [8], sizes = [1], strides = [1]} : vector<16xi32> to vector<1xi32>
      %squeeze3A_1265 = vector.extract %slice3A_1264[0] : i32 from vector<1xi32>
      %slice3A_1266 = vector.extract_strided_slice %get3A_132 {offsets = [8], sizes = [1], strides = [1]} : vector<16xi32> to vector<1xi32>
      %squeeze3A_1267 = vector.extract %slice3A_1266[0] : i32 from vector<1xi32>
      %jit3A_1268 = arith.constant 128 : i32
      %div3A_1269 = arith.divsi %squeeze3A_1265, %jit3A_1268 : i32
      %sign3A_1270 = arith.constant 0 : i32
      %sign3A_1271 = arith.cmpi sgt, %squeeze3A_1265, %sign3A_1270 : i32
      %sign3A_1272 = arith.extui %sign3A_1271 : i1 to i32
      %sign3A_1273 = arith.constant 0 : i32
      %sign3A_1274 = arith.cmpi slt, %squeeze3A_1265, %sign3A_1273 : i32
      %sign3A_1275 = arith.extui %sign3A_1274 : i1 to i32
      %sign3A_1276 = arith.subi %sign3A_1272, %sign3A_1275 : i32
      %sign3A_1277 = arith.constant 0 : i32
      %sign3A_1278 = arith.cmpi sgt, %jit3A_1268, %sign3A_1277 : i32
      %sign3A_1279 = arith.extui %sign3A_1278 : i1 to i32
      %sign3A_1280 = arith.constant 0 : i32
      %sign3A_1281 = arith.cmpi slt, %jit3A_1268, %sign3A_1280 : i32
      %sign3A_1282 = arith.extui %sign3A_1281 : i1 to i32
      %sign3A_1283 = arith.subi %sign3A_1279, %sign3A_1282 : i32
      %ne3A_1284 = arith.cmpi ne, %sign3A_1276, %sign3A_1283 : i32
      %rem3A_1285 = arith.remsi %squeeze3A_1265, %jit3A_1268 : i32
      %ne3A_1286 = arith.constant 0 : i32
      %ne3A_1287 = arith.cmpi ne, %rem3A_1285, %ne3A_1286 : i32
      %and3A_1288 = arith.andi %ne3A_1284, %ne3A_1287 : i1
      %sub3A_1289 = arith.constant 1 : i32
      %sub3A_1290 = arith.subi %div3A_1269, %sub3A_1289 : i32
      %select_n3A_1291 = arith.select %and3A_1288, %sub3A_1290, %div3A_1269 : i32
      %mul3A_1292 = arith.constant 128 : i32
      %mul3A_1293 = arith.muli %select_n3A_1291, %mul3A_1292 : i32
      %multiple_of3A_1294 = tpu.assume_multiple %mul3A_1293, 128 : i32
      %jit3A_1295 = arith.constant 128 : i32
      %div3A_1296 = arith.divsi %squeeze3A_1267, %jit3A_1295 : i32
      %sign3A_1297 = arith.constant 0 : i32
      %sign3A_1298 = arith.cmpi sgt, %squeeze3A_1267, %sign3A_1297 : i32
      %sign3A_1299 = arith.extui %sign3A_1298 : i1 to i32
      %sign3A_1300 = arith.constant 0 : i32
      %sign3A_1301 = arith.cmpi slt, %squeeze3A_1267, %sign3A_1300 : i32
      %sign3A_1302 = arith.extui %sign3A_1301 : i1 to i32
      %sign3A_1303 = arith.subi %sign3A_1299, %sign3A_1302 : i32
      %sign3A_1304 = arith.constant 0 : i32
      %sign3A_1305 = arith.cmpi sgt, %jit3A_1295, %sign3A_1304 : i32
      %sign3A_1306 = arith.extui %sign3A_1305 : i1 to i32
      %sign3A_1307 = arith.constant 0 : i32
      %sign3A_1308 = arith.cmpi slt, %jit3A_1295, %sign3A_1307 : i32
      %sign3A_1309 = arith.extui %sign3A_1308 : i1 to i32
      %sign3A_1310 = arith.subi %sign3A_1306, %sign3A_1309 : i32
      %ne3A_1311 = arith.cmpi ne, %sign3A_1303, %sign3A_1310 : i32
      %rem3A_1312 = arith.remsi %squeeze3A_1267, %jit3A_1295 : i32
      %ne3A_1313 = arith.constant 0 : i32
      %ne3A_1314 = arith.cmpi ne, %rem3A_1312, %ne3A_1313 : i32
      %and3A_1315 = arith.andi %ne3A_1311, %ne3A_1314 : i1
      %sub3A_1316 = arith.constant 1 : i32
      %sub3A_1317 = arith.subi %div3A_1296, %sub3A_1316 : i32
      %select_n3A_1318 = arith.select %and3A_1315, %sub3A_1317, %div3A_1296 : i32
      %mul3A_1319 = arith.constant 128 : i32
      %mul3A_1320 = arith.muli %select_n3A_1318, %mul3A_1319 : i32
      %multiple_of3A_1321 = tpu.assume_multiple %mul3A_1320, 128 : i32
      %dma_start3A_1322 = arith.constant 0 : i32
      %dma_start3A_1323 = arith.constant 0 : i32
      %dma_start3A_1324 = arith.constant 0 : i32
      %dma_start3A_1325 = arith.constant 0 : i32
      %dma_start3A_1326 = tpu.memref_slice %arg10[%dma_start3A_1322, %dma_start3A_1323, %dma_start3A_1324, %dma_start3A_1325] : memref<2x4x32x128xf32, #tpu.memory_space<vmem>> -> memref<1x1x32x128xf32, #tpu.memory_space<vmem>>
      %dma_start3A_1327 = tpu.memref_squeeze %dma_start3A_1326 : memref<1x1x32x128xf32, #tpu.memory_space<vmem>> -> memref<32x128xf32, #tpu.memory_space<vmem>>
      %dma_start3A_1328 = arith.constant 0 : i32
      %dma_start3A_1329 = tpu.memref_slice %arg4[%dma_start3A_1328, %multiple_of3A_1294] : memref<32x1000000xf32, #tpu.memory_space<hbm>> -> memref<32x128xf32, #tpu.memory_space<hbm>>
      %dma_start3A_1330 = arith.constant 0 : i32
      %dma_start3A_1331 = arith.constant 0 : i32
      %dma_start3A_1332 = tpu.memref_slice %arg10[%dma_start3A_1322, %dma_start3A_1323, %dma_start3A_1330, %dma_start3A_1331] : memref<2x4x32x128xf32, #tpu.memory_space<vmem>> -> memref<1x1x32x128xf32, #tpu.memory_space<vmem>>
      %dma_start3A_1333 = tpu.memref_squeeze %dma_start3A_1332 : memref<1x1x32x128xf32, #tpu.memory_space<vmem>> -> memref<32x128xf32, #tpu.memory_space<vmem>>
      %dma_start3A_1334 = arith.constant 0 : i32
      %dma_start3A_1335 = tpu.memref_slice %arg4[%dma_start3A_1334, %multiple_of3A_1294] : memref<32x1000000xf32, #tpu.memory_space<hbm>> -> memref<32x128xf32, #tpu.memory_space<hbm>>
      tpu.enqueue_dma source(%dma_start3A_1335 : memref<32x128xf32, #tpu.memory_space<hbm>>) target(%dma_start3A_1333 : memref<32x128xf32, #tpu.memory_space<vmem>>) target_semaphore(%arg17 : memref<!tpu.dma_semaphore, #tpu.memory_space<semaphore_mem>>)
      %dma_start3A_1336 = arith.constant 0 : i32
      %dma_start3A_1337 = arith.constant 0 : i32
      %dma_start3A_1338 = arith.constant 0 : i32
      %dma_start3A_1339 = arith.constant 0 : i32
      %dma_start3A_1340 = tpu.memref_slice %arg11[%dma_start3A_1336, %dma_start3A_1337, %dma_start3A_1338, %dma_start3A_1339] : memref<2x4x32x128xf32, #tpu.memory_space<vmem>> -> memref<1x1x32x128xf32, #tpu.memory_space<vmem>>
      %dma_start3A_1341 = tpu.memref_squeeze %dma_start3A_1340 : memref<1x1x32x128xf32, #tpu.memory_space<vmem>> -> memref<32x128xf32, #tpu.memory_space<vmem>>
      %dma_start3A_1342 = arith.constant 0 : i32
      %dma_start3A_1343 = tpu.memref_slice %arg5[%dma_start3A_1342, %multiple_of3A_1321] : memref<32x1000000xf32, #tpu.memory_space<hbm>> -> memref<32x128xf32, #tpu.memory_space<hbm>>
      %dma_start3A_1344 = arith.constant 0 : i32
      %dma_start3A_1345 = arith.constant 0 : i32
      %dma_start3A_1346 = tpu.memref_slice %arg11[%dma_start3A_1336, %dma_start3A_1337, %dma_start3A_1344, %dma_start3A_1345] : memref<2x4x32x128xf32, #tpu.memory_space<vmem>> -> memref<1x1x32x128xf32, #tpu.memory_space<vmem>>
      %dma_start3A_1347 = tpu.memref_squeeze %dma_start3A_1346 : memref<1x1x32x128xf32, #tpu.memory_space<vmem>> -> memref<32x128xf32, #tpu.memory_space<vmem>>
      %dma_start3A_1348 = arith.constant 0 : i32
      %dma_start3A_1349 = tpu.memref_slice %arg5[%dma_start3A_1348, %multiple_of3A_1321] : memref<32x1000000xf32, #tpu.memory_space<hbm>> -> memref<32x128xf32, #tpu.memory_space<hbm>>
      tpu.enqueue_dma source(%dma_start3A_1349 : memref<32x128xf32, #tpu.memory_space<hbm>>) target(%dma_start3A_1347 : memref<32x128xf32, #tpu.memory_space<vmem>>) target_semaphore(%arg17 : memref<!tpu.dma_semaphore, #tpu.memory_space<semaphore_mem>>)
      %slice3A_1350 = vector.extract_strided_slice %get3A_128 {offsets = [9], sizes = [1], strides = [1]} : vector<16xi32> to vector<1xi32>
      %squeeze3A_1351 = vector.extract %slice3A_1350[0] : i32 from vector<1xi32>
      %slice3A_1352 = vector.extract_strided_slice %get3A_132 {offsets = [9], sizes = [1], strides = [1]} : vector<16xi32> to vector<1xi32>
      %squeeze3A_1353 = vector.extract %slice3A_1352[0] : i32 from vector<1xi32>
      %jit3A_1354 = arith.constant 128 : i32
      %div3A_1355 = arith.divsi %squeeze3A_1351, %jit3A_1354 : i32
      %sign3A_1356 = arith.constant 0 : i32
      %sign3A_1357 = arith.cmpi sgt, %squeeze3A_1351, %sign3A_1356 : i32
      %sign3A_1358 = arith.extui %sign3A_1357 : i1 to i32
      %sign3A_1359 = arith.constant 0 : i32
      %sign3A_1360 = arith.cmpi slt, %squeeze3A_1351, %sign3A_1359 : i32
      %sign3A_1361 = arith.extui %sign3A_1360 : i1 to i32
      %sign3A_1362 = arith.subi %sign3A_1358, %sign3A_1361 : i32
      %sign3A_1363 = arith.constant 0 : i32
      %sign3A_1364 = arith.cmpi sgt, %jit3A_1354, %sign3A_1363 : i32
      %sign3A_1365 = arith.extui %sign3A_1364 : i1 to i32
      %sign3A_1366 = arith.constant 0 : i32
      %sign3A_1367 = arith.cmpi slt, %jit3A_1354, %sign3A_1366 : i32
      %sign3A_1368 = arith.extui %sign3A_1367 : i1 to i32
      %sign3A_1369 = arith.subi %sign3A_1365, %sign3A_1368 : i32
      %ne3A_1370 = arith.cmpi ne, %sign3A_1362, %sign3A_1369 : i32
      %rem3A_1371 = arith.remsi %squeeze3A_1351, %jit3A_1354 : i32
      %ne3A_1372 = arith.constant 0 : i32
      %ne3A_1373 = arith.cmpi ne, %rem3A_1371, %ne3A_1372 : i32
      %and3A_1374 = arith.andi %ne3A_1370, %ne3A_1373 : i1
      %sub3A_1375 = arith.constant 1 : i32
      %sub3A_1376 = arith.subi %div3A_1355, %sub3A_1375 : i32
      %select_n3A_1377 = arith.select %and3A_1374, %sub3A_1376, %div3A_1355 : i32
      %mul3A_1378 = arith.constant 128 : i32
      %mul3A_1379 = arith.muli %select_n3A_1377, %mul3A_1378 : i32
      %multiple_of3A_1380 = tpu.assume_multiple %mul3A_1379, 128 : i32
      %jit3A_1381 = arith.constant 128 : i32
      %div3A_1382 = arith.divsi %squeeze3A_1353, %jit3A_1381 : i32
      %sign3A_1383 = arith.constant 0 : i32
      %sign3A_1384 = arith.cmpi sgt, %squeeze3A_1353, %sign3A_1383 : i32
      %sign3A_1385 = arith.extui %sign3A_1384 : i1 to i32
      %sign3A_1386 = arith.constant 0 : i32
      %sign3A_1387 = arith.cmpi slt, %squeeze3A_1353, %sign3A_1386 : i32
      %sign3A_1388 = arith.extui %sign3A_1387 : i1 to i32
      %sign3A_1389 = arith.subi %sign3A_1385, %sign3A_1388 : i32
      %sign3A_1390 = arith.constant 0 : i32
      %sign3A_1391 = arith.cmpi sgt, %jit3A_1381, %sign3A_1390 : i32
      %sign3A_1392 = arith.extui %sign3A_1391 : i1 to i32
      %sign3A_1393 = arith.constant 0 : i32
      %sign3A_1394 = arith.cmpi slt, %jit3A_1381, %sign3A_1393 : i32
      %sign3A_1395 = arith.extui %sign3A_1394 : i1 to i32
      %sign3A_1396 = arith.subi %sign3A_1392, %sign3A_1395 : i32
      %ne3A_1397 = arith.cmpi ne, %sign3A_1389, %sign3A_1396 : i32
      %rem3A_1398 = arith.remsi %squeeze3A_1353, %jit3A_1381 : i32
      %ne3A_1399 = arith.constant 0 : i32
      %ne3A_1400 = arith.cmpi ne, %rem3A_1398, %ne3A_1399 : i32
      %and3A_1401 = arith.andi %ne3A_1397, %ne3A_1400 : i1
      %sub3A_1402 = arith.constant 1 : i32
      %sub3A_1403 = arith.subi %div3A_1382, %sub3A_1402 : i32
      %select_n3A_1404 = arith.select %and3A_1401, %sub3A_1403, %div3A_1382 : i32
      %mul3A_1405 = arith.constant 128 : i32
      %mul3A_1406 = arith.muli %select_n3A_1404, %mul3A_1405 : i32
      %multiple_of3A_1407 = tpu.assume_multiple %mul3A_1406, 128 : i32
      %dma_start3A_1408 = arith.constant 0 : i32
      %dma_start3A_1409 = arith.constant 1 : i32
      %dma_start3A_1410 = arith.constant 0 : i32
      %dma_start3A_1411 = arith.constant 0 : i32
      %dma_start3A_1412 = tpu.memref_slice %arg10[%dma_start3A_1408, %dma_start3A_1409, %dma_start3A_1410, %dma_start3A_1411] : memref<2x4x32x128xf32, #tpu.memory_space<vmem>> -> memref<1x1x32x128xf32, #tpu.memory_space<vmem>>
      %dma_start3A_1413 = tpu.memref_squeeze %dma_start3A_1412 : memref<1x1x32x128xf32, #tpu.memory_space<vmem>> -> memref<32x128xf32, #tpu.memory_space<vmem>>
      %dma_start3A_1414 = arith.constant 0 : i32
      %dma_start3A_1415 = tpu.memref_slice %arg4[%dma_start3A_1414, %multiple_of3A_1380] : memref<32x1000000xf32, #tpu.memory_space<hbm>> -> memref<32x128xf32, #tpu.memory_space<hbm>>
      %dma_start3A_1416 = arith.constant 0 : i32
      %dma_start3A_1417 = arith.constant 0 : i32
      %dma_start3A_1418 = tpu.memref_slice %arg10[%dma_start3A_1408, %dma_start3A_1409, %dma_start3A_1416, %dma_start3A_1417] : memref<2x4x32x128xf32, #tpu.memory_space<vmem>> -> memref<1x1x32x128xf32, #tpu.memory_space<vmem>>
      %dma_start3A_1419 = tpu.memref_squeeze %dma_start3A_1418 : memref<1x1x32x128xf32, #tpu.memory_space<vmem>> -> memref<32x128xf32, #tpu.memory_space<vmem>>
      %dma_start3A_1420 = arith.constant 0 : i32
      %dma_start3A_1421 = tpu.memref_slice %arg4[%dma_start3A_1420, %multiple_of3A_1380] : memref<32x1000000xf32, #tpu.memory_space<hbm>> -> memref<32x128xf32, #tpu.memory_space<hbm>>
      tpu.enqueue_dma source(%dma_start3A_1421 : memref<32x128xf32, #tpu.memory_space<hbm>>) target(%dma_start3A_1419 : memref<32x128xf32, #tpu.memory_space<vmem>>) target_semaphore(%arg17 : memref<!tpu.dma_semaphore, #tpu.memory_space<semaphore_mem>>)
      %dma_start3A_1422 = arith.constant 0 : i32
      %dma_start3A_1423 = arith.constant 1 : i32
      %dma_start3A_1424 = arith.constant 0 : i32
      %dma_start3A_1425 = arith.constant 0 : i32
      %dma_start3A_1426 = tpu.memref_slice %arg11[%dma_start3A_1422, %dma_start3A_1423, %dma_start3A_1424, %dma_start3A_1425] : memref<2x4x32x128xf32, #tpu.memory_space<vmem>> -> memref<1x1x32x128xf32, #tpu.memory_space<vmem>>
      %dma_start3A_1427 = tpu.memref_squeeze %dma_start3A_1426 : memref<1x1x32x128xf32, #tpu.memory_space<vmem>> -> memref<32x128xf32, #tpu.memory_space<vmem>>
      %dma_start3A_1428 = arith.constant 0 : i32
      %dma_start3A_1429 = tpu.memref_slice %arg5[%dma_start3A_1428, %multiple_of3A_1407] : memref<32x1000000xf32, #tpu.memory_space<hbm>> -> memref<32x128xf32, #tpu.memory_space<hbm>>
      %dma_start3A_1430 = arith.constant 0 : i32
      %dma_start3A_1431 = arith.constant 0 : i32
      %dma_start3A_1432 = tpu.memref_slice %arg11[%dma_start3A_1422, %dma_start3A_1423, %dma_start3A_1430, %dma_start3A_1431] : memref<2x4x32x128xf32, #tpu.memory_space<vmem>> -> memref<1x1x32x128xf32, #tpu.memory_space<vmem>>
      %dma_start3A_1433 = tpu.memref_squeeze %dma_start3A_1432 : memref<1x1x32x128xf32, #tpu.memory_space<vmem>> -> memref<32x128xf32, #tpu.memory_space<vmem>>
      %dma_start3A_1434 = arith.constant 0 : i32
      %dma_start3A_1435 = tpu.memref_slice %arg5[%dma_start3A_1434, %multiple_of3A_1407] : memref<32x1000000xf32, #tpu.memory_space<hbm>> -> memref<32x128xf32, #tpu.memory_space<hbm>>
      tpu.enqueue_dma source(%dma_start3A_1435 : memref<32x128xf32, #tpu.memory_space<hbm>>) target(%dma_start3A_1433 : memref<32x128xf32, #tpu.memory_space<vmem>>) target_semaphore(%arg17 : memref<!tpu.dma_semaphore, #tpu.memory_space<semaphore_mem>>)
      %slice3A_1436 = vector.extract_strided_slice %get3A_128 {offsets = [10], sizes = [1], strides = [1]} : vector<16xi32> to vector<1xi32>
      %squeeze3A_1437 = vector.extract %slice3A_1436[0] : i32 from vector<1xi32>
      %slice3A_1438 = vector.extract_strided_slice %get3A_132 {offsets = [10], sizes = [1], strides = [1]} : vector<16xi32> to vector<1xi32>
      %squeeze3A_1439 = vector.extract %slice3A_1438[0] : i32 from vector<1xi32>
      %jit3A_1440 = arith.constant 128 : i32
      %div3A_1441 = arith.divsi %squeeze3A_1437, %jit3A_1440 : i32
      %sign3A_1442 = arith.constant 0 : i32
      %sign3A_1443 = arith.cmpi sgt, %squeeze3A_1437, %sign3A_1442 : i32
      %sign3A_1444 = arith.extui %sign3A_1443 : i1 to i32
      %sign3A_1445 = arith.constant 0 : i32
      %sign3A_1446 = arith.cmpi slt, %squeeze3A_1437, %sign3A_1445 : i32
      %sign3A_1447 = arith.extui %sign3A_1446 : i1 to i32
      %sign3A_1448 = arith.subi %sign3A_1444, %sign3A_1447 : i32
      %sign3A_1449 = arith.constant 0 : i32
      %sign3A_1450 = arith.cmpi sgt, %jit3A_1440, %sign3A_1449 : i32
      %sign3A_1451 = arith.extui %sign3A_1450 : i1 to i32
      %sign3A_1452 = arith.constant 0 : i32
      %sign3A_1453 = arith.cmpi slt, %jit3A_1440, %sign3A_1452 : i32
      %sign3A_1454 = arith.extui %sign3A_1453 : i1 to i32
      %sign3A_1455 = arith.subi %sign3A_1451, %sign3A_1454 : i32
      %ne3A_1456 = arith.cmpi ne, %sign3A_1448, %sign3A_1455 : i32
      %rem3A_1457 = arith.remsi %squeeze3A_1437, %jit3A_1440 : i32
      %ne3A_1458 = arith.constant 0 : i32
      %ne3A_1459 = arith.cmpi ne, %rem3A_1457, %ne3A_1458 : i32
      %and3A_1460 = arith.andi %ne3A_1456, %ne3A_1459 : i1
      %sub3A_1461 = arith.constant 1 : i32
      %sub3A_1462 = arith.subi %div3A_1441, %sub3A_1461 : i32
      %select_n3A_1463 = arith.select %and3A_1460, %sub3A_1462, %div3A_1441 : i32
      %mul3A_1464 = arith.constant 128 : i32
      %mul3A_1465 = arith.muli %select_n3A_1463, %mul3A_1464 : i32
      %multiple_of3A_1466 = tpu.assume_multiple %mul3A_1465, 128 : i32
      %jit3A_1467 = arith.constant 128 : i32
      %div3A_1468 = arith.divsi %squeeze3A_1439, %jit3A_1467 : i32
      %sign3A_1469 = arith.constant 0 : i32
      %sign3A_1470 = arith.cmpi sgt, %squeeze3A_1439, %sign3A_1469 : i32
      %sign3A_1471 = arith.extui %sign3A_1470 : i1 to i32
      %sign3A_1472 = arith.constant 0 : i32
      %sign3A_1473 = arith.cmpi slt, %squeeze3A_1439, %sign3A_1472 : i32
      %sign3A_1474 = arith.extui %sign3A_1473 : i1 to i32
      %sign3A_1475 = arith.subi %sign3A_1471, %sign3A_1474 : i32
      %sign3A_1476 = arith.constant 0 : i32
      %sign3A_1477 = arith.cmpi sgt, %jit3A_1467, %sign3A_1476 : i32
      %sign3A_1478 = arith.extui %sign3A_1477 : i1 to i32
      %sign3A_1479 = arith.constant 0 : i32
      %sign3A_1480 = arith.cmpi slt, %jit3A_1467, %sign3A_1479 : i32
      %sign3A_1481 = arith.extui %sign3A_1480 : i1 to i32
      %sign3A_1482 = arith.subi %sign3A_1478, %sign3A_1481 : i32
      %ne3A_1483 = arith.cmpi ne, %sign3A_1475, %sign3A_1482 : i32
      %rem3A_1484 = arith.remsi %squeeze3A_1439, %jit3A_1467 : i32
      %ne3A_1485 = arith.constant 0 : i32
      %ne3A_1486 = arith.cmpi ne, %rem3A_1484, %ne3A_1485 : i32
      %and3A_1487 = arith.andi %ne3A_1483, %ne3A_1486 : i1
      %sub3A_1488 = arith.constant 1 : i32
      %sub3A_1489 = arith.subi %div3A_1468, %sub3A_1488 : i32
      %select_n3A_1490 = arith.select %and3A_1487, %sub3A_1489, %div3A_1468 : i32
      %mul3A_1491 = arith.constant 128 : i32
      %mul3A_1492 = arith.muli %select_n3A_1490, %mul3A_1491 : i32
      %multiple_of3A_1493 = tpu.assume_multiple %mul3A_1492, 128 : i32
      %dma_start3A_1494 = arith.constant 0 : i32
      %dma_start3A_1495 = arith.constant 2 : i32
      %dma_start3A_1496 = arith.constant 0 : i32
      %dma_start3A_1497 = arith.constant 0 : i32
      %dma_start3A_1498 = tpu.memref_slice %arg10[%dma_start3A_1494, %dma_start3A_1495, %dma_start3A_1496, %dma_start3A_1497] : memref<2x4x32x128xf32, #tpu.memory_space<vmem>> -> memref<1x1x32x128xf32, #tpu.memory_space<vmem>>
      %dma_start3A_1499 = tpu.memref_squeeze %dma_start3A_1498 : memref<1x1x32x128xf32, #tpu.memory_space<vmem>> -> memref<32x128xf32, #tpu.memory_space<vmem>>
      %dma_start3A_1500 = arith.constant 0 : i32
      %dma_start3A_1501 = tpu.memref_slice %arg4[%dma_start3A_1500, %multiple_of3A_1466] : memref<32x1000000xf32, #tpu.memory_space<hbm>> -> memref<32x128xf32, #tpu.memory_space<hbm>>
      %dma_start3A_1502 = arith.constant 0 : i32
      %dma_start3A_1503 = arith.constant 0 : i32
      %dma_start3A_1504 = tpu.memref_slice %arg10[%dma_start3A_1494, %dma_start3A_1495, %dma_start3A_1502, %dma_start3A_1503] : memref<2x4x32x128xf32, #tpu.memory_space<vmem>> -> memref<1x1x32x128xf32, #tpu.memory_space<vmem>>
      %dma_start3A_1505 = tpu.memref_squeeze %dma_start3A_1504 : memref<1x1x32x128xf32, #tpu.memory_space<vmem>> -> memref<32x128xf32, #tpu.memory_space<vmem>>
      %dma_start3A_1506 = arith.constant 0 : i32
      %dma_start3A_1507 = tpu.memref_slice %arg4[%dma_start3A_1506, %multiple_of3A_1466] : memref<32x1000000xf32, #tpu.memory_space<hbm>> -> memref<32x128xf32, #tpu.memory_space<hbm>>
      tpu.enqueue_dma source(%dma_start3A_1507 : memref<32x128xf32, #tpu.memory_space<hbm>>) target(%dma_start3A_1505 : memref<32x128xf32, #tpu.memory_space<vmem>>) target_semaphore(%arg17 : memref<!tpu.dma_semaphore, #tpu.memory_space<semaphore_mem>>)
      %dma_start3A_1508 = arith.constant 0 : i32
      %dma_start3A_1509 = arith.constant 2 : i32
      %dma_start3A_1510 = arith.constant 0 : i32
      %dma_start3A_1511 = arith.constant 0 : i32
      %dma_start3A_1512 = tpu.memref_slice %arg11[%dma_start3A_1508, %dma_start3A_1509, %dma_start3A_1510, %dma_start3A_1511] : memref<2x4x32x128xf32, #tpu.memory_space<vmem>> -> memref<1x1x32x128xf32, #tpu.memory_space<vmem>>
      %dma_start3A_1513 = tpu.memref_squeeze %dma_start3A_1512 : memref<1x1x32x128xf32, #tpu.memory_space<vmem>> -> memref<32x128xf32, #tpu.memory_space<vmem>>
      %dma_start3A_1514 = arith.constant 0 : i32
      %dma_start3A_1515 = tpu.memref_slice %arg5[%dma_start3A_1514, %multiple_of3A_1493] : memref<32x1000000xf32, #tpu.memory_space<hbm>> -> memref<32x128xf32, #tpu.memory_space<hbm>>
      %dma_start3A_1516 = arith.constant 0 : i32
      %dma_start3A_1517 = arith.constant 0 : i32
      %dma_start3A_1518 = tpu.memref_slice %arg11[%dma_start3A_1508, %dma_start3A_1509, %dma_start3A_1516, %dma_start3A_1517] : memref<2x4x32x128xf32, #tpu.memory_space<vmem>> -> memref<1x1x32x128xf32, #tpu.memory_space<vmem>>
      %dma_start3A_1519 = tpu.memref_squeeze %dma_start3A_1518 : memref<1x1x32x128xf32, #tpu.memory_space<vmem>> -> memref<32x128xf32, #tpu.memory_space<vmem>>
      %dma_start3A_1520 = arith.constant 0 : i32
      %dma_start3A_1521 = tpu.memref_slice %arg5[%dma_start3A_1520, %multiple_of3A_1493] : memref<32x1000000xf32, #tpu.memory_space<hbm>> -> memref<32x128xf32, #tpu.memory_space<hbm>>
      tpu.enqueue_dma source(%dma_start3A_1521 : memref<32x128xf32, #tpu.memory_space<hbm>>) target(%dma_start3A_1519 : memref<32x128xf32, #tpu.memory_space<vmem>>) target_semaphore(%arg17 : memref<!tpu.dma_semaphore, #tpu.memory_space<semaphore_mem>>)
      %slice3A_1522 = vector.extract_strided_slice %get3A_128 {offsets = [11], sizes = [1], strides = [1]} : vector<16xi32> to vector<1xi32>
      %squeeze3A_1523 = vector.extract %slice3A_1522[0] : i32 from vector<1xi32>
      %slice3A_1524 = vector.extract_strided_slice %get3A_132 {offsets = [11], sizes = [1], strides = [1]} : vector<16xi32> to vector<1xi32>
      %squeeze3A_1525 = vector.extract %slice3A_1524[0] : i32 from vector<1xi32>
      %jit3A_1526 = arith.constant 128 : i32
      %div3A_1527 = arith.divsi %squeeze3A_1523, %jit3A_1526 : i32
      %sign3A_1528 = arith.constant 0 : i32
      %sign3A_1529 = arith.cmpi sgt, %squeeze3A_1523, %sign3A_1528 : i32
      %sign3A_1530 = arith.extui %sign3A_1529 : i1 to i32
      %sign3A_1531 = arith.constant 0 : i32
      %sign3A_1532 = arith.cmpi slt, %squeeze3A_1523, %sign3A_1531 : i32
      %sign3A_1533 = arith.extui %sign3A_1532 : i1 to i32
      %sign3A_1534 = arith.subi %sign3A_1530, %sign3A_1533 : i32
      %sign3A_1535 = arith.constant 0 : i32
      %sign3A_1536 = arith.cmpi sgt, %jit3A_1526, %sign3A_1535 : i32
      %sign3A_1537 = arith.extui %sign3A_1536 : i1 to i32
      %sign3A_1538 = arith.constant 0 : i32
      %sign3A_1539 = arith.cmpi slt, %jit3A_1526, %sign3A_1538 : i32
      %sign3A_1540 = arith.extui %sign3A_1539 : i1 to i32
      %sign3A_1541 = arith.subi %sign3A_1537, %sign3A_1540 : i32
      %ne3A_1542 = arith.cmpi ne, %sign3A_1534, %sign3A_1541 : i32
      %rem3A_1543 = arith.remsi %squeeze3A_1523, %jit3A_1526 : i32
      %ne3A_1544 = arith.constant 0 : i32
      %ne3A_1545 = arith.cmpi ne, %rem3A_1543, %ne3A_1544 : i32
      %and3A_1546 = arith.andi %ne3A_1542, %ne3A_1545 : i1
      %sub3A_1547 = arith.constant 1 : i32
      %sub3A_1548 = arith.subi %div3A_1527, %sub3A_1547 : i32
      %select_n3A_1549 = arith.select %and3A_1546, %sub3A_1548, %div3A_1527 : i32
      %mul3A_1550 = arith.constant 128 : i32
      %mul3A_1551 = arith.muli %select_n3A_1549, %mul3A_1550 : i32
      %multiple_of3A_1552 = tpu.assume_multiple %mul3A_1551, 128 : i32
      %jit3A_1553 = arith.constant 128 : i32
      %div3A_1554 = arith.divsi %squeeze3A_1525, %jit3A_1553 : i32
      %sign3A_1555 = arith.constant 0 : i32
      %sign3A_1556 = arith.cmpi sgt, %squeeze3A_1525, %sign3A_1555 : i32
      %sign3A_1557 = arith.extui %sign3A_1556 : i1 to i32
      %sign3A_1558 = arith.constant 0 : i32
      %sign3A_1559 = arith.cmpi slt, %squeeze3A_1525, %sign3A_1558 : i32
      %sign3A_1560 = arith.extui %sign3A_1559 : i1 to i32
      %sign3A_1561 = arith.subi %sign3A_1557, %sign3A_1560 : i32
      %sign3A_1562 = arith.constant 0 : i32
      %sign3A_1563 = arith.cmpi sgt, %jit3A_1553, %sign3A_1562 : i32
      %sign3A_1564 = arith.extui %sign3A_1563 : i1 to i32
      %sign3A_1565 = arith.constant 0 : i32
      %sign3A_1566 = arith.cmpi slt, %jit3A_1553, %sign3A_1565 : i32
      %sign3A_1567 = arith.extui %sign3A_1566 : i1 to i32
      %sign3A_1568 = arith.subi %sign3A_1564, %sign3A_1567 : i32
      %ne3A_1569 = arith.cmpi ne, %sign3A_1561, %sign3A_1568 : i32
      %rem3A_1570 = arith.remsi %squeeze3A_1525, %jit3A_1553 : i32
      %ne3A_1571 = arith.constant 0 : i32
      %ne3A_1572 = arith.cmpi ne, %rem3A_1570, %ne3A_1571 : i32
      %and3A_1573 = arith.andi %ne3A_1569, %ne3A_1572 : i1
      %sub3A_1574 = arith.constant 1 : i32
      %sub3A_1575 = arith.subi %div3A_1554, %sub3A_1574 : i32
      %select_n3A_1576 = arith.select %and3A_1573, %sub3A_1575, %div3A_1554 : i32
      %mul3A_1577 = arith.constant 128 : i32
      %mul3A_1578 = arith.muli %select_n3A_1576, %mul3A_1577 : i32
      %multiple_of3A_1579 = tpu.assume_multiple %mul3A_1578, 128 : i32
      %dma_start3A_1580 = arith.constant 0 : i32
      %dma_start3A_1581 = arith.constant 3 : i32
      %dma_start3A_1582 = arith.constant 0 : i32
      %dma_start3A_1583 = arith.constant 0 : i32
      %dma_start3A_1584 = tpu.memref_slice %arg10[%dma_start3A_1580, %dma_start3A_1581, %dma_start3A_1582, %dma_start3A_1583] : memref<2x4x32x128xf32, #tpu.memory_space<vmem>> -> memref<1x1x32x128xf32, #tpu.memory_space<vmem>>
      %dma_start3A_1585 = tpu.memref_squeeze %dma_start3A_1584 : memref<1x1x32x128xf32, #tpu.memory_space<vmem>> -> memref<32x128xf32, #tpu.memory_space<vmem>>
      %dma_start3A_1586 = arith.constant 0 : i32
      %dma_start3A_1587 = tpu.memref_slice %arg4[%dma_start3A_1586, %multiple_of3A_1552] : memref<32x1000000xf32, #tpu.memory_space<hbm>> -> memref<32x128xf32, #tpu.memory_space<hbm>>
      %dma_start3A_1588 = arith.constant 0 : i32
      %dma_start3A_1589 = arith.constant 0 : i32
      %dma_start3A_1590 = tpu.memref_slice %arg10[%dma_start3A_1580, %dma_start3A_1581, %dma_start3A_1588, %dma_start3A_1589] : memref<2x4x32x128xf32, #tpu.memory_space<vmem>> -> memref<1x1x32x128xf32, #tpu.memory_space<vmem>>
      %dma_start3A_1591 = tpu.memref_squeeze %dma_start3A_1590 : memref<1x1x32x128xf32, #tpu.memory_space<vmem>> -> memref<32x128xf32, #tpu.memory_space<vmem>>
      %dma_start3A_1592 = arith.constant 0 : i32
      %dma_start3A_1593 = tpu.memref_slice %arg4[%dma_start3A_1592, %multiple_of3A_1552] : memref<32x1000000xf32, #tpu.memory_space<hbm>> -> memref<32x128xf32, #tpu.memory_space<hbm>>
      tpu.enqueue_dma source(%dma_start3A_1593 : memref<32x128xf32, #tpu.memory_space<hbm>>) target(%dma_start3A_1591 : memref<32x128xf32, #tpu.memory_space<vmem>>) target_semaphore(%arg17 : memref<!tpu.dma_semaphore, #tpu.memory_space<semaphore_mem>>)
      %dma_start3A_1594 = arith.constant 0 : i32
      %dma_start3A_1595 = arith.constant 3 : i32
      %dma_start3A_1596 = arith.constant 0 : i32
      %dma_start3A_1597 = arith.constant 0 : i32
      %dma_start3A_1598 = tpu.memref_slice %arg11[%dma_start3A_1594, %dma_start3A_1595, %dma_start3A_1596, %dma_start3A_1597] : memref<2x4x32x128xf32, #tpu.memory_space<vmem>> -> memref<1x1x32x128xf32, #tpu.memory_space<vmem>>
      %dma_start3A_1599 = tpu.memref_squeeze %dma_start3A_1598 : memref<1x1x32x128xf32, #tpu.memory_space<vmem>> -> memref<32x128xf32, #tpu.memory_space<vmem>>
      %dma_start3A_1600 = arith.constant 0 : i32
      %dma_start3A_1601 = tpu.memref_slice %arg5[%dma_start3A_1600, %multiple_of3A_1579] : memref<32x1000000xf32, #tpu.memory_space<hbm>> -> memref<32x128xf32, #tpu.memory_space<hbm>>
      %dma_start3A_1602 = arith.constant 0 : i32
      %dma_start3A_1603 = arith.constant 0 : i32
      %dma_start3A_1604 = tpu.memref_slice %arg11[%dma_start3A_1594, %dma_start3A_1595, %dma_start3A_1602, %dma_start3A_1603] : memref<2x4x32x128xf32, #tpu.memory_space<vmem>> -> memref<1x1x32x128xf32, #tpu.memory_space<vmem>>
      %dma_start3A_1605 = tpu.memref_squeeze %dma_start3A_1604 : memref<1x1x32x128xf32, #tpu.memory_space<vmem>> -> memref<32x128xf32, #tpu.memory_space<vmem>>
      %dma_start3A_1606 = arith.constant 0 : i32
      %dma_start3A_1607 = tpu.memref_slice %arg5[%dma_start3A_1606, %multiple_of3A_1579] : memref<32x1000000xf32, #tpu.memory_space<hbm>> -> memref<32x128xf32, #tpu.memory_space<hbm>>
      tpu.enqueue_dma source(%dma_start3A_1607 : memref<32x128xf32, #tpu.memory_space<hbm>>) target(%dma_start3A_1605 : memref<32x128xf32, #tpu.memory_space<vmem>>) target_semaphore(%arg17 : memref<!tpu.dma_semaphore, #tpu.memory_space<semaphore_mem>>)
      %dma_wait3A_1608 = arith.constant 1 : i32
      %dma_wait3A_1609 = arith.constant 0 : i32
      %dma_wait3A_1610 = arith.constant 0 : i32
      %dma_wait3A_1611 = arith.constant 0 : i32
      %dma_wait3A_1612 = tpu.memref_slice %arg10[%dma_wait3A_1608, %dma_wait3A_1609, %dma_wait3A_1610, %dma_wait3A_1611] : memref<2x4x32x128xf32, #tpu.memory_space<vmem>> -> memref<1x1x32x128xf32, #tpu.memory_space<vmem>>
      %dma_wait3A_1613 = tpu.memref_squeeze %dma_wait3A_1612 : memref<1x1x32x128xf32, #tpu.memory_space<vmem>> -> memref<32x128xf32, #tpu.memory_space<vmem>>
      %dma_wait3A_1614 = arith.constant 0 : i32
      %dma_wait3A_1615 = arith.constant 0 : i32
      %dma_wait3A_1616 = tpu.memref_slice %arg4[%dma_wait3A_1614, %dma_wait3A_1615] : memref<32x1000000xf32, #tpu.memory_space<hbm>> -> memref<32x128xf32, #tpu.memory_space<hbm>>
      %dma_wait3A_1617 = arith.constant 0 : i32
      %dma_wait3A_1618 = arith.constant 0 : i32
      %dma_wait3A_1619 = tpu.memref_slice %arg10[%dma_wait3A_1608, %dma_wait3A_1609, %dma_wait3A_1617, %dma_wait3A_1618] : memref<2x4x32x128xf32, #tpu.memory_space<vmem>> -> memref<1x1x32x128xf32, #tpu.memory_space<vmem>>
      %dma_wait3A_1620 = tpu.memref_squeeze %dma_wait3A_1619 : memref<1x1x32x128xf32, #tpu.memory_space<vmem>> -> memref<32x128xf32, #tpu.memory_space<vmem>>
      %dma_wait3A_1621 = arith.constant 0 : i32
      %dma_wait3A_1622 = arith.constant 0 : i32
      %dma_wait3A_1623 = tpu.memref_slice %arg4[%dma_wait3A_1621, %dma_wait3A_1622] : memref<32x1000000xf32, #tpu.memory_space<hbm>> -> memref<32x128xf32, #tpu.memory_space<hbm>>
      tpu.wait_dma2 semaphore(%arg18 : memref<!tpu.dma_semaphore, #tpu.memory_space<semaphore_mem>>) src(%dma_wait3A_1623 : memref<32x128xf32, #tpu.memory_space<hbm>>) dst(%dma_wait3A_1620 : memref<32x128xf32, #tpu.memory_space<vmem>>)
      %dma_wait3A_1624 = arith.constant 1 : i32
      %dma_wait3A_1625 = arith.constant 0 : i32
      %dma_wait3A_1626 = arith.constant 0 : i32
      %dma_wait3A_1627 = arith.constant 0 : i32
      %dma_wait3A_1628 = tpu.memref_slice %arg11[%dma_wait3A_1624, %dma_wait3A_1625, %dma_wait3A_1626, %dma_wait3A_1627] : memref<2x4x32x128xf32, #tpu.memory_space<vmem>> -> memref<1x1x32x128xf32, #tpu.memory_space<vmem>>
      %dma_wait3A_1629 = tpu.memref_squeeze %dma_wait3A_1628 : memref<1x1x32x128xf32, #tpu.memory_space<vmem>> -> memref<32x128xf32, #tpu.memory_space<vmem>>
      %dma_wait3A_1630 = arith.constant 0 : i32
      %dma_wait3A_1631 = arith.constant 0 : i32
      %dma_wait3A_1632 = tpu.memref_slice %arg4[%dma_wait3A_1630, %dma_wait3A_1631] : memref<32x1000000xf32, #tpu.memory_space<hbm>> -> memref<32x128xf32, #tpu.memory_space<hbm>>
      %dma_wait3A_1633 = arith.constant 0 : i32
      %dma_wait3A_1634 = arith.constant 0 : i32
      %dma_wait3A_1635 = tpu.memref_slice %arg11[%dma_wait3A_1624, %dma_wait3A_1625, %dma_wait3A_1633, %dma_wait3A_1634] : memref<2x4x32x128xf32, #tpu.memory_space<vmem>> -> memref<1x1x32x128xf32, #tpu.memory_space<vmem>>
      %dma_wait3A_1636 = tpu.memref_squeeze %dma_wait3A_1635 : memref<1x1x32x128xf32, #tpu.memory_space<vmem>> -> memref<32x128xf32, #tpu.memory_space<vmem>>
      %dma_wait3A_1637 = arith.constant 0 : i32
      %dma_wait3A_1638 = arith.constant 0 : i32
      %dma_wait3A_1639 = tpu.memref_slice %arg4[%dma_wait3A_1637, %dma_wait3A_1638] : memref<32x1000000xf32, #tpu.memory_space<hbm>> -> memref<32x128xf32, #tpu.memory_space<hbm>>
      tpu.wait_dma2 semaphore(%arg18 : memref<!tpu.dma_semaphore, #tpu.memory_space<semaphore_mem>>) src(%dma_wait3A_1639 : memref<32x128xf32, #tpu.memory_space<hbm>>) dst(%dma_wait3A_1636 : memref<32x128xf32, #tpu.memory_space<vmem>>)
      %dma_wait3A_1640 = arith.constant 1 : i32
      %dma_wait3A_1641 = arith.constant 1 : i32
      %dma_wait3A_1642 = arith.constant 0 : i32
      %dma_wait3A_1643 = arith.constant 0 : i32
      %dma_wait3A_1644 = tpu.memref_slice %arg10[%dma_wait3A_1640, %dma_wait3A_1641, %dma_wait3A_1642, %dma_wait3A_1643] : memref<2x4x32x128xf32, #tpu.memory_space<vmem>> -> memref<1x1x32x128xf32, #tpu.memory_space<vmem>>
      %dma_wait3A_1645 = tpu.memref_squeeze %dma_wait3A_1644 : memref<1x1x32x128xf32, #tpu.memory_space<vmem>> -> memref<32x128xf32, #tpu.memory_space<vmem>>
      %dma_wait3A_1646 = arith.constant 0 : i32
      %dma_wait3A_1647 = arith.constant 0 : i32
      %dma_wait3A_1648 = tpu.memref_slice %arg4[%dma_wait3A_1646, %dma_wait3A_1647] : memref<32x1000000xf32, #tpu.memory_space<hbm>> -> memref<32x128xf32, #tpu.memory_space<hbm>>
      %dma_wait3A_1649 = arith.constant 0 : i32
      %dma_wait3A_1650 = arith.constant 0 : i32
      %dma_wait3A_1651 = tpu.memref_slice %arg10[%dma_wait3A_1640, %dma_wait3A_1641, %dma_wait3A_1649, %dma_wait3A_1650] : memref<2x4x32x128xf32, #tpu.memory_space<vmem>> -> memref<1x1x32x128xf32, #tpu.memory_space<vmem>>
      %dma_wait3A_1652 = tpu.memref_squeeze %dma_wait3A_1651 : memref<1x1x32x128xf32, #tpu.memory_space<vmem>> -> memref<32x128xf32, #tpu.memory_space<vmem>>
      %dma_wait3A_1653 = arith.constant 0 : i32
      %dma_wait3A_1654 = arith.constant 0 : i32
      %dma_wait3A_1655 = tpu.memref_slice %arg4[%dma_wait3A_1653, %dma_wait3A_1654] : memref<32x1000000xf32, #tpu.memory_space<hbm>> -> memref<32x128xf32, #tpu.memory_space<hbm>>
      tpu.wait_dma2 semaphore(%arg18 : memref<!tpu.dma_semaphore, #tpu.memory_space<semaphore_mem>>) src(%dma_wait3A_1655 : memref<32x128xf32, #tpu.memory_space<hbm>>) dst(%dma_wait3A_1652 : memref<32x128xf32, #tpu.memory_space<vmem>>)
      %dma_wait3A_1656 = arith.constant 1 : i32
      %dma_wait3A_1657 = arith.constant 1 : i32
      %dma_wait3A_1658 = arith.constant 0 : i32
      %dma_wait3A_1659 = arith.constant 0 : i32
      %dma_wait3A_1660 = tpu.memref_slice %arg11[%dma_wait3A_1656, %dma_wait3A_1657, %dma_wait3A_1658, %dma_wait3A_1659] : memref<2x4x32x128xf32, #tpu.memory_space<vmem>> -> memref<1x1x32x128xf32, #tpu.memory_space<vmem>>
      %dma_wait3A_1661 = tpu.memref_squeeze %dma_wait3A_1660 : memref<1x1x32x128xf32, #tpu.memory_space<vmem>> -> memref<32x128xf32, #tpu.memory_space<vmem>>
      %dma_wait3A_1662 = arith.constant 0 : i32
      %dma_wait3A_1663 = arith.constant 0 : i32
      %dma_wait3A_1664 = tpu.memref_slice %arg4[%dma_wait3A_1662, %dma_wait3A_1663] : memref<32x1000000xf32, #tpu.memory_space<hbm>> -> memref<32x128xf32, #tpu.memory_space<hbm>>
      %dma_wait3A_1665 = arith.constant 0 : i32
      %dma_wait3A_1666 = arith.constant 0 : i32
      %dma_wait3A_1667 = tpu.memref_slice %arg11[%dma_wait3A_1656, %dma_wait3A_1657, %dma_wait3A_1665, %dma_wait3A_1666] : memref<2x4x32x128xf32, #tpu.memory_space<vmem>> -> memref<1x1x32x128xf32, #tpu.memory_space<vmem>>
      %dma_wait3A_1668 = tpu.memref_squeeze %dma_wait3A_1667 : memref<1x1x32x128xf32, #tpu.memory_space<vmem>> -> memref<32x128xf32, #tpu.memory_space<vmem>>
      %dma_wait3A_1669 = arith.constant 0 : i32
      %dma_wait3A_1670 = arith.constant 0 : i32
      %dma_wait3A_1671 = tpu.memref_slice %arg4[%dma_wait3A_1669, %dma_wait3A_1670] : memref<32x1000000xf32, #tpu.memory_space<hbm>> -> memref<32x128xf32, #tpu.memory_space<hbm>>
      tpu.wait_dma2 semaphore(%arg18 : memref<!tpu.dma_semaphore, #tpu.memory_space<semaphore_mem>>) src(%dma_wait3A_1671 : memref<32x128xf32, #tpu.memory_space<hbm>>) dst(%dma_wait3A_1668 : memref<32x128xf32, #tpu.memory_space<vmem>>)
      %dma_wait3A_1672 = arith.constant 1 : i32
      %dma_wait3A_1673 = arith.constant 2 : i32
      %dma_wait3A_1674 = arith.constant 0 : i32
      %dma_wait3A_1675 = arith.constant 0 : i32
      %dma_wait3A_1676 = tpu.memref_slice %arg10[%dma_wait3A_1672, %dma_wait3A_1673, %dma_wait3A_1674, %dma_wait3A_1675] : memref<2x4x32x128xf32, #tpu.memory_space<vmem>> -> memref<1x1x32x128xf32, #tpu.memory_space<vmem>>
      %dma_wait3A_1677 = tpu.memref_squeeze %dma_wait3A_1676 : memref<1x1x32x128xf32, #tpu.memory_space<vmem>> -> memref<32x128xf32, #tpu.memory_space<vmem>>
      %dma_wait3A_1678 = arith.constant 0 : i32
      %dma_wait3A_1679 = arith.constant 0 : i32
      %dma_wait3A_1680 = tpu.memref_slice %arg4[%dma_wait3A_1678, %dma_wait3A_1679] : memref<32x1000000xf32, #tpu.memory_space<hbm>> -> memref<32x128xf32, #tpu.memory_space<hbm>>
      %dma_wait3A_1681 = arith.constant 0 : i32
      %dma_wait3A_1682 = arith.constant 0 : i32
      %dma_wait3A_1683 = tpu.memref_slice %arg10[%dma_wait3A_1672, %dma_wait3A_1673, %dma_wait3A_1681, %dma_wait3A_1682] : memref<2x4x32x128xf32, #tpu.memory_space<vmem>> -> memref<1x1x32x128xf32, #tpu.memory_space<vmem>>
      %dma_wait3A_1684 = tpu.memref_squeeze %dma_wait3A_1683 : memref<1x1x32x128xf32, #tpu.memory_space<vmem>> -> memref<32x128xf32, #tpu.memory_space<vmem>>
      %dma_wait3A_1685 = arith.constant 0 : i32
      %dma_wait3A_1686 = arith.constant 0 : i32
      %dma_wait3A_1687 = tpu.memref_slice %arg4[%dma_wait3A_1685, %dma_wait3A_1686] : memref<32x1000000xf32, #tpu.memory_space<hbm>> -> memref<32x128xf32, #tpu.memory_space<hbm>>
      tpu.wait_dma2 semaphore(%arg18 : memref<!tpu.dma_semaphore, #tpu.memory_space<semaphore_mem>>) src(%dma_wait3A_1687 : memref<32x128xf32, #tpu.memory_space<hbm>>) dst(%dma_wait3A_1684 : memref<32x128xf32, #tpu.memory_space<vmem>>)
      %dma_wait3A_1688 = arith.constant 1 : i32
      %dma_wait3A_1689 = arith.constant 2 : i32
      %dma_wait3A_1690 = arith.constant 0 : i32
      %dma_wait3A_1691 = arith.constant 0 : i32
      %dma_wait3A_1692 = tpu.memref_slice %arg11[%dma_wait3A_1688, %dma_wait3A_1689, %dma_wait3A_1690, %dma_wait3A_1691] : memref<2x4x32x128xf32, #tpu.memory_space<vmem>> -> memref<1x1x32x128xf32, #tpu.memory_space<vmem>>
      %dma_wait3A_1693 = tpu.memref_squeeze %dma_wait3A_1692 : memref<1x1x32x128xf32, #tpu.memory_space<vmem>> -> memref<32x128xf32, #tpu.memory_space<vmem>>
      %dma_wait3A_1694 = arith.constant 0 : i32
      %dma_wait3A_1695 = arith.constant 0 : i32
      %dma_wait3A_1696 = tpu.memref_slice %arg4[%dma_wait3A_1694, %dma_wait3A_1695] : memref<32x1000000xf32, #tpu.memory_space<hbm>> -> memref<32x128xf32, #tpu.memory_space<hbm>>
      %dma_wait3A_1697 = arith.constant 0 : i32
      %dma_wait3A_1698 = arith.constant 0 : i32
      %dma_wait3A_1699 = tpu.memref_slice %arg11[%dma_wait3A_1688, %dma_wait3A_1689, %dma_wait3A_1697, %dma_wait3A_1698] : memref<2x4x32x128xf32, #tpu.memory_space<vmem>> -> memref<1x1x32x128xf32, #tpu.memory_space<vmem>>
      %dma_wait3A_1700 = tpu.memref_squeeze %dma_wait3A_1699 : memref<1x1x32x128xf32, #tpu.memory_space<vmem>> -> memref<32x128xf32, #tpu.memory_space<vmem>>
      %dma_wait3A_1701 = arith.constant 0 : i32
      %dma_wait3A_1702 = arith.constant 0 : i32
      %dma_wait3A_1703 = tpu.memref_slice %arg4[%dma_wait3A_1701, %dma_wait3A_1702] : memref<32x1000000xf32, #tpu.memory_space<hbm>> -> memref<32x128xf32, #tpu.memory_space<hbm>>
      tpu.wait_dma2 semaphore(%arg18 : memref<!tpu.dma_semaphore, #tpu.memory_space<semaphore_mem>>) src(%dma_wait3A_1703 : memref<32x128xf32, #tpu.memory_space<hbm>>) dst(%dma_wait3A_1700 : memref<32x128xf32, #tpu.memory_space<vmem>>)
      %dma_wait3A_1704 = arith.constant 1 : i32
      %dma_wait3A_1705 = arith.constant 3 : i32
      %dma_wait3A_1706 = arith.constant 0 : i32
      %dma_wait3A_1707 = arith.constant 0 : i32
      %dma_wait3A_1708 = tpu.memref_slice %arg10[%dma_wait3A_1704, %dma_wait3A_1705, %dma_wait3A_1706, %dma_wait3A_1707] : memref<2x4x32x128xf32, #tpu.memory_space<vmem>> -> memref<1x1x32x128xf32, #tpu.memory_space<vmem>>
      %dma_wait3A_1709 = tpu.memref_squeeze %dma_wait3A_1708 : memref<1x1x32x128xf32, #tpu.memory_space<vmem>> -> memref<32x128xf32, #tpu.memory_space<vmem>>
      %dma_wait3A_1710 = arith.constant 0 : i32
      %dma_wait3A_1711 = arith.constant 0 : i32
      %dma_wait3A_1712 = tpu.memref_slice %arg4[%dma_wait3A_1710, %dma_wait3A_1711] : memref<32x1000000xf32, #tpu.memory_space<hbm>> -> memref<32x128xf32, #tpu.memory_space<hbm>>
      %dma_wait3A_1713 = arith.constant 0 : i32
      %dma_wait3A_1714 = arith.constant 0 : i32
      %dma_wait3A_1715 = tpu.memref_slice %arg10[%dma_wait3A_1704, %dma_wait3A_1705, %dma_wait3A_1713, %dma_wait3A_1714] : memref<2x4x32x128xf32, #tpu.memory_space<vmem>> -> memref<1x1x32x128xf32, #tpu.memory_space<vmem>>
      %dma_wait3A_1716 = tpu.memref_squeeze %dma_wait3A_1715 : memref<1x1x32x128xf32, #tpu.memory_space<vmem>> -> memref<32x128xf32, #tpu.memory_space<vmem>>
      %dma_wait3A_1717 = arith.constant 0 : i32
      %dma_wait3A_1718 = arith.constant 0 : i32
      %dma_wait3A_1719 = tpu.memref_slice %arg4[%dma_wait3A_1717, %dma_wait3A_1718] : memref<32x1000000xf32, #tpu.memory_space<hbm>> -> memref<32x128xf32, #tpu.memory_space<hbm>>
      tpu.wait_dma2 semaphore(%arg18 : memref<!tpu.dma_semaphore, #tpu.memory_space<semaphore_mem>>) src(%dma_wait3A_1719 : memref<32x128xf32, #tpu.memory_space<hbm>>) dst(%dma_wait3A_1716 : memref<32x128xf32, #tpu.memory_space<vmem>>)
      %dma_wait3A_1720 = arith.constant 1 : i32
      %dma_wait3A_1721 = arith.constant 3 : i32
      %dma_wait3A_1722 = arith.constant 0 : i32
      %dma_wait3A_1723 = arith.constant 0 : i32
      %dma_wait3A_1724 = tpu.memref_slice %arg11[%dma_wait3A_1720, %dma_wait3A_1721, %dma_wait3A_1722, %dma_wait3A_1723] : memref<2x4x32x128xf32, #tpu.memory_space<vmem>> -> memref<1x1x32x128xf32, #tpu.memory_space<vmem>>
      %dma_wait3A_1725 = tpu.memref_squeeze %dma_wait3A_1724 : memref<1x1x32x128xf32, #tpu.memory_space<vmem>> -> memref<32x128xf32, #tpu.memory_space<vmem>>
      %dma_wait3A_1726 = arith.constant 0 : i32
      %dma_wait3A_1727 = arith.constant 0 : i32
      %dma_wait3A_1728 = tpu.memref_slice %arg4[%dma_wait3A_1726, %dma_wait3A_1727] : memref<32x1000000xf32, #tpu.memory_space<hbm>> -> memref<32x128xf32, #tpu.memory_space<hbm>>
      %dma_wait3A_1729 = arith.constant 0 : i32
      %dma_wait3A_1730 = arith.constant 0 : i32
      %dma_wait3A_1731 = tpu.memref_slice %arg11[%dma_wait3A_1720, %dma_wait3A_1721, %dma_wait3A_1729, %dma_wait3A_1730] : memref<2x4x32x128xf32, #tpu.memory_space<vmem>> -> memref<1x1x32x128xf32, #tpu.memory_space<vmem>>
      %dma_wait3A_1732 = tpu.memref_squeeze %dma_wait3A_1731 : memref<1x1x32x128xf32, #tpu.memory_space<vmem>> -> memref<32x128xf32, #tpu.memory_space<vmem>>
      %dma_wait3A_1733 = arith.constant 0 : i32
      %dma_wait3A_1734 = arith.constant 0 : i32
      %dma_wait3A_1735 = tpu.memref_slice %arg4[%dma_wait3A_1733, %dma_wait3A_1734] : memref<32x1000000xf32, #tpu.memory_space<hbm>> -> memref<32x128xf32, #tpu.memory_space<hbm>>
      tpu.wait_dma2 semaphore(%arg18 : memref<!tpu.dma_semaphore, #tpu.memory_space<semaphore_mem>>) src(%dma_wait3A_1735 : memref<32x128xf32, #tpu.memory_space<hbm>>) dst(%dma_wait3A_1732 : memref<32x128xf32, #tpu.memory_space<vmem>>)
      %slice3A_1736 = vector.extract_strided_slice %get3A_128 {offsets = [4], sizes = [1], strides = [1]} : vector<16xi32> to vector<1xi32>
      %squeeze3A_1737 = vector.extract %slice3A_1736[0] : i32 from vector<1xi32>
      %jit3A_1738 = arith.constant 128 : i32
      %eq3A_1739 = arith.constant 0 : i32
      %eq3A_1740 = arith.cmpi eq, %jit3A_1738, %eq3A_1739 : i32
      %jit3A_1741 = arith.constant 1 : i32
      %select_n3A_1742 = arith.select %eq3A_1740, %jit3A_1741, %jit3A_1738 : i32
      %rem3A_1743 = arith.remsi %squeeze3A_1737, %select_n3A_1742 : i32
      %ne3A_1744 = arith.constant 0 : i32
      %ne3A_1745 = arith.cmpi ne, %rem3A_1743, %ne3A_1744 : i32
      %lt3A_1746 = arith.constant 0 : i32
      %lt3A_1747 = arith.cmpi slt, %rem3A_1743, %lt3A_1746 : i32
      %lt3A_1748 = arith.constant 0 : i32
      %lt3A_1749 = arith.cmpi slt, %select_n3A_1742, %lt3A_1748 : i32
      %ne3A_1750 = arith.xori %lt3A_1747, %lt3A_1749 : i1
      %and3A_1751 = arith.andi %ne3A_1750, %ne3A_1745 : i1
      %add3A_1752 = arith.addi %rem3A_1743, %select_n3A_1742 : i32
      %select_n3A_1753 = arith.select %and3A_1751, %add3A_1752, %rem3A_1743 : i32
      %broadcast_in_dim3A_1754 = vector.broadcast %select_n3A_1753 : i32 to vector<16xi32>
      %slice3A_1755 = vector.extract_strided_slice %get3A_132 {offsets = [4], sizes = [1], strides = [1]} : vector<16xi32> to vector<1xi32>
      %squeeze3A_1756 = vector.extract %slice3A_1755[0] : i32 from vector<1xi32>
      %jit3A_1757 = arith.constant 128 : i32
      %eq3A_1758 = arith.constant 0 : i32
      %eq3A_1759 = arith.cmpi eq, %jit3A_1757, %eq3A_1758 : i32
      %jit3A_1760 = arith.constant 1 : i32
      %select_n3A_1761 = arith.select %eq3A_1759, %jit3A_1760, %jit3A_1757 : i32
      %rem3A_1762 = arith.remsi %squeeze3A_1756, %select_n3A_1761 : i32
      %ne3A_1763 = arith.constant 0 : i32
      %ne3A_1764 = arith.cmpi ne, %rem3A_1762, %ne3A_1763 : i32
      %lt3A_1765 = arith.constant 0 : i32
      %lt3A_1766 = arith.cmpi slt, %rem3A_1762, %lt3A_1765 : i32
      %lt3A_1767 = arith.constant 0 : i32
      %lt3A_1768 = arith.cmpi slt, %select_n3A_1761, %lt3A_1767 : i32
      %ne3A_1769 = arith.xori %lt3A_1766, %lt3A_1768 : i1
      %and3A_1770 = arith.andi %ne3A_1769, %ne3A_1764 : i1
      %add3A_1771 = arith.addi %rem3A_1762, %select_n3A_1761 : i32
      %select_n3A_1772 = arith.select %and3A_1770, %add3A_1771, %rem3A_1762 : i32
      %broadcast_in_dim3A_1773 = vector.broadcast %select_n3A_1772 : i32 to vector<16xi32>
      %gather3A_1774 = arith.constant 1 : i32
      %gather3A_1775 = arith.constant 0 : i32
      %gather3A_1776 = arith.constant 0 : i32
      %gather3A_1777 = arith.constant 0 : i32
      %gather3A_1778 = tpu.memref_slice %arg10[%gather3A_1774, %gather3A_1775, %gather3A_1776, %gather3A_1777] : memref<2x4x32x128xf32, #tpu.memory_space<vmem>> -> memref<1x1x32x128xf32, #tpu.memory_space<vmem>>
      %gather3A_1779 = tpu.memref_squeeze %gather3A_1778 : memref<1x1x32x128xf32, #tpu.memory_space<vmem>> -> memref<32x128xf32, #tpu.memory_space<vmem>>
      %gather3A_1780 = tpu.vector_load_idx %gather3A_1779[%iota3A, %broadcast_in_dim3A_1754] : memref<32x128xf32, #tpu.memory_space<vmem>>[vector<16xi32>, vector<16xi32>], vector<16xf32>,
      %swap3A_1781 = arith.constant 4 : i32
      %swap3A_1782 = arith.index_cast %swap3A_1781 : i32 to index
      %swap3A_1783 = arith.constant 0 : index
      %swap3A_1784 = tpu.vector_load %arg12[%swap3A_1782, %swap3A_1783] {strides = array<i32>} : memref<16x32xf32, #tpu.memory_space<vmem>>, vector<16xf32>,
      tpu.vector_store %arg12[%swap3A_1782, %swap3A_1783], %gather3A_1780 {strides = array<i32>} : memref<16x32xf32, #tpu.memory_space<vmem>>, vector<16xf32>,
      %gather3A_1785 = arith.constant 1 : i32
      %gather3A_1786 = arith.constant 0 : i32
      %gather3A_1787 = arith.constant 0 : i32
      %gather3A_1788 = arith.constant 0 : i32
      %gather3A_1789 = tpu.memref_slice %arg10[%gather3A_1785, %gather3A_1786, %gather3A_1787, %gather3A_1788] : memref<2x4x32x128xf32, #tpu.memory_space<vmem>> -> memref<1x1x32x128xf32, #tpu.memory_space<vmem>>
      %gather3A_1790 = tpu.memref_squeeze %gather3A_1789 : memref<1x1x32x128xf32, #tpu.memory_space<vmem>> -> memref<32x128xf32, #tpu.memory_space<vmem>>
      %gather3A_1791 = tpu.vector_load_idx %gather3A_1790[%add3A_11, %broadcast_in_dim3A_1754] : memref<32x128xf32, #tpu.memory_space<vmem>>[vector<16xi32>, vector<16xi32>], vector<16xf32>,
      %swap3A_1792 = arith.constant 4 : i32
      %swap3A_1793 = arith.index_cast %swap3A_1792 : i32 to index
      %swap3A_1794 = arith.constant 16 : index
      %swap3A_1795 = tpu.vector_load %arg12[%swap3A_1793, %swap3A_1794] {strides = array<i32>} : memref<16x32xf32, #tpu.memory_space<vmem>>, vector<16xf32>,
      tpu.vector_store %arg12[%swap3A_1793, %swap3A_1794], %gather3A_1791 {strides = array<i32>} : memref<16x32xf32, #tpu.memory_space<vmem>>, vector<16xf32>,
      %gather3A_1796 = arith.constant 1 : i32
      %gather3A_1797 = arith.constant 0 : i32
      %gather3A_1798 = arith.constant 0 : i32
      %gather3A_1799 = arith.constant 0 : i32
      %gather3A_1800 = tpu.memref_slice %arg11[%gather3A_1796, %gather3A_1797, %gather3A_1798, %gather3A_1799] : memref<2x4x32x128xf32, #tpu.memory_space<vmem>> -> memref<1x1x32x128xf32, #tpu.memory_space<vmem>>
      %gather3A_1801 = tpu.memref_squeeze %gather3A_1800 : memref<1x1x32x128xf32, #tpu.memory_space<vmem>> -> memref<32x128xf32, #tpu.memory_space<vmem>>
      %gather3A_1802 = tpu.vector_load_idx %gather3A_1801[%iota3A, %broadcast_in_dim3A_1773] : memref<32x128xf32, #tpu.memory_space<vmem>>[vector<16xi32>, vector<16xi32>], vector<16xf32>,
      %swap3A_1803 = arith.constant 4 : i32
      %swap3A_1804 = arith.index_cast %swap3A_1803 : i32 to index
      %swap3A_1805 = arith.constant 0 : index
      %swap3A_1806 = tpu.vector_load %arg13[%swap3A_1804, %swap3A_1805] {strides = array<i32>} : memref<16x32xf32, #tpu.memory_space<vmem>>, vector<16xf32>,
      tpu.vector_store %arg13[%swap3A_1804, %swap3A_1805], %gather3A_1802 {strides = array<i32>} : memref<16x32xf32, #tpu.memory_space<vmem>>, vector<16xf32>,
      %gather3A_1807 = arith.constant 1 : i32
      %gather3A_1808 = arith.constant 0 : i32
      %gather3A_1809 = arith.constant 0 : i32
      %gather3A_1810 = arith.constant 0 : i32
      %gather3A_1811 = tpu.memref_slice %arg11[%gather3A_1807, %gather3A_1808, %gather3A_1809, %gather3A_1810] : memref<2x4x32x128xf32, #tpu.memory_space<vmem>> -> memref<1x1x32x128xf32, #tpu.memory_space<vmem>>
      %gather3A_1812 = tpu.memref_squeeze %gather3A_1811 : memref<1x1x32x128xf32, #tpu.memory_space<vmem>> -> memref<32x128xf32, #tpu.memory_space<vmem>>
      %gather3A_1813 = tpu.vector_load_idx %gather3A_1812[%add3A_11, %broadcast_in_dim3A_1773] : memref<32x128xf32, #tpu.memory_space<vmem>>[vector<16xi32>, vector<16xi32>], vector<16xf32>,
      %swap3A_1814 = arith.constant 4 : i32
      %swap3A_1815 = arith.index_cast %swap3A_1814 : i32 to index
      %swap3A_1816 = arith.constant 16 : index
      %swap3A_1817 = tpu.vector_load %arg13[%swap3A_1815, %swap3A_1816] {strides = array<i32>} : memref<16x32xf32, #tpu.memory_space<vmem>>, vector<16xf32>,
      tpu.vector_store %arg13[%swap3A_1815, %swap3A_1816], %gather3A_1813 {strides = array<i32>} : memref<16x32xf32, #tpu.memory_space<vmem>>, vector<16xf32>,
      %slice3A_1818 = vector.extract_strided_slice %get3A_128 {offsets = [5], sizes = [1], strides = [1]} : vector<16xi32> to vector<1xi32>
      %squeeze3A_1819 = vector.extract %slice3A_1818[0] : i32 from vector<1xi32>
      %jit3A_1820 = arith.constant 128 : i32
      %eq3A_1821 = arith.constant 0 : i32
      %eq3A_1822 = arith.cmpi eq, %jit3A_1820, %eq3A_1821 : i32
      %jit3A_1823 = arith.constant 1 : i32
      %select_n3A_1824 = arith.select %eq3A_1822, %jit3A_1823, %jit3A_1820 : i32
      %rem3A_1825 = arith.remsi %squeeze3A_1819, %select_n3A_1824 : i32
      %ne3A_1826 = arith.constant 0 : i32
      %ne3A_1827 = arith.cmpi ne, %rem3A_1825, %ne3A_1826 : i32
      %lt3A_1828 = arith.constant 0 : i32
      %lt3A_1829 = arith.cmpi slt, %rem3A_1825, %lt3A_1828 : i32
      %lt3A_1830 = arith.constant 0 : i32
      %lt3A_1831 = arith.cmpi slt, %select_n3A_1824, %lt3A_1830 : i32
      %ne3A_1832 = arith.xori %lt3A_1829, %lt3A_1831 : i1
      %and3A_1833 = arith.andi %ne3A_1832, %ne3A_1827 : i1
      %add3A_1834 = arith.addi %rem3A_1825, %select_n3A_1824 : i32
      %select_n3A_1835 = arith.select %and3A_1833, %add3A_1834, %rem3A_1825 : i32
      %broadcast_in_dim3A_1836 = vector.broadcast %select_n3A_1835 : i32 to vector<16xi32>
      %slice3A_1837 = vector.extract_strided_slice %get3A_132 {offsets = [5], sizes = [1], strides = [1]} : vector<16xi32> to vector<1xi32>
      %squeeze3A_1838 = vector.extract %slice3A_1837[0] : i32 from vector<1xi32>
      %jit3A_1839 = arith.constant 128 : i32
      %eq3A_1840 = arith.constant 0 : i32
      %eq3A_1841 = arith.cmpi eq, %jit3A_1839, %eq3A_1840 : i32
      %jit3A_1842 = arith.constant 1 : i32
      %select_n3A_1843 = arith.select %eq3A_1841, %jit3A_1842, %jit3A_1839 : i32
      %rem3A_1844 = arith.remsi %squeeze3A_1838, %select_n3A_1843 : i32
      %ne3A_1845 = arith.constant 0 : i32
      %ne3A_1846 = arith.cmpi ne, %rem3A_1844, %ne3A_1845 : i32
      %lt3A_1847 = arith.constant 0 : i32
      %lt3A_1848 = arith.cmpi slt, %rem3A_1844, %lt3A_1847 : i32
      %lt3A_1849 = arith.constant 0 : i32
      %lt3A_1850 = arith.cmpi slt, %select_n3A_1843, %lt3A_1849 : i32
      %ne3A_1851 = arith.xori %lt3A_1848, %lt3A_1850 : i1
      %and3A_1852 = arith.andi %ne3A_1851, %ne3A_1846 : i1
      %add3A_1853 = arith.addi %rem3A_1844, %select_n3A_1843 : i32
      %select_n3A_1854 = arith.select %and3A_1852, %add3A_1853, %rem3A_1844 : i32
      %broadcast_in_dim3A_1855 = vector.broadcast %select_n3A_1854 : i32 to vector<16xi32>
      %gather3A_1856 = arith.constant 1 : i32
      %gather3A_1857 = arith.constant 1 : i32
      %gather3A_1858 = arith.constant 0 : i32
      %gather3A_1859 = arith.constant 0 : i32
      %gather3A_1860 = tpu.memref_slice %arg10[%gather3A_1856, %gather3A_1857, %gather3A_1858, %gather3A_1859] : memref<2x4x32x128xf32, #tpu.memory_space<vmem>> -> memref<1x1x32x128xf32, #tpu.memory_space<vmem>>
      %gather3A_1861 = tpu.memref_squeeze %gather3A_1860 : memref<1x1x32x128xf32, #tpu.memory_space<vmem>> -> memref<32x128xf32, #tpu.memory_space<vmem>>
      %gather3A_1862 = tpu.vector_load_idx %gather3A_1861[%iota3A, %broadcast_in_dim3A_1836] : memref<32x128xf32, #tpu.memory_space<vmem>>[vector<16xi32>, vector<16xi32>], vector<16xf32>,
      %swap3A_1863 = arith.constant 5 : i32
      %swap3A_1864 = arith.index_cast %swap3A_1863 : i32 to index
      %swap3A_1865 = arith.constant 0 : index
      %swap3A_1866 = tpu.vector_load %arg12[%swap3A_1864, %swap3A_1865] {strides = array<i32>} : memref<16x32xf32, #tpu.memory_space<vmem>>, vector<16xf32>,
      tpu.vector_store %arg12[%swap3A_1864, %swap3A_1865], %gather3A_1862 {strides = array<i32>} : memref<16x32xf32, #tpu.memory_space<vmem>>, vector<16xf32>,
      %gather3A_1867 = arith.constant 1 : i32
      %gather3A_1868 = arith.constant 1 : i32
      %gather3A_1869 = arith.constant 0 : i32
      %gather3A_1870 = arith.constant 0 : i32
      %gather3A_1871 = tpu.memref_slice %arg10[%gather3A_1867, %gather3A_1868, %gather3A_1869, %gather3A_1870] : memref<2x4x32x128xf32, #tpu.memory_space<vmem>> -> memref<1x1x32x128xf32, #tpu.memory_space<vmem>>
      %gather3A_1872 = tpu.memref_squeeze %gather3A_1871 : memref<1x1x32x128xf32, #tpu.memory_space<vmem>> -> memref<32x128xf32, #tpu.memory_space<vmem>>
      %gather3A_1873 = tpu.vector_load_idx %gather3A_1872[%add3A_11, %broadcast_in_dim3A_1836] : memref<32x128xf32, #tpu.memory_space<vmem>>[vector<16xi32>, vector<16xi32>], vector<16xf32>,
      %swap3A_1874 = arith.constant 5 : i32
      %swap3A_1875 = arith.index_cast %swap3A_1874 : i32 to index
      %swap3A_1876 = arith.constant 16 : index
      %swap3A_1877 = tpu.vector_load %arg12[%swap3A_1875, %swap3A_1876] {strides = array<i32>} : memref<16x32xf32, #tpu.memory_space<vmem>>, vector<16xf32>,
      tpu.vector_store %arg12[%swap3A_1875, %swap3A_1876], %gather3A_1873 {strides = array<i32>} : memref<16x32xf32, #tpu.memory_space<vmem>>, vector<16xf32>,
      %gather3A_1878 = arith.constant 1 : i32
      %gather3A_1879 = arith.constant 1 : i32
      %gather3A_1880 = arith.constant 0 : i32
      %gather3A_1881 = arith.constant 0 : i32
      %gather3A_1882 = tpu.memref_slice %arg11[%gather3A_1878, %gather3A_1879, %gather3A_1880, %gather3A_1881] : memref<2x4x32x128xf32, #tpu.memory_space<vmem>> -> memref<1x1x32x128xf32, #tpu.memory_space<vmem>>
      %gather3A_1883 = tpu.memref_squeeze %gather3A_1882 : memref<1x1x32x128xf32, #tpu.memory_space<vmem>> -> memref<32x128xf32, #tpu.memory_space<vmem>>
      %gather3A_1884 = tpu.vector_load_idx %gather3A_1883[%iota3A, %broadcast_in_dim3A_1855] : memref<32x128xf32, #tpu.memory_space<vmem>>[vector<16xi32>, vector<16xi32>], vector<16xf32>,
      %swap3A_1885 = arith.constant 5 : i32
      %swap3A_1886 = arith.index_cast %swap3A_1885 : i32 to index
      %swap3A_1887 = arith.constant 0 : index
      %swap3A_1888 = tpu.vector_load %arg13[%swap3A_1886, %swap3A_1887] {strides = array<i32>} : memref<16x32xf32, #tpu.memory_space<vmem>>, vector<16xf32>,
      tpu.vector_store %arg13[%swap3A_1886, %swap3A_1887], %gather3A_1884 {strides = array<i32>} : memref<16x32xf32, #tpu.memory_space<vmem>>, vector<16xf32>,
      %gather3A_1889 = arith.constant 1 : i32
      %gather3A_1890 = arith.constant 1 : i32
      %gather3A_1891 = arith.constant 0 : i32
      %gather3A_1892 = arith.constant 0 : i32
      %gather3A_1893 = tpu.memref_slice %arg11[%gather3A_1889, %gather3A_1890, %gather3A_1891, %gather3A_1892] : memref<2x4x32x128xf32, #tpu.memory_space<vmem>> -> memref<1x1x32x128xf32, #tpu.memory_space<vmem>>
      %gather3A_1894 = tpu.memref_squeeze %gather3A_1893 : memref<1x1x32x128xf32, #tpu.memory_space<vmem>> -> memref<32x128xf32, #tpu.memory_space<vmem>>
      %gather3A_1895 = tpu.vector_load_idx %gather3A_1894[%add3A_11, %broadcast_in_dim3A_1855] : memref<32x128xf32, #tpu.memory_space<vmem>>[vector<16xi32>, vector<16xi32>], vector<16xf32>,
      %swap3A_1896 = arith.constant 5 : i32
      %swap3A_1897 = arith.index_cast %swap3A_1896 : i32 to index
      %swap3A_1898 = arith.constant 16 : index
      %swap3A_1899 = tpu.vector_load %arg13[%swap3A_1897, %swap3A_1898] {strides = array<i32>} : memref<16x32xf32, #tpu.memory_space<vmem>>, vector<16xf32>,
      tpu.vector_store %arg13[%swap3A_1897, %swap3A_1898], %gather3A_1895 {strides = array<i32>} : memref<16x32xf32, #tpu.memory_space<vmem>>, vector<16xf32>,
      %slice3A_1900 = vector.extract_strided_slice %get3A_128 {offsets = [6], sizes = [1], strides = [1]} : vector<16xi32> to vector<1xi32>
      %squeeze3A_1901 = vector.extract %slice3A_1900[0] : i32 from vector<1xi32>
      %jit3A_1902 = arith.constant 128 : i32
      %eq3A_1903 = arith.constant 0 : i32
      %eq3A_1904 = arith.cmpi eq, %jit3A_1902, %eq3A_1903 : i32
      %jit3A_1905 = arith.constant 1 : i32
      %select_n3A_1906 = arith.select %eq3A_1904, %jit3A_1905, %jit3A_1902 : i32
      %rem3A_1907 = arith.remsi %squeeze3A_1901, %select_n3A_1906 : i32
      %ne3A_1908 = arith.constant 0 : i32
      %ne3A_1909 = arith.cmpi ne, %rem3A_1907, %ne3A_1908 : i32
      %lt3A_1910 = arith.constant 0 : i32
      %lt3A_1911 = arith.cmpi slt, %rem3A_1907, %lt3A_1910 : i32
      %lt3A_1912 = arith.constant 0 : i32
      %lt3A_1913 = arith.cmpi slt, %select_n3A_1906, %lt3A_1912 : i32
      %ne3A_1914 = arith.xori %lt3A_1911, %lt3A_1913 : i1
      %and3A_1915 = arith.andi %ne3A_1914, %ne3A_1909 : i1
      %add3A_1916 = arith.addi %rem3A_1907, %select_n3A_1906 : i32
      %select_n3A_1917 = arith.select %and3A_1915, %add3A_1916, %rem3A_1907 : i32
      %broadcast_in_dim3A_1918 = vector.broadcast %select_n3A_1917 : i32 to vector<16xi32>
      %slice3A_1919 = vector.extract_strided_slice %get3A_132 {offsets = [6], sizes = [1], strides = [1]} : vector<16xi32> to vector<1xi32>
      %squeeze3A_1920 = vector.extract %slice3A_1919[0] : i32 from vector<1xi32>
      %jit3A_1921 = arith.constant 128 : i32
      %eq3A_1922 = arith.constant 0 : i32
      %eq3A_1923 = arith.cmpi eq, %jit3A_1921, %eq3A_1922 : i32
      %jit3A_1924 = arith.constant 1 : i32
      %select_n3A_1925 = arith.select %eq3A_1923, %jit3A_1924, %jit3A_1921 : i32
      %rem3A_1926 = arith.remsi %squeeze3A_1920, %select_n3A_1925 : i32
      %ne3A_1927 = arith.constant 0 : i32
      %ne3A_1928 = arith.cmpi ne, %rem3A_1926, %ne3A_1927 : i32
      %lt3A_1929 = arith.constant 0 : i32
      %lt3A_1930 = arith.cmpi slt, %rem3A_1926, %lt3A_1929 : i32
      %lt3A_1931 = arith.constant 0 : i32
      %lt3A_1932 = arith.cmpi slt, %select_n3A_1925, %lt3A_1931 : i32
      %ne3A_1933 = arith.xori %lt3A_1930, %lt3A_1932 : i1
      %and3A_1934 = arith.andi %ne3A_1933, %ne3A_1928 : i1
      %add3A_1935 = arith.addi %rem3A_1926, %select_n3A_1925 : i32
      %select_n3A_1936 = arith.select %and3A_1934, %add3A_1935, %rem3A_1926 : i32
      %broadcast_in_dim3A_1937 = vector.broadcast %select_n3A_1936 : i32 to vector<16xi32>
      %gather3A_1938 = arith.constant 1 : i32
      %gather3A_1939 = arith.constant 2 : i32
      %gather3A_1940 = arith.constant 0 : i32
      %gather3A_1941 = arith.constant 0 : i32
      %gather3A_1942 = tpu.memref_slice %arg10[%gather3A_1938, %gather3A_1939, %gather3A_1940, %gather3A_1941] : memref<2x4x32x128xf32, #tpu.memory_space<vmem>> -> memref<1x1x32x128xf32, #tpu.memory_space<vmem>>
      %gather3A_1943 = tpu.memref_squeeze %gather3A_1942 : memref<1x1x32x128xf32, #tpu.memory_space<vmem>> -> memref<32x128xf32, #tpu.memory_space<vmem>>
      %gather3A_1944 = tpu.vector_load_idx %gather3A_1943[%iota3A, %broadcast_in_dim3A_1918] : memref<32x128xf32, #tpu.memory_space<vmem>>[vector<16xi32>, vector<16xi32>], vector<16xf32>,
      %swap3A_1945 = arith.constant 6 : i32
      %swap3A_1946 = arith.index_cast %swap3A_1945 : i32 to index
      %swap3A_1947 = arith.constant 0 : index
      %swap3A_1948 = tpu.vector_load %arg12[%swap3A_1946, %swap3A_1947] {strides = array<i32>} : memref<16x32xf32, #tpu.memory_space<vmem>>, vector<16xf32>,
      tpu.vector_store %arg12[%swap3A_1946, %swap3A_1947], %gather3A_1944 {strides = array<i32>} : memref<16x32xf32, #tpu.memory_space<vmem>>, vector<16xf32>,
      %gather3A_1949 = arith.constant 1 : i32
      %gather3A_1950 = arith.constant 2 : i32
      %gather3A_1951 = arith.constant 0 : i32
      %gather3A_1952 = arith.constant 0 : i32
      %gather3A_1953 = tpu.memref_slice %arg10[%gather3A_1949, %gather3A_1950, %gather3A_1951, %gather3A_1952] : memref<2x4x32x128xf32, #tpu.memory_space<vmem>> -> memref<1x1x32x128xf32, #tpu.memory_space<vmem>>
      %gather3A_1954 = tpu.memref_squeeze %gather3A_1953 : memref<1x1x32x128xf32, #tpu.memory_space<vmem>> -> memref<32x128xf32, #tpu.memory_space<vmem>>
      %gather3A_1955 = tpu.vector_load_idx %gather3A_1954[%add3A_11, %broadcast_in_dim3A_1918] : memref<32x128xf32, #tpu.memory_space<vmem>>[vector<16xi32>, vector<16xi32>], vector<16xf32>,
      %swap3A_1956 = arith.constant 6 : i32
      %swap3A_1957 = arith.index_cast %swap3A_1956 : i32 to index
      %swap3A_1958 = arith.constant 16 : index
      %swap3A_1959 = tpu.vector_load %arg12[%swap3A_1957, %swap3A_1958] {strides = array<i32>} : memref<16x32xf32, #tpu.memory_space<vmem>>, vector<16xf32>,
      tpu.vector_store %arg12[%swap3A_1957, %swap3A_1958], %gather3A_1955 {strides = array<i32>} : memref<16x32xf32, #tpu.memory_space<vmem>>, vector<16xf32>,
      %gather3A_1960 = arith.constant 1 : i32
      %gather3A_1961 = arith.constant 2 : i32
      %gather3A_1962 = arith.constant 0 : i32
      %gather3A_1963 = arith.constant 0 : i32
      %gather3A_1964 = tpu.memref_slice %arg11[%gather3A_1960, %gather3A_1961, %gather3A_1962, %gather3A_1963] : memref<2x4x32x128xf32, #tpu.memory_space<vmem>> -> memref<1x1x32x128xf32, #tpu.memory_space<vmem>>
      %gather3A_1965 = tpu.memref_squeeze %gather3A_1964 : memref<1x1x32x128xf32, #tpu.memory_space<vmem>> -> memref<32x128xf32, #tpu.memory_space<vmem>>
      %gather3A_1966 = tpu.vector_load_idx %gather3A_1965[%iota3A, %broadcast_in_dim3A_1937] : memref<32x128xf32, #tpu.memory_space<vmem>>[vector<16xi32>, vector<16xi32>], vector<16xf32>,
      %swap3A_1967 = arith.constant 6 : i32
      %swap3A_1968 = arith.index_cast %swap3A_1967 : i32 to index
      %swap3A_1969 = arith.constant 0 : index
      %swap3A_1970 = tpu.vector_load %arg13[%swap3A_1968, %swap3A_1969] {strides = array<i32>} : memref<16x32xf32, #tpu.memory_space<vmem>>, vector<16xf32>,
      tpu.vector_store %arg13[%swap3A_1968, %swap3A_1969], %gather3A_1966 {strides = array<i32>} : memref<16x32xf32, #tpu.memory_space<vmem>>, vector<16xf32>,
      %gather3A_1971 = arith.constant 1 : i32
      %gather3A_1972 = arith.constant 2 : i32
      %gather3A_1973 = arith.constant 0 : i32
      %gather3A_1974 = arith.constant 0 : i32
      %gather3A_1975 = tpu.memref_slice %arg11[%gather3A_1971, %gather3A_1972, %gather3A_1973, %gather3A_1974] : memref<2x4x32x128xf32, #tpu.memory_space<vmem>> -> memref<1x1x32x128xf32, #tpu.memory_space<vmem>>
      %gather3A_1976 = tpu.memref_squeeze %gather3A_1975 : memref<1x1x32x128xf32, #tpu.memory_space<vmem>> -> memref<32x128xf32, #tpu.memory_space<vmem>>
      %gather3A_1977 = tpu.vector_load_idx %gather3A_1976[%add3A_11, %broadcast_in_dim3A_1937] : memref<32x128xf32, #tpu.memory_space<vmem>>[vector<16xi32>, vector<16xi32>], vector<16xf32>,
      %swap3A_1978 = arith.constant 6 : i32
      %swap3A_1979 = arith.index_cast %swap3A_1978 : i32 to index
      %swap3A_1980 = arith.constant 16 : index
      %swap3A_1981 = tpu.vector_load %arg13[%swap3A_1979, %swap3A_1980] {strides = array<i32>} : memref<16x32xf32, #tpu.memory_space<vmem>>, vector<16xf32>,
      tpu.vector_store %arg13[%swap3A_1979, %swap3A_1980], %gather3A_1977 {strides = array<i32>} : memref<16x32xf32, #tpu.memory_space<vmem>>, vector<16xf32>,
      %slice3A_1982 = vector.extract_strided_slice %get3A_128 {offsets = [7], sizes = [1], strides = [1]} : vector<16xi32> to vector<1xi32>
      %squeeze3A_1983 = vector.extract %slice3A_1982[0] : i32 from vector<1xi32>
      %jit3A_1984 = arith.constant 128 : i32
      %eq3A_1985 = arith.constant 0 : i32
      %eq3A_1986 = arith.cmpi eq, %jit3A_1984, %eq3A_1985 : i32
      %jit3A_1987 = arith.constant 1 : i32
      %select_n3A_1988 = arith.select %eq3A_1986, %jit3A_1987, %jit3A_1984 : i32
      %rem3A_1989 = arith.remsi %squeeze3A_1983, %select_n3A_1988 : i32
      %ne3A_1990 = arith.constant 0 : i32
      %ne3A_1991 = arith.cmpi ne, %rem3A_1989, %ne3A_1990 : i32
      %lt3A_1992 = arith.constant 0 : i32
      %lt3A_1993 = arith.cmpi slt, %rem3A_1989, %lt3A_1992 : i32
      %lt3A_1994 = arith.constant 0 : i32
      %lt3A_1995 = arith.cmpi slt, %select_n3A_1988, %lt3A_1994 : i32
      %ne3A_1996 = arith.xori %lt3A_1993, %lt3A_1995 : i1
      %and3A_1997 = arith.andi %ne3A_1996, %ne3A_1991 : i1
      %add3A_1998 = arith.addi %rem3A_1989, %select_n3A_1988 : i32
      %select_n3A_1999 = arith.select %and3A_1997, %add3A_1998, %rem3A_1989 : i32
      %broadcast_in_dim3A_2000 = vector.broadcast %select_n3A_1999 : i32 to vector<16xi32>
      %slice3A_2001 = vector.extract_strided_slice %get3A_132 {offsets = [7], sizes = [1], strides = [1]} : vector<16xi32> to vector<1xi32>
      %squeeze3A_2002 = vector.extract %slice3A_2001[0] : i32 from vector<1xi32>
      %jit3A_2003 = arith.constant 128 : i32
      %eq3A_2004 = arith.constant 0 : i32
      %eq3A_2005 = arith.cmpi eq, %jit3A_2003, %eq3A_2004 : i32
      %jit3A_2006 = arith.constant 1 : i32
      %select_n3A_2007 = arith.select %eq3A_2005, %jit3A_2006, %jit3A_2003 : i32
      %rem3A_2008 = arith.remsi %squeeze3A_2002, %select_n3A_2007 : i32
      %ne3A_2009 = arith.constant 0 : i32
      %ne3A_2010 = arith.cmpi ne, %rem3A_2008, %ne3A_2009 : i32
      %lt3A_2011 = arith.constant 0 : i32
      %lt3A_2012 = arith.cmpi slt, %rem3A_2008, %lt3A_2011 : i32
      %lt3A_2013 = arith.constant 0 : i32
      %lt3A_2014 = arith.cmpi slt, %select_n3A_2007, %lt3A_2013 : i32
      %ne3A_2015 = arith.xori %lt3A_2012, %lt3A_2014 : i1
      %and3A_2016 = arith.andi %ne3A_2015, %ne3A_2010 : i1
      %add3A_2017 = arith.addi %rem3A_2008, %select_n3A_2007 : i32
      %select_n3A_2018 = arith.select %and3A_2016, %add3A_2017, %rem3A_2008 : i32
      %broadcast_in_dim3A_2019 = vector.broadcast %select_n3A_2018 : i32 to vector<16xi32>
      %gather3A_2020 = arith.constant 1 : i32
      %gather3A_2021 = arith.constant 3 : i32
      %gather3A_2022 = arith.constant 0 : i32
      %gather3A_2023 = arith.constant 0 : i32
      %gather3A_2024 = tpu.memref_slice %arg10[%gather3A_2020, %gather3A_2021, %gather3A_2022, %gather3A_2023] : memref<2x4x32x128xf32, #tpu.memory_space<vmem>> -> memref<1x1x32x128xf32, #tpu.memory_space<vmem>>
      %gather3A_2025 = tpu.memref_squeeze %gather3A_2024 : memref<1x1x32x128xf32, #tpu.memory_space<vmem>> -> memref<32x128xf32, #tpu.memory_space<vmem>>
      %gather3A_2026 = tpu.vector_load_idx %gather3A_2025[%iota3A, %broadcast_in_dim3A_2000] : memref<32x128xf32, #tpu.memory_space<vmem>>[vector<16xi32>, vector<16xi32>], vector<16xf32>,
      %swap3A_2027 = arith.constant 7 : i32
      %swap3A_2028 = arith.index_cast %swap3A_2027 : i32 to index
      %swap3A_2029 = arith.constant 0 : index
      %swap3A_2030 = tpu.vector_load %arg12[%swap3A_2028, %swap3A_2029] {strides = array<i32>} : memref<16x32xf32, #tpu.memory_space<vmem>>, vector<16xf32>,
      tpu.vector_store %arg12[%swap3A_2028, %swap3A_2029], %gather3A_2026 {strides = array<i32>} : memref<16x32xf32, #tpu.memory_space<vmem>>, vector<16xf32>,
      %gather3A_2031 = arith.constant 1 : i32
      %gather3A_2032 = arith.constant 3 : i32
      %gather3A_2033 = arith.constant 0 : i32
      %gather3A_2034 = arith.constant 0 : i32
      %gather3A_2035 = tpu.memref_slice %arg10[%gather3A_2031, %gather3A_2032, %gather3A_2033, %gather3A_2034] : memref<2x4x32x128xf32, #tpu.memory_space<vmem>> -> memref<1x1x32x128xf32, #tpu.memory_space<vmem>>
      %gather3A_2036 = tpu.memref_squeeze %gather3A_2035 : memref<1x1x32x128xf32, #tpu.memory_space<vmem>> -> memref<32x128xf32, #tpu.memory_space<vmem>>
      %gather3A_2037 = tpu.vector_load_idx %gather3A_2036[%add3A_11, %broadcast_in_dim3A_2000] : memref<32x128xf32, #tpu.memory_space<vmem>>[vector<16xi32>, vector<16xi32>], vector<16xf32>,
      %swap3A_2038 = arith.constant 7 : i32
      %swap3A_2039 = arith.index_cast %swap3A_2038 : i32 to index
      %swap3A_2040 = arith.constant 16 : index
      %swap3A_2041 = tpu.vector_load %arg12[%swap3A_2039, %swap3A_2040] {strides = array<i32>} : memref<16x32xf32, #tpu.memory_space<vmem>>, vector<16xf32>,
      tpu.vector_store %arg12[%swap3A_2039, %swap3A_2040], %gather3A_2037 {strides = array<i32>} : memref<16x32xf32, #tpu.memory_space<vmem>>, vector<16xf32>,
      %gather3A_2042 = arith.constant 1 : i32
      %gather3A_2043 = arith.constant 3 : i32
      %gather3A_2044 = arith.constant 0 : i32
      %gather3A_2045 = arith.constant 0 : i32
      %gather3A_2046 = tpu.memref_slice %arg11[%gather3A_2042, %gather3A_2043, %gather3A_2044, %gather3A_2045] : memref<2x4x32x128xf32, #tpu.memory_space<vmem>> -> memref<1x1x32x128xf32, #tpu.memory_space<vmem>>
      %gather3A_2047 = tpu.memref_squeeze %gather3A_2046 : memref<1x1x32x128xf32, #tpu.memory_space<vmem>> -> memref<32x128xf32, #tpu.memory_space<vmem>>
      %gather3A_2048 = tpu.vector_load_idx %gather3A_2047[%iota3A, %broadcast_in_dim3A_2019] : memref<32x128xf32, #tpu.memory_space<vmem>>[vector<16xi32>, vector<16xi32>], vector<16xf32>,
      %swap3A_2049 = arith.constant 7 : i32
      %swap3A_2050 = arith.index_cast %swap3A_2049 : i32 to index
      %swap3A_2051 = arith.constant 0 : index
      %swap3A_2052 = tpu.vector_load %arg13[%swap3A_2050, %swap3A_2051] {strides = array<i32>} : memref<16x32xf32, #tpu.memory_space<vmem>>, vector<16xf32>,
      tpu.vector_store %arg13[%swap3A_2050, %swap3A_2051], %gather3A_2048 {strides = array<i32>} : memref<16x32xf32, #tpu.memory_space<vmem>>, vector<16xf32>,
      %gather3A_2053 = arith.constant 1 : i32
      %gather3A_2054 = arith.constant 3 : i32
      %gather3A_2055 = arith.constant 0 : i32
      %gather3A_2056 = arith.constant 0 : i32
      %gather3A_2057 = tpu.memref_slice %arg11[%gather3A_2053, %gather3A_2054, %gather3A_2055, %gather3A_2056] : memref<2x4x32x128xf32, #tpu.memory_space<vmem>> -> memref<1x1x32x128xf32, #tpu.memory_space<vmem>>
      %gather3A_2058 = tpu.memref_squeeze %gather3A_2057 : memref<1x1x32x128xf32, #tpu.memory_space<vmem>> -> memref<32x128xf32, #tpu.memory_space<vmem>>
      %gather3A_2059 = tpu.vector_load_idx %gather3A_2058[%add3A_11, %broadcast_in_dim3A_2019] : memref<32x128xf32, #tpu.memory_space<vmem>>[vector<16xi32>, vector<16xi32>], vector<16xf32>,
      %swap3A_2060 = arith.constant 7 : i32
      %swap3A_2061 = arith.index_cast %swap3A_2060 : i32 to index
      %swap3A_2062 = arith.constant 16 : index
      %swap3A_2063 = tpu.vector_load %arg13[%swap3A_2061, %swap3A_2062] {strides = array<i32>} : memref<16x32xf32, #tpu.memory_space<vmem>>, vector<16xf32>,
      tpu.vector_store %arg13[%swap3A_2061, %swap3A_2062], %gather3A_2059 {strides = array<i32>} : memref<16x32xf32, #tpu.memory_space<vmem>>, vector<16xf32>,
      %slice3A_2064 = vector.extract_strided_slice %get3A_128 {offsets = [12], sizes = [1], strides = [1]} : vector<16xi32> to vector<1xi32>
      %squeeze3A_2065 = vector.extract %slice3A_2064[0] : i32 from vector<1xi32>
      %slice3A_2066 = vector.extract_strided_slice %get3A_132 {offsets = [12], sizes = [1], strides = [1]} : vector<16xi32> to vector<1xi32>
      %squeeze3A_2067 = vector.extract %slice3A_2066[0] : i32 from vector<1xi32>
      %jit3A_2068 = arith.constant 128 : i32
      %div3A_2069 = arith.divsi %squeeze3A_2065, %jit3A_2068 : i32
      %sign3A_2070 = arith.constant 0 : i32
      %sign3A_2071 = arith.cmpi sgt, %squeeze3A_2065, %sign3A_2070 : i32
      %sign3A_2072 = arith.extui %sign3A_2071 : i1 to i32
      %sign3A_2073 = arith.constant 0 : i32
      %sign3A_2074 = arith.cmpi slt, %squeeze3A_2065, %sign3A_2073 : i32
      %sign3A_2075 = arith.extui %sign3A_2074 : i1 to i32
      %sign3A_2076 = arith.subi %sign3A_2072, %sign3A_2075 : i32
      %sign3A_2077 = arith.constant 0 : i32
      %sign3A_2078 = arith.cmpi sgt, %jit3A_2068, %sign3A_2077 : i32
      %sign3A_2079 = arith.extui %sign3A_2078 : i1 to i32
      %sign3A_2080 = arith.constant 0 : i32
      %sign3A_2081 = arith.cmpi slt, %jit3A_2068, %sign3A_2080 : i32
      %sign3A_2082 = arith.extui %sign3A_2081 : i1 to i32
      %sign3A_2083 = arith.subi %sign3A_2079, %sign3A_2082 : i32
      %ne3A_2084 = arith.cmpi ne, %sign3A_2076, %sign3A_2083 : i32
      %rem3A_2085 = arith.remsi %squeeze3A_2065, %jit3A_2068 : i32
      %ne3A_2086 = arith.constant 0 : i32
      %ne3A_2087 = arith.cmpi ne, %rem3A_2085, %ne3A_2086 : i32
      %and3A_2088 = arith.andi %ne3A_2084, %ne3A_2087 : i1
      %sub3A_2089 = arith.constant 1 : i32
      %sub3A_2090 = arith.subi %div3A_2069, %sub3A_2089 : i32
      %select_n3A_2091 = arith.select %and3A_2088, %sub3A_2090, %div3A_2069 : i32
      %mul3A_2092 = arith.constant 128 : i32
      %mul3A_2093 = arith.muli %select_n3A_2091, %mul3A_2092 : i32
      %multiple_of3A_2094 = tpu.assume_multiple %mul3A_2093, 128 : i32
      %jit3A_2095 = arith.constant 128 : i32
      %div3A_2096 = arith.divsi %squeeze3A_2067, %jit3A_2095 : i32
      %sign3A_2097 = arith.constant 0 : i32
      %sign3A_2098 = arith.cmpi sgt, %squeeze3A_2067, %sign3A_2097 : i32
      %sign3A_2099 = arith.extui %sign3A_2098 : i1 to i32
      %sign3A_2100 = arith.constant 0 : i32
      %sign3A_2101 = arith.cmpi slt, %squeeze3A_2067, %sign3A_2100 : i32
      %sign3A_2102 = arith.extui %sign3A_2101 : i1 to i32
      %sign3A_2103 = arith.subi %sign3A_2099, %sign3A_2102 : i32
      %sign3A_2104 = arith.constant 0 : i32
      %sign3A_2105 = arith.cmpi sgt, %jit3A_2095, %sign3A_2104 : i32
      %sign3A_2106 = arith.extui %sign3A_2105 : i1 to i32
      %sign3A_2107 = arith.constant 0 : i32
      %sign3A_2108 = arith.cmpi slt, %jit3A_2095, %sign3A_2107 : i32
      %sign3A_2109 = arith.extui %sign3A_2108 : i1 to i32
      %sign3A_2110 = arith.subi %sign3A_2106, %sign3A_2109 : i32
      %ne3A_2111 = arith.cmpi ne, %sign3A_2103, %sign3A_2110 : i32
      %rem3A_2112 = arith.remsi %squeeze3A_2067, %jit3A_2095 : i32
      %ne3A_2113 = arith.constant 0 : i32
      %ne3A_2114 = arith.cmpi ne, %rem3A_2112, %ne3A_2113 : i32
      %and3A_2115 = arith.andi %ne3A_2111, %ne3A_2114 : i1
      %sub3A_2116 = arith.constant 1 : i32
      %sub3A_2117 = arith.subi %div3A_2096, %sub3A_2116 : i32
      %select_n3A_2118 = arith.select %and3A_2115, %sub3A_2117, %div3A_2096 : i32
      %mul3A_2119 = arith.constant 128 : i32
      %mul3A_2120 = arith.muli %select_n3A_2118, %mul3A_2119 : i32
      %multiple_of3A_2121 = tpu.assume_multiple %mul3A_2120, 128 : i32
      %dma_start3A_2122 = arith.constant 1 : i32
      %dma_start3A_2123 = arith.constant 0 : i32
      %dma_start3A_2124 = arith.constant 0 : i32
      %dma_start3A_2125 = arith.constant 0 : i32
      %dma_start3A_2126 = tpu.memref_slice %arg10[%dma_start3A_2122, %dma_start3A_2123, %dma_start3A_2124, %dma_start3A_2125] : memref<2x4x32x128xf32, #tpu.memory_space<vmem>> -> memref<1x1x32x128xf32, #tpu.memory_space<vmem>>
      %dma_start3A_2127 = tpu.memref_squeeze %dma_start3A_2126 : memref<1x1x32x128xf32, #tpu.memory_space<vmem>> -> memref<32x128xf32, #tpu.memory_space<vmem>>
      %dma_start3A_2128 = arith.constant 0 : i32
      %dma_start3A_2129 = tpu.memref_slice %arg4[%dma_start3A_2128, %multiple_of3A_2094] : memref<32x1000000xf32, #tpu.memory_space<hbm>> -> memref<32x128xf32, #tpu.memory_space<hbm>>
      %dma_start3A_2130 = arith.constant 0 : i32
      %dma_start3A_2131 = arith.constant 0 : i32
      %dma_start3A_2132 = tpu.memref_slice %arg10[%dma_start3A_2122, %dma_start3A_2123, %dma_start3A_2130, %dma_start3A_2131] : memref<2x4x32x128xf32, #tpu.memory_space<vmem>> -> memref<1x1x32x128xf32, #tpu.memory_space<vmem>>
      %dma_start3A_2133 = tpu.memref_squeeze %dma_start3A_2132 : memref<1x1x32x128xf32, #tpu.memory_space<vmem>> -> memref<32x128xf32, #tpu.memory_space<vmem>>
      %dma_start3A_2134 = arith.constant 0 : i32
      %dma_start3A_2135 = tpu.memref_slice %arg4[%dma_start3A_2134, %multiple_of3A_2094] : memref<32x1000000xf32, #tpu.memory_space<hbm>> -> memref<32x128xf32, #tpu.memory_space<hbm>>
      tpu.enqueue_dma source(%dma_start3A_2135 : memref<32x128xf32, #tpu.memory_space<hbm>>) target(%dma_start3A_2133 : memref<32x128xf32, #tpu.memory_space<vmem>>) target_semaphore(%arg18 : memref<!tpu.dma_semaphore, #tpu.memory_space<semaphore_mem>>)
      %dma_start3A_2136 = arith.constant 1 : i32
      %dma_start3A_2137 = arith.constant 0 : i32
      %dma_start3A_2138 = arith.constant 0 : i32
      %dma_start3A_2139 = arith.constant 0 : i32
      %dma_start3A_2140 = tpu.memref_slice %arg11[%dma_start3A_2136, %dma_start3A_2137, %dma_start3A_2138, %dma_start3A_2139] : memref<2x4x32x128xf32, #tpu.memory_space<vmem>> -> memref<1x1x32x128xf32, #tpu.memory_space<vmem>>
      %dma_start3A_2141 = tpu.memref_squeeze %dma_start3A_2140 : memref<1x1x32x128xf32, #tpu.memory_space<vmem>> -> memref<32x128xf32, #tpu.memory_space<vmem>>
      %dma_start3A_2142 = arith.constant 0 : i32
      %dma_start3A_2143 = tpu.memref_slice %arg5[%dma_start3A_2142, %multiple_of3A_2121] : memref<32x1000000xf32, #tpu.memory_space<hbm>> -> memref<32x128xf32, #tpu.memory_space<hbm>>
      %dma_start3A_2144 = arith.constant 0 : i32
      %dma_start3A_2145 = arith.constant 0 : i32
      %dma_start3A_2146 = tpu.memref_slice %arg11[%dma_start3A_2136, %dma_start3A_2137, %dma_start3A_2144, %dma_start3A_2145] : memref<2x4x32x128xf32, #tpu.memory_space<vmem>> -> memref<1x1x32x128xf32, #tpu.memory_space<vmem>>
      %dma_start3A_2147 = tpu.memref_squeeze %dma_start3A_2146 : memref<1x1x32x128xf32, #tpu.memory_space<vmem>> -> memref<32x128xf32, #tpu.memory_space<vmem>>
      %dma_start3A_2148 = arith.constant 0 : i32
      %dma_start3A_2149 = tpu.memref_slice %arg5[%dma_start3A_2148, %multiple_of3A_2121] : memref<32x1000000xf32, #tpu.memory_space<hbm>> -> memref<32x128xf32, #tpu.memory_space<hbm>>
      tpu.enqueue_dma source(%dma_start3A_2149 : memref<32x128xf32, #tpu.memory_space<hbm>>) target(%dma_start3A_2147 : memref<32x128xf32, #tpu.memory_space<vmem>>) target_semaphore(%arg18 : memref<!tpu.dma_semaphore, #tpu.memory_space<semaphore_mem>>)
      %slice3A_2150 = vector.extract_strided_slice %get3A_128 {offsets = [13], sizes = [1], strides = [1]} : vector<16xi32> to vector<1xi32>
      %squeeze3A_2151 = vector.extract %slice3A_2150[0] : i32 from vector<1xi32>
      %slice3A_2152 = vector.extract_strided_slice %get3A_132 {offsets = [13], sizes = [1], strides = [1]} : vector<16xi32> to vector<1xi32>
      %squeeze3A_2153 = vector.extract %slice3A_2152[0] : i32 from vector<1xi32>
      %jit3A_2154 = arith.constant 128 : i32
      %div3A_2155 = arith.divsi %squeeze3A_2151, %jit3A_2154 : i32
      %sign3A_2156 = arith.constant 0 : i32
      %sign3A_2157 = arith.cmpi sgt, %squeeze3A_2151, %sign3A_2156 : i32
      %sign3A_2158 = arith.extui %sign3A_2157 : i1 to i32
      %sign3A_2159 = arith.constant 0 : i32
      %sign3A_2160 = arith.cmpi slt, %squeeze3A_2151, %sign3A_2159 : i32
      %sign3A_2161 = arith.extui %sign3A_2160 : i1 to i32
      %sign3A_2162 = arith.subi %sign3A_2158, %sign3A_2161 : i32
      %sign3A_2163 = arith.constant 0 : i32
      %sign3A_2164 = arith.cmpi sgt, %jit3A_2154, %sign3A_2163 : i32
      %sign3A_2165 = arith.extui %sign3A_2164 : i1 to i32
      %sign3A_2166 = arith.constant 0 : i32
      %sign3A_2167 = arith.cmpi slt, %jit3A_2154, %sign3A_2166 : i32
      %sign3A_2168 = arith.extui %sign3A_2167 : i1 to i32
      %sign3A_2169 = arith.subi %sign3A_2165, %sign3A_2168 : i32
      %ne3A_2170 = arith.cmpi ne, %sign3A_2162, %sign3A_2169 : i32
      %rem3A_2171 = arith.remsi %squeeze3A_2151, %jit3A_2154 : i32
      %ne3A_2172 = arith.constant 0 : i32
      %ne3A_2173 = arith.cmpi ne, %rem3A_2171, %ne3A_2172 : i32
      %and3A_2174 = arith.andi %ne3A_2170, %ne3A_2173 : i1
      %sub3A_2175 = arith.constant 1 : i32
      %sub3A_2176 = arith.subi %div3A_2155, %sub3A_2175 : i32
      %select_n3A_2177 = arith.select %and3A_2174, %sub3A_2176, %div3A_2155 : i32
      %mul3A_2178 = arith.constant 128 : i32
      %mul3A_2179 = arith.muli %select_n3A_2177, %mul3A_2178 : i32
      %multiple_of3A_2180 = tpu.assume_multiple %mul3A_2179, 128 : i32
      %jit3A_2181 = arith.constant 128 : i32
      %div3A_2182 = arith.divsi %squeeze3A_2153, %jit3A_2181 : i32
      %sign3A_2183 = arith.constant 0 : i32
      %sign3A_2184 = arith.cmpi sgt, %squeeze3A_2153, %sign3A_2183 : i32
      %sign3A_2185 = arith.extui %sign3A_2184 : i1 to i32
      %sign3A_2186 = arith.constant 0 : i32
      %sign3A_2187 = arith.cmpi slt, %squeeze3A_2153, %sign3A_2186 : i32
      %sign3A_2188 = arith.extui %sign3A_2187 : i1 to i32
      %sign3A_2189 = arith.subi %sign3A_2185, %sign3A_2188 : i32
      %sign3A_2190 = arith.constant 0 : i32
      %sign3A_2191 = arith.cmpi sgt, %jit3A_2181, %sign3A_2190 : i32
      %sign3A_2192 = arith.extui %sign3A_2191 : i1 to i32
      %sign3A_2193 = arith.constant 0 : i32
      %sign3A_2194 = arith.cmpi slt, %jit3A_2181, %sign3A_2193 : i32
      %sign3A_2195 = arith.extui %sign3A_2194 : i1 to i32
      %sign3A_2196 = arith.subi %sign3A_2192, %sign3A_2195 : i32
      %ne3A_2197 = arith.cmpi ne, %sign3A_2189, %sign3A_2196 : i32
      %rem3A_2198 = arith.remsi %squeeze3A_2153, %jit3A_2181 : i32
      %ne3A_2199 = arith.constant 0 : i32
      %ne3A_2200 = arith.cmpi ne, %rem3A_2198, %ne3A_2199 : i32
      %and3A_2201 = arith.andi %ne3A_2197, %ne3A_2200 : i1
      %sub3A_2202 = arith.constant 1 : i32
      %sub3A_2203 = arith.subi %div3A_2182, %sub3A_2202 : i32
      %select_n3A_2204 = arith.select %and3A_2201, %sub3A_2203, %div3A_2182 : i32
      %mul3A_2205 = arith.constant 128 : i32
      %mul3A_2206 = arith.muli %select_n3A_2204, %mul3A_2205 : i32
      %multiple_of3A_2207 = tpu.assume_multiple %mul3A_2206, 128 : i32
      %dma_start3A_2208 = arith.constant 1 : i32
      %dma_start3A_2209 = arith.constant 1 : i32
      %dma_start3A_2210 = arith.constant 0 : i32
      %dma_start3A_2211 = arith.constant 0 : i32
      %dma_start3A_2212 = tpu.memref_slice %arg10[%dma_start3A_2208, %dma_start3A_2209, %dma_start3A_2210, %dma_start3A_2211] : memref<2x4x32x128xf32, #tpu.memory_space<vmem>> -> memref<1x1x32x128xf32, #tpu.memory_space<vmem>>
      %dma_start3A_2213 = tpu.memref_squeeze %dma_start3A_2212 : memref<1x1x32x128xf32, #tpu.memory_space<vmem>> -> memref<32x128xf32, #tpu.memory_space<vmem>>
      %dma_start3A_2214 = arith.constant 0 : i32
      %dma_start3A_2215 = tpu.memref_slice %arg4[%dma_start3A_2214, %multiple_of3A_2180] : memref<32x1000000xf32, #tpu.memory_space<hbm>> -> memref<32x128xf32, #tpu.memory_space<hbm>>
      %dma_start3A_2216 = arith.constant 0 : i32
      %dma_start3A_2217 = arith.constant 0 : i32
      %dma_start3A_2218 = tpu.memref_slice %arg10[%dma_start3A_2208, %dma_start3A_2209, %dma_start3A_2216, %dma_start3A_2217] : memref<2x4x32x128xf32, #tpu.memory_space<vmem>> -> memref<1x1x32x128xf32, #tpu.memory_space<vmem>>
      %dma_start3A_2219 = tpu.memref_squeeze %dma_start3A_2218 : memref<1x1x32x128xf32, #tpu.memory_space<vmem>> -> memref<32x128xf32, #tpu.memory_space<vmem>>
      %dma_start3A_2220 = arith.constant 0 : i32
      %dma_start3A_2221 = tpu.memref_slice %arg4[%dma_start3A_2220, %multiple_of3A_2180] : memref<32x1000000xf32, #tpu.memory_space<hbm>> -> memref<32x128xf32, #tpu.memory_space<hbm>>
      tpu.enqueue_dma source(%dma_start3A_2221 : memref<32x128xf32, #tpu.memory_space<hbm>>) target(%dma_start3A_2219 : memref<32x128xf32, #tpu.memory_space<vmem>>) target_semaphore(%arg18 : memref<!tpu.dma_semaphore, #tpu.memory_space<semaphore_mem>>)
      %dma_start3A_2222 = arith.constant 1 : i32
      %dma_start3A_2223 = arith.constant 1 : i32
      %dma_start3A_2224 = arith.constant 0 : i32
      %dma_start3A_2225 = arith.constant 0 : i32
      %dma_start3A_2226 = tpu.memref_slice %arg11[%dma_start3A_2222, %dma_start3A_2223, %dma_start3A_2224, %dma_start3A_2225] : memref<2x4x32x128xf32, #tpu.memory_space<vmem>> -> memref<1x1x32x128xf32, #tpu.memory_space<vmem>>
      %dma_start3A_2227 = tpu.memref_squeeze %dma_start3A_2226 : memref<1x1x32x128xf32, #tpu.memory_space<vmem>> -> memref<32x128xf32, #tpu.memory_space<vmem>>
      %dma_start3A_2228 = arith.constant 0 : i32
      %dma_start3A_2229 = tpu.memref_slice %arg5[%dma_start3A_2228, %multiple_of3A_2207] : memref<32x1000000xf32, #tpu.memory_space<hbm>> -> memref<32x128xf32, #tpu.memory_space<hbm>>
      %dma_start3A_2230 = arith.constant 0 : i32
      %dma_start3A_2231 = arith.constant 0 : i32
      %dma_start3A_2232 = tpu.memref_slice %arg11[%dma_start3A_2222, %dma_start3A_2223, %dma_start3A_2230, %dma_start3A_2231] : memref<2x4x32x128xf32, #tpu.memory_space<vmem>> -> memref<1x1x32x128xf32, #tpu.memory_space<vmem>>
      %dma_start3A_2233 = tpu.memref_squeeze %dma_start3A_2232 : memref<1x1x32x128xf32, #tpu.memory_space<vmem>> -> memref<32x128xf32, #tpu.memory_space<vmem>>
      %dma_start3A_2234 = arith.constant 0 : i32
      %dma_start3A_2235 = tpu.memref_slice %arg5[%dma_start3A_2234, %multiple_of3A_2207] : memref<32x1000000xf32, #tpu.memory_space<hbm>> -> memref<32x128xf32, #tpu.memory_space<hbm>>
      tpu.enqueue_dma source(%dma_start3A_2235 : memref<32x128xf32, #tpu.memory_space<hbm>>) target(%dma_start3A_2233 : memref<32x128xf32, #tpu.memory_space<vmem>>) target_semaphore(%arg18 : memref<!tpu.dma_semaphore, #tpu.memory_space<semaphore_mem>>)
      %slice3A_2236 = vector.extract_strided_slice %get3A_128 {offsets = [14], sizes = [1], strides = [1]} : vector<16xi32> to vector<1xi32>
      %squeeze3A_2237 = vector.extract %slice3A_2236[0] : i32 from vector<1xi32>
      %slice3A_2238 = vector.extract_strided_slice %get3A_132 {offsets = [14], sizes = [1], strides = [1]} : vector<16xi32> to vector<1xi32>
      %squeeze3A_2239 = vector.extract %slice3A_2238[0] : i32 from vector<1xi32>
      %jit3A_2240 = arith.constant 128 : i32
      %div3A_2241 = arith.divsi %squeeze3A_2237, %jit3A_2240 : i32
      %sign3A_2242 = arith.constant 0 : i32
      %sign3A_2243 = arith.cmpi sgt, %squeeze3A_2237, %sign3A_2242 : i32
      %sign3A_2244 = arith.extui %sign3A_2243 : i1 to i32
      %sign3A_2245 = arith.constant 0 : i32
      %sign3A_2246 = arith.cmpi slt, %squeeze3A_2237, %sign3A_2245 : i32
      %sign3A_2247 = arith.extui %sign3A_2246 : i1 to i32
      %sign3A_2248 = arith.subi %sign3A_2244, %sign3A_2247 : i32
      %sign3A_2249 = arith.constant 0 : i32
      %sign3A_2250 = arith.cmpi sgt, %jit3A_2240, %sign3A_2249 : i32
      %sign3A_2251 = arith.extui %sign3A_2250 : i1 to i32
      %sign3A_2252 = arith.constant 0 : i32
      %sign3A_2253 = arith.cmpi slt, %jit3A_2240, %sign3A_2252 : i32
      %sign3A_2254 = arith.extui %sign3A_2253 : i1 to i32
      %sign3A_2255 = arith.subi %sign3A_2251, %sign3A_2254 : i32
      %ne3A_2256 = arith.cmpi ne, %sign3A_2248, %sign3A_2255 : i32
      %rem3A_2257 = arith.remsi %squeeze3A_2237, %jit3A_2240 : i32
      %ne3A_2258 = arith.constant 0 : i32
      %ne3A_2259 = arith.cmpi ne, %rem3A_2257, %ne3A_2258 : i32
      %and3A_2260 = arith.andi %ne3A_2256, %ne3A_2259 : i1
      %sub3A_2261 = arith.constant 1 : i32
      %sub3A_2262 = arith.subi %div3A_2241, %sub3A_2261 : i32
      %select_n3A_2263 = arith.select %and3A_2260, %sub3A_2262, %div3A_2241 : i32
      %mul3A_2264 = arith.constant 128 : i32
      %mul3A_2265 = arith.muli %select_n3A_2263, %mul3A_2264 : i32
      %multiple_of3A_2266 = tpu.assume_multiple %mul3A_2265, 128 : i32
      %jit3A_2267 = arith.constant 128 : i32
      %div3A_2268 = arith.divsi %squeeze3A_2239, %jit3A_2267 : i32
      %sign3A_2269 = arith.constant 0 : i32
      %sign3A_2270 = arith.cmpi sgt, %squeeze3A_2239, %sign3A_2269 : i32
      %sign3A_2271 = arith.extui %sign3A_2270 : i1 to i32
      %sign3A_2272 = arith.constant 0 : i32
      %sign3A_2273 = arith.cmpi slt, %squeeze3A_2239, %sign3A_2272 : i32
      %sign3A_2274 = arith.extui %sign3A_2273 : i1 to i32
      %sign3A_2275 = arith.subi %sign3A_2271, %sign3A_2274 : i32
      %sign3A_2276 = arith.constant 0 : i32
      %sign3A_2277 = arith.cmpi sgt, %jit3A_2267, %sign3A_2276 : i32
      %sign3A_2278 = arith.extui %sign3A_2277 : i1 to i32
      %sign3A_2279 = arith.constant 0 : i32
      %sign3A_2280 = arith.cmpi slt, %jit3A_2267, %sign3A_2279 : i32
      %sign3A_2281 = arith.extui %sign3A_2280 : i1 to i32
      %sign3A_2282 = arith.subi %sign3A_2278, %sign3A_2281 : i32
      %ne3A_2283 = arith.cmpi ne, %sign3A_2275, %sign3A_2282 : i32
      %rem3A_2284 = arith.remsi %squeeze3A_2239, %jit3A_2267 : i32
      %ne3A_2285 = arith.constant 0 : i32
      %ne3A_2286 = arith.cmpi ne, %rem3A_2284, %ne3A_2285 : i32
      %and3A_2287 = arith.andi %ne3A_2283, %ne3A_2286 : i1
      %sub3A_2288 = arith.constant 1 : i32
      %sub3A_2289 = arith.subi %div3A_2268, %sub3A_2288 : i32
      %select_n3A_2290 = arith.select %and3A_2287, %sub3A_2289, %div3A_2268 : i32
      %mul3A_2291 = arith.constant 128 : i32
      %mul3A_2292 = arith.muli %select_n3A_2290, %mul3A_2291 : i32
      %multiple_of3A_2293 = tpu.assume_multiple %mul3A_2292, 128 : i32
      %dma_start3A_2294 = arith.constant 1 : i32
      %dma_start3A_2295 = arith.constant 2 : i32
      %dma_start3A_2296 = arith.constant 0 : i32
      %dma_start3A_2297 = arith.constant 0 : i32
      %dma_start3A_2298 = tpu.memref_slice %arg10[%dma_start3A_2294, %dma_start3A_2295, %dma_start3A_2296, %dma_start3A_2297] : memref<2x4x32x128xf32, #tpu.memory_space<vmem>> -> memref<1x1x32x128xf32, #tpu.memory_space<vmem>>
      %dma_start3A_2299 = tpu.memref_squeeze %dma_start3A_2298 : memref<1x1x32x128xf32, #tpu.memory_space<vmem>> -> memref<32x128xf32, #tpu.memory_space<vmem>>
      %dma_start3A_2300 = arith.constant 0 : i32
      %dma_start3A_2301 = tpu.memref_slice %arg4[%dma_start3A_2300, %multiple_of3A_2266] : memref<32x1000000xf32, #tpu.memory_space<hbm>> -> memref<32x128xf32, #tpu.memory_space<hbm>>
      %dma_start3A_2302 = arith.constant 0 : i32
      %dma_start3A_2303 = arith.constant 0 : i32
      %dma_start3A_2304 = tpu.memref_slice %arg10[%dma_start3A_2294, %dma_start3A_2295, %dma_start3A_2302, %dma_start3A_2303] : memref<2x4x32x128xf32, #tpu.memory_space<vmem>> -> memref<1x1x32x128xf32, #tpu.memory_space<vmem>>
      %dma_start3A_2305 = tpu.memref_squeeze %dma_start3A_2304 : memref<1x1x32x128xf32, #tpu.memory_space<vmem>> -> memref<32x128xf32, #tpu.memory_space<vmem>>
      %dma_start3A_2306 = arith.constant 0 : i32
      %dma_start3A_2307 = tpu.memref_slice %arg4[%dma_start3A_2306, %multiple_of3A_2266] : memref<32x1000000xf32, #tpu.memory_space<hbm>> -> memref<32x128xf32, #tpu.memory_space<hbm>>
      tpu.enqueue_dma source(%dma_start3A_2307 : memref<32x128xf32, #tpu.memory_space<hbm>>) target(%dma_start3A_2305 : memref<32x128xf32, #tpu.memory_space<vmem>>) target_semaphore(%arg18 : memref<!tpu.dma_semaphore, #tpu.memory_space<semaphore_mem>>)
      %dma_start3A_2308 = arith.constant 1 : i32
      %dma_start3A_2309 = arith.constant 2 : i32
      %dma_start3A_2310 = arith.constant 0 : i32
      %dma_start3A_2311 = arith.constant 0 : i32
      %dma_start3A_2312 = tpu.memref_slice %arg11[%dma_start3A_2308, %dma_start3A_2309, %dma_start3A_2310, %dma_start3A_2311] : memref<2x4x32x128xf32, #tpu.memory_space<vmem>> -> memref<1x1x32x128xf32, #tpu.memory_space<vmem>>
      %dma_start3A_2313 = tpu.memref_squeeze %dma_start3A_2312 : memref<1x1x32x128xf32, #tpu.memory_space<vmem>> -> memref<32x128xf32, #tpu.memory_space<vmem>>
      %dma_start3A_2314 = arith.constant 0 : i32
      %dma_start3A_2315 = tpu.memref_slice %arg5[%dma_start3A_2314, %multiple_of3A_2293] : memref<32x1000000xf32, #tpu.memory_space<hbm>> -> memref<32x128xf32, #tpu.memory_space<hbm>>
      %dma_start3A_2316 = arith.constant 0 : i32
      %dma_start3A_2317 = arith.constant 0 : i32
      %dma_start3A_2318 = tpu.memref_slice %arg11[%dma_start3A_2308, %dma_start3A_2309, %dma_start3A_2316, %dma_start3A_2317] : memref<2x4x32x128xf32, #tpu.memory_space<vmem>> -> memref<1x1x32x128xf32, #tpu.memory_space<vmem>>
      %dma_start3A_2319 = tpu.memref_squeeze %dma_start3A_2318 : memref<1x1x32x128xf32, #tpu.memory_space<vmem>> -> memref<32x128xf32, #tpu.memory_space<vmem>>
      %dma_start3A_2320 = arith.constant 0 : i32
      %dma_start3A_2321 = tpu.memref_slice %arg5[%dma_start3A_2320, %multiple_of3A_2293] : memref<32x1000000xf32, #tpu.memory_space<hbm>> -> memref<32x128xf32, #tpu.memory_space<hbm>>
      tpu.enqueue_dma source(%dma_start3A_2321 : memref<32x128xf32, #tpu.memory_space<hbm>>) target(%dma_start3A_2319 : memref<32x128xf32, #tpu.memory_space<vmem>>) target_semaphore(%arg18 : memref<!tpu.dma_semaphore, #tpu.memory_space<semaphore_mem>>)
      %slice3A_2322 = vector.extract_strided_slice %get3A_128 {offsets = [15], sizes = [1], strides = [1]} : vector<16xi32> to vector<1xi32>
      %squeeze3A_2323 = vector.extract %slice3A_2322[0] : i32 from vector<1xi32>
      %slice3A_2324 = vector.extract_strided_slice %get3A_132 {offsets = [15], sizes = [1], strides = [1]} : vector<16xi32> to vector<1xi32>
      %squeeze3A_2325 = vector.extract %slice3A_2324[0] : i32 from vector<1xi32>
      %jit3A_2326 = arith.constant 128 : i32
      %div3A_2327 = arith.divsi %squeeze3A_2323, %jit3A_2326 : i32
      %sign3A_2328 = arith.constant 0 : i32
      %sign3A_2329 = arith.cmpi sgt, %squeeze3A_2323, %sign3A_2328 : i32
      %sign3A_2330 = arith.extui %sign3A_2329 : i1 to i32
      %sign3A_2331 = arith.constant 0 : i32
      %sign3A_2332 = arith.cmpi slt, %squeeze3A_2323, %sign3A_2331 : i32
      %sign3A_2333 = arith.extui %sign3A_2332 : i1 to i32
      %sign3A_2334 = arith.subi %sign3A_2330, %sign3A_2333 : i32
      %sign3A_2335 = arith.constant 0 : i32
      %sign3A_2336 = arith.cmpi sgt, %jit3A_2326, %sign3A_2335 : i32
      %sign3A_2337 = arith.extui %sign3A_2336 : i1 to i32
      %sign3A_2338 = arith.constant 0 : i32
      %sign3A_2339 = arith.cmpi slt, %jit3A_2326, %sign3A_2338 : i32
      %sign3A_2340 = arith.extui %sign3A_2339 : i1 to i32
      %sign3A_2341 = arith.subi %sign3A_2337, %sign3A_2340 : i32
      %ne3A_2342 = arith.cmpi ne, %sign3A_2334, %sign3A_2341 : i32
      %rem3A_2343 = arith.remsi %squeeze3A_2323, %jit3A_2326 : i32
      %ne3A_2344 = arith.constant 0 : i32
      %ne3A_2345 = arith.cmpi ne, %rem3A_2343, %ne3A_2344 : i32
      %and3A_2346 = arith.andi %ne3A_2342, %ne3A_2345 : i1
      %sub3A_2347 = arith.constant 1 : i32
      %sub3A_2348 = arith.subi %div3A_2327, %sub3A_2347 : i32
      %select_n3A_2349 = arith.select %and3A_2346, %sub3A_2348, %div3A_2327 : i32
      %mul3A_2350 = arith.constant 128 : i32
      %mul3A_2351 = arith.muli %select_n3A_2349, %mul3A_2350 : i32
      %multiple_of3A_2352 = tpu.assume_multiple %mul3A_2351, 128 : i32
      %jit3A_2353 = arith.constant 128 : i32
      %div3A_2354 = arith.divsi %squeeze3A_2325, %jit3A_2353 : i32
      %sign3A_2355 = arith.constant 0 : i32
      %sign3A_2356 = arith.cmpi sgt, %squeeze3A_2325, %sign3A_2355 : i32
      %sign3A_2357 = arith.extui %sign3A_2356 : i1 to i32
      %sign3A_2358 = arith.constant 0 : i32
      %sign3A_2359 = arith.cmpi slt, %squeeze3A_2325, %sign3A_2358 : i32
      %sign3A_2360 = arith.extui %sign3A_2359 : i1 to i32
      %sign3A_2361 = arith.subi %sign3A_2357, %sign3A_2360 : i32
      %sign3A_2362 = arith.constant 0 : i32
      %sign3A_2363 = arith.cmpi sgt, %jit3A_2353, %sign3A_2362 : i32
      %sign3A_2364 = arith.extui %sign3A_2363 : i1 to i32
      %sign3A_2365 = arith.constant 0 : i32
      %sign3A_2366 = arith.cmpi slt, %jit3A_2353, %sign3A_2365 : i32
      %sign3A_2367 = arith.extui %sign3A_2366 : i1 to i32
      %sign3A_2368 = arith.subi %sign3A_2364, %sign3A_2367 : i32
      %ne3A_2369 = arith.cmpi ne, %sign3A_2361, %sign3A_2368 : i32
      %rem3A_2370 = arith.remsi %squeeze3A_2325, %jit3A_2353 : i32
      %ne3A_2371 = arith.constant 0 : i32
      %ne3A_2372 = arith.cmpi ne, %rem3A_2370, %ne3A_2371 : i32
      %and3A_2373 = arith.andi %ne3A_2369, %ne3A_2372 : i1
      %sub3A_2374 = arith.constant 1 : i32
      %sub3A_2375 = arith.subi %div3A_2354, %sub3A_2374 : i32
      %select_n3A_2376 = arith.select %and3A_2373, %sub3A_2375, %div3A_2354 : i32
      %mul3A_2377 = arith.constant 128 : i32
      %mul3A_2378 = arith.muli %select_n3A_2376, %mul3A_2377 : i32
      %multiple_of3A_2379 = tpu.assume_multiple %mul3A_2378, 128 : i32
      %dma_start3A_2380 = arith.constant 1 : i32
      %dma_start3A_2381 = arith.constant 3 : i32
      %dma_start3A_2382 = arith.constant 0 : i32
      %dma_start3A_2383 = arith.constant 0 : i32
      %dma_start3A_2384 = tpu.memref_slice %arg10[%dma_start3A_2380, %dma_start3A_2381, %dma_start3A_2382, %dma_start3A_2383] : memref<2x4x32x128xf32, #tpu.memory_space<vmem>> -> memref<1x1x32x128xf32, #tpu.memory_space<vmem>>
      %dma_start3A_2385 = tpu.memref_squeeze %dma_start3A_2384 : memref<1x1x32x128xf32, #tpu.memory_space<vmem>> -> memref<32x128xf32, #tpu.memory_space<vmem>>
      %dma_start3A_2386 = arith.constant 0 : i32
      %dma_start3A_2387 = tpu.memref_slice %arg4[%dma_start3A_2386, %multiple_of3A_2352] : memref<32x1000000xf32, #tpu.memory_space<hbm>> -> memref<32x128xf32, #tpu.memory_space<hbm>>
      %dma_start3A_2388 = arith.constant 0 : i32
      %dma_start3A_2389 = arith.constant 0 : i32
      %dma_start3A_2390 = tpu.memref_slice %arg10[%dma_start3A_2380, %dma_start3A_2381, %dma_start3A_2388, %dma_start3A_2389] : memref<2x4x32x128xf32, #tpu.memory_space<vmem>> -> memref<1x1x32x128xf32, #tpu.memory_space<vmem>>
      %dma_start3A_2391 = tpu.memref_squeeze %dma_start3A_2390 : memref<1x1x32x128xf32, #tpu.memory_space<vmem>> -> memref<32x128xf32, #tpu.memory_space<vmem>>
      %dma_start3A_2392 = arith.constant 0 : i32
      %dma_start3A_2393 = tpu.memref_slice %arg4[%dma_start3A_2392, %multiple_of3A_2352] : memref<32x1000000xf32, #tpu.memory_space<hbm>> -> memref<32x128xf32, #tpu.memory_space<hbm>>
      tpu.enqueue_dma source(%dma_start3A_2393 : memref<32x128xf32, #tpu.memory_space<hbm>>) target(%dma_start3A_2391 : memref<32x128xf32, #tpu.memory_space<vmem>>) target_semaphore(%arg18 : memref<!tpu.dma_semaphore, #tpu.memory_space<semaphore_mem>>)
      %dma_start3A_2394 = arith.constant 1 : i32
      %dma_start3A_2395 = arith.constant 3 : i32
      %dma_start3A_2396 = arith.constant 0 : i32
      %dma_start3A_2397 = arith.constant 0 : i32
      %dma_start3A_2398 = tpu.memref_slice %arg11[%dma_start3A_2394, %dma_start3A_2395, %dma_start3A_2396, %dma_start3A_2397] : memref<2x4x32x128xf32, #tpu.memory_space<vmem>> -> memref<1x1x32x128xf32, #tpu.memory_space<vmem>>
      %dma_start3A_2399 = tpu.memref_squeeze %dma_start3A_2398 : memref<1x1x32x128xf32, #tpu.memory_space<vmem>> -> memref<32x128xf32, #tpu.memory_space<vmem>>
      %dma_start3A_2400 = arith.constant 0 : i32
      %dma_start3A_2401 = tpu.memref_slice %arg5[%dma_start3A_2400, %multiple_of3A_2379] : memref<32x1000000xf32, #tpu.memory_space<hbm>> -> memref<32x128xf32, #tpu.memory_space<hbm>>
      %dma_start3A_2402 = arith.constant 0 : i32
      %dma_start3A_2403 = arith.constant 0 : i32
      %dma_start3A_2404 = tpu.memref_slice %arg11[%dma_start3A_2394, %dma_start3A_2395, %dma_start3A_2402, %dma_start3A_2403] : memref<2x4x32x128xf32, #tpu.memory_space<vmem>> -> memref<1x1x32x128xf32, #tpu.memory_space<vmem>>
      %dma_start3A_2405 = tpu.memref_squeeze %dma_start3A_2404 : memref<1x1x32x128xf32, #tpu.memory_space<vmem>> -> memref<32x128xf32, #tpu.memory_space<vmem>>
      %dma_start3A_2406 = arith.constant 0 : i32
      %dma_start3A_2407 = tpu.memref_slice %arg5[%dma_start3A_2406, %multiple_of3A_2379] : memref<32x1000000xf32, #tpu.memory_space<hbm>> -> memref<32x128xf32, #tpu.memory_space<hbm>>
      tpu.enqueue_dma source(%dma_start3A_2407 : memref<32x128xf32, #tpu.memory_space<hbm>>) target(%dma_start3A_2405 : memref<32x128xf32, #tpu.memory_space<vmem>>) target_semaphore(%arg18 : memref<!tpu.dma_semaphore, #tpu.memory_space<semaphore_mem>>)
      %dma_wait3A_2408 = arith.constant 0 : i32
      %dma_wait3A_2409 = arith.constant 0 : i32
      %dma_wait3A_2410 = arith.constant 0 : i32
      %dma_wait3A_2411 = arith.constant 0 : i32
      %dma_wait3A_2412 = tpu.memref_slice %arg10[%dma_wait3A_2408, %dma_wait3A_2409, %dma_wait3A_2410, %dma_wait3A_2411] : memref<2x4x32x128xf32, #tpu.memory_space<vmem>> -> memref<1x1x32x128xf32, #tpu.memory_space<vmem>>
      %dma_wait3A_2413 = tpu.memref_squeeze %dma_wait3A_2412 : memref<1x1x32x128xf32, #tpu.memory_space<vmem>> -> memref<32x128xf32, #tpu.memory_space<vmem>>
      %dma_wait3A_2414 = arith.constant 0 : i32
      %dma_wait3A_2415 = arith.constant 0 : i32
      %dma_wait3A_2416 = tpu.memref_slice %arg4[%dma_wait3A_2414, %dma_wait3A_2415] : memref<32x1000000xf32, #tpu.memory_space<hbm>> -> memref<32x128xf32, #tpu.memory_space<hbm>>
      %dma_wait3A_2417 = arith.constant 0 : i32
      %dma_wait3A_2418 = arith.constant 0 : i32
      %dma_wait3A_2419 = tpu.memref_slice %arg10[%dma_wait3A_2408, %dma_wait3A_2409, %dma_wait3A_2417, %dma_wait3A_2418] : memref<2x4x32x128xf32, #tpu.memory_space<vmem>> -> memref<1x1x32x128xf32, #tpu.memory_space<vmem>>
      %dma_wait3A_2420 = tpu.memref_squeeze %dma_wait3A_2419 : memref<1x1x32x128xf32, #tpu.memory_space<vmem>> -> memref<32x128xf32, #tpu.memory_space<vmem>>
      %dma_wait3A_2421 = arith.constant 0 : i32
      %dma_wait3A_2422 = arith.constant 0 : i32
      %dma_wait3A_2423 = tpu.memref_slice %arg4[%dma_wait3A_2421, %dma_wait3A_2422] : memref<32x1000000xf32, #tpu.memory_space<hbm>> -> memref<32x128xf32, #tpu.memory_space<hbm>>
      tpu.wait_dma2 semaphore(%arg17 : memref<!tpu.dma_semaphore, #tpu.memory_space<semaphore_mem>>) src(%dma_wait3A_2423 : memref<32x128xf32, #tpu.memory_space<hbm>>) dst(%dma_wait3A_2420 : memref<32x128xf32, #tpu.memory_space<vmem>>)
      %dma_wait3A_2424 = arith.constant 0 : i32
      %dma_wait3A_2425 = arith.constant 0 : i32
      %dma_wait3A_2426 = arith.constant 0 : i32
      %dma_wait3A_2427 = arith.constant 0 : i32
      %dma_wait3A_2428 = tpu.memref_slice %arg11[%dma_wait3A_2424, %dma_wait3A_2425, %dma_wait3A_2426, %dma_wait3A_2427] : memref<2x4x32x128xf32, #tpu.memory_space<vmem>> -> memref<1x1x32x128xf32, #tpu.memory_space<vmem>>
      %dma_wait3A_2429 = tpu.memref_squeeze %dma_wait3A_2428 : memref<1x1x32x128xf32, #tpu.memory_space<vmem>> -> memref<32x128xf32, #tpu.memory_space<vmem>>
      %dma_wait3A_2430 = arith.constant 0 : i32
      %dma_wait3A_2431 = arith.constant 0 : i32
      %dma_wait3A_2432 = tpu.memref_slice %arg4[%dma_wait3A_2430, %dma_wait3A_2431] : memref<32x1000000xf32, #tpu.memory_space<hbm>> -> memref<32x128xf32, #tpu.memory_space<hbm>>
      %dma_wait3A_2433 = arith.constant 0 : i32
      %dma_wait3A_2434 = arith.constant 0 : i32
      %dma_wait3A_2435 = tpu.memref_slice %arg11[%dma_wait3A_2424, %dma_wait3A_2425, %dma_wait3A_2433, %dma_wait3A_2434] : memref<2x4x32x128xf32, #tpu.memory_space<vmem>> -> memref<1x1x32x128xf32, #tpu.memory_space<vmem>>
      %dma_wait3A_2436 = tpu.memref_squeeze %dma_wait3A_2435 : memref<1x1x32x128xf32, #tpu.memory_space<vmem>> -> memref<32x128xf32, #tpu.memory_space<vmem>>
      %dma_wait3A_2437 = arith.constant 0 : i32
      %dma_wait3A_2438 = arith.constant 0 : i32
      %dma_wait3A_2439 = tpu.memref_slice %arg4[%dma_wait3A_2437, %dma_wait3A_2438] : memref<32x1000000xf32, #tpu.memory_space<hbm>> -> memref<32x128xf32, #tpu.memory_space<hbm>>
      tpu.wait_dma2 semaphore(%arg17 : memref<!tpu.dma_semaphore, #tpu.memory_space<semaphore_mem>>) src(%dma_wait3A_2439 : memref<32x128xf32, #tpu.memory_space<hbm>>) dst(%dma_wait3A_2436 : memref<32x128xf32, #tpu.memory_space<vmem>>)
      %dma_wait3A_2440 = arith.constant 0 : i32
      %dma_wait3A_2441 = arith.constant 1 : i32
      %dma_wait3A_2442 = arith.constant 0 : i32
      %dma_wait3A_2443 = arith.constant 0 : i32
      %dma_wait3A_2444 = tpu.memref_slice %arg10[%dma_wait3A_2440, %dma_wait3A_2441, %dma_wait3A_2442, %dma_wait3A_2443] : memref<2x4x32x128xf32, #tpu.memory_space<vmem>> -> memref<1x1x32x128xf32, #tpu.memory_space<vmem>>
      %dma_wait3A_2445 = tpu.memref_squeeze %dma_wait3A_2444 : memref<1x1x32x128xf32, #tpu.memory_space<vmem>> -> memref<32x128xf32, #tpu.memory_space<vmem>>
      %dma_wait3A_2446 = arith.constant 0 : i32
      %dma_wait3A_2447 = arith.constant 0 : i32
      %dma_wait3A_2448 = tpu.memref_slice %arg4[%dma_wait3A_2446, %dma_wait3A_2447] : memref<32x1000000xf32, #tpu.memory_space<hbm>> -> memref<32x128xf32, #tpu.memory_space<hbm>>
      %dma_wait3A_2449 = arith.constant 0 : i32
      %dma_wait3A_2450 = arith.constant 0 : i32
      %dma_wait3A_2451 = tpu.memref_slice %arg10[%dma_wait3A_2440, %dma_wait3A_2441, %dma_wait3A_2449, %dma_wait3A_2450] : memref<2x4x32x128xf32, #tpu.memory_space<vmem>> -> memref<1x1x32x128xf32, #tpu.memory_space<vmem>>
      %dma_wait3A_2452 = tpu.memref_squeeze %dma_wait3A_2451 : memref<1x1x32x128xf32, #tpu.memory_space<vmem>> -> memref<32x128xf32, #tpu.memory_space<vmem>>
      %dma_wait3A_2453 = arith.constant 0 : i32
      %dma_wait3A_2454 = arith.constant 0 : i32
      %dma_wait3A_2455 = tpu.memref_slice %arg4[%dma_wait3A_2453, %dma_wait3A_2454] : memref<32x1000000xf32, #tpu.memory_space<hbm>> -> memref<32x128xf32, #tpu.memory_space<hbm>>
      tpu.wait_dma2 semaphore(%arg17 : memref<!tpu.dma_semaphore, #tpu.memory_space<semaphore_mem>>) src(%dma_wait3A_2455 : memref<32x128xf32, #tpu.memory_space<hbm>>) dst(%dma_wait3A_2452 : memref<32x128xf32, #tpu.memory_space<vmem>>)
      %dma_wait3A_2456 = arith.constant 0 : i32
      %dma_wait3A_2457 = arith.constant 1 : i32
      %dma_wait3A_2458 = arith.constant 0 : i32
      %dma_wait3A_2459 = arith.constant 0 : i32
      %dma_wait3A_2460 = tpu.memref_slice %arg11[%dma_wait3A_2456, %dma_wait3A_2457, %dma_wait3A_2458, %dma_wait3A_2459] : memref<2x4x32x128xf32, #tpu.memory_space<vmem>> -> memref<1x1x32x128xf32, #tpu.memory_space<vmem>>
      %dma_wait3A_2461 = tpu.memref_squeeze %dma_wait3A_2460 : memref<1x1x32x128xf32, #tpu.memory_space<vmem>> -> memref<32x128xf32, #tpu.memory_space<vmem>>
      %dma_wait3A_2462 = arith.constant 0 : i32
      %dma_wait3A_2463 = arith.constant 0 : i32
      %dma_wait3A_2464 = tpu.memref_slice %arg4[%dma_wait3A_2462, %dma_wait3A_2463] : memref<32x1000000xf32, #tpu.memory_space<hbm>> -> memref<32x128xf32, #tpu.memory_space<hbm>>
      %dma_wait3A_2465 = arith.constant 0 : i32
      %dma_wait3A_2466 = arith.constant 0 : i32
      %dma_wait3A_2467 = tpu.memref_slice %arg11[%dma_wait3A_2456, %dma_wait3A_2457, %dma_wait3A_2465, %dma_wait3A_2466] : memref<2x4x32x128xf32, #tpu.memory_space<vmem>> -> memref<1x1x32x128xf32, #tpu.memory_space<vmem>>
      %dma_wait3A_2468 = tpu.memref_squeeze %dma_wait3A_2467 : memref<1x1x32x128xf32, #tpu.memory_space<vmem>> -> memref<32x128xf32, #tpu.memory_space<vmem>>
      %dma_wait3A_2469 = arith.constant 0 : i32
      %dma_wait3A_2470 = arith.constant 0 : i32
      %dma_wait3A_2471 = tpu.memref_slice %arg4[%dma_wait3A_2469, %dma_wait3A_2470] : memref<32x1000000xf32, #tpu.memory_space<hbm>> -> memref<32x128xf32, #tpu.memory_space<hbm>>
      tpu.wait_dma2 semaphore(%arg17 : memref<!tpu.dma_semaphore, #tpu.memory_space<semaphore_mem>>) src(%dma_wait3A_2471 : memref<32x128xf32, #tpu.memory_space<hbm>>) dst(%dma_wait3A_2468 : memref<32x128xf32, #tpu.memory_space<vmem>>)
      %dma_wait3A_2472 = arith.constant 0 : i32
      %dma_wait3A_2473 = arith.constant 2 : i32
      %dma_wait3A_2474 = arith.constant 0 : i32
      %dma_wait3A_2475 = arith.constant 0 : i32
      %dma_wait3A_2476 = tpu.memref_slice %arg10[%dma_wait3A_2472, %dma_wait3A_2473, %dma_wait3A_2474, %dma_wait3A_2475] : memref<2x4x32x128xf32, #tpu.memory_space<vmem>> -> memref<1x1x32x128xf32, #tpu.memory_space<vmem>>
      %dma_wait3A_2477 = tpu.memref_squeeze %dma_wait3A_2476 : memref<1x1x32x128xf32, #tpu.memory_space<vmem>> -> memref<32x128xf32, #tpu.memory_space<vmem>>
      %dma_wait3A_2478 = arith.constant 0 : i32
      %dma_wait3A_2479 = arith.constant 0 : i32
      %dma_wait3A_2480 = tpu.memref_slice %arg4[%dma_wait3A_2478, %dma_wait3A_2479] : memref<32x1000000xf32, #tpu.memory_space<hbm>> -> memref<32x128xf32, #tpu.memory_space<hbm>>
      %dma_wait3A_2481 = arith.constant 0 : i32
      %dma_wait3A_2482 = arith.constant 0 : i32
      %dma_wait3A_2483 = tpu.memref_slice %arg10[%dma_wait3A_2472, %dma_wait3A_2473, %dma_wait3A_2481, %dma_wait3A_2482] : memref<2x4x32x128xf32, #tpu.memory_space<vmem>> -> memref<1x1x32x128xf32, #tpu.memory_space<vmem>>
      %dma_wait3A_2484 = tpu.memref_squeeze %dma_wait3A_2483 : memref<1x1x32x128xf32, #tpu.memory_space<vmem>> -> memref<32x128xf32, #tpu.memory_space<vmem>>
      %dma_wait3A_2485 = arith.constant 0 : i32
      %dma_wait3A_2486 = arith.constant 0 : i32
      %dma_wait3A_2487 = tpu.memref_slice %arg4[%dma_wait3A_2485, %dma_wait3A_2486] : memref<32x1000000xf32, #tpu.memory_space<hbm>> -> memref<32x128xf32, #tpu.memory_space<hbm>>
      tpu.wait_dma2 semaphore(%arg17 : memref<!tpu.dma_semaphore, #tpu.memory_space<semaphore_mem>>) src(%dma_wait3A_2487 : memref<32x128xf32, #tpu.memory_space<hbm>>) dst(%dma_wait3A_2484 : memref<32x128xf32, #tpu.memory_space<vmem>>)
      %dma_wait3A_2488 = arith.constant 0 : i32
      %dma_wait3A_2489 = arith.constant 2 : i32
      %dma_wait3A_2490 = arith.constant 0 : i32
      %dma_wait3A_2491 = arith.constant 0 : i32
      %dma_wait3A_2492 = tpu.memref_slice %arg11[%dma_wait3A_2488, %dma_wait3A_2489, %dma_wait3A_2490, %dma_wait3A_2491] : memref<2x4x32x128xf32, #tpu.memory_space<vmem>> -> memref<1x1x32x128xf32, #tpu.memory_space<vmem>>
      %dma_wait3A_2493 = tpu.memref_squeeze %dma_wait3A_2492 : memref<1x1x32x128xf32, #tpu.memory_space<vmem>> -> memref<32x128xf32, #tpu.memory_space<vmem>>
      %dma_wait3A_2494 = arith.constant 0 : i32
      %dma_wait3A_2495 = arith.constant 0 : i32
      %dma_wait3A_2496 = tpu.memref_slice %arg4[%dma_wait3A_2494, %dma_wait3A_2495] : memref<32x1000000xf32, #tpu.memory_space<hbm>> -> memref<32x128xf32, #tpu.memory_space<hbm>>
      %dma_wait3A_2497 = arith.constant 0 : i32
      %dma_wait3A_2498 = arith.constant 0 : i32
      %dma_wait3A_2499 = tpu.memref_slice %arg11[%dma_wait3A_2488, %dma_wait3A_2489, %dma_wait3A_2497, %dma_wait3A_2498] : memref<2x4x32x128xf32, #tpu.memory_space<vmem>> -> memref<1x1x32x128xf32, #tpu.memory_space<vmem>>
      %dma_wait3A_2500 = tpu.memref_squeeze %dma_wait3A_2499 : memref<1x1x32x128xf32, #tpu.memory_space<vmem>> -> memref<32x128xf32, #tpu.memory_space<vmem>>
      %dma_wait3A_2501 = arith.constant 0 : i32
      %dma_wait3A_2502 = arith.constant 0 : i32
      %dma_wait3A_2503 = tpu.memref_slice %arg4[%dma_wait3A_2501, %dma_wait3A_2502] : memref<32x1000000xf32, #tpu.memory_space<hbm>> -> memref<32x128xf32, #tpu.memory_space<hbm>>
      tpu.wait_dma2 semaphore(%arg17 : memref<!tpu.dma_semaphore, #tpu.memory_space<semaphore_mem>>) src(%dma_wait3A_2503 : memref<32x128xf32, #tpu.memory_space<hbm>>) dst(%dma_wait3A_2500 : memref<32x128xf32, #tpu.memory_space<vmem>>)
      %dma_wait3A_2504 = arith.constant 0 : i32
      %dma_wait3A_2505 = arith.constant 3 : i32
      %dma_wait3A_2506 = arith.constant 0 : i32
      %dma_wait3A_2507 = arith.constant 0 : i32
      %dma_wait3A_2508 = tpu.memref_slice %arg10[%dma_wait3A_2504, %dma_wait3A_2505, %dma_wait3A_2506, %dma_wait3A_2507] : memref<2x4x32x128xf32, #tpu.memory_space<vmem>> -> memref<1x1x32x128xf32, #tpu.memory_space<vmem>>
      %dma_wait3A_2509 = tpu.memref_squeeze %dma_wait3A_2508 : memref<1x1x32x128xf32, #tpu.memory_space<vmem>> -> memref<32x128xf32, #tpu.memory_space<vmem>>
      %dma_wait3A_2510 = arith.constant 0 : i32
      %dma_wait3A_2511 = arith.constant 0 : i32
      %dma_wait3A_2512 = tpu.memref_slice %arg4[%dma_wait3A_2510, %dma_wait3A_2511] : memref<32x1000000xf32, #tpu.memory_space<hbm>> -> memref<32x128xf32, #tpu.memory_space<hbm>>
      %dma_wait3A_2513 = arith.constant 0 : i32
      %dma_wait3A_2514 = arith.constant 0 : i32
      %dma_wait3A_2515 = tpu.memref_slice %arg10[%dma_wait3A_2504, %dma_wait3A_2505, %dma_wait3A_2513, %dma_wait3A_2514] : memref<2x4x32x128xf32, #tpu.memory_space<vmem>> -> memref<1x1x32x128xf32, #tpu.memory_space<vmem>>
      %dma_wait3A_2516 = tpu.memref_squeeze %dma_wait3A_2515 : memref<1x1x32x128xf32, #tpu.memory_space<vmem>> -> memref<32x128xf32, #tpu.memory_space<vmem>>
      %dma_wait3A_2517 = arith.constant 0 : i32
      %dma_wait3A_2518 = arith.constant 0 : i32
      %dma_wait3A_2519 = tpu.memref_slice %arg4[%dma_wait3A_2517, %dma_wait3A_2518] : memref<32x1000000xf32, #tpu.memory_space<hbm>> -> memref<32x128xf32, #tpu.memory_space<hbm>>
      tpu.wait_dma2 semaphore(%arg17 : memref<!tpu.dma_semaphore, #tpu.memory_space<semaphore_mem>>) src(%dma_wait3A_2519 : memref<32x128xf32, #tpu.memory_space<hbm>>) dst(%dma_wait3A_2516 : memref<32x128xf32, #tpu.memory_space<vmem>>)
      %dma_wait3A_2520 = arith.constant 0 : i32
      %dma_wait3A_2521 = arith.constant 3 : i32
      %dma_wait3A_2522 = arith.constant 0 : i32
      %dma_wait3A_2523 = arith.constant 0 : i32
      %dma_wait3A_2524 = tpu.memref_slice %arg11[%dma_wait3A_2520, %dma_wait3A_2521, %dma_wait3A_2522, %dma_wait3A_2523] : memref<2x4x32x128xf32, #tpu.memory_space<vmem>> -> memref<1x1x32x128xf32, #tpu.memory_space<vmem>>
      %dma_wait3A_2525 = tpu.memref_squeeze %dma_wait3A_2524 : memref<1x1x32x128xf32, #tpu.memory_space<vmem>> -> memref<32x128xf32, #tpu.memory_space<vmem>>
      %dma_wait3A_2526 = arith.constant 0 : i32
      %dma_wait3A_2527 = arith.constant 0 : i32
      %dma_wait3A_2528 = tpu.memref_slice %arg4[%dma_wait3A_2526, %dma_wait3A_2527] : memref<32x1000000xf32, #tpu.memory_space<hbm>> -> memref<32x128xf32, #tpu.memory_space<hbm>>
      %dma_wait3A_2529 = arith.constant 0 : i32
      %dma_wait3A_2530 = arith.constant 0 : i32
      %dma_wait3A_2531 = tpu.memref_slice %arg11[%dma_wait3A_2520, %dma_wait3A_2521, %dma_wait3A_2529, %dma_wait3A_2530] : memref<2x4x32x128xf32, #tpu.memory_space<vmem>> -> memref<1x1x32x128xf32, #tpu.memory_space<vmem>>
      %dma_wait3A_2532 = tpu.memref_squeeze %dma_wait3A_2531 : memref<1x1x32x128xf32, #tpu.memory_space<vmem>> -> memref<32x128xf32, #tpu.memory_space<vmem>>
      %dma_wait3A_2533 = arith.constant 0 : i32
      %dma_wait3A_2534 = arith.constant 0 : i32
      %dma_wait3A_2535 = tpu.memref_slice %arg4[%dma_wait3A_2533, %dma_wait3A_2534] : memref<32x1000000xf32, #tpu.memory_space<hbm>> -> memref<32x128xf32, #tpu.memory_space<hbm>>
      tpu.wait_dma2 semaphore(%arg17 : memref<!tpu.dma_semaphore, #tpu.memory_space<semaphore_mem>>) src(%dma_wait3A_2535 : memref<32x128xf32, #tpu.memory_space<hbm>>) dst(%dma_wait3A_2532 : memref<32x128xf32, #tpu.memory_space<vmem>>)
      %slice3A_2536 = vector.extract_strided_slice %get3A_128 {offsets = [8], sizes = [1], strides = [1]} : vector<16xi32> to vector<1xi32>
      %squeeze3A_2537 = vector.extract %slice3A_2536[0] : i32 from vector<1xi32>
      %jit3A_2538 = arith.constant 128 : i32
      %eq3A_2539 = arith.constant 0 : i32
      %eq3A_2540 = arith.cmpi eq, %jit3A_2538, %eq3A_2539 : i32
      %jit3A_2541 = arith.constant 1 : i32
      %select_n3A_2542 = arith.select %eq3A_2540, %jit3A_2541, %jit3A_2538 : i32
      %rem3A_2543 = arith.remsi %squeeze3A_2537, %select_n3A_2542 : i32
      %ne3A_2544 = arith.constant 0 : i32
      %ne3A_2545 = arith.cmpi ne, %rem3A_2543, %ne3A_2544 : i32
      %lt3A_2546 = arith.constant 0 : i32
      %lt3A_2547 = arith.cmpi slt, %rem3A_2543, %lt3A_2546 : i32
      %lt3A_2548 = arith.constant 0 : i32
      %lt3A_2549 = arith.cmpi slt, %select_n3A_2542, %lt3A_2548 : i32
      %ne3A_2550 = arith.xori %lt3A_2547, %lt3A_2549 : i1
      %and3A_2551 = arith.andi %ne3A_2550, %ne3A_2545 : i1
      %add3A_2552 = arith.addi %rem3A_2543, %select_n3A_2542 : i32
      %select_n3A_2553 = arith.select %and3A_2551, %add3A_2552, %rem3A_2543 : i32
      %broadcast_in_dim3A_2554 = vector.broadcast %select_n3A_2553 : i32 to vector<16xi32>
      %slice3A_2555 = vector.extract_strided_slice %get3A_132 {offsets = [8], sizes = [1], strides = [1]} : vector<16xi32> to vector<1xi32>
      %squeeze3A_2556 = vector.extract %slice3A_2555[0] : i32 from vector<1xi32>
      %jit3A_2557 = arith.constant 128 : i32
      %eq3A_2558 = arith.constant 0 : i32
      %eq3A_2559 = arith.cmpi eq, %jit3A_2557, %eq3A_2558 : i32
      %jit3A_2560 = arith.constant 1 : i32
      %select_n3A_2561 = arith.select %eq3A_2559, %jit3A_2560, %jit3A_2557 : i32
      %rem3A_2562 = arith.remsi %squeeze3A_2556, %select_n3A_2561 : i32
      %ne3A_2563 = arith.constant 0 : i32
      %ne3A_2564 = arith.cmpi ne, %rem3A_2562, %ne3A_2563 : i32
      %lt3A_2565 = arith.constant 0 : i32
      %lt3A_2566 = arith.cmpi slt, %rem3A_2562, %lt3A_2565 : i32
      %lt3A_2567 = arith.constant 0 : i32
      %lt3A_2568 = arith.cmpi slt, %select_n3A_2561, %lt3A_2567 : i32
      %ne3A_2569 = arith.xori %lt3A_2566, %lt3A_2568 : i1
      %and3A_2570 = arith.andi %ne3A_2569, %ne3A_2564 : i1
      %add3A_2571 = arith.addi %rem3A_2562, %select_n3A_2561 : i32
      %select_n3A_2572 = arith.select %and3A_2570, %add3A_2571, %rem3A_2562 : i32
      %broadcast_in_dim3A_2573 = vector.broadcast %select_n3A_2572 : i32 to vector<16xi32>
      %gather3A_2574 = arith.constant 0 : i32
      %gather3A_2575 = arith.constant 0 : i32
      %gather3A_2576 = arith.constant 0 : i32
      %gather3A_2577 = arith.constant 0 : i32
      %gather3A_2578 = tpu.memref_slice %arg10[%gather3A_2574, %gather3A_2575, %gather3A_2576, %gather3A_2577] : memref<2x4x32x128xf32, #tpu.memory_space<vmem>> -> memref<1x1x32x128xf32, #tpu.memory_space<vmem>>
      %gather3A_2579 = tpu.memref_squeeze %gather3A_2578 : memref<1x1x32x128xf32, #tpu.memory_space<vmem>> -> memref<32x128xf32, #tpu.memory_space<vmem>>
      %gather3A_2580 = tpu.vector_load_idx %gather3A_2579[%iota3A, %broadcast_in_dim3A_2554] : memref<32x128xf32, #tpu.memory_space<vmem>>[vector<16xi32>, vector<16xi32>], vector<16xf32>,
      %swap3A_2581 = arith.constant 8 : i32
      %swap3A_2582 = arith.index_cast %swap3A_2581 : i32 to index
      %swap3A_2583 = arith.constant 0 : index
      %swap3A_2584 = tpu.vector_load %arg12[%swap3A_2582, %swap3A_2583] {strides = array<i32>} : memref<16x32xf32, #tpu.memory_space<vmem>>, vector<16xf32>,
      tpu.vector_store %arg12[%swap3A_2582, %swap3A_2583], %gather3A_2580 {strides = array<i32>} : memref<16x32xf32, #tpu.memory_space<vmem>>, vector<16xf32>,
      %gather3A_2585 = arith.constant 0 : i32
      %gather3A_2586 = arith.constant 0 : i32
      %gather3A_2587 = arith.constant 0 : i32
      %gather3A_2588 = arith.constant 0 : i32
      %gather3A_2589 = tpu.memref_slice %arg10[%gather3A_2585, %gather3A_2586, %gather3A_2587, %gather3A_2588] : memref<2x4x32x128xf32, #tpu.memory_space<vmem>> -> memref<1x1x32x128xf32, #tpu.memory_space<vmem>>
      %gather3A_2590 = tpu.memref_squeeze %gather3A_2589 : memref<1x1x32x128xf32, #tpu.memory_space<vmem>> -> memref<32x128xf32, #tpu.memory_space<vmem>>
      %gather3A_2591 = tpu.vector_load_idx %gather3A_2590[%add3A_11, %broadcast_in_dim3A_2554] : memref<32x128xf32, #tpu.memory_space<vmem>>[vector<16xi32>, vector<16xi32>], vector<16xf32>,
      %swap3A_2592 = arith.constant 8 : i32
      %swap3A_2593 = arith.index_cast %swap3A_2592 : i32 to index
      %swap3A_2594 = arith.constant 16 : index
      %swap3A_2595 = tpu.vector_load %arg12[%swap3A_2593, %swap3A_2594] {strides = array<i32>} : memref<16x32xf32, #tpu.memory_space<vmem>>, vector<16xf32>,
      tpu.vector_store %arg12[%swap3A_2593, %swap3A_2594], %gather3A_2591 {strides = array<i32>} : memref<16x32xf32, #tpu.memory_space<vmem>>, vector<16xf32>,
      %gather3A_2596 = arith.constant 0 : i32
      %gather3A_2597 = arith.constant 0 : i32
      %gather3A_2598 = arith.constant 0 : i32
      %gather3A_2599 = arith.constant 0 : i32
      %gather3A_2600 = tpu.memref_slice %arg11[%gather3A_2596, %gather3A_2597, %gather3A_2598, %gather3A_2599] : memref<2x4x32x128xf32, #tpu.memory_space<vmem>> -> memref<1x1x32x128xf32, #tpu.memory_space<vmem>>
      %gather3A_2601 = tpu.memref_squeeze %gather3A_2600 : memref<1x1x32x128xf32, #tpu.memory_space<vmem>> -> memref<32x128xf32, #tpu.memory_space<vmem>>
      %gather3A_2602 = tpu.vector_load_idx %gather3A_2601[%iota3A, %broadcast_in_dim3A_2573] : memref<32x128xf32, #tpu.memory_space<vmem>>[vector<16xi32>, vector<16xi32>], vector<16xf32>,
      %swap3A_2603 = arith.constant 8 : i32
      %swap3A_2604 = arith.index_cast %swap3A_2603 : i32 to index
      %swap3A_2605 = arith.constant 0 : index
      %swap3A_2606 = tpu.vector_load %arg13[%swap3A_2604, %swap3A_2605] {strides = array<i32>} : memref<16x32xf32, #tpu.memory_space<vmem>>, vector<16xf32>,
      tpu.vector_store %arg13[%swap3A_2604, %swap3A_2605], %gather3A_2602 {strides = array<i32>} : memref<16x32xf32, #tpu.memory_space<vmem>>, vector<16xf32>,
      %gather3A_2607 = arith.constant 0 : i32
      %gather3A_2608 = arith.constant 0 : i32
      %gather3A_2609 = arith.constant 0 : i32
      %gather3A_2610 = arith.constant 0 : i32
      %gather3A_2611 = tpu.memref_slice %arg11[%gather3A_2607, %gather3A_2608, %gather3A_2609, %gather3A_2610] : memref<2x4x32x128xf32, #tpu.memory_space<vmem>> -> memref<1x1x32x128xf32, #tpu.memory_space<vmem>>
      %gather3A_2612 = tpu.memref_squeeze %gather3A_2611 : memref<1x1x32x128xf32, #tpu.memory_space<vmem>> -> memref<32x128xf32, #tpu.memory_space<vmem>>
      %gather3A_2613 = tpu.vector_load_idx %gather3A_2612[%add3A_11, %broadcast_in_dim3A_2573] : memref<32x128xf32, #tpu.memory_space<vmem>>[vector<16xi32>, vector<16xi32>], vector<16xf32>,
      %swap3A_2614 = arith.constant 8 : i32
      %swap3A_2615 = arith.index_cast %swap3A_2614 : i32 to index
      %swap3A_2616 = arith.constant 16 : index
      %swap3A_2617 = tpu.vector_load %arg13[%swap3A_2615, %swap3A_2616] {strides = array<i32>} : memref<16x32xf32, #tpu.memory_space<vmem>>, vector<16xf32>,
      tpu.vector_store %arg13[%swap3A_2615, %swap3A_2616], %gather3A_2613 {strides = array<i32>} : memref<16x32xf32, #tpu.memory_space<vmem>>, vector<16xf32>,
      %slice3A_2618 = vector.extract_strided_slice %get3A_128 {offsets = [9], sizes = [1], strides = [1]} : vector<16xi32> to vector<1xi32>
      %squeeze3A_2619 = vector.extract %slice3A_2618[0] : i32 from vector<1xi32>
      %jit3A_2620 = arith.constant 128 : i32
      %eq3A_2621 = arith.constant 0 : i32
      %eq3A_2622 = arith.cmpi eq, %jit3A_2620, %eq3A_2621 : i32
      %jit3A_2623 = arith.constant 1 : i32
      %select_n3A_2624 = arith.select %eq3A_2622, %jit3A_2623, %jit3A_2620 : i32
      %rem3A_2625 = arith.remsi %squeeze3A_2619, %select_n3A_2624 : i32
      %ne3A_2626 = arith.constant 0 : i32
      %ne3A_2627 = arith.cmpi ne, %rem3A_2625, %ne3A_2626 : i32
      %lt3A_2628 = arith.constant 0 : i32
      %lt3A_2629 = arith.cmpi slt, %rem3A_2625, %lt3A_2628 : i32
      %lt3A_2630 = arith.constant 0 : i32
      %lt3A_2631 = arith.cmpi slt, %select_n3A_2624, %lt3A_2630 : i32
      %ne3A_2632 = arith.xori %lt3A_2629, %lt3A_2631 : i1
      %and3A_2633 = arith.andi %ne3A_2632, %ne3A_2627 : i1
      %add3A_2634 = arith.addi %rem3A_2625, %select_n3A_2624 : i32
      %select_n3A_2635 = arith.select %and3A_2633, %add3A_2634, %rem3A_2625 : i32
      %broadcast_in_dim3A_2636 = vector.broadcast %select_n3A_2635 : i32 to vector<16xi32>
      %slice3A_2637 = vector.extract_strided_slice %get3A_132 {offsets = [9], sizes = [1], strides = [1]} : vector<16xi32> to vector<1xi32>
      %squeeze3A_2638 = vector.extract %slice3A_2637[0] : i32 from vector<1xi32>
      %jit3A_2639 = arith.constant 128 : i32
      %eq3A_2640 = arith.constant 0 : i32
      %eq3A_2641 = arith.cmpi eq, %jit3A_2639, %eq3A_2640 : i32
      %jit3A_2642 = arith.constant 1 : i32
      %select_n3A_2643 = arith.select %eq3A_2641, %jit3A_2642, %jit3A_2639 : i32
      %rem3A_2644 = arith.remsi %squeeze3A_2638, %select_n3A_2643 : i32
      %ne3A_2645 = arith.constant 0 : i32
      %ne3A_2646 = arith.cmpi ne, %rem3A_2644, %ne3A_2645 : i32
      %lt3A_2647 = arith.constant 0 : i32
      %lt3A_2648 = arith.cmpi slt, %rem3A_2644, %lt3A_2647 : i32
      %lt3A_2649 = arith.constant 0 : i32
      %lt3A_2650 = arith.cmpi slt, %select_n3A_2643, %lt3A_2649 : i32
      %ne3A_2651 = arith.xori %lt3A_2648, %lt3A_2650 : i1
      %and3A_2652 = arith.andi %ne3A_2651, %ne3A_2646 : i1
      %add3A_2653 = arith.addi %rem3A_2644, %select_n3A_2643 : i32
      %select_n3A_2654 = arith.select %and3A_2652, %add3A_2653, %rem3A_2644 : i32
      %broadcast_in_dim3A_2655 = vector.broadcast %select_n3A_2654 : i32 to vector<16xi32>
      %gather3A_2656 = arith.constant 0 : i32
      %gather3A_2657 = arith.constant 1 : i32
      %gather3A_2658 = arith.constant 0 : i32
      %gather3A_2659 = arith.constant 0 : i32
      %gather3A_2660 = tpu.memref_slice %arg10[%gather3A_2656, %gather3A_2657, %gather3A_2658, %gather3A_2659] : memref<2x4x32x128xf32, #tpu.memory_space<vmem>> -> memref<1x1x32x128xf32, #tpu.memory_space<vmem>>
      %gather3A_2661 = tpu.memref_squeeze %gather3A_2660 : memref<1x1x32x128xf32, #tpu.memory_space<vmem>> -> memref<32x128xf32, #tpu.memory_space<vmem>>
      %gather3A_2662 = tpu.vector_load_idx %gather3A_2661[%iota3A, %broadcast_in_dim3A_2636] : memref<32x128xf32, #tpu.memory_space<vmem>>[vector<16xi32>, vector<16xi32>], vector<16xf32>,
      %swap3A_2663 = arith.constant 9 : i32
      %swap3A_2664 = arith.index_cast %swap3A_2663 : i32 to index
      %swap3A_2665 = arith.constant 0 : index
      %swap3A_2666 = tpu.vector_load %arg12[%swap3A_2664, %swap3A_2665] {strides = array<i32>} : memref<16x32xf32, #tpu.memory_space<vmem>>, vector<16xf32>,
      tpu.vector_store %arg12[%swap3A_2664, %swap3A_2665], %gather3A_2662 {strides = array<i32>} : memref<16x32xf32, #tpu.memory_space<vmem>>, vector<16xf32>,
      %gather3A_2667 = arith.constant 0 : i32
      %gather3A_2668 = arith.constant 1 : i32
      %gather3A_2669 = arith.constant 0 : i32
      %gather3A_2670 = arith.constant 0 : i32
      %gather3A_2671 = tpu.memref_slice %arg10[%gather3A_2667, %gather3A_2668, %gather3A_2669, %gather3A_2670] : memref<2x4x32x128xf32, #tpu.memory_space<vmem>> -> memref<1x1x32x128xf32, #tpu.memory_space<vmem>>
      %gather3A_2672 = tpu.memref_squeeze %gather3A_2671 : memref<1x1x32x128xf32, #tpu.memory_space<vmem>> -> memref<32x128xf32, #tpu.memory_space<vmem>>
      %gather3A_2673 = tpu.vector_load_idx %gather3A_2672[%add3A_11, %broadcast_in_dim3A_2636] : memref<32x128xf32, #tpu.memory_space<vmem>>[vector<16xi32>, vector<16xi32>], vector<16xf32>,
      %swap3A_2674 = arith.constant 9 : i32
      %swap3A_2675 = arith.index_cast %swap3A_2674 : i32 to index
      %swap3A_2676 = arith.constant 16 : index
      %swap3A_2677 = tpu.vector_load %arg12[%swap3A_2675, %swap3A_2676] {strides = array<i32>} : memref<16x32xf32, #tpu.memory_space<vmem>>, vector<16xf32>,
      tpu.vector_store %arg12[%swap3A_2675, %swap3A_2676], %gather3A_2673 {strides = array<i32>} : memref<16x32xf32, #tpu.memory_space<vmem>>, vector<16xf32>,
      %gather3A_2678 = arith.constant 0 : i32
      %gather3A_2679 = arith.constant 1 : i32
      %gather3A_2680 = arith.constant 0 : i32
      %gather3A_2681 = arith.constant 0 : i32
      %gather3A_2682 = tpu.memref_slice %arg11[%gather3A_2678, %gather3A_2679, %gather3A_2680, %gather3A_2681] : memref<2x4x32x128xf32, #tpu.memory_space<vmem>> -> memref<1x1x32x128xf32, #tpu.memory_space<vmem>>
      %gather3A_2683 = tpu.memref_squeeze %gather3A_2682 : memref<1x1x32x128xf32, #tpu.memory_space<vmem>> -> memref<32x128xf32, #tpu.memory_space<vmem>>
      %gather3A_2684 = tpu.vector_load_idx %gather3A_2683[%iota3A, %broadcast_in_dim3A_2655] : memref<32x128xf32, #tpu.memory_space<vmem>>[vector<16xi32>, vector<16xi32>], vector<16xf32>,
      %swap3A_2685 = arith.constant 9 : i32
      %swap3A_2686 = arith.index_cast %swap3A_2685 : i32 to index
      %swap3A_2687 = arith.constant 0 : index
      %swap3A_2688 = tpu.vector_load %arg13[%swap3A_2686, %swap3A_2687] {strides = array<i32>} : memref<16x32xf32, #tpu.memory_space<vmem>>, vector<16xf32>,
      tpu.vector_store %arg13[%swap3A_2686, %swap3A_2687], %gather3A_2684 {strides = array<i32>} : memref<16x32xf32, #tpu.memory_space<vmem>>, vector<16xf32>,
      %gather3A_2689 = arith.constant 0 : i32
      %gather3A_2690 = arith.constant 1 : i32
      %gather3A_2691 = arith.constant 0 : i32
      %gather3A_2692 = arith.constant 0 : i32
      %gather3A_2693 = tpu.memref_slice %arg11[%gather3A_2689, %gather3A_2690, %gather3A_2691, %gather3A_2692] : memref<2x4x32x128xf32, #tpu.memory_space<vmem>> -> memref<1x1x32x128xf32, #tpu.memory_space<vmem>>
      %gather3A_2694 = tpu.memref_squeeze %gather3A_2693 : memref<1x1x32x128xf32, #tpu.memory_space<vmem>> -> memref<32x128xf32, #tpu.memory_space<vmem>>
      %gather3A_2695 = tpu.vector_load_idx %gather3A_2694[%add3A_11, %broadcast_in_dim3A_2655] : memref<32x128xf32, #tpu.memory_space<vmem>>[vector<16xi32>, vector<16xi32>], vector<16xf32>,
      %swap3A_2696 = arith.constant 9 : i32
      %swap3A_2697 = arith.index_cast %swap3A_2696 : i32 to index
      %swap3A_2698 = arith.constant 16 : index
      %swap3A_2699 = tpu.vector_load %arg13[%swap3A_2697, %swap3A_2698] {strides = array<i32>} : memref<16x32xf32, #tpu.memory_space<vmem>>, vector<16xf32>,
      tpu.vector_store %arg13[%swap3A_2697, %swap3A_2698], %gather3A_2695 {strides = array<i32>} : memref<16x32xf32, #tpu.memory_space<vmem>>, vector<16xf32>,
      %slice3A_2700 = vector.extract_strided_slice %get3A_128 {offsets = [10], sizes = [1], strides = [1]} : vector<16xi32> to vector<1xi32>
      %squeeze3A_2701 = vector.extract %slice3A_2700[0] : i32 from vector<1xi32>
      %jit3A_2702 = arith.constant 128 : i32
      %eq3A_2703 = arith.constant 0 : i32
      %eq3A_2704 = arith.cmpi eq, %jit3A_2702, %eq3A_2703 : i32
      %jit3A_2705 = arith.constant 1 : i32
      %select_n3A_2706 = arith.select %eq3A_2704, %jit3A_2705, %jit3A_2702 : i32
      %rem3A_2707 = arith.remsi %squeeze3A_2701, %select_n3A_2706 : i32
      %ne3A_2708 = arith.constant 0 : i32
      %ne3A_2709 = arith.cmpi ne, %rem3A_2707, %ne3A_2708 : i32
      %lt3A_2710 = arith.constant 0 : i32
      %lt3A_2711 = arith.cmpi slt, %rem3A_2707, %lt3A_2710 : i32
      %lt3A_2712 = arith.constant 0 : i32
      %lt3A_2713 = arith.cmpi slt, %select_n3A_2706, %lt3A_2712 : i32
      %ne3A_2714 = arith.xori %lt3A_2711, %lt3A_2713 : i1
      %and3A_2715 = arith.andi %ne3A_2714, %ne3A_2709 : i1
      %add3A_2716 = arith.addi %rem3A_2707, %select_n3A_2706 : i32
      %select_n3A_2717 = arith.select %and3A_2715, %add3A_2716, %rem3A_2707 : i32
      %broadcast_in_dim3A_2718 = vector.broadcast %select_n3A_2717 : i32 to vector<16xi32>
      %slice3A_2719 = vector.extract_strided_slice %get3A_132 {offsets = [10], sizes = [1], strides = [1]} : vector<16xi32> to vector<1xi32>
      %squeeze3A_2720 = vector.extract %slice3A_2719[0] : i32 from vector<1xi32>
      %jit3A_2721 = arith.constant 128 : i32
      %eq3A_2722 = arith.constant 0 : i32
      %eq3A_2723 = arith.cmpi eq, %jit3A_2721, %eq3A_2722 : i32
      %jit3A_2724 = arith.constant 1 : i32
      %select_n3A_2725 = arith.select %eq3A_2723, %jit3A_2724, %jit3A_2721 : i32
      %rem3A_2726 = arith.remsi %squeeze3A_2720, %select_n3A_2725 : i32
      %ne3A_2727 = arith.constant 0 : i32
      %ne3A_2728 = arith.cmpi ne, %rem3A_2726, %ne3A_2727 : i32
      %lt3A_2729 = arith.constant 0 : i32
      %lt3A_2730 = arith.cmpi slt, %rem3A_2726, %lt3A_2729 : i32
      %lt3A_2731 = arith.constant 0 : i32
      %lt3A_2732 = arith.cmpi slt, %select_n3A_2725, %lt3A_2731 : i32
      %ne3A_2733 = arith.xori %lt3A_2730, %lt3A_2732 : i1
      %and3A_2734 = arith.andi %ne3A_2733, %ne3A_2728 : i1
      %add3A_2735 = arith.addi %rem3A_2726, %select_n3A_2725 : i32
      %select_n3A_2736 = arith.select %and3A_2734, %add3A_2735, %rem3A_2726 : i32
      %broadcast_in_dim3A_2737 = vector.broadcast %select_n3A_2736 : i32 to vector<16xi32>
      %gather3A_2738 = arith.constant 0 : i32
      %gather3A_2739 = arith.constant 2 : i32
      %gather3A_2740 = arith.constant 0 : i32
      %gather3A_2741 = arith.constant 0 : i32
      %gather3A_2742 = tpu.memref_slice %arg10[%gather3A_2738, %gather3A_2739, %gather3A_2740, %gather3A_2741] : memref<2x4x32x128xf32, #tpu.memory_space<vmem>> -> memref<1x1x32x128xf32, #tpu.memory_space<vmem>>
      %gather3A_2743 = tpu.memref_squeeze %gather3A_2742 : memref<1x1x32x128xf32, #tpu.memory_space<vmem>> -> memref<32x128xf32, #tpu.memory_space<vmem>>
      %gather3A_2744 = tpu.vector_load_idx %gather3A_2743[%iota3A, %broadcast_in_dim3A_2718] : memref<32x128xf32, #tpu.memory_space<vmem>>[vector<16xi32>, vector<16xi32>], vector<16xf32>,
      %swap3A_2745 = arith.constant 10 : i32
      %swap3A_2746 = arith.index_cast %swap3A_2745 : i32 to index
      %swap3A_2747 = arith.constant 0 : index
      %swap3A_2748 = tpu.vector_load %arg12[%swap3A_2746, %swap3A_2747] {strides = array<i32>} : memref<16x32xf32, #tpu.memory_space<vmem>>, vector<16xf32>,
      tpu.vector_store %arg12[%swap3A_2746, %swap3A_2747], %gather3A_2744 {strides = array<i32>} : memref<16x32xf32, #tpu.memory_space<vmem>>, vector<16xf32>,
      %gather3A_2749 = arith.constant 0 : i32
      %gather3A_2750 = arith.constant 2 : i32
      %gather3A_2751 = arith.constant 0 : i32
      %gather3A_2752 = arith.constant 0 : i32
      %gather3A_2753 = tpu.memref_slice %arg10[%gather3A_2749, %gather3A_2750, %gather3A_2751, %gather3A_2752] : memref<2x4x32x128xf32, #tpu.memory_space<vmem>> -> memref<1x1x32x128xf32, #tpu.memory_space<vmem>>
      %gather3A_2754 = tpu.memref_squeeze %gather3A_2753 : memref<1x1x32x128xf32, #tpu.memory_space<vmem>> -> memref<32x128xf32, #tpu.memory_space<vmem>>
      %gather3A_2755 = tpu.vector_load_idx %gather3A_2754[%add3A_11, %broadcast_in_dim3A_2718] : memref<32x128xf32, #tpu.memory_space<vmem>>[vector<16xi32>, vector<16xi32>], vector<16xf32>,
      %swap3A_2756 = arith.constant 10 : i32
      %swap3A_2757 = arith.index_cast %swap3A_2756 : i32 to index
      %swap3A_2758 = arith.constant 16 : index
      %swap3A_2759 = tpu.vector_load %arg12[%swap3A_2757, %swap3A_2758] {strides = array<i32>} : memref<16x32xf32, #tpu.memory_space<vmem>>, vector<16xf32>,
      tpu.vector_store %arg12[%swap3A_2757, %swap3A_2758], %gather3A_2755 {strides = array<i32>} : memref<16x32xf32, #tpu.memory_space<vmem>>, vector<16xf32>,
      %gather3A_2760 = arith.constant 0 : i32
      %gather3A_2761 = arith.constant 2 : i32
      %gather3A_2762 = arith.constant 0 : i32
      %gather3A_2763 = arith.constant 0 : i32
      %gather3A_2764 = tpu.memref_slice %arg11[%gather3A_2760, %gather3A_2761, %gather3A_2762, %gather3A_2763] : memref<2x4x32x128xf32, #tpu.memory_space<vmem>> -> memref<1x1x32x128xf32, #tpu.memory_space<vmem>>
      %gather3A_2765 = tpu.memref_squeeze %gather3A_2764 : memref<1x1x32x128xf32, #tpu.memory_space<vmem>> -> memref<32x128xf32, #tpu.memory_space<vmem>>
      %gather3A_2766 = tpu.vector_load_idx %gather3A_2765[%iota3A, %broadcast_in_dim3A_2737] : memref<32x128xf32, #tpu.memory_space<vmem>>[vector<16xi32>, vector<16xi32>], vector<16xf32>,
      %swap3A_2767 = arith.constant 10 : i32
      %swap3A_2768 = arith.index_cast %swap3A_2767 : i32 to index
      %swap3A_2769 = arith.constant 0 : index
      %swap3A_2770 = tpu.vector_load %arg13[%swap3A_2768, %swap3A_2769] {strides = array<i32>} : memref<16x32xf32, #tpu.memory_space<vmem>>, vector<16xf32>,
      tpu.vector_store %arg13[%swap3A_2768, %swap3A_2769], %gather3A_2766 {strides = array<i32>} : memref<16x32xf32, #tpu.memory_space<vmem>>, vector<16xf32>,
      %gather3A_2771 = arith.constant 0 : i32
      %gather3A_2772 = arith.constant 2 : i32
      %gather3A_2773 = arith.constant 0 : i32
      %gather3A_2774 = arith.constant 0 : i32
      %gather3A_2775 = tpu.memref_slice %arg11[%gather3A_2771, %gather3A_2772, %gather3A_2773, %gather3A_2774] : memref<2x4x32x128xf32, #tpu.memory_space<vmem>> -> memref<1x1x32x128xf32, #tpu.memory_space<vmem>>
      %gather3A_2776 = tpu.memref_squeeze %gather3A_2775 : memref<1x1x32x128xf32, #tpu.memory_space<vmem>> -> memref<32x128xf32, #tpu.memory_space<vmem>>
      %gather3A_2777 = tpu.vector_load_idx %gather3A_2776[%add3A_11, %broadcast_in_dim3A_2737] : memref<32x128xf32, #tpu.memory_space<vmem>>[vector<16xi32>, vector<16xi32>], vector<16xf32>,
      %swap3A_2778 = arith.constant 10 : i32
      %swap3A_2779 = arith.index_cast %swap3A_2778 : i32 to index
      %swap3A_2780 = arith.constant 16 : index
      %swap3A_2781 = tpu.vector_load %arg13[%swap3A_2779, %swap3A_2780] {strides = array<i32>} : memref<16x32xf32, #tpu.memory_space<vmem>>, vector<16xf32>,
      tpu.vector_store %arg13[%swap3A_2779, %swap3A_2780], %gather3A_2777 {strides = array<i32>} : memref<16x32xf32, #tpu.memory_space<vmem>>, vector<16xf32>,
      %slice3A_2782 = vector.extract_strided_slice %get3A_128 {offsets = [11], sizes = [1], strides = [1]} : vector<16xi32> to vector<1xi32>
      %squeeze3A_2783 = vector.extract %slice3A_2782[0] : i32 from vector<1xi32>
      %jit3A_2784 = arith.constant 128 : i32
      %eq3A_2785 = arith.constant 0 : i32
      %eq3A_2786 = arith.cmpi eq, %jit3A_2784, %eq3A_2785 : i32
      %jit3A_2787 = arith.constant 1 : i32
      %select_n3A_2788 = arith.select %eq3A_2786, %jit3A_2787, %jit3A_2784 : i32
      %rem3A_2789 = arith.remsi %squeeze3A_2783, %select_n3A_2788 : i32
      %ne3A_2790 = arith.constant 0 : i32
      %ne3A_2791 = arith.cmpi ne, %rem3A_2789, %ne3A_2790 : i32
      %lt3A_2792 = arith.constant 0 : i32
      %lt3A_2793 = arith.cmpi slt, %rem3A_2789, %lt3A_2792 : i32
      %lt3A_2794 = arith.constant 0 : i32
      %lt3A_2795 = arith.cmpi slt, %select_n3A_2788, %lt3A_2794 : i32
      %ne3A_2796 = arith.xori %lt3A_2793, %lt3A_2795 : i1
      %and3A_2797 = arith.andi %ne3A_2796, %ne3A_2791 : i1
      %add3A_2798 = arith.addi %rem3A_2789, %select_n3A_2788 : i32
      %select_n3A_2799 = arith.select %and3A_2797, %add3A_2798, %rem3A_2789 : i32
      %broadcast_in_dim3A_2800 = vector.broadcast %select_n3A_2799 : i32 to vector<16xi32>
      %slice3A_2801 = vector.extract_strided_slice %get3A_132 {offsets = [11], sizes = [1], strides = [1]} : vector<16xi32> to vector<1xi32>
      %squeeze3A_2802 = vector.extract %slice3A_2801[0] : i32 from vector<1xi32>
      %jit3A_2803 = arith.constant 128 : i32
      %eq3A_2804 = arith.constant 0 : i32
      %eq3A_2805 = arith.cmpi eq, %jit3A_2803, %eq3A_2804 : i32
      %jit3A_2806 = arith.constant 1 : i32
      %select_n3A_2807 = arith.select %eq3A_2805, %jit3A_2806, %jit3A_2803 : i32
      %rem3A_2808 = arith.remsi %squeeze3A_2802, %select_n3A_2807 : i32
      %ne3A_2809 = arith.constant 0 : i32
      %ne3A_2810 = arith.cmpi ne, %rem3A_2808, %ne3A_2809 : i32
      %lt3A_2811 = arith.constant 0 : i32
      %lt3A_2812 = arith.cmpi slt, %rem3A_2808, %lt3A_2811 : i32
      %lt3A_2813 = arith.constant 0 : i32
      %lt3A_2814 = arith.cmpi slt, %select_n3A_2807, %lt3A_2813 : i32
      %ne3A_2815 = arith.xori %lt3A_2812, %lt3A_2814 : i1
      %and3A_2816 = arith.andi %ne3A_2815, %ne3A_2810 : i1
      %add3A_2817 = arith.addi %rem3A_2808, %select_n3A_2807 : i32
      %select_n3A_2818 = arith.select %and3A_2816, %add3A_2817, %rem3A_2808 : i32
      %broadcast_in_dim3A_2819 = vector.broadcast %select_n3A_2818 : i32 to vector<16xi32>
      %gather3A_2820 = arith.constant 0 : i32
      %gather3A_2821 = arith.constant 3 : i32
      %gather3A_2822 = arith.constant 0 : i32
      %gather3A_2823 = arith.constant 0 : i32
      %gather3A_2824 = tpu.memref_slice %arg10[%gather3A_2820, %gather3A_2821, %gather3A_2822, %gather3A_2823] : memref<2x4x32x128xf32, #tpu.memory_space<vmem>> -> memref<1x1x32x128xf32, #tpu.memory_space<vmem>>
      %gather3A_2825 = tpu.memref_squeeze %gather3A_2824 : memref<1x1x32x128xf32, #tpu.memory_space<vmem>> -> memref<32x128xf32, #tpu.memory_space<vmem>>
      %gather3A_2826 = tpu.vector_load_idx %gather3A_2825[%iota3A, %broadcast_in_dim3A_2800] : memref<32x128xf32, #tpu.memory_space<vmem>>[vector<16xi32>, vector<16xi32>], vector<16xf32>,
      %swap3A_2827 = arith.constant 11 : i32
      %swap3A_2828 = arith.index_cast %swap3A_2827 : i32 to index
      %swap3A_2829 = arith.constant 0 : index
      %swap3A_2830 = tpu.vector_load %arg12[%swap3A_2828, %swap3A_2829] {strides = array<i32>} : memref<16x32xf32, #tpu.memory_space<vmem>>, vector<16xf32>,
      tpu.vector_store %arg12[%swap3A_2828, %swap3A_2829], %gather3A_2826 {strides = array<i32>} : memref<16x32xf32, #tpu.memory_space<vmem>>, vector<16xf32>,
      %gather3A_2831 = arith.constant 0 : i32
      %gather3A_2832 = arith.constant 3 : i32
      %gather3A_2833 = arith.constant 0 : i32
      %gather3A_2834 = arith.constant 0 : i32
      %gather3A_2835 = tpu.memref_slice %arg10[%gather3A_2831, %gather3A_2832, %gather3A_2833, %gather3A_2834] : memref<2x4x32x128xf32, #tpu.memory_space<vmem>> -> memref<1x1x32x128xf32, #tpu.memory_space<vmem>>
      %gather3A_2836 = tpu.memref_squeeze %gather3A_2835 : memref<1x1x32x128xf32, #tpu.memory_space<vmem>> -> memref<32x128xf32, #tpu.memory_space<vmem>>
      %gather3A_2837 = tpu.vector_load_idx %gather3A_2836[%add3A_11, %broadcast_in_dim3A_2800] : memref<32x128xf32, #tpu.memory_space<vmem>>[vector<16xi32>, vector<16xi32>], vector<16xf32>,
      %swap3A_2838 = arith.constant 11 : i32
      %swap3A_2839 = arith.index_cast %swap3A_2838 : i32 to index
      %swap3A_2840 = arith.constant 16 : index
      %swap3A_2841 = tpu.vector_load %arg12[%swap3A_2839, %swap3A_2840] {strides = array<i32>} : memref<16x32xf32, #tpu.memory_space<vmem>>, vector<16xf32>,
      tpu.vector_store %arg12[%swap3A_2839, %swap3A_2840], %gather3A_2837 {strides = array<i32>} : memref<16x32xf32, #tpu.memory_space<vmem>>, vector<16xf32>,
      %gather3A_2842 = arith.constant 0 : i32
      %gather3A_2843 = arith.constant 3 : i32
      %gather3A_2844 = arith.constant 0 : i32
      %gather3A_2845 = arith.constant 0 : i32
      %gather3A_2846 = tpu.memref_slice %arg11[%gather3A_2842, %gather3A_2843, %gather3A_2844, %gather3A_2845] : memref<2x4x32x128xf32, #tpu.memory_space<vmem>> -> memref<1x1x32x128xf32, #tpu.memory_space<vmem>>
      %gather3A_2847 = tpu.memref_squeeze %gather3A_2846 : memref<1x1x32x128xf32, #tpu.memory_space<vmem>> -> memref<32x128xf32, #tpu.memory_space<vmem>>
      %gather3A_2848 = tpu.vector_load_idx %gather3A_2847[%iota3A, %broadcast_in_dim3A_2819] : memref<32x128xf32, #tpu.memory_space<vmem>>[vector<16xi32>, vector<16xi32>], vector<16xf32>,
      %swap3A_2849 = arith.constant 11 : i32
      %swap3A_2850 = arith.index_cast %swap3A_2849 : i32 to index
      %swap3A_2851 = arith.constant 0 : index
      %swap3A_2852 = tpu.vector_load %arg13[%swap3A_2850, %swap3A_2851] {strides = array<i32>} : memref<16x32xf32, #tpu.memory_space<vmem>>, vector<16xf32>,
      tpu.vector_store %arg13[%swap3A_2850, %swap3A_2851], %gather3A_2848 {strides = array<i32>} : memref<16x32xf32, #tpu.memory_space<vmem>>, vector<16xf32>,
      %gather3A_2853 = arith.constant 0 : i32
      %gather3A_2854 = arith.constant 3 : i32
      %gather3A_2855 = arith.constant 0 : i32
      %gather3A_2856 = arith.constant 0 : i32
      %gather3A_2857 = tpu.memref_slice %arg11[%gather3A_2853, %gather3A_2854, %gather3A_2855, %gather3A_2856] : memref<2x4x32x128xf32, #tpu.memory_space<vmem>> -> memref<1x1x32x128xf32, #tpu.memory_space<vmem>>
      %gather3A_2858 = tpu.memref_squeeze %gather3A_2857 : memref<1x1x32x128xf32, #tpu.memory_space<vmem>> -> memref<32x128xf32, #tpu.memory_space<vmem>>
      %gather3A_2859 = tpu.vector_load_idx %gather3A_2858[%add3A_11, %broadcast_in_dim3A_2819] : memref<32x128xf32, #tpu.memory_space<vmem>>[vector<16xi32>, vector<16xi32>], vector<16xf32>,
      %swap3A_2860 = arith.constant 11 : i32
      %swap3A_2861 = arith.index_cast %swap3A_2860 : i32 to index
      %swap3A_2862 = arith.constant 16 : index
      %swap3A_2863 = tpu.vector_load %arg13[%swap3A_2861, %swap3A_2862] {strides = array<i32>} : memref<16x32xf32, #tpu.memory_space<vmem>>, vector<16xf32>,
      tpu.vector_store %arg13[%swap3A_2861, %swap3A_2862], %gather3A_2859 {strides = array<i32>} : memref<16x32xf32, #tpu.memory_space<vmem>>, vector<16xf32>,
      %dma_wait3A_2864 = arith.constant 1 : i32
      %dma_wait3A_2865 = arith.constant 0 : i32
      %dma_wait3A_2866 = arith.constant 0 : i32
      %dma_wait3A_2867 = arith.constant 0 : i32
      %dma_wait3A_2868 = tpu.memref_slice %arg10[%dma_wait3A_2864, %dma_wait3A_2865, %dma_wait3A_2866, %dma_wait3A_2867] : memref<2x4x32x128xf32, #tpu.memory_space<vmem>> -> memref<1x1x32x128xf32, #tpu.memory_space<vmem>>
      %dma_wait3A_2869 = tpu.memref_squeeze %dma_wait3A_2868 : memref<1x1x32x128xf32, #tpu.memory_space<vmem>> -> memref<32x128xf32, #tpu.memory_space<vmem>>
      %dma_wait3A_2870 = arith.constant 0 : i32
      %dma_wait3A_2871 = arith.constant 0 : i32
      %dma_wait3A_2872 = tpu.memref_slice %arg4[%dma_wait3A_2870, %dma_wait3A_2871] : memref<32x1000000xf32, #tpu.memory_space<hbm>> -> memref<32x128xf32, #tpu.memory_space<hbm>>
      %dma_wait3A_2873 = arith.constant 0 : i32
      %dma_wait3A_2874 = arith.constant 0 : i32
      %dma_wait3A_2875 = tpu.memref_slice %arg10[%dma_wait3A_2864, %dma_wait3A_2865, %dma_wait3A_2873, %dma_wait3A_2874] : memref<2x4x32x128xf32, #tpu.memory_space<vmem>> -> memref<1x1x32x128xf32, #tpu.memory_space<vmem>>
      %dma_wait3A_2876 = tpu.memref_squeeze %dma_wait3A_2875 : memref<1x1x32x128xf32, #tpu.memory_space<vmem>> -> memref<32x128xf32, #tpu.memory_space<vmem>>
      %dma_wait3A_2877 = arith.constant 0 : i32
      %dma_wait3A_2878 = arith.constant 0 : i32
      %dma_wait3A_2879 = tpu.memref_slice %arg4[%dma_wait3A_2877, %dma_wait3A_2878] : memref<32x1000000xf32, #tpu.memory_space<hbm>> -> memref<32x128xf32, #tpu.memory_space<hbm>>
      tpu.wait_dma2 semaphore(%arg18 : memref<!tpu.dma_semaphore, #tpu.memory_space<semaphore_mem>>) src(%dma_wait3A_2879 : memref<32x128xf32, #tpu.memory_space<hbm>>) dst(%dma_wait3A_2876 : memref<32x128xf32, #tpu.memory_space<vmem>>)
      %dma_wait3A_2880 = arith.constant 1 : i32
      %dma_wait3A_2881 = arith.constant 0 : i32
      %dma_wait3A_2882 = arith.constant 0 : i32
      %dma_wait3A_2883 = arith.constant 0 : i32
      %dma_wait3A_2884 = tpu.memref_slice %arg11[%dma_wait3A_2880, %dma_wait3A_2881, %dma_wait3A_2882, %dma_wait3A_2883] : memref<2x4x32x128xf32, #tpu.memory_space<vmem>> -> memref<1x1x32x128xf32, #tpu.memory_space<vmem>>
      %dma_wait3A_2885 = tpu.memref_squeeze %dma_wait3A_2884 : memref<1x1x32x128xf32, #tpu.memory_space<vmem>> -> memref<32x128xf32, #tpu.memory_space<vmem>>
      %dma_wait3A_2886 = arith.constant 0 : i32
      %dma_wait3A_2887 = arith.constant 0 : i32
      %dma_wait3A_2888 = tpu.memref_slice %arg4[%dma_wait3A_2886, %dma_wait3A_2887] : memref<32x1000000xf32, #tpu.memory_space<hbm>> -> memref<32x128xf32, #tpu.memory_space<hbm>>
      %dma_wait3A_2889 = arith.constant 0 : i32
      %dma_wait3A_2890 = arith.constant 0 : i32
      %dma_wait3A_2891 = tpu.memref_slice %arg11[%dma_wait3A_2880, %dma_wait3A_2881, %dma_wait3A_2889, %dma_wait3A_2890] : memref<2x4x32x128xf32, #tpu.memory_space<vmem>> -> memref<1x1x32x128xf32, #tpu.memory_space<vmem>>
      %dma_wait3A_2892 = tpu.memref_squeeze %dma_wait3A_2891 : memref<1x1x32x128xf32, #tpu.memory_space<vmem>> -> memref<32x128xf32, #tpu.memory_space<vmem>>
      %dma_wait3A_2893 = arith.constant 0 : i32
      %dma_wait3A_2894 = arith.constant 0 : i32
      %dma_wait3A_2895 = tpu.memref_slice %arg4[%dma_wait3A_2893, %dma_wait3A_2894] : memref<32x1000000xf32, #tpu.memory_space<hbm>> -> memref<32x128xf32, #tpu.memory_space<hbm>>
      tpu.wait_dma2 semaphore(%arg18 : memref<!tpu.dma_semaphore, #tpu.memory_space<semaphore_mem>>) src(%dma_wait3A_2895 : memref<32x128xf32, #tpu.memory_space<hbm>>) dst(%dma_wait3A_2892 : memref<32x128xf32, #tpu.memory_space<vmem>>)
      %dma_wait3A_2896 = arith.constant 1 : i32
      %dma_wait3A_2897 = arith.constant 1 : i32
      %dma_wait3A_2898 = arith.constant 0 : i32
      %dma_wait3A_2899 = arith.constant 0 : i32
      %dma_wait3A_2900 = tpu.memref_slice %arg10[%dma_wait3A_2896, %dma_wait3A_2897, %dma_wait3A_2898, %dma_wait3A_2899] : memref<2x4x32x128xf32, #tpu.memory_space<vmem>> -> memref<1x1x32x128xf32, #tpu.memory_space<vmem>>
      %dma_wait3A_2901 = tpu.memref_squeeze %dma_wait3A_2900 : memref<1x1x32x128xf32, #tpu.memory_space<vmem>> -> memref<32x128xf32, #tpu.memory_space<vmem>>
      %dma_wait3A_2902 = arith.constant 0 : i32
      %dma_wait3A_2903 = arith.constant 0 : i32
      %dma_wait3A_2904 = tpu.memref_slice %arg4[%dma_wait3A_2902, %dma_wait3A_2903] : memref<32x1000000xf32, #tpu.memory_space<hbm>> -> memref<32x128xf32, #tpu.memory_space<hbm>>
      %dma_wait3A_2905 = arith.constant 0 : i32
      %dma_wait3A_2906 = arith.constant 0 : i32
      %dma_wait3A_2907 = tpu.memref_slice %arg10[%dma_wait3A_2896, %dma_wait3A_2897, %dma_wait3A_2905, %dma_wait3A_2906] : memref<2x4x32x128xf32, #tpu.memory_space<vmem>> -> memref<1x1x32x128xf32, #tpu.memory_space<vmem>>
      %dma_wait3A_2908 = tpu.memref_squeeze %dma_wait3A_2907 : memref<1x1x32x128xf32, #tpu.memory_space<vmem>> -> memref<32x128xf32, #tpu.memory_space<vmem>>
      %dma_wait3A_2909 = arith.constant 0 : i32
      %dma_wait3A_2910 = arith.constant 0 : i32
      %dma_wait3A_2911 = tpu.memref_slice %arg4[%dma_wait3A_2909, %dma_wait3A_2910] : memref<32x1000000xf32, #tpu.memory_space<hbm>> -> memref<32x128xf32, #tpu.memory_space<hbm>>
      tpu.wait_dma2 semaphore(%arg18 : memref<!tpu.dma_semaphore, #tpu.memory_space<semaphore_mem>>) src(%dma_wait3A_2911 : memref<32x128xf32, #tpu.memory_space<hbm>>) dst(%dma_wait3A_2908 : memref<32x128xf32, #tpu.memory_space<vmem>>)
      %dma_wait3A_2912 = arith.constant 1 : i32
      %dma_wait3A_2913 = arith.constant 1 : i32
      %dma_wait3A_2914 = arith.constant 0 : i32
      %dma_wait3A_2915 = arith.constant 0 : i32
      %dma_wait3A_2916 = tpu.memref_slice %arg11[%dma_wait3A_2912, %dma_wait3A_2913, %dma_wait3A_2914, %dma_wait3A_2915] : memref<2x4x32x128xf32, #tpu.memory_space<vmem>> -> memref<1x1x32x128xf32, #tpu.memory_space<vmem>>
      %dma_wait3A_2917 = tpu.memref_squeeze %dma_wait3A_2916 : memref<1x1x32x128xf32, #tpu.memory_space<vmem>> -> memref<32x128xf32, #tpu.memory_space<vmem>>
      %dma_wait3A_2918 = arith.constant 0 : i32
      %dma_wait3A_2919 = arith.constant 0 : i32
      %dma_wait3A_2920 = tpu.memref_slice %arg4[%dma_wait3A_2918, %dma_wait3A_2919] : memref<32x1000000xf32, #tpu.memory_space<hbm>> -> memref<32x128xf32, #tpu.memory_space<hbm>>
      %dma_wait3A_2921 = arith.constant 0 : i32
      %dma_wait3A_2922 = arith.constant 0 : i32
      %dma_wait3A_2923 = tpu.memref_slice %arg11[%dma_wait3A_2912, %dma_wait3A_2913, %dma_wait3A_2921, %dma_wait3A_2922] : memref<2x4x32x128xf32, #tpu.memory_space<vmem>> -> memref<1x1x32x128xf32, #tpu.memory_space<vmem>>
      %dma_wait3A_2924 = tpu.memref_squeeze %dma_wait3A_2923 : memref<1x1x32x128xf32, #tpu.memory_space<vmem>> -> memref<32x128xf32, #tpu.memory_space<vmem>>
      %dma_wait3A_2925 = arith.constant 0 : i32
      %dma_wait3A_2926 = arith.constant 0 : i32
      %dma_wait3A_2927 = tpu.memref_slice %arg4[%dma_wait3A_2925, %dma_wait3A_2926] : memref<32x1000000xf32, #tpu.memory_space<hbm>> -> memref<32x128xf32, #tpu.memory_space<hbm>>
      tpu.wait_dma2 semaphore(%arg18 : memref<!tpu.dma_semaphore, #tpu.memory_space<semaphore_mem>>) src(%dma_wait3A_2927 : memref<32x128xf32, #tpu.memory_space<hbm>>) dst(%dma_wait3A_2924 : memref<32x128xf32, #tpu.memory_space<vmem>>)
      %dma_wait3A_2928 = arith.constant 1 : i32
      %dma_wait3A_2929 = arith.constant 2 : i32
      %dma_wait3A_2930 = arith.constant 0 : i32
      %dma_wait3A_2931 = arith.constant 0 : i32
      %dma_wait3A_2932 = tpu.memref_slice %arg10[%dma_wait3A_2928, %dma_wait3A_2929, %dma_wait3A_2930, %dma_wait3A_2931] : memref<2x4x32x128xf32, #tpu.memory_space<vmem>> -> memref<1x1x32x128xf32, #tpu.memory_space<vmem>>
      %dma_wait3A_2933 = tpu.memref_squeeze %dma_wait3A_2932 : memref<1x1x32x128xf32, #tpu.memory_space<vmem>> -> memref<32x128xf32, #tpu.memory_space<vmem>>
      %dma_wait3A_2934 = arith.constant 0 : i32
      %dma_wait3A_2935 = arith.constant 0 : i32
      %dma_wait3A_2936 = tpu.memref_slice %arg4[%dma_wait3A_2934, %dma_wait3A_2935] : memref<32x1000000xf32, #tpu.memory_space<hbm>> -> memref<32x128xf32, #tpu.memory_space<hbm>>
      %dma_wait3A_2937 = arith.constant 0 : i32
      %dma_wait3A_2938 = arith.constant 0 : i32
      %dma_wait3A_2939 = tpu.memref_slice %arg10[%dma_wait3A_2928, %dma_wait3A_2929, %dma_wait3A_2937, %dma_wait3A_2938] : memref<2x4x32x128xf32, #tpu.memory_space<vmem>> -> memref<1x1x32x128xf32, #tpu.memory_space<vmem>>
      %dma_wait3A_2940 = tpu.memref_squeeze %dma_wait3A_2939 : memref<1x1x32x128xf32, #tpu.memory_space<vmem>> -> memref<32x128xf32, #tpu.memory_space<vmem>>
      %dma_wait3A_2941 = arith.constant 0 : i32
      %dma_wait3A_2942 = arith.constant 0 : i32
      %dma_wait3A_2943 = tpu.memref_slice %arg4[%dma_wait3A_2941, %dma_wait3A_2942] : memref<32x1000000xf32, #tpu.memory_space<hbm>> -> memref<32x128xf32, #tpu.memory_space<hbm>>
      tpu.wait_dma2 semaphore(%arg18 : memref<!tpu.dma_semaphore, #tpu.memory_space<semaphore_mem>>) src(%dma_wait3A_2943 : memref<32x128xf32, #tpu.memory_space<hbm>>) dst(%dma_wait3A_2940 : memref<32x128xf32, #tpu.memory_space<vmem>>)
      %dma_wait3A_2944 = arith.constant 1 : i32
      %dma_wait3A_2945 = arith.constant 2 : i32
      %dma_wait3A_2946 = arith.constant 0 : i32
      %dma_wait3A_2947 = arith.constant 0 : i32
      %dma_wait3A_2948 = tpu.memref_slice %arg11[%dma_wait3A_2944, %dma_wait3A_2945, %dma_wait3A_2946, %dma_wait3A_2947] : memref<2x4x32x128xf32, #tpu.memory_space<vmem>> -> memref<1x1x32x128xf32, #tpu.memory_space<vmem>>
      %dma_wait3A_2949 = tpu.memref_squeeze %dma_wait3A_2948 : memref<1x1x32x128xf32, #tpu.memory_space<vmem>> -> memref<32x128xf32, #tpu.memory_space<vmem>>
      %dma_wait3A_2950 = arith.constant 0 : i32
      %dma_wait3A_2951 = arith.constant 0 : i32
      %dma_wait3A_2952 = tpu.memref_slice %arg4[%dma_wait3A_2950, %dma_wait3A_2951] : memref<32x1000000xf32, #tpu.memory_space<hbm>> -> memref<32x128xf32, #tpu.memory_space<hbm>>
      %dma_wait3A_2953 = arith.constant 0 : i32
      %dma_wait3A_2954 = arith.constant 0 : i32
      %dma_wait3A_2955 = tpu.memref_slice %arg11[%dma_wait3A_2944, %dma_wait3A_2945, %dma_wait3A_2953, %dma_wait3A_2954] : memref<2x4x32x128xf32, #tpu.memory_space<vmem>> -> memref<1x1x32x128xf32, #tpu.memory_space<vmem>>
      %dma_wait3A_2956 = tpu.memref_squeeze %dma_wait3A_2955 : memref<1x1x32x128xf32, #tpu.memory_space<vmem>> -> memref<32x128xf32, #tpu.memory_space<vmem>>
      %dma_wait3A_2957 = arith.constant 0 : i32
      %dma_wait3A_2958 = arith.constant 0 : i32
      %dma_wait3A_2959 = tpu.memref_slice %arg4[%dma_wait3A_2957, %dma_wait3A_2958] : memref<32x1000000xf32, #tpu.memory_space<hbm>> -> memref<32x128xf32, #tpu.memory_space<hbm>>
      tpu.wait_dma2 semaphore(%arg18 : memref<!tpu.dma_semaphore, #tpu.memory_space<semaphore_mem>>) src(%dma_wait3A_2959 : memref<32x128xf32, #tpu.memory_space<hbm>>) dst(%dma_wait3A_2956 : memref<32x128xf32, #tpu.memory_space<vmem>>)
      %dma_wait3A_2960 = arith.constant 1 : i32
      %dma_wait3A_2961 = arith.constant 3 : i32
      %dma_wait3A_2962 = arith.constant 0 : i32
      %dma_wait3A_2963 = arith.constant 0 : i32
      %dma_wait3A_2964 = tpu.memref_slice %arg10[%dma_wait3A_2960, %dma_wait3A_2961, %dma_wait3A_2962, %dma_wait3A_2963] : memref<2x4x32x128xf32, #tpu.memory_space<vmem>> -> memref<1x1x32x128xf32, #tpu.memory_space<vmem>>
      %dma_wait3A_2965 = tpu.memref_squeeze %dma_wait3A_2964 : memref<1x1x32x128xf32, #tpu.memory_space<vmem>> -> memref<32x128xf32, #tpu.memory_space<vmem>>
      %dma_wait3A_2966 = arith.constant 0 : i32
      %dma_wait3A_2967 = arith.constant 0 : i32
      %dma_wait3A_2968 = tpu.memref_slice %arg4[%dma_wait3A_2966, %dma_wait3A_2967] : memref<32x1000000xf32, #tpu.memory_space<hbm>> -> memref<32x128xf32, #tpu.memory_space<hbm>>
      %dma_wait3A_2969 = arith.constant 0 : i32
      %dma_wait3A_2970 = arith.constant 0 : i32
      %dma_wait3A_2971 = tpu.memref_slice %arg10[%dma_wait3A_2960, %dma_wait3A_2961, %dma_wait3A_2969, %dma_wait3A_2970] : memref<2x4x32x128xf32, #tpu.memory_space<vmem>> -> memref<1x1x32x128xf32, #tpu.memory_space<vmem>>
      %dma_wait3A_2972 = tpu.memref_squeeze %dma_wait3A_2971 : memref<1x1x32x128xf32, #tpu.memory_space<vmem>> -> memref<32x128xf32, #tpu.memory_space<vmem>>
      %dma_wait3A_2973 = arith.constant 0 : i32
      %dma_wait3A_2974 = arith.constant 0 : i32
      %dma_wait3A_2975 = tpu.memref_slice %arg4[%dma_wait3A_2973, %dma_wait3A_2974] : memref<32x1000000xf32, #tpu.memory_space<hbm>> -> memref<32x128xf32, #tpu.memory_space<hbm>>
      tpu.wait_dma2 semaphore(%arg18 : memref<!tpu.dma_semaphore, #tpu.memory_space<semaphore_mem>>) src(%dma_wait3A_2975 : memref<32x128xf32, #tpu.memory_space<hbm>>) dst(%dma_wait3A_2972 : memref<32x128xf32, #tpu.memory_space<vmem>>)
      %dma_wait3A_2976 = arith.constant 1 : i32
      %dma_wait3A_2977 = arith.constant 3 : i32
      %dma_wait3A_2978 = arith.constant 0 : i32
      %dma_wait3A_2979 = arith.constant 0 : i32
      %dma_wait3A_2980 = tpu.memref_slice %arg11[%dma_wait3A_2976, %dma_wait3A_2977, %dma_wait3A_2978, %dma_wait3A_2979] : memref<2x4x32x128xf32, #tpu.memory_space<vmem>> -> memref<1x1x32x128xf32, #tpu.memory_space<vmem>>
      %dma_wait3A_2981 = tpu.memref_squeeze %dma_wait3A_2980 : memref<1x1x32x128xf32, #tpu.memory_space<vmem>> -> memref<32x128xf32, #tpu.memory_space<vmem>>
      %dma_wait3A_2982 = arith.constant 0 : i32
      %dma_wait3A_2983 = arith.constant 0 : i32
      %dma_wait3A_2984 = tpu.memref_slice %arg4[%dma_wait3A_2982, %dma_wait3A_2983] : memref<32x1000000xf32, #tpu.memory_space<hbm>> -> memref<32x128xf32, #tpu.memory_space<hbm>>
      %dma_wait3A_2985 = arith.constant 0 : i32
      %dma_wait3A_2986 = arith.constant 0 : i32
      %dma_wait3A_2987 = tpu.memref_slice %arg11[%dma_wait3A_2976, %dma_wait3A_2977, %dma_wait3A_2985, %dma_wait3A_2986] : memref<2x4x32x128xf32, #tpu.memory_space<vmem>> -> memref<1x1x32x128xf32, #tpu.memory_space<vmem>>
      %dma_wait3A_2988 = tpu.memref_squeeze %dma_wait3A_2987 : memref<1x1x32x128xf32, #tpu.memory_space<vmem>> -> memref<32x128xf32, #tpu.memory_space<vmem>>
      %dma_wait3A_2989 = arith.constant 0 : i32
      %dma_wait3A_2990 = arith.constant 0 : i32
      %dma_wait3A_2991 = tpu.memref_slice %arg4[%dma_wait3A_2989, %dma_wait3A_2990] : memref<32x1000000xf32, #tpu.memory_space<hbm>> -> memref<32x128xf32, #tpu.memory_space<hbm>>
      tpu.wait_dma2 semaphore(%arg18 : memref<!tpu.dma_semaphore, #tpu.memory_space<semaphore_mem>>) src(%dma_wait3A_2991 : memref<32x128xf32, #tpu.memory_space<hbm>>) dst(%dma_wait3A_2988 : memref<32x128xf32, #tpu.memory_space<vmem>>)
      %slice3A_2992 = vector.extract_strided_slice %get3A_128 {offsets = [12], sizes = [1], strides = [1]} : vector<16xi32> to vector<1xi32>
      %squeeze3A_2993 = vector.extract %slice3A_2992[0] : i32 from vector<1xi32>
      %jit3A_2994 = arith.constant 128 : i32
      %eq3A_2995 = arith.constant 0 : i32
      %eq3A_2996 = arith.cmpi eq, %jit3A_2994, %eq3A_2995 : i32
      %jit3A_2997 = arith.constant 1 : i32
      %select_n3A_2998 = arith.select %eq3A_2996, %jit3A_2997, %jit3A_2994 : i32
      %rem3A_2999 = arith.remsi %squeeze3A_2993, %select_n3A_2998 : i32
      %ne3A_3000 = arith.constant 0 : i32
      %ne3A_3001 = arith.cmpi ne, %rem3A_2999, %ne3A_3000 : i32
      %lt3A_3002 = arith.constant 0 : i32
      %lt3A_3003 = arith.cmpi slt, %rem3A_2999, %lt3A_3002 : i32
      %lt3A_3004 = arith.constant 0 : i32
      %lt3A_3005 = arith.cmpi slt, %select_n3A_2998, %lt3A_3004 : i32
      %ne3A_3006 = arith.xori %lt3A_3003, %lt3A_3005 : i1
      %and3A_3007 = arith.andi %ne3A_3006, %ne3A_3001 : i1
      %add3A_3008 = arith.addi %rem3A_2999, %select_n3A_2998 : i32
      %select_n3A_3009 = arith.select %and3A_3007, %add3A_3008, %rem3A_2999 : i32
      %broadcast_in_dim3A_3010 = vector.broadcast %select_n3A_3009 : i32 to vector<16xi32>
      %slice3A_3011 = vector.extract_strided_slice %get3A_132 {offsets = [12], sizes = [1], strides = [1]} : vector<16xi32> to vector<1xi32>
      %squeeze3A_3012 = vector.extract %slice3A_3011[0] : i32 from vector<1xi32>
      %jit3A_3013 = arith.constant 128 : i32
      %eq3A_3014 = arith.constant 0 : i32
      %eq3A_3015 = arith.cmpi eq, %jit3A_3013, %eq3A_3014 : i32
      %jit3A_3016 = arith.constant 1 : i32
      %select_n3A_3017 = arith.select %eq3A_3015, %jit3A_3016, %jit3A_3013 : i32
      %rem3A_3018 = arith.remsi %squeeze3A_3012, %select_n3A_3017 : i32
      %ne3A_3019 = arith.constant 0 : i32
      %ne3A_3020 = arith.cmpi ne, %rem3A_3018, %ne3A_3019 : i32
      %lt3A_3021 = arith.constant 0 : i32
      %lt3A_3022 = arith.cmpi slt, %rem3A_3018, %lt3A_3021 : i32
      %lt3A_3023 = arith.constant 0 : i32
      %lt3A_3024 = arith.cmpi slt, %select_n3A_3017, %lt3A_3023 : i32
      %ne3A_3025 = arith.xori %lt3A_3022, %lt3A_3024 : i1
      %and3A_3026 = arith.andi %ne3A_3025, %ne3A_3020 : i1
      %add3A_3027 = arith.addi %rem3A_3018, %select_n3A_3017 : i32
      %select_n3A_3028 = arith.select %and3A_3026, %add3A_3027, %rem3A_3018 : i32
      %broadcast_in_dim3A_3029 = vector.broadcast %select_n3A_3028 : i32 to vector<16xi32>
      %gather3A_3030 = arith.constant 1 : i32
      %gather3A_3031 = arith.constant 0 : i32
      %gather3A_3032 = arith.constant 0 : i32
      %gather3A_3033 = arith.constant 0 : i32
      %gather3A_3034 = tpu.memref_slice %arg10[%gather3A_3030, %gather3A_3031, %gather3A_3032, %gather3A_3033] : memref<2x4x32x128xf32, #tpu.memory_space<vmem>> -> memref<1x1x32x128xf32, #tpu.memory_space<vmem>>
      %gather3A_3035 = tpu.memref_squeeze %gather3A_3034 : memref<1x1x32x128xf32, #tpu.memory_space<vmem>> -> memref<32x128xf32, #tpu.memory_space<vmem>>
      %gather3A_3036 = tpu.vector_load_idx %gather3A_3035[%iota3A, %broadcast_in_dim3A_3010] : memref<32x128xf32, #tpu.memory_space<vmem>>[vector<16xi32>, vector<16xi32>], vector<16xf32>,
      %swap3A_3037 = arith.constant 12 : i32
      %swap3A_3038 = arith.index_cast %swap3A_3037 : i32 to index
      %swap3A_3039 = arith.constant 0 : index
      %swap3A_3040 = tpu.vector_load %arg12[%swap3A_3038, %swap3A_3039] {strides = array<i32>} : memref<16x32xf32, #tpu.memory_space<vmem>>, vector<16xf32>,
      tpu.vector_store %arg12[%swap3A_3038, %swap3A_3039], %gather3A_3036 {strides = array<i32>} : memref<16x32xf32, #tpu.memory_space<vmem>>, vector<16xf32>,
      %gather3A_3041 = arith.constant 1 : i32
      %gather3A_3042 = arith.constant 0 : i32
      %gather3A_3043 = arith.constant 0 : i32
      %gather3A_3044 = arith.constant 0 : i32
      %gather3A_3045 = tpu.memref_slice %arg10[%gather3A_3041, %gather3A_3042, %gather3A_3043, %gather3A_3044] : memref<2x4x32x128xf32, #tpu.memory_space<vmem>> -> memref<1x1x32x128xf32, #tpu.memory_space<vmem>>
      %gather3A_3046 = tpu.memref_squeeze %gather3A_3045 : memref<1x1x32x128xf32, #tpu.memory_space<vmem>> -> memref<32x128xf32, #tpu.memory_space<vmem>>
      %gather3A_3047 = tpu.vector_load_idx %gather3A_3046[%add3A_11, %broadcast_in_dim3A_3010] : memref<32x128xf32, #tpu.memory_space<vmem>>[vector<16xi32>, vector<16xi32>], vector<16xf32>,
      %swap3A_3048 = arith.constant 12 : i32
      %swap3A_3049 = arith.index_cast %swap3A_3048 : i32 to index
      %swap3A_3050 = arith.constant 16 : index
      %swap3A_3051 = tpu.vector_load %arg12[%swap3A_3049, %swap3A_3050] {strides = array<i32>} : memref<16x32xf32, #tpu.memory_space<vmem>>, vector<16xf32>,
      tpu.vector_store %arg12[%swap3A_3049, %swap3A_3050], %gather3A_3047 {strides = array<i32>} : memref<16x32xf32, #tpu.memory_space<vmem>>, vector<16xf32>,
      %gather3A_3052 = arith.constant 1 : i32
      %gather3A_3053 = arith.constant 0 : i32
      %gather3A_3054 = arith.constant 0 : i32
      %gather3A_3055 = arith.constant 0 : i32
      %gather3A_3056 = tpu.memref_slice %arg11[%gather3A_3052, %gather3A_3053, %gather3A_3054, %gather3A_3055] : memref<2x4x32x128xf32, #tpu.memory_space<vmem>> -> memref<1x1x32x128xf32, #tpu.memory_space<vmem>>
      %gather3A_3057 = tpu.memref_squeeze %gather3A_3056 : memref<1x1x32x128xf32, #tpu.memory_space<vmem>> -> memref<32x128xf32, #tpu.memory_space<vmem>>
      %gather3A_3058 = tpu.vector_load_idx %gather3A_3057[%iota3A, %broadcast_in_dim3A_3029] : memref<32x128xf32, #tpu.memory_space<vmem>>[vector<16xi32>, vector<16xi32>], vector<16xf32>,
      %swap3A_3059 = arith.constant 12 : i32
      %swap3A_3060 = arith.index_cast %swap3A_3059 : i32 to index
      %swap3A_3061 = arith.constant 0 : index
      %swap3A_3062 = tpu.vector_load %arg13[%swap3A_3060, %swap3A_3061] {strides = array<i32>} : memref<16x32xf32, #tpu.memory_space<vmem>>, vector<16xf32>,
      tpu.vector_store %arg13[%swap3A_3060, %swap3A_3061], %gather3A_3058 {strides = array<i32>} : memref<16x32xf32, #tpu.memory_space<vmem>>, vector<16xf32>,
      %gather3A_3063 = arith.constant 1 : i32
      %gather3A_3064 = arith.constant 0 : i32
      %gather3A_3065 = arith.constant 0 : i32
      %gather3A_3066 = arith.constant 0 : i32
      %gather3A_3067 = tpu.memref_slice %arg11[%gather3A_3063, %gather3A_3064, %gather3A_3065, %gather3A_3066] : memref<2x4x32x128xf32, #tpu.memory_space<vmem>> -> memref<1x1x32x128xf32, #tpu.memory_space<vmem>>
      %gather3A_3068 = tpu.memref_squeeze %gather3A_3067 : memref<1x1x32x128xf32, #tpu.memory_space<vmem>> -> memref<32x128xf32, #tpu.memory_space<vmem>>
      %gather3A_3069 = tpu.vector_load_idx %gather3A_3068[%add3A_11, %broadcast_in_dim3A_3029] : memref<32x128xf32, #tpu.memory_space<vmem>>[vector<16xi32>, vector<16xi32>], vector<16xf32>,
      %swap3A_3070 = arith.constant 12 : i32
      %swap3A_3071 = arith.index_cast %swap3A_3070 : i32 to index
      %swap3A_3072 = arith.constant 16 : index
      %swap3A_3073 = tpu.vector_load %arg13[%swap3A_3071, %swap3A_3072] {strides = array<i32>} : memref<16x32xf32, #tpu.memory_space<vmem>>, vector<16xf32>,
      tpu.vector_store %arg13[%swap3A_3071, %swap3A_3072], %gather3A_3069 {strides = array<i32>} : memref<16x32xf32, #tpu.memory_space<vmem>>, vector<16xf32>,
      %slice3A_3074 = vector.extract_strided_slice %get3A_128 {offsets = [13], sizes = [1], strides = [1]} : vector<16xi32> to vector<1xi32>
      %squeeze3A_3075 = vector.extract %slice3A_3074[0] : i32 from vector<1xi32>
      %jit3A_3076 = arith.constant 128 : i32
      %eq3A_3077 = arith.constant 0 : i32
      %eq3A_3078 = arith.cmpi eq, %jit3A_3076, %eq3A_3077 : i32
      %jit3A_3079 = arith.constant 1 : i32
      %select_n3A_3080 = arith.select %eq3A_3078, %jit3A_3079, %jit3A_3076 : i32
      %rem3A_3081 = arith.remsi %squeeze3A_3075, %select_n3A_3080 : i32
      %ne3A_3082 = arith.constant 0 : i32
      %ne3A_3083 = arith.cmpi ne, %rem3A_3081, %ne3A_3082 : i32
      %lt3A_3084 = arith.constant 0 : i32
      %lt3A_3085 = arith.cmpi slt, %rem3A_3081, %lt3A_3084 : i32
      %lt3A_3086 = arith.constant 0 : i32
      %lt3A_3087 = arith.cmpi slt, %select_n3A_3080, %lt3A_3086 : i32
      %ne3A_3088 = arith.xori %lt3A_3085, %lt3A_3087 : i1
      %and3A_3089 = arith.andi %ne3A_3088, %ne3A_3083 : i1
      %add3A_3090 = arith.addi %rem3A_3081, %select_n3A_3080 : i32
      %select_n3A_3091 = arith.select %and3A_3089, %add3A_3090, %rem3A_3081 : i32
      %broadcast_in_dim3A_3092 = vector.broadcast %select_n3A_3091 : i32 to vector<16xi32>
      %slice3A_3093 = vector.extract_strided_slice %get3A_132 {offsets = [13], sizes = [1], strides = [1]} : vector<16xi32> to vector<1xi32>
      %squeeze3A_3094 = vector.extract %slice3A_3093[0] : i32 from vector<1xi32>
      %jit3A_3095 = arith.constant 128 : i32
      %eq3A_3096 = arith.constant 0 : i32
      %eq3A_3097 = arith.cmpi eq, %jit3A_3095, %eq3A_3096 : i32
      %jit3A_3098 = arith.constant 1 : i32
      %select_n3A_3099 = arith.select %eq3A_3097, %jit3A_3098, %jit3A_3095 : i32
      %rem3A_3100 = arith.remsi %squeeze3A_3094, %select_n3A_3099 : i32
      %ne3A_3101 = arith.constant 0 : i32
      %ne3A_3102 = arith.cmpi ne, %rem3A_3100, %ne3A_3101 : i32
      %lt3A_3103 = arith.constant 0 : i32
      %lt3A_3104 = arith.cmpi slt, %rem3A_3100, %lt3A_3103 : i32
      %lt3A_3105 = arith.constant 0 : i32
      %lt3A_3106 = arith.cmpi slt, %select_n3A_3099, %lt3A_3105 : i32
      %ne3A_3107 = arith.xori %lt3A_3104, %lt3A_3106 : i1
      %and3A_3108 = arith.andi %ne3A_3107, %ne3A_3102 : i1
      %add3A_3109 = arith.addi %rem3A_3100, %select_n3A_3099 : i32
      %select_n3A_3110 = arith.select %and3A_3108, %add3A_3109, %rem3A_3100 : i32
      %broadcast_in_dim3A_3111 = vector.broadcast %select_n3A_3110 : i32 to vector<16xi32>
      %gather3A_3112 = arith.constant 1 : i32
      %gather3A_3113 = arith.constant 1 : i32
      %gather3A_3114 = arith.constant 0 : i32
      %gather3A_3115 = arith.constant 0 : i32
      %gather3A_3116 = tpu.memref_slice %arg10[%gather3A_3112, %gather3A_3113, %gather3A_3114, %gather3A_3115] : memref<2x4x32x128xf32, #tpu.memory_space<vmem>> -> memref<1x1x32x128xf32, #tpu.memory_space<vmem>>
      %gather3A_3117 = tpu.memref_squeeze %gather3A_3116 : memref<1x1x32x128xf32, #tpu.memory_space<vmem>> -> memref<32x128xf32, #tpu.memory_space<vmem>>
      %gather3A_3118 = tpu.vector_load_idx %gather3A_3117[%iota3A, %broadcast_in_dim3A_3092] : memref<32x128xf32, #tpu.memory_space<vmem>>[vector<16xi32>, vector<16xi32>], vector<16xf32>,
      %swap3A_3119 = arith.constant 13 : i32
      %swap3A_3120 = arith.index_cast %swap3A_3119 : i32 to index
      %swap3A_3121 = arith.constant 0 : index
      %swap3A_3122 = tpu.vector_load %arg12[%swap3A_3120, %swap3A_3121] {strides = array<i32>} : memref<16x32xf32, #tpu.memory_space<vmem>>, vector<16xf32>,
      tpu.vector_store %arg12[%swap3A_3120, %swap3A_3121], %gather3A_3118 {strides = array<i32>} : memref<16x32xf32, #tpu.memory_space<vmem>>, vector<16xf32>,
      %gather3A_3123 = arith.constant 1 : i32
      %gather3A_3124 = arith.constant 1 : i32
      %gather3A_3125 = arith.constant 0 : i32
      %gather3A_3126 = arith.constant 0 : i32
      %gather3A_3127 = tpu.memref_slice %arg10[%gather3A_3123, %gather3A_3124, %gather3A_3125, %gather3A_3126] : memref<2x4x32x128xf32, #tpu.memory_space<vmem>> -> memref<1x1x32x128xf32, #tpu.memory_space<vmem>>
      %gather3A_3128 = tpu.memref_squeeze %gather3A_3127 : memref<1x1x32x128xf32, #tpu.memory_space<vmem>> -> memref<32x128xf32, #tpu.memory_space<vmem>>
      %gather3A_3129 = tpu.vector_load_idx %gather3A_3128[%add3A_11, %broadcast_in_dim3A_3092] : memref<32x128xf32, #tpu.memory_space<vmem>>[vector<16xi32>, vector<16xi32>], vector<16xf32>,
      %swap3A_3130 = arith.constant 13 : i32
      %swap3A_3131 = arith.index_cast %swap3A_3130 : i32 to index
      %swap3A_3132 = arith.constant 16 : index
      %swap3A_3133 = tpu.vector_load %arg12[%swap3A_3131, %swap3A_3132] {strides = array<i32>} : memref<16x32xf32, #tpu.memory_space<vmem>>, vector<16xf32>,
      tpu.vector_store %arg12[%swap3A_3131, %swap3A_3132], %gather3A_3129 {strides = array<i32>} : memref<16x32xf32, #tpu.memory_space<vmem>>, vector<16xf32>,
      %gather3A_3134 = arith.constant 1 : i32
      %gather3A_3135 = arith.constant 1 : i32
      %gather3A_3136 = arith.constant 0 : i32
      %gather3A_3137 = arith.constant 0 : i32
      %gather3A_3138 = tpu.memref_slice %arg11[%gather3A_3134, %gather3A_3135, %gather3A_3136, %gather3A_3137] : memref<2x4x32x128xf32, #tpu.memory_space<vmem>> -> memref<1x1x32x128xf32, #tpu.memory_space<vmem>>
      %gather3A_3139 = tpu.memref_squeeze %gather3A_3138 : memref<1x1x32x128xf32, #tpu.memory_space<vmem>> -> memref<32x128xf32, #tpu.memory_space<vmem>>
      %gather3A_3140 = tpu.vector_load_idx %gather3A_3139[%iota3A, %broadcast_in_dim3A_3111] : memref<32x128xf32, #tpu.memory_space<vmem>>[vector<16xi32>, vector<16xi32>], vector<16xf32>,
      %swap3A_3141 = arith.constant 13 : i32
      %swap3A_3142 = arith.index_cast %swap3A_3141 : i32 to index
      %swap3A_3143 = arith.constant 0 : index
      %swap3A_3144 = tpu.vector_load %arg13[%swap3A_3142, %swap3A_3143] {strides = array<i32>} : memref<16x32xf32, #tpu.memory_space<vmem>>, vector<16xf32>,
      tpu.vector_store %arg13[%swap3A_3142, %swap3A_3143], %gather3A_3140 {strides = array<i32>} : memref<16x32xf32, #tpu.memory_space<vmem>>, vector<16xf32>,
      %gather3A_3145 = arith.constant 1 : i32
      %gather3A_3146 = arith.constant 1 : i32
      %gather3A_3147 = arith.constant 0 : i32
      %gather3A_3148 = arith.constant 0 : i32
      %gather3A_3149 = tpu.memref_slice %arg11[%gather3A_3145, %gather3A_3146, %gather3A_3147, %gather3A_3148] : memref<2x4x32x128xf32, #tpu.memory_space<vmem>> -> memref<1x1x32x128xf32, #tpu.memory_space<vmem>>
      %gather3A_3150 = tpu.memref_squeeze %gather3A_3149 : memref<1x1x32x128xf32, #tpu.memory_space<vmem>> -> memref<32x128xf32, #tpu.memory_space<vmem>>
      %gather3A_3151 = tpu.vector_load_idx %gather3A_3150[%add3A_11, %broadcast_in_dim3A_3111] : memref<32x128xf32, #tpu.memory_space<vmem>>[vector<16xi32>, vector<16xi32>], vector<16xf32>,
      %swap3A_3152 = arith.constant 13 : i32
      %swap3A_3153 = arith.index_cast %swap3A_3152 : i32 to index
      %swap3A_3154 = arith.constant 16 : index
      %swap3A_3155 = tpu.vector_load %arg13[%swap3A_3153, %swap3A_3154] {strides = array<i32>} : memref<16x32xf32, #tpu.memory_space<vmem>>, vector<16xf32>,
      tpu.vector_store %arg13[%swap3A_3153, %swap3A_3154], %gather3A_3151 {strides = array<i32>} : memref<16x32xf32, #tpu.memory_space<vmem>>, vector<16xf32>,
      %slice3A_3156 = vector.extract_strided_slice %get3A_128 {offsets = [14], sizes = [1], strides = [1]} : vector<16xi32> to vector<1xi32>
      %squeeze3A_3157 = vector.extract %slice3A_3156[0] : i32 from vector<1xi32>
      %jit3A_3158 = arith.constant 128 : i32
      %eq3A_3159 = arith.constant 0 : i32
      %eq3A_3160 = arith.cmpi eq, %jit3A_3158, %eq3A_3159 : i32
      %jit3A_3161 = arith.constant 1 : i32
      %select_n3A_3162 = arith.select %eq3A_3160, %jit3A_3161, %jit3A_3158 : i32
      %rem3A_3163 = arith.remsi %squeeze3A_3157, %select_n3A_3162 : i32
      %ne3A_3164 = arith.constant 0 : i32
      %ne3A_3165 = arith.cmpi ne, %rem3A_3163, %ne3A_3164 : i32
      %lt3A_3166 = arith.constant 0 : i32
      %lt3A_3167 = arith.cmpi slt, %rem3A_3163, %lt3A_3166 : i32
      %lt3A_3168 = arith.constant 0 : i32
      %lt3A_3169 = arith.cmpi slt, %select_n3A_3162, %lt3A_3168 : i32
      %ne3A_3170 = arith.xori %lt3A_3167, %lt3A_3169 : i1
      %and3A_3171 = arith.andi %ne3A_3170, %ne3A_3165 : i1
      %add3A_3172 = arith.addi %rem3A_3163, %select_n3A_3162 : i32
      %select_n3A_3173 = arith.select %and3A_3171, %add3A_3172, %rem3A_3163 : i32
      %broadcast_in_dim3A_3174 = vector.broadcast %select_n3A_3173 : i32 to vector<16xi32>
      %slice3A_3175 = vector.extract_strided_slice %get3A_132 {offsets = [14], sizes = [1], strides = [1]} : vector<16xi32> to vector<1xi32>
      %squeeze3A_3176 = vector.extract %slice3A_3175[0] : i32 from vector<1xi32>
      %jit3A_3177 = arith.constant 128 : i32
      %eq3A_3178 = arith.constant 0 : i32
      %eq3A_3179 = arith.cmpi eq, %jit3A_3177, %eq3A_3178 : i32
      %jit3A_3180 = arith.constant 1 : i32
      %select_n3A_3181 = arith.select %eq3A_3179, %jit3A_3180, %jit3A_3177 : i32
      %rem3A_3182 = arith.remsi %squeeze3A_3176, %select_n3A_3181 : i32
      %ne3A_3183 = arith.constant 0 : i32
      %ne3A_3184 = arith.cmpi ne, %rem3A_3182, %ne3A_3183 : i32
      %lt3A_3185 = arith.constant 0 : i32
      %lt3A_3186 = arith.cmpi slt, %rem3A_3182, %lt3A_3185 : i32
      %lt3A_3187 = arith.constant 0 : i32
      %lt3A_3188 = arith.cmpi slt, %select_n3A_3181, %lt3A_3187 : i32
      %ne3A_3189 = arith.xori %lt3A_3186, %lt3A_3188 : i1
      %and3A_3190 = arith.andi %ne3A_3189, %ne3A_3184 : i1
      %add3A_3191 = arith.addi %rem3A_3182, %select_n3A_3181 : i32
      %select_n3A_3192 = arith.select %and3A_3190, %add3A_3191, %rem3A_3182 : i32
      %broadcast_in_dim3A_3193 = vector.broadcast %select_n3A_3192 : i32 to vector<16xi32>
      %gather3A_3194 = arith.constant 1 : i32
      %gather3A_3195 = arith.constant 2 : i32
      %gather3A_3196 = arith.constant 0 : i32
      %gather3A_3197 = arith.constant 0 : i32
      %gather3A_3198 = tpu.memref_slice %arg10[%gather3A_3194, %gather3A_3195, %gather3A_3196, %gather3A_3197] : memref<2x4x32x128xf32, #tpu.memory_space<vmem>> -> memref<1x1x32x128xf32, #tpu.memory_space<vmem>>
      %gather3A_3199 = tpu.memref_squeeze %gather3A_3198 : memref<1x1x32x128xf32, #tpu.memory_space<vmem>> -> memref<32x128xf32, #tpu.memory_space<vmem>>
      %gather3A_3200 = tpu.vector_load_idx %gather3A_3199[%iota3A, %broadcast_in_dim3A_3174] : memref<32x128xf32, #tpu.memory_space<vmem>>[vector<16xi32>, vector<16xi32>], vector<16xf32>,
      %swap3A_3201 = arith.constant 14 : i32
      %swap3A_3202 = arith.index_cast %swap3A_3201 : i32 to index
      %swap3A_3203 = arith.constant 0 : index
      %swap3A_3204 = tpu.vector_load %arg12[%swap3A_3202, %swap3A_3203] {strides = array<i32>} : memref<16x32xf32, #tpu.memory_space<vmem>>, vector<16xf32>,
      tpu.vector_store %arg12[%swap3A_3202, %swap3A_3203], %gather3A_3200 {strides = array<i32>} : memref<16x32xf32, #tpu.memory_space<vmem>>, vector<16xf32>,
      %gather3A_3205 = arith.constant 1 : i32
      %gather3A_3206 = arith.constant 2 : i32
      %gather3A_3207 = arith.constant 0 : i32
      %gather3A_3208 = arith.constant 0 : i32
      %gather3A_3209 = tpu.memref_slice %arg10[%gather3A_3205, %gather3A_3206, %gather3A_3207, %gather3A_3208] : memref<2x4x32x128xf32, #tpu.memory_space<vmem>> -> memref<1x1x32x128xf32, #tpu.memory_space<vmem>>
      %gather3A_3210 = tpu.memref_squeeze %gather3A_3209 : memref<1x1x32x128xf32, #tpu.memory_space<vmem>> -> memref<32x128xf32, #tpu.memory_space<vmem>>
      %gather3A_3211 = tpu.vector_load_idx %gather3A_3210[%add3A_11, %broadcast_in_dim3A_3174] : memref<32x128xf32, #tpu.memory_space<vmem>>[vector<16xi32>, vector<16xi32>], vector<16xf32>,
      %swap3A_3212 = arith.constant 14 : i32
      %swap3A_3213 = arith.index_cast %swap3A_3212 : i32 to index
      %swap3A_3214 = arith.constant 16 : index
      %swap3A_3215 = tpu.vector_load %arg12[%swap3A_3213, %swap3A_3214] {strides = array<i32>} : memref<16x32xf32, #tpu.memory_space<vmem>>, vector<16xf32>,
      tpu.vector_store %arg12[%swap3A_3213, %swap3A_3214], %gather3A_3211 {strides = array<i32>} : memref<16x32xf32, #tpu.memory_space<vmem>>, vector<16xf32>,
      %gather3A_3216 = arith.constant 1 : i32
      %gather3A_3217 = arith.constant 2 : i32
      %gather3A_3218 = arith.constant 0 : i32
      %gather3A_3219 = arith.constant 0 : i32
      %gather3A_3220 = tpu.memref_slice %arg11[%gather3A_3216, %gather3A_3217, %gather3A_3218, %gather3A_3219] : memref<2x4x32x128xf32, #tpu.memory_space<vmem>> -> memref<1x1x32x128xf32, #tpu.memory_space<vmem>>
      %gather3A_3221 = tpu.memref_squeeze %gather3A_3220 : memref<1x1x32x128xf32, #tpu.memory_space<vmem>> -> memref<32x128xf32, #tpu.memory_space<vmem>>
      %gather3A_3222 = tpu.vector_load_idx %gather3A_3221[%iota3A, %broadcast_in_dim3A_3193] : memref<32x128xf32, #tpu.memory_space<vmem>>[vector<16xi32>, vector<16xi32>], vector<16xf32>,
      %swap3A_3223 = arith.constant 14 : i32
      %swap3A_3224 = arith.index_cast %swap3A_3223 : i32 to index
      %swap3A_3225 = arith.constant 0 : index
      %swap3A_3226 = tpu.vector_load %arg13[%swap3A_3224, %swap3A_3225] {strides = array<i32>} : memref<16x32xf32, #tpu.memory_space<vmem>>, vector<16xf32>,
      tpu.vector_store %arg13[%swap3A_3224, %swap3A_3225], %gather3A_3222 {strides = array<i32>} : memref<16x32xf32, #tpu.memory_space<vmem>>, vector<16xf32>,
      %gather3A_3227 = arith.constant 1 : i32
      %gather3A_3228 = arith.constant 2 : i32
      %gather3A_3229 = arith.constant 0 : i32
      %gather3A_3230 = arith.constant 0 : i32
      %gather3A_3231 = tpu.memref_slice %arg11[%gather3A_3227, %gather3A_3228, %gather3A_3229, %gather3A_3230] : memref<2x4x32x128xf32, #tpu.memory_space<vmem>> -> memref<1x1x32x128xf32, #tpu.memory_space<vmem>>
      %gather3A_3232 = tpu.memref_squeeze %gather3A_3231 : memref<1x1x32x128xf32, #tpu.memory_space<vmem>> -> memref<32x128xf32, #tpu.memory_space<vmem>>
      %gather3A_3233 = tpu.vector_load_idx %gather3A_3232[%add3A_11, %broadcast_in_dim3A_3193] : memref<32x128xf32, #tpu.memory_space<vmem>>[vector<16xi32>, vector<16xi32>], vector<16xf32>,
      %swap3A_3234 = arith.constant 14 : i32
      %swap3A_3235 = arith.index_cast %swap3A_3234 : i32 to index
      %swap3A_3236 = arith.constant 16 : index
      %swap3A_3237 = tpu.vector_load %arg13[%swap3A_3235, %swap3A_3236] {strides = array<i32>} : memref<16x32xf32, #tpu.memory_space<vmem>>, vector<16xf32>,
      tpu.vector_store %arg13[%swap3A_3235, %swap3A_3236], %gather3A_3233 {strides = array<i32>} : memref<16x32xf32, #tpu.memory_space<vmem>>, vector<16xf32>,
      %slice3A_3238 = vector.extract_strided_slice %get3A_128 {offsets = [15], sizes = [1], strides = [1]} : vector<16xi32> to vector<1xi32>
      %squeeze3A_3239 = vector.extract %slice3A_3238[0] : i32 from vector<1xi32>
      %jit3A_3240 = arith.constant 128 : i32
      %eq3A_3241 = arith.constant 0 : i32
      %eq3A_3242 = arith.cmpi eq, %jit3A_3240, %eq3A_3241 : i32
      %jit3A_3243 = arith.constant 1 : i32
      %select_n3A_3244 = arith.select %eq3A_3242, %jit3A_3243, %jit3A_3240 : i32
      %rem3A_3245 = arith.remsi %squeeze3A_3239, %select_n3A_3244 : i32
      %ne3A_3246 = arith.constant 0 : i32
      %ne3A_3247 = arith.cmpi ne, %rem3A_3245, %ne3A_3246 : i32
      %lt3A_3248 = arith.constant 0 : i32
      %lt3A_3249 = arith.cmpi slt, %rem3A_3245, %lt3A_3248 : i32
      %lt3A_3250 = arith.constant 0 : i32
      %lt3A_3251 = arith.cmpi slt, %select_n3A_3244, %lt3A_3250 : i32
      %ne3A_3252 = arith.xori %lt3A_3249, %lt3A_3251 : i1
      %and3A_3253 = arith.andi %ne3A_3252, %ne3A_3247 : i1
      %add3A_3254 = arith.addi %rem3A_3245, %select_n3A_3244 : i32
      %select_n3A_3255 = arith.select %and3A_3253, %add3A_3254, %rem3A_3245 : i32
      %broadcast_in_dim3A_3256 = vector.broadcast %select_n3A_3255 : i32 to vector<16xi32>
      %slice3A_3257 = vector.extract_strided_slice %get3A_132 {offsets = [15], sizes = [1], strides = [1]} : vector<16xi32> to vector<1xi32>
      %squeeze3A_3258 = vector.extract %slice3A_3257[0] : i32 from vector<1xi32>
      %jit3A_3259 = arith.constant 128 : i32
      %eq3A_3260 = arith.constant 0 : i32
      %eq3A_3261 = arith.cmpi eq, %jit3A_3259, %eq3A_3260 : i32
      %jit3A_3262 = arith.constant 1 : i32
      %select_n3A_3263 = arith.select %eq3A_3261, %jit3A_3262, %jit3A_3259 : i32
      %rem3A_3264 = arith.remsi %squeeze3A_3258, %select_n3A_3263 : i32
      %ne3A_3265 = arith.constant 0 : i32
      %ne3A_3266 = arith.cmpi ne, %rem3A_3264, %ne3A_3265 : i32
      %lt3A_3267 = arith.constant 0 : i32
      %lt3A_3268 = arith.cmpi slt, %rem3A_3264, %lt3A_3267 : i32
      %lt3A_3269 = arith.constant 0 : i32
      %lt3A_3270 = arith.cmpi slt, %select_n3A_3263, %lt3A_3269 : i32
      %ne3A_3271 = arith.xori %lt3A_3268, %lt3A_3270 : i1
      %and3A_3272 = arith.andi %ne3A_3271, %ne3A_3266 : i1
      %add3A_3273 = arith.addi %rem3A_3264, %select_n3A_3263 : i32
      %select_n3A_3274 = arith.select %and3A_3272, %add3A_3273, %rem3A_3264 : i32
      %broadcast_in_dim3A_3275 = vector.broadcast %select_n3A_3274 : i32 to vector<16xi32>
      %gather3A_3276 = arith.constant 1 : i32
      %gather3A_3277 = arith.constant 3 : i32
      %gather3A_3278 = arith.constant 0 : i32
      %gather3A_3279 = arith.constant 0 : i32
      %gather3A_3280 = tpu.memref_slice %arg10[%gather3A_3276, %gather3A_3277, %gather3A_3278, %gather3A_3279] : memref<2x4x32x128xf32, #tpu.memory_space<vmem>> -> memref<1x1x32x128xf32, #tpu.memory_space<vmem>>
      %gather3A_3281 = tpu.memref_squeeze %gather3A_3280 : memref<1x1x32x128xf32, #tpu.memory_space<vmem>> -> memref<32x128xf32, #tpu.memory_space<vmem>>
      %gather3A_3282 = tpu.vector_load_idx %gather3A_3281[%iota3A, %broadcast_in_dim3A_3256] : memref<32x128xf32, #tpu.memory_space<vmem>>[vector<16xi32>, vector<16xi32>], vector<16xf32>,
      %swap3A_3283 = arith.constant 15 : i32
      %swap3A_3284 = arith.index_cast %swap3A_3283 : i32 to index
      %swap3A_3285 = arith.constant 0 : index
      %swap3A_3286 = tpu.vector_load %arg12[%swap3A_3284, %swap3A_3285] {strides = array<i32>} : memref<16x32xf32, #tpu.memory_space<vmem>>, vector<16xf32>,
      tpu.vector_store %arg12[%swap3A_3284, %swap3A_3285], %gather3A_3282 {strides = array<i32>} : memref<16x32xf32, #tpu.memory_space<vmem>>, vector<16xf32>,
      %gather3A_3287 = arith.constant 1 : i32
      %gather3A_3288 = arith.constant 3 : i32
      %gather3A_3289 = arith.constant 0 : i32
      %gather3A_3290 = arith.constant 0 : i32
      %gather3A_3291 = tpu.memref_slice %arg10[%gather3A_3287, %gather3A_3288, %gather3A_3289, %gather3A_3290] : memref<2x4x32x128xf32, #tpu.memory_space<vmem>> -> memref<1x1x32x128xf32, #tpu.memory_space<vmem>>
      %gather3A_3292 = tpu.memref_squeeze %gather3A_3291 : memref<1x1x32x128xf32, #tpu.memory_space<vmem>> -> memref<32x128xf32, #tpu.memory_space<vmem>>
      %gather3A_3293 = tpu.vector_load_idx %gather3A_3292[%add3A_11, %broadcast_in_dim3A_3256] : memref<32x128xf32, #tpu.memory_space<vmem>>[vector<16xi32>, vector<16xi32>], vector<16xf32>,
      %swap3A_3294 = arith.constant 15 : i32
      %swap3A_3295 = arith.index_cast %swap3A_3294 : i32 to index
      %swap3A_3296 = arith.constant 16 : index
      %swap3A_3297 = tpu.vector_load %arg12[%swap3A_3295, %swap3A_3296] {strides = array<i32>} : memref<16x32xf32, #tpu.memory_space<vmem>>, vector<16xf32>,
      tpu.vector_store %arg12[%swap3A_3295, %swap3A_3296], %gather3A_3293 {strides = array<i32>} : memref<16x32xf32, #tpu.memory_space<vmem>>, vector<16xf32>,
      %gather3A_3298 = arith.constant 1 : i32
      %gather3A_3299 = arith.constant 3 : i32
      %gather3A_3300 = arith.constant 0 : i32
      %gather3A_3301 = arith.constant 0 : i32
      %gather3A_3302 = tpu.memref_slice %arg11[%gather3A_3298, %gather3A_3299, %gather3A_3300, %gather3A_3301] : memref<2x4x32x128xf32, #tpu.memory_space<vmem>> -> memref<1x1x32x128xf32, #tpu.memory_space<vmem>>
      %gather3A_3303 = tpu.memref_squeeze %gather3A_3302 : memref<1x1x32x128xf32, #tpu.memory_space<vmem>> -> memref<32x128xf32, #tpu.memory_space<vmem>>
      %gather3A_3304 = tpu.vector_load_idx %gather3A_3303[%iota3A, %broadcast_in_dim3A_3275] : memref<32x128xf32, #tpu.memory_space<vmem>>[vector<16xi32>, vector<16xi32>], vector<16xf32>,
      %swap3A_3305 = arith.constant 15 : i32
      %swap3A_3306 = arith.index_cast %swap3A_3305 : i32 to index
      %swap3A_3307 = arith.constant 0 : index
      %swap3A_3308 = tpu.vector_load %arg13[%swap3A_3306, %swap3A_3307] {strides = array<i32>} : memref<16x32xf32, #tpu.memory_space<vmem>>, vector<16xf32>,
      tpu.vector_store %arg13[%swap3A_3306, %swap3A_3307], %gather3A_3304 {strides = array<i32>} : memref<16x32xf32, #tpu.memory_space<vmem>>, vector<16xf32>,
      %gather3A_3309 = arith.constant 1 : i32
      %gather3A_3310 = arith.constant 3 : i32
      %gather3A_3311 = arith.constant 0 : i32
      %gather3A_3312 = arith.constant 0 : i32
      %gather3A_3313 = tpu.memref_slice %arg11[%gather3A_3309, %gather3A_3310, %gather3A_3311, %gather3A_3312] : memref<2x4x32x128xf32, #tpu.memory_space<vmem>> -> memref<1x1x32x128xf32, #tpu.memory_space<vmem>>
      %gather3A_3314 = tpu.memref_squeeze %gather3A_3313 : memref<1x1x32x128xf32, #tpu.memory_space<vmem>> -> memref<32x128xf32, #tpu.memory_space<vmem>>
      %gather3A_3315 = tpu.vector_load_idx %gather3A_3314[%add3A_11, %broadcast_in_dim3A_3275] : memref<32x128xf32, #tpu.memory_space<vmem>>[vector<16xi32>, vector<16xi32>], vector<16xf32>,
      %swap3A_3316 = arith.constant 15 : i32
      %swap3A_3317 = arith.index_cast %swap3A_3316 : i32 to index
      %swap3A_3318 = arith.constant 16 : index
      %swap3A_3319 = tpu.vector_load %arg13[%swap3A_3317, %swap3A_3318] {strides = array<i32>} : memref<16x32xf32, #tpu.memory_space<vmem>>, vector<16xf32>,
      tpu.vector_store %arg13[%swap3A_3317, %swap3A_3318], %gather3A_3315 {strides = array<i32>} : memref<16x32xf32, #tpu.memory_space<vmem>>, vector<16xf32>,
      %broadcast_in_dim3A_3320 = arith.constant 0.000000e+00 : f32
      %broadcast_in_dim3A_3321 = vector.broadcast %broadcast_in_dim3A_3320 : f32 to vector<16xf32>
      %broadcast_in_dim3A_3322 = arith.constant 0 : i32
      %broadcast_in_dim3A_3323 = vector.broadcast %broadcast_in_dim3A_3322 : i32 to vector<16xi32>
      %gather3A_3324 = tpu.vector_load_idx %arg12[%iota3A, %broadcast_in_dim3A_3323] : memref<16x32xf32, #tpu.memory_space<vmem>>[vector<16xi32>, vector<16xi32>], vector<16xf32>,
      %gather3A_3325 = tpu.vector_load_idx %arg13[%iota3A, %broadcast_in_dim3A_3323] : memref<16x32xf32, #tpu.memory_space<vmem>>[vector<16xi32>, vector<16xi32>], vector<16xf32>,
      %mul3A_3326 = arith.mulf %gather3A_3324, %gather3A_3325 : vector<16xf32>
      %mul3A_3327 = arith.mulf %mul3A_3326, %broadcast_in_dim3A : vector<16xf32>
      %add3A_3328 = arith.addf %broadcast_in_dim3A_118, %mul3A_3327 : vector<16xf32>
      %broadcast_in_dim3A_3329 = arith.constant 1 : i32
      %broadcast_in_dim3A_3330 = vector.broadcast %broadcast_in_dim3A_3329 : i32 to vector<16xi32>
      %gather3A_3331 = tpu.vector_load_idx %arg12[%iota3A, %broadcast_in_dim3A_3330] : memref<16x32xf32, #tpu.memory_space<vmem>>[vector<16xi32>, vector<16xi32>], vector<16xf32>,
      %gather3A_3332 = tpu.vector_load_idx %arg13[%iota3A, %broadcast_in_dim3A_3330] : memref<16x32xf32, #tpu.memory_space<vmem>>[vector<16xi32>, vector<16xi32>], vector<16xf32>,
      %mul3A_3333 = arith.mulf %gather3A_3331, %gather3A_3332 : vector<16xf32>
      %mul3A_3334 = arith.mulf %mul3A_3333, %broadcast_in_dim3A_25 : vector<16xf32>
      %add3A_3335 = arith.addf %broadcast_in_dim3A_3321, %mul3A_3334 : vector<16xf32>
      %broadcast_in_dim3A_3336 = arith.constant 2 : i32
      %broadcast_in_dim3A_3337 = vector.broadcast %broadcast_in_dim3A_3336 : i32 to vector<16xi32>
      %gather3A_3338 = tpu.vector_load_idx %arg12[%iota3A, %broadcast_in_dim3A_3337] : memref<16x32xf32, #tpu.memory_space<vmem>>[vector<16xi32>, vector<16xi32>], vector<16xf32>,
      %gather3A_3339 = tpu.vector_load_idx %arg13[%iota3A, %broadcast_in_dim3A_3337] : memref<16x32xf32, #tpu.memory_space<vmem>>[vector<16xi32>, vector<16xi32>], vector<16xf32>,
      %mul3A_3340 = arith.mulf %gather3A_3338, %gather3A_3339 : vector<16xf32>
      %mul3A_3341 = arith.mulf %mul3A_3340, %broadcast_in_dim3A_28 : vector<16xf32>
      %add3A_3342 = arith.addf %add3A_3328, %mul3A_3341 : vector<16xf32>
      %broadcast_in_dim3A_3343 = arith.constant 3 : i32
      %broadcast_in_dim3A_3344 = vector.broadcast %broadcast_in_dim3A_3343 : i32 to vector<16xi32>
      %gather3A_3345 = tpu.vector_load_idx %arg12[%iota3A, %broadcast_in_dim3A_3344] : memref<16x32xf32, #tpu.memory_space<vmem>>[vector<16xi32>, vector<16xi32>], vector<16xf32>,
      %gather3A_3346 = tpu.vector_load_idx %arg13[%iota3A, %broadcast_in_dim3A_3344] : memref<16x32xf32, #tpu.memory_space<vmem>>[vector<16xi32>, vector<16xi32>], vector<16xf32>,
      %mul3A_3347 = arith.mulf %gather3A_3345, %gather3A_3346 : vector<16xf32>
      %mul3A_3348 = arith.mulf %mul3A_3347, %broadcast_in_dim3A_31 : vector<16xf32>
      %add3A_3349 = arith.addf %add3A_3335, %mul3A_3348 : vector<16xf32>
      %broadcast_in_dim3A_3350 = arith.constant 4 : i32
      %broadcast_in_dim3A_3351 = vector.broadcast %broadcast_in_dim3A_3350 : i32 to vector<16xi32>
      %gather3A_3352 = tpu.vector_load_idx %arg12[%iota3A, %broadcast_in_dim3A_3351] : memref<16x32xf32, #tpu.memory_space<vmem>>[vector<16xi32>, vector<16xi32>], vector<16xf32>,
      %gather3A_3353 = tpu.vector_load_idx %arg13[%iota3A, %broadcast_in_dim3A_3351] : memref<16x32xf32, #tpu.memory_space<vmem>>[vector<16xi32>, vector<16xi32>], vector<16xf32>,
      %mul3A_3354 = arith.mulf %gather3A_3352, %gather3A_3353 : vector<16xf32>
      %mul3A_3355 = arith.mulf %mul3A_3354, %broadcast_in_dim3A_34 : vector<16xf32>
      %add3A_3356 = arith.addf %add3A_3342, %mul3A_3355 : vector<16xf32>
      %broadcast_in_dim3A_3357 = arith.constant 5 : i32
      %broadcast_in_dim3A_3358 = vector.broadcast %broadcast_in_dim3A_3357 : i32 to vector<16xi32>
      %gather3A_3359 = tpu.vector_load_idx %arg12[%iota3A, %broadcast_in_dim3A_3358] : memref<16x32xf32, #tpu.memory_space<vmem>>[vector<16xi32>, vector<16xi32>], vector<16xf32>,
      %gather3A_3360 = tpu.vector_load_idx %arg13[%iota3A, %broadcast_in_dim3A_3358] : memref<16x32xf32, #tpu.memory_space<vmem>>[vector<16xi32>, vector<16xi32>], vector<16xf32>,
      %mul3A_3361 = arith.mulf %gather3A_3359, %gather3A_3360 : vector<16xf32>
      %mul3A_3362 = arith.mulf %mul3A_3361, %broadcast_in_dim3A_37 : vector<16xf32>
      %add3A_3363 = arith.addf %add3A_3349, %mul3A_3362 : vector<16xf32>
      %broadcast_in_dim3A_3364 = arith.constant 6 : i32
      %broadcast_in_dim3A_3365 = vector.broadcast %broadcast_in_dim3A_3364 : i32 to vector<16xi32>
      %gather3A_3366 = tpu.vector_load_idx %arg12[%iota3A, %broadcast_in_dim3A_3365] : memref<16x32xf32, #tpu.memory_space<vmem>>[vector<16xi32>, vector<16xi32>], vector<16xf32>,
      %gather3A_3367 = tpu.vector_load_idx %arg13[%iota3A, %broadcast_in_dim3A_3365] : memref<16x32xf32, #tpu.memory_space<vmem>>[vector<16xi32>, vector<16xi32>], vector<16xf32>,
      %mul3A_3368 = arith.mulf %gather3A_3366, %gather3A_3367 : vector<16xf32>
      %mul3A_3369 = arith.mulf %mul3A_3368, %broadcast_in_dim3A_40 : vector<16xf32>
      %add3A_3370 = arith.addf %add3A_3356, %mul3A_3369 : vector<16xf32>
      %broadcast_in_dim3A_3371 = arith.constant 7 : i32
      %broadcast_in_dim3A_3372 = vector.broadcast %broadcast_in_dim3A_3371 : i32 to vector<16xi32>
      %gather3A_3373 = tpu.vector_load_idx %arg12[%iota3A, %broadcast_in_dim3A_3372] : memref<16x32xf32, #tpu.memory_space<vmem>>[vector<16xi32>, vector<16xi32>], vector<16xf32>,
      %gather3A_3374 = tpu.vector_load_idx %arg13[%iota3A, %broadcast_in_dim3A_3372] : memref<16x32xf32, #tpu.memory_space<vmem>>[vector<16xi32>, vector<16xi32>], vector<16xf32>,
      %mul3A_3375 = arith.mulf %gather3A_3373, %gather3A_3374 : vector<16xf32>
      %mul3A_3376 = arith.mulf %mul3A_3375, %broadcast_in_dim3A_43 : vector<16xf32>
      %add3A_3377 = arith.addf %add3A_3363, %mul3A_3376 : vector<16xf32>
      %broadcast_in_dim3A_3378 = arith.constant 8 : i32
      %broadcast_in_dim3A_3379 = vector.broadcast %broadcast_in_dim3A_3378 : i32 to vector<16xi32>
      %gather3A_3380 = tpu.vector_load_idx %arg12[%iota3A, %broadcast_in_dim3A_3379] : memref<16x32xf32, #tpu.memory_space<vmem>>[vector<16xi32>, vector<16xi32>], vector<16xf32>,
      %gather3A_3381 = tpu.vector_load_idx %arg13[%iota3A, %broadcast_in_dim3A_3379] : memref<16x32xf32, #tpu.memory_space<vmem>>[vector<16xi32>, vector<16xi32>], vector<16xf32>,
      %mul3A_3382 = arith.mulf %gather3A_3380, %gather3A_3381 : vector<16xf32>
      %mul3A_3383 = arith.mulf %mul3A_3382, %broadcast_in_dim3A_46 : vector<16xf32>
      %add3A_3384 = arith.addf %add3A_3370, %mul3A_3383 : vector<16xf32>
      %broadcast_in_dim3A_3385 = arith.constant 9 : i32
      %broadcast_in_dim3A_3386 = vector.broadcast %broadcast_in_dim3A_3385 : i32 to vector<16xi32>
      %gather3A_3387 = tpu.vector_load_idx %arg12[%iota3A, %broadcast_in_dim3A_3386] : memref<16x32xf32, #tpu.memory_space<vmem>>[vector<16xi32>, vector<16xi32>], vector<16xf32>,
      %gather3A_3388 = tpu.vector_load_idx %arg13[%iota3A, %broadcast_in_dim3A_3386] : memref<16x32xf32, #tpu.memory_space<vmem>>[vector<16xi32>, vector<16xi32>], vector<16xf32>,
      %mul3A_3389 = arith.mulf %gather3A_3387, %gather3A_3388 : vector<16xf32>
      %mul3A_3390 = arith.mulf %mul3A_3389, %broadcast_in_dim3A_49 : vector<16xf32>
      %add3A_3391 = arith.addf %add3A_3377, %mul3A_3390 : vector<16xf32>
      %broadcast_in_dim3A_3392 = arith.constant 10 : i32
      %broadcast_in_dim3A_3393 = vector.broadcast %broadcast_in_dim3A_3392 : i32 to vector<16xi32>
      %gather3A_3394 = tpu.vector_load_idx %arg12[%iota3A, %broadcast_in_dim3A_3393] : memref<16x32xf32, #tpu.memory_space<vmem>>[vector<16xi32>, vector<16xi32>], vector<16xf32>,
      %gather3A_3395 = tpu.vector_load_idx %arg13[%iota3A, %broadcast_in_dim3A_3393] : memref<16x32xf32, #tpu.memory_space<vmem>>[vector<16xi32>, vector<16xi32>], vector<16xf32>,
      %mul3A_3396 = arith.mulf %gather3A_3394, %gather3A_3395 : vector<16xf32>
      %mul3A_3397 = arith.mulf %mul3A_3396, %broadcast_in_dim3A_52 : vector<16xf32>
      %add3A_3398 = arith.addf %add3A_3384, %mul3A_3397 : vector<16xf32>
      %broadcast_in_dim3A_3399 = arith.constant 11 : i32
      %broadcast_in_dim3A_3400 = vector.broadcast %broadcast_in_dim3A_3399 : i32 to vector<16xi32>
      %gather3A_3401 = tpu.vector_load_idx %arg12[%iota3A, %broadcast_in_dim3A_3400] : memref<16x32xf32, #tpu.memory_space<vmem>>[vector<16xi32>, vector<16xi32>], vector<16xf32>,
      %gather3A_3402 = tpu.vector_load_idx %arg13[%iota3A, %broadcast_in_dim3A_3400] : memref<16x32xf32, #tpu.memory_space<vmem>>[vector<16xi32>, vector<16xi32>], vector<16xf32>,
      %mul3A_3403 = arith.mulf %gather3A_3401, %gather3A_3402 : vector<16xf32>
      %mul3A_3404 = arith.mulf %mul3A_3403, %broadcast_in_dim3A_55 : vector<16xf32>
      %add3A_3405 = arith.addf %add3A_3391, %mul3A_3404 : vector<16xf32>
      %broadcast_in_dim3A_3406 = arith.constant 12 : i32
      %broadcast_in_dim3A_3407 = vector.broadcast %broadcast_in_dim3A_3406 : i32 to vector<16xi32>
      %gather3A_3408 = tpu.vector_load_idx %arg12[%iota3A, %broadcast_in_dim3A_3407] : memref<16x32xf32, #tpu.memory_space<vmem>>[vector<16xi32>, vector<16xi32>], vector<16xf32>,
      %gather3A_3409 = tpu.vector_load_idx %arg13[%iota3A, %broadcast_in_dim3A_3407] : memref<16x32xf32, #tpu.memory_space<vmem>>[vector<16xi32>, vector<16xi32>], vector<16xf32>,
      %mul3A_3410 = arith.mulf %gather3A_3408, %gather3A_3409 : vector<16xf32>
      %mul3A_3411 = arith.mulf %mul3A_3410, %broadcast_in_dim3A_58 : vector<16xf32>
      %add3A_3412 = arith.addf %add3A_3398, %mul3A_3411 : vector<16xf32>
      %broadcast_in_dim3A_3413 = arith.constant 13 : i32
      %broadcast_in_dim3A_3414 = vector.broadcast %broadcast_in_dim3A_3413 : i32 to vector<16xi32>
      %gather3A_3415 = tpu.vector_load_idx %arg12[%iota3A, %broadcast_in_dim3A_3414] : memref<16x32xf32, #tpu.memory_space<vmem>>[vector<16xi32>, vector<16xi32>], vector<16xf32>,
      %gather3A_3416 = tpu.vector_load_idx %arg13[%iota3A, %broadcast_in_dim3A_3414] : memref<16x32xf32, #tpu.memory_space<vmem>>[vector<16xi32>, vector<16xi32>], vector<16xf32>,
      %mul3A_3417 = arith.mulf %gather3A_3415, %gather3A_3416 : vector<16xf32>
      %mul3A_3418 = arith.mulf %mul3A_3417, %broadcast_in_dim3A_61 : vector<16xf32>
      %add3A_3419 = arith.addf %add3A_3405, %mul3A_3418 : vector<16xf32>
      %broadcast_in_dim3A_3420 = arith.constant 14 : i32
      %broadcast_in_dim3A_3421 = vector.broadcast %broadcast_in_dim3A_3420 : i32 to vector<16xi32>
      %gather3A_3422 = tpu.vector_load_idx %arg12[%iota3A, %broadcast_in_dim3A_3421] : memref<16x32xf32, #tpu.memory_space<vmem>>[vector<16xi32>, vector<16xi32>], vector<16xf32>,
      %gather3A_3423 = tpu.vector_load_idx %arg13[%iota3A, %broadcast_in_dim3A_3421] : memref<16x32xf32, #tpu.memory_space<vmem>>[vector<16xi32>, vector<16xi32>], vector<16xf32>,
      %mul3A_3424 = arith.mulf %gather3A_3422, %gather3A_3423 : vector<16xf32>
      %mul3A_3425 = arith.mulf %mul3A_3424, %broadcast_in_dim3A_64 : vector<16xf32>
      %add3A_3426 = arith.addf %add3A_3412, %mul3A_3425 : vector<16xf32>
      %broadcast_in_dim3A_3427 = arith.constant 15 : i32
      %broadcast_in_dim3A_3428 = vector.broadcast %broadcast_in_dim3A_3427 : i32 to vector<16xi32>
      %gather3A_3429 = tpu.vector_load_idx %arg12[%iota3A, %broadcast_in_dim3A_3428] : memref<16x32xf32, #tpu.memory_space<vmem>>[vector<16xi32>, vector<16xi32>], vector<16xf32>,
      %gather3A_3430 = tpu.vector_load_idx %arg13[%iota3A, %broadcast_in_dim3A_3428] : memref<16x32xf32, #tpu.memory_space<vmem>>[vector<16xi32>, vector<16xi32>], vector<16xf32>,
      %mul3A_3431 = arith.mulf %gather3A_3429, %gather3A_3430 : vector<16xf32>
      %mul3A_3432 = arith.mulf %mul3A_3431, %broadcast_in_dim3A_67 : vector<16xf32>
      %add3A_3433 = arith.addf %add3A_3419, %mul3A_3432 : vector<16xf32>
      %broadcast_in_dim3A_3434 = arith.constant 16 : i32
      %broadcast_in_dim3A_3435 = vector.broadcast %broadcast_in_dim3A_3434 : i32 to vector<16xi32>
      %gather3A_3436 = tpu.vector_load_idx %arg12[%iota3A, %broadcast_in_dim3A_3435] : memref<16x32xf32, #tpu.memory_space<vmem>>[vector<16xi32>, vector<16xi32>], vector<16xf32>,
      %gather3A_3437 = tpu.vector_load_idx %arg13[%iota3A, %broadcast_in_dim3A_3435] : memref<16x32xf32, #tpu.memory_space<vmem>>[vector<16xi32>, vector<16xi32>], vector<16xf32>,
      %mul3A_3438 = arith.mulf %gather3A_3436, %gather3A_3437 : vector<16xf32>
      %mul3A_3439 = arith.mulf %mul3A_3438, %broadcast_in_dim3A_70 : vector<16xf32>
      %add3A_3440 = arith.addf %add3A_3426, %mul3A_3439 : vector<16xf32>
      %broadcast_in_dim3A_3441 = arith.constant 17 : i32
      %broadcast_in_dim3A_3442 = vector.broadcast %broadcast_in_dim3A_3441 : i32 to vector<16xi32>
      %gather3A_3443 = tpu.vector_load_idx %arg12[%iota3A, %broadcast_in_dim3A_3442] : memref<16x32xf32, #tpu.memory_space<vmem>>[vector<16xi32>, vector<16xi32>], vector<16xf32>,
      %gather3A_3444 = tpu.vector_load_idx %arg13[%iota3A, %broadcast_in_dim3A_3442] : memref<16x32xf32, #tpu.memory_space<vmem>>[vector<16xi32>, vector<16xi32>], vector<16xf32>,
      %mul3A_3445 = arith.mulf %gather3A_3443, %gather3A_3444 : vector<16xf32>
      %mul3A_3446 = arith.mulf %mul3A_3445, %broadcast_in_dim3A_73 : vector<16xf32>
      %add3A_3447 = arith.addf %add3A_3433, %mul3A_3446 : vector<16xf32>
      %broadcast_in_dim3A_3448 = arith.constant 18 : i32
      %broadcast_in_dim3A_3449 = vector.broadcast %broadcast_in_dim3A_3448 : i32 to vector<16xi32>
      %gather3A_3450 = tpu.vector_load_idx %arg12[%iota3A, %broadcast_in_dim3A_3449] : memref<16x32xf32, #tpu.memory_space<vmem>>[vector<16xi32>, vector<16xi32>], vector<16xf32>,
      %gather3A_3451 = tpu.vector_load_idx %arg13[%iota3A, %broadcast_in_dim3A_3449] : memref<16x32xf32, #tpu.memory_space<vmem>>[vector<16xi32>, vector<16xi32>], vector<16xf32>,
      %mul3A_3452 = arith.mulf %gather3A_3450, %gather3A_3451 : vector<16xf32>
      %mul3A_3453 = arith.mulf %mul3A_3452, %broadcast_in_dim3A_76 : vector<16xf32>
      %add3A_3454 = arith.addf %add3A_3440, %mul3A_3453 : vector<16xf32>
      %broadcast_in_dim3A_3455 = arith.constant 19 : i32
      %broadcast_in_dim3A_3456 = vector.broadcast %broadcast_in_dim3A_3455 : i32 to vector<16xi32>
      %gather3A_3457 = tpu.vector_load_idx %arg12[%iota3A, %broadcast_in_dim3A_3456] : memref<16x32xf32, #tpu.memory_space<vmem>>[vector<16xi32>, vector<16xi32>], vector<16xf32>,
      %gather3A_3458 = tpu.vector_load_idx %arg13[%iota3A, %broadcast_in_dim3A_3456] : memref<16x32xf32, #tpu.memory_space<vmem>>[vector<16xi32>, vector<16xi32>], vector<16xf32>,
      %mul3A_3459 = arith.mulf %gather3A_3457, %gather3A_3458 : vector<16xf32>
      %mul3A_3460 = arith.mulf %mul3A_3459, %broadcast_in_dim3A_79 : vector<16xf32>
      %add3A_3461 = arith.addf %add3A_3447, %mul3A_3460 : vector<16xf32>
      %broadcast_in_dim3A_3462 = arith.constant 20 : i32
      %broadcast_in_dim3A_3463 = vector.broadcast %broadcast_in_dim3A_3462 : i32 to vector<16xi32>
      %gather3A_3464 = tpu.vector_load_idx %arg12[%iota3A, %broadcast_in_dim3A_3463] : memref<16x32xf32, #tpu.memory_space<vmem>>[vector<16xi32>, vector<16xi32>], vector<16xf32>,
      %gather3A_3465 = tpu.vector_load_idx %arg13[%iota3A, %broadcast_in_dim3A_3463] : memref<16x32xf32, #tpu.memory_space<vmem>>[vector<16xi32>, vector<16xi32>], vector<16xf32>,
      %mul3A_3466 = arith.mulf %gather3A_3464, %gather3A_3465 : vector<16xf32>
      %mul3A_3467 = arith.mulf %mul3A_3466, %broadcast_in_dim3A_82 : vector<16xf32>
      %add3A_3468 = arith.addf %add3A_3454, %mul3A_3467 : vector<16xf32>
      %broadcast_in_dim3A_3469 = arith.constant 21 : i32
      %broadcast_in_dim3A_3470 = vector.broadcast %broadcast_in_dim3A_3469 : i32 to vector<16xi32>
      %gather3A_3471 = tpu.vector_load_idx %arg12[%iota3A, %broadcast_in_dim3A_3470] : memref<16x32xf32, #tpu.memory_space<vmem>>[vector<16xi32>, vector<16xi32>], vector<16xf32>,
      %gather3A_3472 = tpu.vector_load_idx %arg13[%iota3A, %broadcast_in_dim3A_3470] : memref<16x32xf32, #tpu.memory_space<vmem>>[vector<16xi32>, vector<16xi32>], vector<16xf32>,
      %mul3A_3473 = arith.mulf %gather3A_3471, %gather3A_3472 : vector<16xf32>
      %mul3A_3474 = arith.mulf %mul3A_3473, %broadcast_in_dim3A_85 : vector<16xf32>
      %add3A_3475 = arith.addf %add3A_3461, %mul3A_3474 : vector<16xf32>
      %broadcast_in_dim3A_3476 = arith.constant 22 : i32
      %broadcast_in_dim3A_3477 = vector.broadcast %broadcast_in_dim3A_3476 : i32 to vector<16xi32>
      %gather3A_3478 = tpu.vector_load_idx %arg12[%iota3A, %broadcast_in_dim3A_3477] : memref<16x32xf32, #tpu.memory_space<vmem>>[vector<16xi32>, vector<16xi32>], vector<16xf32>,
      %gather3A_3479 = tpu.vector_load_idx %arg13[%iota3A, %broadcast_in_dim3A_3477] : memref<16x32xf32, #tpu.memory_space<vmem>>[vector<16xi32>, vector<16xi32>], vector<16xf32>,
      %mul3A_3480 = arith.mulf %gather3A_3478, %gather3A_3479 : vector<16xf32>
      %mul3A_3481 = arith.mulf %mul3A_3480, %broadcast_in_dim3A_88 : vector<16xf32>
      %add3A_3482 = arith.addf %add3A_3468, %mul3A_3481 : vector<16xf32>
      %broadcast_in_dim3A_3483 = arith.constant 23 : i32
      %broadcast_in_dim3A_3484 = vector.broadcast %broadcast_in_dim3A_3483 : i32 to vector<16xi32>
      %gather3A_3485 = tpu.vector_load_idx %arg12[%iota3A, %broadcast_in_dim3A_3484] : memref<16x32xf32, #tpu.memory_space<vmem>>[vector<16xi32>, vector<16xi32>], vector<16xf32>,
      %gather3A_3486 = tpu.vector_load_idx %arg13[%iota3A, %broadcast_in_dim3A_3484] : memref<16x32xf32, #tpu.memory_space<vmem>>[vector<16xi32>, vector<16xi32>], vector<16xf32>,
      %mul3A_3487 = arith.mulf %gather3A_3485, %gather3A_3486 : vector<16xf32>
      %mul3A_3488 = arith.mulf %mul3A_3487, %broadcast_in_dim3A_91 : vector<16xf32>
      %add3A_3489 = arith.addf %add3A_3475, %mul3A_3488 : vector<16xf32>
      %broadcast_in_dim3A_3490 = arith.constant 24 : i32
      %broadcast_in_dim3A_3491 = vector.broadcast %broadcast_in_dim3A_3490 : i32 to vector<16xi32>
      %gather3A_3492 = tpu.vector_load_idx %arg12[%iota3A, %broadcast_in_dim3A_3491] : memref<16x32xf32, #tpu.memory_space<vmem>>[vector<16xi32>, vector<16xi32>], vector<16xf32>,
      %gather3A_3493 = tpu.vector_load_idx %arg13[%iota3A, %broadcast_in_dim3A_3491] : memref<16x32xf32, #tpu.memory_space<vmem>>[vector<16xi32>, vector<16xi32>], vector<16xf32>,
      %mul3A_3494 = arith.mulf %gather3A_3492, %gather3A_3493 : vector<16xf32>
      %mul3A_3495 = arith.mulf %mul3A_3494, %broadcast_in_dim3A_94 : vector<16xf32>
      %add3A_3496 = arith.addf %add3A_3482, %mul3A_3495 : vector<16xf32>
      %broadcast_in_dim3A_3497 = arith.constant 25 : i32
      %broadcast_in_dim3A_3498 = vector.broadcast %broadcast_in_dim3A_3497 : i32 to vector<16xi32>
      %gather3A_3499 = tpu.vector_load_idx %arg12[%iota3A, %broadcast_in_dim3A_3498] : memref<16x32xf32, #tpu.memory_space<vmem>>[vector<16xi32>, vector<16xi32>], vector<16xf32>,
      %gather3A_3500 = tpu.vector_load_idx %arg13[%iota3A, %broadcast_in_dim3A_3498] : memref<16x32xf32, #tpu.memory_space<vmem>>[vector<16xi32>, vector<16xi32>], vector<16xf32>,
      %mul3A_3501 = arith.mulf %gather3A_3499, %gather3A_3500 : vector<16xf32>
      %mul3A_3502 = arith.mulf %mul3A_3501, %broadcast_in_dim3A_97 : vector<16xf32>
      %add3A_3503 = arith.addf %add3A_3489, %mul3A_3502 : vector<16xf32>
      %broadcast_in_dim3A_3504 = arith.constant 26 : i32
      %broadcast_in_dim3A_3505 = vector.broadcast %broadcast_in_dim3A_3504 : i32 to vector<16xi32>
      %gather3A_3506 = tpu.vector_load_idx %arg12[%iota3A, %broadcast_in_dim3A_3505] : memref<16x32xf32, #tpu.memory_space<vmem>>[vector<16xi32>, vector<16xi32>], vector<16xf32>,
      %gather3A_3507 = tpu.vector_load_idx %arg13[%iota3A, %broadcast_in_dim3A_3505] : memref<16x32xf32, #tpu.memory_space<vmem>>[vector<16xi32>, vector<16xi32>], vector<16xf32>,
      %mul3A_3508 = arith.mulf %gather3A_3506, %gather3A_3507 : vector<16xf32>
      %mul3A_3509 = arith.mulf %mul3A_3508, %broadcast_in_dim3A_100 : vector<16xf32>
      %add3A_3510 = arith.addf %add3A_3496, %mul3A_3509 : vector<16xf32>
      %broadcast_in_dim3A_3511 = arith.constant 27 : i32
      %broadcast_in_dim3A_3512 = vector.broadcast %broadcast_in_dim3A_3511 : i32 to vector<16xi32>
      %gather3A_3513 = tpu.vector_load_idx %arg12[%iota3A, %broadcast_in_dim3A_3512] : memref<16x32xf32, #tpu.memory_space<vmem>>[vector<16xi32>, vector<16xi32>], vector<16xf32>,
      %gather3A_3514 = tpu.vector_load_idx %arg13[%iota3A, %broadcast_in_dim3A_3512] : memref<16x32xf32, #tpu.memory_space<vmem>>[vector<16xi32>, vector<16xi32>], vector<16xf32>,
      %mul3A_3515 = arith.mulf %gather3A_3513, %gather3A_3514 : vector<16xf32>
      %mul3A_3516 = arith.mulf %mul3A_3515, %broadcast_in_dim3A_103 : vector<16xf32>
      %add3A_3517 = arith.addf %add3A_3503, %mul3A_3516 : vector<16xf32>
      %broadcast_in_dim3A_3518 = arith.constant 28 : i32
      %broadcast_in_dim3A_3519 = vector.broadcast %broadcast_in_dim3A_3518 : i32 to vector<16xi32>
      %gather3A_3520 = tpu.vector_load_idx %arg12[%iota3A, %broadcast_in_dim3A_3519] : memref<16x32xf32, #tpu.memory_space<vmem>>[vector<16xi32>, vector<16xi32>], vector<16xf32>,
      %gather3A_3521 = tpu.vector_load_idx %arg13[%iota3A, %broadcast_in_dim3A_3519] : memref<16x32xf32, #tpu.memory_space<vmem>>[vector<16xi32>, vector<16xi32>], vector<16xf32>,
      %mul3A_3522 = arith.mulf %gather3A_3520, %gather3A_3521 : vector<16xf32>
      %mul3A_3523 = arith.mulf %mul3A_3522, %broadcast_in_dim3A_106 : vector<16xf32>
      %add3A_3524 = arith.addf %add3A_3510, %mul3A_3523 : vector<16xf32>
      %broadcast_in_dim3A_3525 = arith.constant 29 : i32
      %broadcast_in_dim3A_3526 = vector.broadcast %broadcast_in_dim3A_3525 : i32 to vector<16xi32>
      %gather3A_3527 = tpu.vector_load_idx %arg12[%iota3A, %broadcast_in_dim3A_3526] : memref<16x32xf32, #tpu.memory_space<vmem>>[vector<16xi32>, vector<16xi32>], vector<16xf32>,
      %gather3A_3528 = tpu.vector_load_idx %arg13[%iota3A, %broadcast_in_dim3A_3526] : memref<16x32xf32, #tpu.memory_space<vmem>>[vector<16xi32>, vector<16xi32>], vector<16xf32>,
      %mul3A_3529 = arith.mulf %gather3A_3527, %gather3A_3528 : vector<16xf32>
      %mul3A_3530 = arith.mulf %mul3A_3529, %broadcast_in_dim3A_109 : vector<16xf32>
      %add3A_3531 = arith.addf %add3A_3517, %mul3A_3530 : vector<16xf32>
      %broadcast_in_dim3A_3532 = arith.constant 30 : i32
      %broadcast_in_dim3A_3533 = vector.broadcast %broadcast_in_dim3A_3532 : i32 to vector<16xi32>
      %gather3A_3534 = tpu.vector_load_idx %arg12[%iota3A, %broadcast_in_dim3A_3533] : memref<16x32xf32, #tpu.memory_space<vmem>>[vector<16xi32>, vector<16xi32>], vector<16xf32>,
      %gather3A_3535 = tpu.vector_load_idx %arg13[%iota3A, %broadcast_in_dim3A_3533] : memref<16x32xf32, #tpu.memory_space<vmem>>[vector<16xi32>, vector<16xi32>], vector<16xf32>,
      %mul3A_3536 = arith.mulf %gather3A_3534, %gather3A_3535 : vector<16xf32>
      %mul3A_3537 = arith.mulf %mul3A_3536, %broadcast_in_dim3A_112 : vector<16xf32>
      %add3A_3538 = arith.addf %add3A_3524, %mul3A_3537 : vector<16xf32>
      %broadcast_in_dim3A_3539 = arith.constant 31 : i32
      %broadcast_in_dim3A_3540 = vector.broadcast %broadcast_in_dim3A_3539 : i32 to vector<16xi32>
      %gather3A_3541 = tpu.vector_load_idx %arg12[%iota3A, %broadcast_in_dim3A_3540] : memref<16x32xf32, #tpu.memory_space<vmem>>[vector<16xi32>, vector<16xi32>], vector<16xf32>,
      %gather3A_3542 = tpu.vector_load_idx %arg13[%iota3A, %broadcast_in_dim3A_3540] : memref<16x32xf32, #tpu.memory_space<vmem>>[vector<16xi32>, vector<16xi32>], vector<16xf32>,
      %mul3A_3543 = arith.mulf %gather3A_3541, %gather3A_3542 : vector<16xf32>
      %mul3A_3544 = arith.mulf %mul3A_3543, %broadcast_in_dim3A_115 : vector<16xf32>
      %add3A_3545 = arith.addf %add3A_3531, %mul3A_3544 : vector<16xf32>
      %add3A_3546 = arith.addf %add3A_3538, %add3A_3545 : vector<16xf32>
      %neg3A = arith.constant 0.000000e+00 : f32
      %neg3A_3547 = vector.broadcast %neg3A : f32 to vector<16xf32>
      %neg3A_3548 = arith.subf %neg3A_3547, %add3A_3546 : vector<16xf32>
      %exp3A = math.exp %neg3A_3548 : vector<16xf32>
      %add3A_3549 = arith.constant 1.000000e+00 : f32
      %add3A_3550 = vector.broadcast %add3A_3549 : f32 to vector<16xf32>
      %add3A_3551 = arith.addf %add3A_3550, %exp3A : vector<16xf32>
      %div3A_3552 = arith.constant 1.000000e+00 : f32
      %div3A_3553 = vector.broadcast %div3A_3552 : f32 to vector<16xf32>
      %div3A_3554 = arith.divf %div3A_3553, %add3A_3551 : vector<16xf32>
      %mul3A_3555 = arith.constant 16 : i32
      %mul3A_3556 = arith.muli %scan3A_124, %mul3A_3555 : i32
      %swap3A_3557 = arith.index_cast %mul3A_3556 : i32 to index
      %swap3A_3558 = tpu.vector_load %arg14[%swap3A_3557] {strides = array<i32>} : memref<512xf32, #tpu.memory_space<vmem>>, vector<16xf32>,
      tpu.vector_store %arg14[%swap3A_3557], %div3A_3554 {strides = array<i32>} : memref<512xf32, #tpu.memory_space<vmem>>, vector<16xf32>,
    }
    %scan3A_123 = arith.constant 32 : i32
    "tpu.region"() ({
      %run_scoped3A = tpu.sem_alloc : memref<!tpu.dma_semaphore, #tpu.memory_space<semaphore_mem>>
      %dma_start3A_124 = tpu.memref_slice %arg7[%mul3A_2] : memref<16384xf32, #tpu.memory_space<hbm>> -> memref<512xf32, #tpu.memory_space<hbm>>
      %dma_start3A_125 = tpu.memref_slice %arg7[%mul3A_2] : memref<16384xf32, #tpu.memory_space<hbm>> -> memref<512xf32, #tpu.memory_space<hbm>>
      tpu.enqueue_dma source(%arg14 : memref<512xf32, #tpu.memory_space<vmem>>) target(%dma_start3A_125 : memref<512xf32, #tpu.memory_space<hbm>>) target_semaphore(%run_scoped3A : memref<!tpu.dma_semaphore, #tpu.memory_space<semaphore_mem>>)
      %dma_wait3A_126 = tpu.memref_slice %arg7[%mul3A_2] : memref<16384xf32, #tpu.memory_space<hbm>> -> memref<512xf32, #tpu.memory_space<hbm>>
      %dma_wait3A_127 = tpu.memref_slice %arg7[%mul3A_2] : memref<16384xf32, #tpu.memory_space<hbm>> -> memref<512xf32, #tpu.memory_space<hbm>>
      tpu.wait_dma2 semaphore(%run_scoped3A : memref<!tpu.dma_semaphore, #tpu.memory_space<semaphore_mem>>) src(%arg14 : memref<512xf32, #tpu.memory_space<vmem>>) dst(%dma_wait3A_127 : memref<512xf32, #tpu.memory_space<hbm>>)
      tpu.yield
    }) : () -> ()
    return
  }
}

</mosaic_0001>

<sc_bundles>
// kernel: kernel.3.cloned.1.call-start
scs
__scs_entry_jumppad:
0x0: {  	(pc) =	sbr.rel $0x88, $3  }
0x1: {  	(tag) =	ssettag $0x0;
	lr =	simm.s32 $0x1  }
0x2: {  	[smem:$0x3F9B] =	sst lr;
	_ =	strace $0xD0000000  }
0x3: {  	_ = 	snop  }
0x4: {  	_ = 	snop  }
0x5: {  	_ = 	snop  }
0x6: {  	_ = 	snop  }
0x7: {  	_ = 	snop  }
__scs_overlays_trampoline_lowered:
0x8: {  	[smem:$0x3FAA] =	sst s0  }
0x9: {  	[smem:$0x3FAB] =	sst s1  }
0xa: {  	[smem:$0x3FAC] =	sst s2  }
0xb: {  	[smem:$0x3FAD] =	sst s3  }
0xc: {  	[smem:$0x3FAE] =	sst s4  }
0xd: {  	[smem:$0x3FAF] =	sst s5  }
0xe: {  	[smem:$0x3FB0] =	sst s6  }
0xf: {  	[smem:$0x3FB1] =	sst s7  }
0x10: {  	[smem:$0x3FB2] =	sst s8  }
0x11: {  	[smem:$0x3FB3] =	sst s9;
	s0 =	simm.s32 @!p0 $0x0  }
0x12: {  	s1 =	sld [smem:$0x3F99];
	s0 =	simm.s32 @p0 $0x1  }
0x13: {  	[smem:$0x3FB4] =	sst s0;
	s0 =	simm.s32 @!p1 $0x0  }
0x14: {  	s2 =	sld [smem:$0x3F98];
	s0 =	simm.s32 @p1 $0x1  }
0x15: {  	[smem:$0x3FB5] =	sst s0;
	s0 =	simm.s32 @!p2 $0x0  }
0x16: {  	s3 =	sld [smem:$0x3FDB];
	s0 =	simm.s32 @p2 $0x1  }
0x17: {  	s4 =	simm.s32 $0x1BF5;
	[smem:$0x3FB7] =	sst s0  }
0x18: {  	s0 =	sld [smem:$0x3F9A];
	_ =	swait.ge [sflag:s4], $0x0  }
0x19: {  	s7 =	sld [smem:$0x3F9B]  }
0x1a: {  	s8 =	sadd.s32 $0xFFFFE003, lr  }
0x1b: {  	s9 =	sadd.s32 $0xFFFFFEF7, lr;
	s5 =	simm.s32 $0xFFFFFFFF;
	p2 =	slt.u32 s8, $0xFFFFF086  }
0x1c: {  	p1 =	slt.u32 s9, $0xF7A;
	s5 =	simm.s32 @!p2 $0x0  }
0x1d: {  	s5 =	simm.s32 @p1 $0x1;
	p0 =	seq.s32 s7, s2  }
0x1e: {  	s7 =	smul.u32 @!p0 $0xF7A, s2;
	p2 =	seq.s32 @!p0 s5, $0x0  }
0x1f: {  	s9 =	smul.u32 $0xF7A, s1;
	s8 =	simm.s32 @!p0 $0x1BF5;
	p2 =	por !p2, p0  }
0x20: {  	[sflag:s8] =	ssyncset.s32 @!p0 $0xFFFFF086;
	s6 =	sadd.s32 @!p0 s3, s7;
	s7 =	simm.s32 @!p0 $0x108  }
0x21: {  	s3 =	sadd.s32 s3, s9;
	s6 =	sadd.s32 @!p0 $0x88, s6;
	s7 =	simm.s32 @p2 $0x1082  }
0x22: {  	[simem:s7], [sflag:s8] =	dma.local @!p0 [hbm:s6], $0xF7A  }
0x23: {  	s9 =	sor.u32 $0xD0000000, s2;
	s6 =	simm.s32 $0x108;
	_ =	swait.ge @!p0 [sflag:s8], $0x0  }
0x24: {  	s3 =	sadd.s32 $0x88, s3;
	s6 =	simm.s32 @!p1 $0x1082;
	[sflag:s4] =	ssyncset.s32 $0xFFFFF086  }
0x25: {  	[simem:s6], [sflag:s4] =	dma.local [hbm:s3], $0xF7A  }
0x26: {  	[smem:$0x3F9B] =	sst s1;
	(tag) =	ssettag s2;
	_ =	strace s9  }
0x27: {  	s1 =	sld [smem:$0x3FAB]  }
0x28: {  	s2 =	sld [smem:$0x3FAC]  }
0x29: {  	s4 =	sld [smem:$0x3FAE]  }
0x2a: {  	p0 =	seq.s32 s5, $0x0;
	s5 =	sld [smem:$0x3FAF]  }
0x2b: {  	s6 =	sld [smem:$0x3FB0]  }
0x2c: {  	s7 =	sld [smem:$0x3FB1]  }
0x2d: {  	s3 =	simm.s32 $0x108;
	s8 =	sld [smem:$0x3FB2]  }
0x2e: {  	s3 =	simm.s32 @!p0 $0x1082;
	s9 =	sld [smem:$0x3FB3]  }
0x2f: {  	lr =	sadd.s32 s0, s3;
	s0 =	sld [smem:$0x3FAA]  }
0x30: {  	s3 =	sld [smem:$0x3FAD]  }
0x31: {  	[smem:$0x3FB6] =	sst s10  }
0x32: {  	s10 =	sld [smem:$0x3FB4];
	_ =	sdelay $0x3  }
0x33: {  	p0 =	seq.s32 s10, $0x1;
	s10 =	sld [smem:$0x3FB6];
	_ =	sdelay $0x3  }
0x34: {  	[smem:$0x3FB6] =	sst s10  }
0x35: {  	s10 =	sld [smem:$0x3FB5];
	_ =	sdelay $0x3  }
0x36: {  	p1 =	seq.s32 s10, $0x1;
	s10 =	sld [smem:$0x3FB6];
	_ =	sdelay $0x3  }
0x37: {  	[smem:$0x3FB6] =	sst s10  }
0x38: {  	s10 =	sld [smem:$0x3FB7]  }
0x39: {  	_ = 	snop;
	(pc) =	sbr.ind lr, $3  }
0x3a: {  	_ = 	snop  }
0x3b: {  	_ = 	snop  }
0x3c: {  	p2 =	seq.s32 s10, $0x1;
	s10 =	sld [smem:$0x3FB6]  }
0x3d: {  	_ =	shalt  }
0x3e: {  	_ =	shalt  }
0x3f: {  	_ =	shalt  }
0x40: {  	_ =	shalt  }
0x41: {  	_ =	shalt  }
0x42: {  	_ =	shalt  }
0x43: {  	_ =	shalt  }
0x44: {  	_ =	shalt  }
0x45: {  	_ =	shalt  }
0x46: {  	_ =	shalt  }
0x47: {  	_ =	shalt  }
0x48: {  	_ =	shalt  }
0x49: {  	_ =	shalt  }
0x4a: {  	_ =	shalt  }
0x4b: {  	_ =	shalt  }
0x4c: {  	_ =	shalt  }
0x4d: {  	_ =	shalt  }
0x4e: {  	_ =	shalt  }
0x4f: {  	_ =	shalt  }
0x50: {  	_ =	shalt  }
0x51: {  	_ =	shalt  }
0x52: {  	_ =	shalt  }
0x53: {  	_ =	shalt  }
0x54: {  	_ =	shalt  }
0x55: {  	_ =	shalt  }
0x56: {  	_ =	shalt  }
0x57: {  	_ =	shalt  }
0x58: {  	_ =	shalt  }
0x59: {  	_ =	shalt  }
0x5a: {  	_ =	shalt  }
0x5b: {  	_ =	shalt  }
0x5c: {  	_ =	shalt  }
0x5d: {  	_ =	shalt  }
0x5e: {  	_ =	shalt  }
0x5f: {  	_ =	shalt  }
0x60: {  	_ =	shalt  }
0x61: {  	_ =	shalt  }
0x62: {  	_ =	shalt  }
0x63: {  	_ =	shalt  }
0x64: {  	_ =	shalt  }
0x65: {  	_ =	shalt  }
0x66: {  	_ =	shalt  }
0x67: {  	_ =	shalt  }
0x68: {  	_ =	shalt  }
0x69: {  	_ =	shalt  }
0x6a: {  	_ =	shalt  }
0x6b: {  	_ =	shalt  }
0x6c: {  	_ =	shalt  }
0x6d: {  	_ =	shalt  }
0x6e: {  	_ =	shalt  }
0x6f: {  	_ =	shalt  }
0x70: {  	_ =	shalt  }
0x71: {  	_ =	shalt  }
0x72: {  	_ =	shalt  }
0x73: {  	_ =	shalt  }
0x74: {  	_ =	shalt  }
0x75: {  	_ =	shalt  }
0x76: {  	_ =	shalt  }
0x77: {  	_ =	shalt  }
0x78: {  	_ =	shalt  }
0x79: {  	_ =	shalt  }
0x7a: {  	_ =	shalt  }
0x7b: {  	_ =	shalt  }
0x7c: {  	_ =	shalt  }
0x7d: {  	_ =	shalt  }
0x7e: {  	_ =	shalt  }
0x7f: {  	_ =	shalt  }
0x80: {  	_ =	shalt  }
0x81: {  	_ =	shalt  }
0x82: {  	_ =	shalt  }
0x83: {  	_ =	shalt  }
0x84: {  	_ =	shalt  }
0x85: {  	_ =	shalt  }
0x86: {  	_ =	shalt  }
0x87: {  	_ =	shalt  }
.Lfunc_end0:
.L_simem_size_0:
called_computation_lowered:
.L_overlay_start_0:
0x88: {  	s2 =	sld [smem:$0x3FD9]  }
0x89: {  	s3 =	sld [smem:$0x3FFE];
	_ =	sdelay $0x1  }
0x8a: {  	s1 =	srdreg.scid  }
0x8b: {  	s0 =	sand.u32 $0x1, s1  }
0x8c: {  	s17 =	sshll.u32 s0, $0xA;
	s2 =	sadd.s32 s3, s2  }
0x8d: {  	s2 =	sadd.s32 s2, s17  }
0x8e: {  	[smem:$0x3FC2] =	sst s2  }
0x8f: {  	_ = 	snop  }
0x90: {  	s2 =	sld [smem:$0x3FC9]  }
0x91: {  	s18 =	sld [smem:$0x3FC8]  }
0x92: {  	s4 =	sld [smem:$0x3FC7]  }
0x93: {  	s5 =	sld [smem:$0x3FC6]  }
0x94: {  	s6 =	sld [smem:$0x3FD0];
	(tm) =	ssettm $0x1  }
0x95: {  	s7 =	sld [smem:$0x3FFB];
	_ =	sdelay $0x3  }
0x96: {  	_ =	strace s7  }
0x97: {  	s7 =	sld [smem:$0x3FFC];
	_ =	sdelay $0x3  }
0x98: {  	_ =	strace s7  }
0x99: {  	s7 =	sld [smem:$0x3FFD];
	_ =	sdelay $0x3  }
0x9a: {  	_ =	strace s7  }
0x9b: {  	_ =	strace $0x8FFFFFFF  }
0x9c: {  	s19 =	sld [smem:$0x3FDB];
	_ =	sdelay $0x1  }
0x9d: {  	s8 =	simm.s32 $_scs_section_size  }
0x9e: {  	s9 =	simm.s32 $_size__tile_overlayer_lowered;
	s10 =	simm.s32 $_tile_overlayer_lowered  }
0x9f: {  	s22 =	simm.s32 $0x1BFF;
	s21 =	sshll.u32 s10, $0x1;
	s7 =	sadd.s32 s8, s19  }
0xa0: {  	s11 =	simm.s32 $0x0;
	s20 =	sshll.u32 s9, $0x1;
	s9 =	sadd.s32 s21, s7  }
0xa1: {  	[timem:s11], [sflag:s22] =	dma.local [hbm:s9], s20  }
0xa2: {  	_ =	swait.ge [sflag:s22], s20  }
0xa3: {  	s8 =	ssub.s32 $0x0, s20;
	[sflag:s22] =	ssyncset.done $0x0  }
0xa4: {  	[sflag:s22] =	ssyncadd.s32 s8;
	_ =	sdelay $0x1  }
0xa5: {  	s23 =	simm.s32 $0x1B8B  }
0xa6: {  	_ =	swait.ge [sflag:s23], $0x1  }
0xa7: {  	[sflag:s23] =	ssyncset.done $0x0  }
0xa8: {  	s25 =	simm.s32 $0x1B8E;
	s24 =	sld [smem:$0x3FFE];
	[sflag:s23] =	ssyncadd.s32 $0xFFFFFFFF  }
0xa9: {  	s26 =	simm.s32 $execute0_lowered;
	[smem:$0x3FD2] =	sst s25  }
0xaa: {  	s9 =	sshll.u32 s26, $0x1;
	_ =	strace $0x80000046;
	[dreg:$0x1] =	wrdreg $0xFFFFFFFF  }
0xab: {  	s28 =	simm.s32 $_size_execute0_lowered;
	s7 =	sadd.s32 s7, s9;
	[dreg:$0x0] =	wrdreg $0x0  }
0xac: {  	s9 =	sshll.u32 s28, $0x1;
	[dreg:$0x2] =	wrdreg s7  }
0xad: {  	[dreg:$0x3] =	wrdreg s9  }
0xae: {  	[dreg:$0x4] =	wrdreg $0xC0  }
0xaf: {  	_ =	task [dreg:s11], $0x5FFFF  }
0xb0: {  	[dreg:$0x1] =	wrdreg $0xFFFFFFFF  }
0xb1: {  	[dreg:$0x0] =	wrdreg $0x60  }
0xb2: {  	[dreg:$0x2] =	wrdreg s2  }
0xb3: {  	[dreg:$0x3] =	wrdreg s18  }
0xb4: {  	[dreg:$0x4] =	wrdreg s4  }
0xb5: {  	[dreg:$0x5] =	wrdreg s5  }
0xb6: {  	[dreg:$0x6] =	wrdreg s24  }
0xb7: {  	[dreg:$0x7] =	wrdreg s6  }
0xb8: {  	[dreg:$0x8] =	wrdreg $0x9  }
0xb9: {  	_ =	task.clear_ibuf [dreg:s11], $0x9FFFF;
	_ =	strace $0x90000046  }
0xba: {  	s29 =	simm.s32 $0x9;
	_ =	strace $0x80000048  }
0xbb: {  	_ =	swait.ge [sflag:s29], $0x1  }
0xbc: {  	[sflag:s29] =	ssyncadd.s32 $0xFFFFFFFF  }
0xbd: {  	_ =	strace $0x90000048  }
0xbe: {  	_ =	sfence  }
0xbf: {  	s30 =	sld [smem:$0x0];
	_ =	sdelay $0x2  }
0xc0: {  	s31 =	sshll.u32 s1, $0xD;
	s1 =	sshrl.u32 s1, $0x2  }
0xc1: {  	s3 =	sand.u32 $0x4000, s31;
	s1 =	sadd.s32 s1, s30  }
0xc2: {  	s0 =	sor.u32 s3, s0;
	s1 =	sshll.u32 s1, $0x11  }
0xc3: {  	s0 =	sor.u32 s1, s0  }
0xc4: {  	s0 =	sadd.s32 $0x8F2B, s0  }
0xc5: {  	[sflag:s0] =	ssyncadd.remote.s32 $0x1  }
0xc6: {  	_ =	sfence.sel $0xFFFF  }
0xc7: {  	[dreg:$0x0] =	wrdreg $0xFFFFFFFF;
	(pc) =	sbr.abs _section_cstart, $3  }
0xc8: {  	[dreg:$0x1] =	wrdreg $0xFFFFFFFF  }
0xc9: {  	_ =	task.clear_ibuf [dreg:s11], $0x2FFFF;
	_ =	strace $0x9FFFFFFF  }
0xca: {  	(tm) =	ssettm $0x7FFFFFFF  }
0xcb: {  	_ =	shalt  }
tec
execute0_lowered:
.L_overlay_start_1:
0x0: {  	(tag) =	ssettag $0x1  }
0x1: {  	s0 =	rddreg [dreg:$0x0]  }
0x2: {  	s3 =	rddreg [dreg:$0x1]  }
0x3: {  	s7 =	rddreg [dreg:$0x2]  }
0x4: {  	s2 =	rddreg [dreg:$0x3]  }
0x5: {  	s4 =	rddreg [dreg:$0x4]  }
0x6: {  	s5 =	rddreg [dreg:$0x5];
	v0 =	vlaneseq.u32  }
0x7: {  	s12 =	simm.s32 $0x0;
	s6 =	srdreg.scid;
	s8 =	stileid.u32;
	v0 =	vmul.u32 $0x80, v0  }
0x8: {  	s14 =	simm.s32 $0x7A1400;
	s15 =	simm.s32 $0x400;
	s28 =	simm.s32 $0x1400  }
0x9: {  	s29 =	simm.s32 $0x9400;
	s30 =	simm.s32 $0xA400;
	s31 =	simm.s32 $0x3400;
	v61 =	vor.u32 $0x800, v0  }
0xa: {  	s10 =	simm.s32 $0x10400;
	s11 =	simm.s32 $0x10C00;
	[smem:$0x7FF] =	sst s12;
	v2 =	vor.u32 $0x1, v0;
	v3 =	vor.u32 $0x2, v0;
	v4 =	vor.u32 $0x3, v0  }
0xb: {  	s6 =	sand.u32 $0x1, s6;
	s8 =	sshll.u32 s8, $0x7;
	s4 =	sadd.s32 $0x600, s4;
	v5 =	vor.u32 $0x4, v0;
	v6 =	vor.u32 $0x5, v0;
	v7 =	vor.u32 $0x6, v0  }
0xc: {  	s1 =	ssub.s32 $0x2, s6;
	s6 =	sshll.u32 s6, $0x6;
	_ =	strace $0x80000047;
	v8 =	vor.u32 $0x7, v0;
	v9 =	vor.u32 $0x8, v0;
	v10 =	vor.u32 $0x9, v0  }
0xd: {  	[dreg:$0x7] =	wrdreg s4;
	s9 =	sshrl.u32 s1, $0x1;
	s6 =	sor.u32 s6, s8;
	v11 =	vor.u32 $0xA, v0;
	v12 =	vor.u32 $0xB, v0;
	v13 =	vor.u32 $0xC, v0  }
0xe: {  	v14 =	vor.u32 $0xD, v0;
	v15 =	vor.u32 $0xE, v0;
	v16 =	vor.u32 $0xF, v0;
	s23 =	ssub.s32 s1, s9;
	s0 =	sadd.s32 s0, s6;
	s24 =	sadd.s32 s3, s6  }
0xf: {  	v17 =	vor.u32 $0x10, v0;
	v18 =	vor.u32 $0x11, v0;
	v19 =	vor.u32 $0x12, v0;
	s25 =	sadd.s32 s5, s6;
	s6 =	simm.s32 $0x4;
	[dreg:$0x8] =	wrdreg s0  }
0x10: {  	v20 =	vor.u32 $0x13, v0;
	v21 =	vor.u32 $0x14, v0;
	v22 =	vor.u32 $0x15, v0;
	s1 =	simm.s32 $0x2400;
	s3 =	simm.s32 $0x3;
	[dreg:$0x9] =	wrdreg s24  }
0x11: {  	v23 =	vor.u32 $0x16, v0;
	v24 =	vor.u32 $0x17, v0;
	v25 =	vor.u32 $0x18, v0;
	s5 =	simm.s32 $0x0;
	[dreg:$0xa] =	wrdreg s25;
	s26 =	smax.u32 s23, $0x1  }
0x12: {  	v26 =	vor.u32 $0x19, v0;
	v27 =	vor.u32 $0x1A, v0;
	v28 =	vor.u32 $0x1B, v0;
	s0 =	simm.s32 $0x2;
	[dreg:$0xb] =	wrdreg s26;
	s26 =	simm.s32 $0x8400  }
.LBB2_1:
0x13: {  	[dreg:$0xc] =	wrdreg s5  }
0x14: {  	s4 =	rddreg [dreg:$0x8]  }
0x15: {  	[tilespmem:s12], [sflag:$0x1] =	stream.linear.gather [hbm4b:s4+s12], $0x200, $0x38;
	[tilespmem:$0x11680] =	vst v63  }
0x16: {  	s21 =	rddreg [dreg:$0x9];
	s22 =	simm.s32 $0x200  }
0x17: {  	[tilespmem:s22], [sflag:$0x1] =	stream.linear.gather [hbm4b:s21+s12], $0x200, $0x38;
	[tilespmem:$0x11680] =	vst v63  }
0x18: {  	s23 =	rddreg [dreg:$0x7];
	s24 =	simm.s32 $0x11600  }
0x19: {  	[tilespmem:s24], [sflag:$0x4] =	stream.linear.gather [hbm4b:s23+s12], $0x80, $0x38;
	[tilespmem:$0x11680] =	vst v63  }
0x1a: {  	_ =	swait.ge [sflag:s6], $0x80  }
0x1b: {  	[sflag:s6] =	ssyncset.done $0x0  }
0x1c: {  	s25 =	simm.s32 $0x1;
	[sflag:s6] =	ssyncadd.s32 $0xFFFFFF80  }
0x1d: {  	_ =	swait.ge [sflag:s25], $0x200  }
0x1e: {  	[sflag:s25] =	ssyncset.done $0x0  }
0x1f: {  	[sflag:s25] =	ssyncadd.s32 $0xFFFFFE00  }
0x20: {  	_ =	swait.ge [sflag:s25], $0x200  }
0x21: {  	[sflag:s25] =	ssyncset.done $0x0  }
0x22: {  	[sflag:s25] =	ssyncadd.s32 $0xFFFFFE00  }
0x23: {  	v44 =	vld [tilespmem:$0x11600];
	_ =	sdelay $0x4  }
0x24: {  	v1 =	vbroadcast v44, $0x1;
	_ =	sdelay $0x1  }
0x25: {  	[tilespmem:$0x1FE00] =	vst v1;
	v1 =	vbroadcast v44, $0x2;
	_ =	sdelay $0x1  }
0x26: {  	[tilespmem:$0x1FE10] =	vst v1;
	v1 =	vbroadcast v44, $0x3;
	_ =	sdelay $0x1  }
0x27: {  	[tilespmem:$0x1FE20] =	vst v1;
	v1 =	vbroadcast v44, $0x4;
	_ =	sdelay $0x1  }
0x28: {  	[tilespmem:$0x1FE30] =	vst v1;
	v1 =	vbroadcast v44, $0x5;
	_ =	sdelay $0x1  }
0x29: {  	[tilespmem:$0x1FE40] =	vst v1;
	v1 =	vbroadcast v44, $0x6;
	_ =	sdelay $0x1  }
0x2a: {  	[tilespmem:$0x1FE50] =	vst v1;
	v1 =	vbroadcast v44, $0x7;
	_ =	sdelay $0x1  }
0x2b: {  	[tilespmem:$0x1FE60] =	vst v1;
	v1 =	vbroadcast v44, $0x8;
	_ =	sdelay $0x1  }
0x2c: {  	[tilespmem:$0x1FE70] =	vst v1;
	v1 =	vbroadcast v44, $0x9;
	_ =	sdelay $0x1  }
0x2d: {  	[tilespmem:$0x1FE80] =	vst v1;
	v1 =	vbroadcast v44, $0xA;
	_ =	sdelay $0x1  }
0x2e: {  	[tilespmem:$0x1FE90] =	vst v1;
	v1 =	vbroadcast v44, $0xB;
	_ =	sdelay $0x1  }
0x2f: {  	[tilespmem:$0x1FEA0] =	vst v1;
	v1 =	vbroadcast v44, $0xC;
	_ =	sdelay $0x1  }
0x30: {  	[tilespmem:$0x1FEB0] =	vst v1;
	v1 =	vbroadcast v44, $0xD  }
0x31: {  	v60 =	vld [tilespmem:$0x11610]  }
0x32: {  	[tilespmem:$0x1FEC0] =	vst v1;
	v1 =	vbroadcast v44, $0xE;
	_ =	sdelay $0x1  }
0x33: {  	[tilespmem:$0x1FED0] =	vst v1;
	v1 =	vbroadcast v44, $0xF;
	_ =	sdelay $0x1  }
0x34: {  	[tilespmem:$0x1FEE0] =	vst v1;
	v1 =	vbroadcast v60, $0x0;
	_ =	sdelay $0x1  }
0x35: {  	[tilespmem:$0x1FEF0] =	vst v1;
	v1 =	vbroadcast v60, $0x1;
	_ =	sdelay $0x1  }
0x36: {  	[tilespmem:$0x1FF00] =	vst v1;
	v1 =	vbroadcast v60, $0x2;
	_ =	sdelay $0x1  }
0x37: {  	[tilespmem:$0x1FF10] =	vst v1;
	v1 =	vbroadcast v60, $0x3;
	_ =	sdelay $0x1  }
0x38: {  	[tilespmem:$0x1FF20] =	vst v1;
	v1 =	vbroadcast v60, $0x4;
	_ =	sdelay $0x1  }
0x39: {  	[tilespmem:$0x1FF30] =	vst v1;
	v1 =	vbroadcast v60, $0x5;
	_ =	sdelay $0x1  }
0x3a: {  	[tilespmem:$0x1FF40] =	vst v1;
	v1 =	vbroadcast v60, $0x6;
	_ =	sdelay $0x1  }
0x3b: {  	[tilespmem:$0x1FF50] =	vst v1;
	v1 =	vbroadcast v60, $0x7;
	_ =	sdelay $0x1  }
0x3c: {  	[tilespmem:$0x1FF60] =	vst v1;
	v1 =	vbroadcast v60, $0x8;
	_ =	sdelay $0x1  }
0x3d: {  	[tilespmem:$0x1FF70] =	vst v1;
	v1 =	vbroadcast v60, $0x9;
	_ =	sdelay $0x1  }
0x3e: {  	[tilespmem:$0x1FF80] =	vst v1;
	v1 =	vbroadcast v60, $0xA;
	_ =	sdelay $0x1  }
0x3f: {  	[tilespmem:$0x1FF90] =	vst v1;
	v1 =	vbroadcast v60, $0xB;
	_ =	sdelay $0x1  }
0x40: {  	[tilespmem:$0x1FFA0] =	vst v1;
	v1 =	vbroadcast v60, $0xC;
	_ =	sdelay $0x1  }
0x41: {  	[tilespmem:$0x1FFB0] =	vst v1;
	v1 =	vbroadcast v60, $0xD;
	_ =	sdelay $0x1  }
0x42: {  	[tilespmem:$0x1FFC0] =	vst v1;
	v1 =	vbroadcast v60, $0xE;
	_ =	sdelay $0x1  }
0x43: {  	[tilespmem:$0x1FFD0] =	vst v1;
	v1 =	vbroadcast v60, $0xF;
	_ =	sdelay $0x1  }
0x44: {  	[tilespmem:$0x1FFE0] =	vst v1;
	v1 =	vld.msk [tilespmem:$0x11620 ss:$0x0], $0xffff;
	_ =	sdelay $0x1  }
0x45: {  	v29 =	vbroadcast v44, $0x0;
	_ =	sdelay $0x1  }
0x46: {  	[tilespmem:$0x1FDF0] =	vst v29  }
0x47: {  	s4 =	simm.s32 $0x0;
	s6 =	simm.s32 $0xB400;
	[tilespmem:$0x1FFF0] =	vst v1  }
.LBB2_2:
0x48: {  	s20 =	sshra.s32 s4, $0x2  }
0x49: {  	v63 =	vld [tilespmem:s20+$0x0];
	_ =	sdelay $0x1  }
0x4a: {  	v62 =	vld [tilespmem:s20+$0x200];
	_ =	sdelay $0x2  }
0x4b: {  	(v2sf) =	vpush v63, $0x0;
	_ =	sdelay $0x1  }
0x4c: {  	(v2sf) =	vpush v62, $0x0;
	_ =	sdelay $0xc  }
0x4d: {  	s5 =	spop (v2sf)  }
0x4e: {  	s21 =	sshra.s32 s5, $0x1F  }
0x4f: {  	[dreg:$0xd] =	wrdreg s4;
	(v2sf) =	vpush v63, $0x1;
	s4 =	spop (v2sf);
	s8 =	sshrl.u32 s21, $0x19  }
0x50: {  	s12 =	sshra.s32 s4, $0x1F;
	s8 =	sadd.s32 s8, s5  }
0x51: {  	(v2sf) =	vpush v62, $0x1;
	s12 =	sshrl.u32 s12, $0x19;
	s9 =	sand.u32 $0xFFFFFF80, s8  }
0x52: {  	p0 =	slt.s32 s5, $0x1;
	s22 =	sadd.s32 s12, s4;
	p1 =	sne.s32 s5, s9  }
0x53: {  	s13 =	simm.s32 $0x1;
	s12 =	sand.u32 $0xFFFFFF80, s22;
	p0 =	por !p0, !p1  }
0x54: {  	p3 =	slt.s32 s4, $0x1;
	p4 =	sne.s32 s4, s12;
	p0 =	por !p0, !p0  }
0x55: {  	s8 =	sshrl.u32 s8, $0x7;
	s13 =	simm.s32 @!p0 $0x0;
	p0 =	por !p3, !p4  }
0x56: {  	s12 =	simm.s32 $0x1;
	s8 =	ssub.s32 s8, s13;
	p0 =	por !p0, !p0  }
0x57: {  	s9 =	sshrl.u32 s22, $0x7;
	s8 =	sshll.u32 s8, $0x7;
	s12 =	simm.s32 @!p0 $0x0  }
0x58: {  	s8 =	sand.u32 $0x1FFFFF80, s8;
	s9 =	ssub.s32 s9, s12  }
0x59: {  	s8 =	sadd.s32 s7, s8;
	s23 =	sshll.u32 s9, $0x7  }
0x5a: {  	[tilespmem:s15], [sflag:$0x2] =	stream.strided.gather [hbm4b:s8+s15], $0x1000, s14, s15, $0x38;
	[tilespmem:$0x11680] =	vst v63  }
0x5b: {  	s8 =	sand.u32 $0x1FFFFF80, s23  }
0x5c: {  	s8 =	sadd.s32 s2, s8  }
0x5d: {  	[tilespmem:s26], [sflag:$0x2] =	stream.strided.gather [hbm4b:s8+s15], $0x1000, s14, s15, $0x38;
	[tilespmem:$0x11680] =	vst v63  }
0x5e: {  	s17 =	spop (v2sf)  }
0x5f: {  	s24 =	sshra.s32 s17, $0x1F  }
0x60: {  	(v2sf) =	vpush v63, $0x2;
	s8 =	spop (v2sf);
	s25 =	sshrl.u32 s24, $0x19  }
0x61: {  	s16 =	sshra.s32 s8, $0x1F;
	s9 =	sadd.s32 s25, s17  }
0x62: {  	(v2sf) =	vpush v62, $0x2;
	s13 =	sshrl.u32 s16, $0x19;
	s26 =	sand.u32 $0xFFFFFF80, s9  }
0x63: {  	p5 =	slt.s32 s17, $0x1;
	s18 =	sadd.s32 s13, s8;
	p6 =	sne.s32 s17, s26  }
0x64: {  	p2 =	slt.s32 s8, $0x1;
	s13 =	sand.u32 $0xFFFFFF80, s18;
	p0 =	por !p5, !p6  }
0x65: {  	s16 =	simm.s32 $0x1;
	p3 =	sne.s32 s8, s13;
	p0 =	por !p0, !p0  }
0x66: {  	s9 =	sshrl.u32 s9, $0x7;
	s16 =	simm.s32 @!p0 $0x0;
	p0 =	por !p2, !p3  }
0x67: {  	s13 =	simm.s32 $0x1;
	s9 =	ssub.s32 s9, s16;
	p0 =	por !p0, !p0  }
0x68: {  	s12 =	sshrl.u32 s18, $0x7;
	s9 =	sshll.u32 s9, $0x7;
	s13 =	simm.s32 @!p0 $0x0  }
0x69: {  	s9 =	sand.u32 $0x1FFFFF80, s9;
	s12 =	ssub.s32 s12, s13  }
0x6a: {  	s9 =	sadd.s32 s7, s9;
	s19 =	sshll.u32 s12, $0x7  }
0x6b: {  	[tilespmem:s28], [sflag:$0x2] =	stream.strided.gather [hbm4b:s9+s15], $0x1000, s14, s15, $0x38;
	[tilespmem:$0x11680] =	vst v63  }
0x6c: {  	s9 =	sand.u32 $0x1FFFFF80, s19  }
0x6d: {  	s9 =	sadd.s32 s2, s9  }
0x6e: {  	[tilespmem:s29], [sflag:$0x2] =	stream.strided.gather [hbm4b:s9+s15], $0x1000, s14, s15, $0x38;
	[tilespmem:$0x11680] =	vst v63  }
0x6f: {  	s21 =	spop (v2sf)  }
0x70: {  	[dreg:$0xe] =	wrdreg s20;
	s20 =	sshra.s32 s21, $0x1F  }
0x71: {  	(v2sf) =	vpush v63, $0x3;
	s19 =	spop (v2sf);
	s9 =	sshrl.u32 s20, $0x19  }
0x72: {  	s23 =	sshra.s32 s19, $0x1F;
	s9 =	sadd.s32 s9, s21  }
0x73: {  	(v2sf) =	vpush v62, $0x3;
	s13 =	sshrl.u32 s23, $0x19;
	s22 =	sand.u32 $0xFFFFFF80, s9  }
0x74: {  	p4 =	slt.s32 s21, $0x1;
	s24 =	sadd.s32 s13, s19;
	p5 =	sne.s32 s21, s22  }
0x75: {  	s16 =	simm.s32 $0x1;
	s13 =	sand.u32 $0xFFFFFF80, s24;
	p0 =	por !p4, !p5  }
0x76: {  	p6 =	slt.s32 s19, $0x1;
	p2 =	sne.s32 s19, s13;
	p0 =	por !p0, !p0  }
0x77: {  	s9 =	sshrl.u32 s9, $0x7;
	s16 =	simm.s32 @!p0 $0x0;
	p0 =	por !p6, !p2  }
0x78: {  	s13 =	simm.s32 $0x1;
	s9 =	ssub.s32 s9, s16;
	p0 =	por !p0, !p0  }
0x79: {  	s12 =	sshrl.u32 s24, $0x7;
	s9 =	sshll.u32 s9, $0x7;
	s13 =	simm.s32 @!p0 $0x0  }
0x7a: {  	s9 =	sand.u32 $0x1FFFFF80, s9;
	s12 =	ssub.s32 s12, s13  }
0x7b: {  	s9 =	sadd.s32 s7, s9;
	s25 =	sshll.u32 s12, $0x7  }
0x7c: {  	[tilespmem:s1], [sflag:$0x2] =	stream.strided.gather [hbm4b:s9+s15], $0x1000, s14, s15, $0x38;
	[tilespmem:$0x11680] =	vst v63  }
0x7d: {  	s9 =	sand.u32 $0x1FFFFF80, s25  }
0x7e: {  	s9 =	sadd.s32 s2, s9  }
0x7f: {  	[tilespmem:s30], [sflag:$0x2] =	stream.strided.gather [hbm4b:s9+s15], $0x1000, s14, s15, $0x38;
	[tilespmem:$0x11680] =	vst v63  }
0x80: {  	s25 =	spop (v2sf)  }
0x81: {  	s26 =	sshra.s32 s25, $0x1F  }
0x82: {  	(v2sf) =	vpush v63, $0x4;
	s23 =	spop (v2sf);
	s9 =	sshrl.u32 s26, $0x19  }
0x83: {  	s16 =	sshra.s32 s23, $0x1F;
	s9 =	sadd.s32 s9, s25  }
0x84: {  	(v2sf) =	vpush v62, $0x4;
	s13 =	sshrl.u32 s16, $0x19;
	s1 =	sand.u32 $0xFFFFFF80, s9  }
0x85: {  	p3 =	slt.s32 s25, $0x1;
	s18 =	sadd.s32 s13, s23;
	p4 =	sne.s32 s25, s1  }
0x86: {  	p5 =	slt.s32 s23, $0x1;
	s13 =	sand.u32 $0xFFFFFF80, s18;
	p0 =	por !p3, !p4  }
0x87: {  	s16 =	simm.s32 $0x1;
	p6 =	sne.s32 s23, s13;
	p0 =	por !p0, !p0  }
0x88: {  	s9 =	sshrl.u32 s9, $0x7;
	s16 =	simm.s32 @!p0 $0x0;
	p0 =	por !p5, !p6  }
0x89: {  	s13 =	simm.s32 $0x1;
	s9 =	ssub.s32 s9, s16;
	p0 =	por !p0, !p0  }
0x8a: {  	s12 =	sshrl.u32 s18, $0x7;
	s9 =	sshll.u32 s9, $0x7;
	s13 =	simm.s32 @!p0 $0x0  }
0x8b: {  	s9 =	sand.u32 $0x1FFFFF80, s9;
	s12 =	ssub.s32 s12, s13  }
0x8c: {  	s9 =	sadd.s32 s7, s9;
	s20 =	sshll.u32 s12, $0x7  }
0x8d: {  	[tilespmem:s31], [sflag:$0x2] =	stream.strided.gather [hbm4b:s9+s15], $0x1000, s14, s15, $0x38;
	[tilespmem:$0x11680] =	vst v63  }
0x8e: {  	s9 =	sand.u32 $0x1FFFFF80, s20  }
0x8f: {  	s9 =	sadd.s32 s2, s9  }
0x90: {  	[tilespmem:s6], [sflag:$0x2] =	stream.strided.gather [hbm4b:s9+s15], $0x1000, s14, s15, $0x38;
	[tilespmem:$0x11680] =	vst v63  }
0x91: {  	s12 =	spop (v2sf)  }
0x92: {  	s22 =	sshra.s32 s12, $0x1F  }
0x93: {  	(v2sf) =	vpush v63, $0x5;
	s9 =	spop (v2sf);
	s24 =	sshrl.u32 s22, $0x19  }
0x94: {  	s18 =	sshra.s32 s9, $0x1F;
	s13 =	sadd.s32 s24, s12  }
0x95: {  	(v2sf) =	vpush v62, $0x5;
	s18 =	sshrl.u32 s18, $0x19;
	s26 =	sand.u32 $0xFFFFFF80, s13  }
0x96: {  	p1 =	slt.s32 s12, $0x1;
	s1 =	sadd.s32 s18, s9;
	p2 =	sne.s32 s12, s26  }
0x97: {  	s20 =	simm.s32 $0x1;
	s18 =	sand.u32 $0xFFFFFF80, s1;
	p0 =	por !p1, !p2  }
0x98: {  	p3 =	slt.s32 s9, $0x1;
	p4 =	sne.s32 s9, s18;
	p0 =	por !p0, !p0  }
0x99: {  	s13 =	sshrl.u32 s13, $0x7;
	s20 =	simm.s32 @!p0 $0x0;
	p0 =	por !p3, !p4  }
0x9a: {  	s18 =	simm.s32 $0x1;
	s13 =	ssub.s32 s13, s20;
	p0 =	por !p0, !p0  }
0x9b: {  	s16 =	sshrl.u32 s1, $0x7;
	s13 =	sshll.u32 s13, $0x7;
	s18 =	simm.s32 @!p0 $0x0  }
0x9c: {  	s13 =	sand.u32 $0x1FFFFF80, s13;
	s16 =	ssub.s32 s16, s18  }
0x9d: {  	s6 =	simm.s32 $0x4400;
	s13 =	sadd.s32 s7, s13;
	s18 =	sshll.u32 s16, $0x7  }
0x9e: {  	[tilespmem:s6], [sflag:$0x3] =	stream.strided.gather [hbm4b:s13+s15], $0x1000, s14, s15, $0x38;
	[tilespmem:$0x11680] =	vst v63  }
0x9f: {  	s13 =	sand.u32 $0x1FFFFF80, s18  }
0xa0: {  	s20 =	simm.s32 $0xC400;
	s13 =	sadd.s32 s2, s13  }
0xa1: {  	[tilespmem:s20], [sflag:$0x3] =	stream.strided.gather [hbm4b:s13+s15], $0x1000, s14, s15, $0x38;
	[tilespmem:$0x11680] =	vst v63  }
0xa2: {  	s16 =	spop (v2sf)  }
0xa3: {  	s22 =	sshra.s32 s16, $0x1F  }
0xa4: {  	(v2sf) =	vpush v63, $0x6;
	s13 =	spop (v2sf);
	s24 =	sshrl.u32 s22, $0x19  }
0xa5: {  	s22 =	sshra.s32 s13, $0x1F;
	s18 =	sadd.s32 s24, s16  }
0xa6: {  	(v2sf) =	vpush v62, $0x6;
	s22 =	sshrl.u32 s22, $0x19;
	s26 =	sand.u32 $0xFFFFFF80, s18  }
0xa7: {  	p5 =	slt.s32 s16, $0x1;
	s1 =	sadd.s32 s22, s13;
	p6 =	sne.s32 s16, s26  }
0xa8: {  	p2 =	slt.s32 s13, $0x1;
	s22 =	sand.u32 $0xFFFFFF80, s1;
	p0 =	por !p5, !p6  }
0xa9: {  	s24 =	simm.s32 $0x1;
	p3 =	sne.s32 s13, s22;
	p0 =	por !p0, !p0  }
0xaa: {  	s18 =	sshrl.u32 s18, $0x7;
	s24 =	simm.s32 @!p0 $0x0;
	p0 =	por !p2, !p3  }
0xab: {  	s22 =	simm.s32 $0x1;
	s18 =	ssub.s32 s18, s24;
	p0 =	por !p0, !p0  }
0xac: {  	s20 =	sshrl.u32 s1, $0x7;
	s18 =	sshll.u32 s18, $0x7;
	s22 =	simm.s32 @!p0 $0x0  }
0xad: {  	s18 =	sand.u32 $0x1FFFFF80, s18;
	s20 =	ssub.s32 s20, s22  }
0xae: {  	s6 =	simm.s32 $0x5400;
	s18 =	sadd.s32 s7, s18;
	s20 =	sshll.u32 s20, $0x7  }
0xaf: {  	[tilespmem:s6], [sflag:$0x3] =	stream.strided.gather [hbm4b:s18+s15], $0x1000, s14, s15, $0x38;
	[tilespmem:$0x11680] =	vst v63  }
0xb0: {  	s18 =	sand.u32 $0x1FFFFF80, s20  }
0xb1: {  	s22 =	simm.s32 $0xD400;
	s18 =	sadd.s32 s2, s18  }
0xb2: {  	[tilespmem:s22], [sflag:$0x3] =	stream.strided.gather [hbm4b:s18+s15], $0x1000, s14, s15, $0x38;
	[tilespmem:$0x11680] =	vst v63  }
0xb3: {  	s20 =	spop (v2sf)  }
0xb4: {  	s24 =	sshra.s32 s20, $0x1F  }
0xb5: {  	(v2sf) =	vpush v63, $0x7;
	s18 =	spop (v2sf);
	s26 =	sshrl.u32 s24, $0x19  }
0xb6: {  	s6 =	sshra.s32 s18, $0x1F;
	s22 =	sadd.s32 s26, s20  }
0xb7: {  	(v2sf) =	vpush v62, $0x7;
	s26 =	sshrl.u32 s6, $0x19;
	s1 =	sand.u32 $0xFFFFFF80, s22  }
0xb8: {  	p4 =	slt.s32 s20, $0x1;
	p5 =	sne.s32 s20, s1;
	s1 =	sadd.s32 s26, s18  }
0xb9: {  	s28 =	simm.s32 $0x1;
	p0 =	por !p4, !p5;
	s26 =	sand.u32 $0xFFFFFF80, s1  }
0xba: {  	p6 =	slt.s32 s18, $0x1;
	p0 =	por !p0, !p0;
	p2 =	sne.s32 s18, s26  }
0xbb: {  	s22 =	sshrl.u32 s22, $0x7;
	s28 =	simm.s32 @!p0 $0x0;
	p0 =	por !p6, !p2  }
0xbc: {  	s26 =	simm.s32 $0x1;
	s22 =	ssub.s32 s22, s28;
	p0 =	por !p0, !p0  }
0xbd: {  	s24 =	sshrl.u32 s1, $0x7;
	s22 =	sshll.u32 s22, $0x7;
	s26 =	simm.s32 @!p0 $0x0  }
0xbe: {  	s22 =	sand.u32 $0x1FFFFF80, s22;
	s24 =	ssub.s32 s24, s26  }
0xbf: {  	s6 =	simm.s32 $0x6400;
	s22 =	sadd.s32 s7, s22;
	s24 =	sshll.u32 s24, $0x7  }
0xc0: {  	[tilespmem:s6], [sflag:$0x3] =	stream.strided.gather [hbm4b:s22+s15], $0x1000, s14, s15, $0x38;
	[tilespmem:$0x11680] =	vst v63  }
0xc1: {  	s22 =	sand.u32 $0x1FFFFF80, s24  }
0xc2: {  	s26 =	simm.s32 $0xE400;
	s22 =	sadd.s32 s2, s22  }
0xc3: {  	[tilespmem:s26], [sflag:$0x3] =	stream.strided.gather [hbm4b:s22+s15], $0x1000, s14, s15, $0x38;
	[tilespmem:$0x11680] =	vst v63  }
0xc4: {  	s24 =	spop (v2sf)  }
0xc5: {  	s6 =	sshra.s32 s24, $0x1F  }
0xc6: {  	s22 =	spop (v2sf);
	s26 =	sshrl.u32 s6, $0x19  }
0xc7: {  	s28 =	sshra.s32 s22, $0x1F;
	s26 =	sadd.s32 s26, s24  }
0xc8: {  	s28 =	sshrl.u32 s28, $0x19;
	s29 =	sand.u32 $0xFFFFFF80, s26  }
0xc9: {  	p3 =	slt.s32 s24, $0x1;
	s28 =	sadd.s32 s28, s22;
	p4 =	sne.s32 s24, s29  }
0xca: {  	s29 =	sand.u32 $0xFFFFFF80, s28;
	p0 =	por !p3, !p4  }
0xcb: {  	p5 =	sne.s32 s22, s29;
	s29 =	simm.s32 $0x1;
	p0 =	por !p0, !p0  }
0xcc: {  	p6 =	slt.s32 s22, $0x1;
	s26 =	sshrl.u32 s26, $0x7;
	s29 =	simm.s32 @!p0 $0x0  }
0xcd: {  	p0 =	por !p6, !p5;
	s26 =	ssub.s32 s26, s29  }
0xce: {  	p0 =	por !p0, !p0;
	s29 =	simm.s32 $0x1;
	s26 =	sshll.u32 s26, $0x7  }
0xcf: {  	s28 =	sshrl.u32 s28, $0x7;
	s29 =	simm.s32 @!p0 $0x0;
	s26 =	sand.u32 $0x1FFFFF80, s26  }
0xd0: {  	s28 =	ssub.s32 s28, s29;
	s29 =	simm.s32 $0x7400;
	s26 =	sadd.s32 s7, s26  }
0xd1: {  	[tilespmem:s29], [sflag:$0x3] =	stream.strided.gather [hbm4b:s26+s15], $0x1000, s14, s15, $0x38;
	[tilespmem:$0x11680] =	vst v63  }
0xd2: {  	s26 =	sshll.u32 s28, $0x7  }
0xd3: {  	s26 =	sand.u32 $0x1FFFFF80, s26  }
0xd4: {  	s28 =	simm.s32 $0xF400;
	s26 =	sadd.s32 s2, s26  }
0xd5: {  	[tilespmem:s28], [sflag:$0x3] =	stream.strided.gather [hbm4b:s26+s15], $0x1000, s14, s15, $0x38;
	[tilespmem:$0x11680] =	vst v63  }
0xd6: {  	_ =	swait.ge [sflag:s0], $0x1000  }
0xd7: {  	[sflag:s0] =	ssyncset.done $0x0  }
0xd8: {  	[sflag:s0] =	ssyncadd.s32 $0xFFFFF000  }
0xd9: {  	_ =	swait.ge [sflag:s0], $0x1000  }
0xda: {  	[sflag:s0] =	ssyncset.done $0x0  }
0xdb: {  	[sflag:s0] =	ssyncadd.s32 $0xFFFFF000  }
0xdc: {  	_ =	swait.ge [sflag:s0], $0x1000  }
0xdd: {  	[sflag:s0] =	ssyncset.done $0x0  }
0xde: {  	[sflag:s0] =	ssyncadd.s32 $0xFFFFF000  }
0xdf: {  	_ =	swait.ge [sflag:s0], $0x1000  }
0xe0: {  	[sflag:s0] =	ssyncset.done $0x0  }
0xe1: {  	[sflag:s0] =	ssyncadd.s32 $0xFFFFF000  }
0xe2: {  	_ =	swait.ge [sflag:s0], $0x1000  }
0xe3: {  	[sflag:s0] =	ssyncset.done $0x0  }
0xe4: {  	[sflag:s0] =	ssyncadd.s32 $0xFFFFF000  }
0xe5: {  	_ =	swait.ge [sflag:s0], $0x1000  }
0xe6: {  	[sflag:s0] =	ssyncset.done $0x0  }
0xe7: {  	[sflag:s0] =	ssyncadd.s32 $0xFFFFF000  }
0xe8: {  	s5 =	sand.u32 $0x7F, s5;
	_ =	swait.ge [sflag:s0], $0x1000  }
0xe9: {  	v29 =	vor.u32 s5, v0;
	[sflag:s0] =	ssyncset.done $0x0  }
0xea: {  	[sflag:s0] =	ssyncadd.s32 $0xFFFFF000  }
0xeb: {  	_ =	swait.ge [sflag:s0], $0x1000  }
0xec: {  	[sflag:s0] =	ssyncset.done $0x0  }
0xed: {  	[sflag:s0] =	ssyncadd.s32 $0xFFFFF000  }
0xee: {  	v29 =	vld.idx.msk [tilespmem:v29+s15+$0x0], $0xffff  }
0xef: {  	v30 =	vor.u32 s5, v61;
	_ =	sdelay $0x3  }
0xf0: {  	[tilespmem:$0x10400] =	vst v29  }
0xf1: {  	s4 =	sand.u32 $0x7F, s4;
	v29 =	vld.idx.msk [tilespmem:v30+s15+$0x0], $0xffff  }
0xf2: {  	v30 =	vor.u32 s4, v0;
	_ =	sdelay $0x3  }
0xf3: {  	s31 =	simm.s32 $0x8400;
	[tilespmem:$0x10410] =	vst v29  }
0xf4: {  	v29 =	vld.idx.msk [tilespmem:v30+s31+$0x0], $0xffff  }
0xf5: {  	v30 =	vor.u32 s4, v61;
	_ =	sdelay $0x3  }
0xf6: {  	[tilespmem:$0x10C00] =	vst v29  }
0xf7: {  	s26 =	sand.u32 $0x7F, s17;
	v29 =	vld.idx.msk [tilespmem:v30+s31+$0x0], $0xffff  }
0xf8: {  	v30 =	vor.u32 s26, v0;
	_ =	sdelay $0x3  }
0xf9: {  	s17 =	simm.s32 $0x1400;
	[tilespmem:$0x10C10] =	vst v29  }
0xfa: {  	v29 =	vld.idx.msk [tilespmem:v30+s17+$0x0], $0xffff  }
0xfb: {  	v30 =	vor.u32 s26, v61;
	_ =	sdelay $0x3  }
0xfc: {  	s26 =	sand.u32 $0x7F, s8;
	s8 =	simm.s32 $0x1400;
	[tilespmem:$0x10480] =	vst v29  }
0xfd: {  	v29 =	vld.idx.msk [tilespmem:v30+s8+$0x0], $0xffff  }
0xfe: {  	v30 =	vor.u32 s26, v0;
	_ =	sdelay $0x3  }
0xff: {  	s17 =	simm.s32 $0x9400;
	[tilespmem:$0x10490] =	vst v29  }
0x100: {  	v29 =	vld.idx.msk [tilespmem:v30+s17+$0x0], $0xffff  }
0x101: {  	v30 =	vor.u32 s26, v61;
	_ =	sdelay $0x3  }
0x102: {  	s26 =	simm.s32 $0x9400;
	[tilespmem:$0x10C80] =	vst v29  }
0x103: {  	s5 =	sand.u32 $0x7F, s21;
	v29 =	vld.idx.msk [tilespmem:v30+s26+$0x0], $0xffff  }
0x104: {  	v30 =	vor.u32 s5, v0;
	_ =	sdelay $0x3  }
0x105: {  	s6 =	simm.s32 $0x2400;
	[tilespmem:$0x10C90] =	vst v29  }
0x106: {  	v29 =	vld.idx.msk [tilespmem:v30+s6+$0x0], $0xffff  }
0x107: {  	v30 =	vor.u32 s5, v61;
	_ =	sdelay $0x3  }
0x108: {  	[tilespmem:$0x10500] =	vst v29  }
0x109: {  	s8 =	sand.u32 $0x7F, s19;
	v29 =	vld.idx.msk [tilespmem:v30+s6+$0x0], $0xffff  }
0x10a: {  	v30 =	vor.u32 s8, v0;
	_ =	sdelay $0x3  }
0x10b: {  	s30 =	simm.s32 $0xA400;
	[tilespmem:$0x10510] =	vst v29  }
0x10c: {  	v29 =	vld.idx.msk [tilespmem:v30+s30+$0x0], $0xffff  }
0x10d: {  	v30 =	vor.u32 s8, v61;
	_ =	sdelay $0x2  }
0x10e: {  	(v2sf) =	vpush v63, $0x8  }
0x10f: {  	[tilespmem:$0x10D00] =	vst v29  }
0x110: {  	s17 =	sand.u32 $0x7F, s25;
	v29 =	vld.idx.msk [tilespmem:v30+s30+$0x0], $0xffff  }
0x111: {  	v30 =	vor.u32 s17, v0;
	_ =	sdelay $0x1  }
0x112: {  	(v2sf) =	vpush v62, $0x8;
	_ =	sdelay $0x1  }
0x113: {  	s1 =	simm.s32 $0x3400;
	[tilespmem:$0x10D10] =	vst v29  }
0x114: {  	v29 =	vld.idx.msk [tilespmem:v30+s1+$0x0], $0xffff  }
0x115: {  	v30 =	vor.u32 s17, v61;
	_ =	sdelay $0x3  }
0x116: {  	[tilespmem:$0x10580] =	vst v29  }
0x117: {  	s19 =	sand.u32 $0x7F, s23;
	v29 =	vld.idx.msk [tilespmem:v30+s1+$0x0], $0xffff  }
0x118: {  	s4 =	spop (v2sf);
	(v2sf) =	vpush v63, $0x9;
	v30 =	vor.u32 s19, v0;
	_ =	sdelay $0x3  }
0x119: {  	s21 =	sshra.s32 s4, $0x1F;
	s6 =	simm.s32 $0xB400;
	[tilespmem:$0x10590] =	vst v29  }
0x11a: {  	s23 =	sshrl.u32 s21, $0x19;
	s8 =	spop (v2sf);
	v29 =	vld.idx.msk [tilespmem:v30+s6+$0x0], $0xffff  }
0x11b: {  	s5 =	sadd.s32 s23, s4;
	(v2sf) =	vpush v62, $0x9;
	s26 =	sshra.s32 s8, $0x1F;
	v30 =	vor.u32 s19, v61  }
0x11c: {  	s25 =	sand.u32 $0xFFFFFF80, s5;
	s19 =	sshrl.u32 s26, $0x19  }
0x11d: {  	p1 =	slt.s32 s4, $0x1;
	p2 =	sne.s32 s4, s25;
	s1 =	sadd.s32 s19, s8  }
0x11e: {  	s21 =	simm.s32 $0x1;
	p0 =	por !p1, !p2;
	s19 =	sand.u32 $0xFFFFFF80, s1  }
0x11f: {  	p0 =	por !p0, !p0;
	p3 =	slt.s32 s8, $0x1;
	p4 =	sne.s32 s8, s19;
	[tilespmem:$0x10D80] =	vst v29  }
0x120: {  	s21 =	simm.s32 @!p0 $0x0;
	p0 =	por !p3, !p4;
	v29 =	vld.idx.msk [tilespmem:v30+s6+$0x0], $0xffff  }
0x121: {  	s5 =	sshrl.u32 s5, $0x7;
	s19 =	simm.s32 $0x1;
	p0 =	por !p0, !p0  }
0x122: {  	s5 =	ssub.s32 s5, s21;
	s17 =	sshrl.u32 s1, $0x7;
	s19 =	simm.s32 @!p0 $0x0  }
0x123: {  	s5 =	sshll.u32 s5, $0x7;
	s17 =	ssub.s32 s17, s19  }
0x124: {  	s5 =	sand.u32 $0x1FFFFF80, s5;
	s19 =	sshll.u32 s17, $0x7;
	s17 =	spop (v2sf)  }
0x125: {  	s5 =	sadd.s32 s7, s5;
	s21 =	sshra.s32 s17, $0x1F;
	[tilespmem:$0x10D90] =	vst v29  }
0x126: {  	[tilespmem:s15], [sflag:$0x2] =	stream.strided.gather [hbm4b:s5+s15], $0x1000, s14, s15, $0x38;
	[tilespmem:$0x11680] =	vst v63  }
0x127: {  	(v2sf) =	vpush v63, $0xA;
	s23 =	sshrl.u32 s21, $0x19;
	s5 =	sand.u32 $0x1FFFFF80, s19  }
0x128: {  	s19 =	sadd.s32 s23, s17;
	s5 =	sadd.s32 s2, s5  }
0x129: {  	[tilespmem:s31], [sflag:$0x2] =	stream.strided.gather [hbm4b:s5+s15], $0x1000, s14, s15, $0x38;
	[tilespmem:$0x11680] =	vst v63  }
0x12a: {  	s25 =	sand.u32 $0xFFFFFF80, s19;
	s5 =	spop (v2sf)  }
0x12b: {  	p5 =	slt.s32 s17, $0x1;
	p6 =	sne.s32 s17, s25;
	(v2sf) =	vpush v62, $0xA;
	s26 =	sshra.s32 s5, $0x1F  }
0x12c: {  	p0 =	por !p5, !p6;
	s23 =	sshrl.u32 s26, $0x19  }
0x12d: {  	s25 =	simm.s32 $0x1;
	p0 =	por !p0, !p0;
	s1 =	sadd.s32 s23, s5  }
0x12e: {  	s19 =	sshrl.u32 s19, $0x7;
	s25 =	simm.s32 @!p0 $0x0;
	s23 =	sand.u32 $0xFFFFFF80, s1  }
0x12f: {  	p2 =	slt.s32 s5, $0x1;
	s19 =	ssub.s32 s19, s25;
	p3 =	sne.s32 s5, s23  }
0x130: {  	s26 =	simm.s32 $0x1400;
	s19 =	sshll.u32 s19, $0x7;
	p0 =	por !p2, !p3  }
0x131: {  	s23 =	simm.s32 $0x1;
	s19 =	sand.u32 $0x1FFFFF80, s19;
	p0 =	por !p0, !p0  }
0x132: {  	s21 =	sshrl.u32 s1, $0x7;
	s19 =	sadd.s32 s7, s19;
	s23 =	simm.s32 @!p0 $0x0  }
0x133: {  	[tilespmem:s26], [sflag:$0x2] =	stream.strided.gather [hbm4b:s19+s15], $0x1000, s14, s15, $0x38;
	[tilespmem:$0x11680] =	vst v63  }
0x134: {  	s21 =	ssub.s32 s21, s23  }
0x135: {  	s21 =	sshll.u32 s21, $0x7  }
0x136: {  	s19 =	sand.u32 $0x1FFFFF80, s21;
	s21 =	spop (v2sf)  }
0x137: {  	s23 =	simm.s32 $0x9400;
	(v2sf) =	vpush v63, $0xB;
	s19 =	sadd.s32 s2, s19;
	s25 =	sshra.s32 s21, $0x1F  }
0x138: {  	[tilespmem:s23], [sflag:$0x2] =	stream.strided.gather [hbm4b:s19+s15], $0x1000, s14, s15, $0x38;
	[tilespmem:$0x11680] =	vst v63  }
0x139: {  	s26 =	sshrl.u32 s25, $0x19  }
0x13a: {  	s23 =	sadd.s32 s26, s21;
	s19 =	spop (v2sf);
	(v2sf) =	vpush v62, $0xB  }
0x13b: {  	s25 =	sand.u32 $0xFFFFFF80, s23;
	s26 =	sshra.s32 s19, $0x1F  }
0x13c: {  	p4 =	slt.s32 s21, $0x1;
	p5 =	sne.s32 s21, s25;
	s26 =	sshrl.u32 s26, $0x19  }
0x13d: {  	s28 =	simm.s32 $0x1;
	p0 =	por !p4, !p5;
	s25 =	sadd.s32 s26, s19  }
0x13e: {  	s23 =	sshrl.u32 s23, $0x7;
	p0 =	por !p0, !p0;
	s26 =	sand.u32 $0xFFFFFF80, s25  }
0x13f: {  	p6 =	slt.s32 s19, $0x1;
	s28 =	simm.s32 @!p0 $0x0;
	p2 =	sne.s32 s19, s26  }
0x140: {  	s23 =	ssub.s32 s23, s28;
	p0 =	por !p6, !p2  }
0x141: {  	s26 =	simm.s32 $0x1;
	s23 =	sshll.u32 s23, $0x7;
	p0 =	por !p0, !p0  }
0x142: {  	s25 =	sshrl.u32 s25, $0x7;
	s23 =	sand.u32 $0x1FFFFF80, s23;
	s26 =	simm.s32 @!p0 $0x0  }
0x143: {  	s1 =	simm.s32 $0x2400;
	s23 =	sadd.s32 s7, s23;
	s25 =	ssub.s32 s25, s26  }
0x144: {  	[tilespmem:s1], [sflag:$0x2] =	stream.strided.gather [hbm4b:s23+s15], $0x1000, s14, s15, $0x38;
	[tilespmem:$0x11680] =	vst v63  }
0x145: {  	s25 =	sshll.u32 s25, $0x7  }
0x146: {  	s23 =	sand.u32 $0x1FFFFF80, s25;
	s25 =	spop (v2sf)  }
0x147: {  	s29 =	simm.s32 $0xA400;
	s23 =	sadd.s32 s2, s23;
	s26 =	sshra.s32 s25, $0x1F  }
0x148: {  	[tilespmem:s29], [sflag:$0x2] =	stream.strided.gather [hbm4b:s23+s15], $0x1000, s14, s15, $0x38;
	[tilespmem:$0x11680] =	vst v63  }
0x149: {  	s26 =	sshrl.u32 s26, $0x19;
	s23 =	spop (v2sf)  }
0x14a: {  	s26 =	sadd.s32 s26, s25;
	s28 =	sshra.s32 s23, $0x1F  }
0x14b: {  	s29 =	sand.u32 $0xFFFFFF80, s26;
	s28 =	sshrl.u32 s28, $0x19  }
0x14c: {  	p3 =	slt.s32 s25, $0x1;
	p4 =	sne.s32 s25, s29;
	s28 =	sadd.s32 s28, s23  }
0x14d: {  	p0 =	por !p3, !p4;
	s29 =	sand.u32 $0xFFFFFF80, s28  }
0x14e: {  	p0 =	por !p0, !p0;
	p5 =	sne.s32 s23, s29;
	s29 =	simm.s32 $0x1  }
0x14f: {  	s26 =	sshrl.u32 s26, $0x7;
	p6 =	slt.s32 s23, $0x1;
	s29 =	simm.s32 @!p0 $0x0  }
0x150: {  	p0 =	por !p6, !p5;
	s26 =	ssub.s32 s26, s29  }
0x151: {  	p0 =	por !p0, !p0;
	s29 =	simm.s32 $0x1;
	s26 =	sshll.u32 s26, $0x7  }
0x152: {  	s28 =	sshrl.u32 s28, $0x7;
	s29 =	simm.s32 @!p0 $0x0;
	s26 =	sand.u32 $0x1FFFFF80, s26  }
0x153: {  	s31 =	simm.s32 $0x3400;
	s28 =	ssub.s32 s28, s29;
	s26 =	sadd.s32 s7, s26  }
0x154: {  	[tilespmem:s31], [sflag:$0x2] =	stream.strided.gather [hbm4b:s26+s15], $0x1000, s14, s15, $0x38;
	[tilespmem:$0x11680] =	vst v63  }
0x155: {  	s26 =	sshll.u32 s28, $0x7  }
0x156: {  	s26 =	sand.u32 $0x1FFFFF80, s26  }
0x157: {  	s26 =	sadd.s32 s2, s26  }
0x158: {  	[tilespmem:s6], [sflag:$0x2] =	stream.strided.gather [hbm4b:s26+s15], $0x1000, s14, s15, $0x38;
	[tilespmem:$0x11680] =	vst v63  }
0x159: {  	_ =	swait.ge [sflag:s3], $0x1000  }
0x15a: {  	[sflag:s3] =	ssyncset.done $0x0  }
0x15b: {  	[sflag:s3] =	ssyncadd.s32 $0xFFFFF000  }
0x15c: {  	_ =	swait.ge [sflag:s3], $0x1000  }
0x15d: {  	[sflag:s3] =	ssyncset.done $0x0  }
0x15e: {  	[sflag:s3] =	ssyncadd.s32 $0xFFFFF000  }
0x15f: {  	_ =	swait.ge [sflag:s3], $0x1000  }
0x160: {  	[sflag:s3] =	ssyncset.done $0x0  }
0x161: {  	[sflag:s3] =	ssyncadd.s32 $0xFFFFF000  }
0x162: {  	_ =	swait.ge [sflag:s3], $0x1000  }
0x163: {  	[sflag:s3] =	ssyncset.done $0x0  }
0x164: {  	[sflag:s3] =	ssyncadd.s32 $0xFFFFF000  }
0x165: {  	_ =	swait.ge [sflag:s3], $0x1000  }
0x166: {  	[sflag:s3] =	ssyncset.done $0x0  }
0x167: {  	[sflag:s3] =	ssyncadd.s32 $0xFFFFF000  }
0x168: {  	_ =	swait.ge [sflag:s3], $0x1000  }
0x169: {  	[sflag:s3] =	ssyncset.done $0x0  }
0x16a: {  	[sflag:s3] =	ssyncadd.s32 $0xFFFFF000  }
0x16b: {  	s12 =	sand.u32 $0x7F, s12;
	_ =	swait.ge [sflag:s3], $0x1000  }
0x16c: {  	v29 =	vor.u32 s12, v0;
	[sflag:s3] =	ssyncset.done $0x0  }
0x16d: {  	[sflag:s3] =	ssyncadd.s32 $0xFFFFF000  }
0x16e: {  	_ =	swait.ge [sflag:s3], $0x1000  }
0x16f: {  	[sflag:s3] =	ssyncset.done $0x0  }
0x170: {  	s26 =	simm.s32 $0x4400;
	[sflag:s3] =	ssyncadd.s32 $0xFFFFF000  }
0x171: {  	v29 =	vld.idx.msk [tilespmem:v29+s26+$0x0], $0xffff  }
0x172: {  	v30 =	vor.u32 s12, v61;
	_ =	sdelay $0x3  }
0x173: {  	s26 =	simm.s32 $0x4400;
	[tilespmem:$0x10600] =	vst v29  }
0x174: {  	s9 =	sand.u32 $0x7F, s9;
	v29 =	vld.idx.msk [tilespmem:v30+s26+$0x0], $0xffff  }
0x175: {  	v30 =	vor.u32 s9, v0;
	_ =	sdelay $0x3  }
0x176: {  	s26 =	simm.s32 $0xC400;
	[tilespmem:$0x10610] =	vst v29  }
0x177: {  	v29 =	vld.idx.msk [tilespmem:v30+s26+$0x0], $0xffff  }
0x178: {  	v30 =	vor.u32 s9, v61;
	_ =	sdelay $0x3  }
0x179: {  	s12 =	simm.s32 $0xC400;
	[tilespmem:$0x10E00] =	vst v29  }
0x17a: {  	s16 =	sand.u32 $0x7F, s16;
	v29 =	vld.idx.msk [tilespmem:v30+s12+$0x0], $0xffff  }
0x17b: {  	v30 =	vor.u32 s16, v0;
	_ =	sdelay $0x3  }
0x17c: {  	s26 =	simm.s32 $0x5400;
	[tilespmem:$0x10E10] =	vst v29  }
0x17d: {  	v29 =	vld.idx.msk [tilespmem:v30+s26+$0x0], $0xffff  }
0x17e: {  	v30 =	vor.u32 s16, v61;
	_ =	sdelay $0x3  }
0x17f: {  	s16 =	simm.s32 $0x5400;
	[tilespmem:$0x10680] =	vst v29  }
0x180: {  	s13 =	sand.u32 $0x7F, s13;
	v29 =	vld.idx.msk [tilespmem:v30+s16+$0x0], $0xffff  }
0x181: {  	v30 =	vor.u32 s13, v0;
	_ =	sdelay $0x3  }
0x182: {  	s26 =	simm.s32 $0xD400;
	[tilespmem:$0x10690] =	vst v29  }
0x183: {  	v29 =	vld.idx.msk [tilespmem:v30+s26+$0x0], $0xffff  }
0x184: {  	v30 =	vor.u32 s13, v61;
	_ =	sdelay $0x3  }
0x185: {  	s13 =	simm.s32 $0xD400;
	[tilespmem:$0x10E80] =	vst v29  }
0x186: {  	s16 =	sand.u32 $0x7F, s20;
	v29 =	vld.idx.msk [tilespmem:v30+s13+$0x0], $0xffff  }
0x187: {  	v30 =	vor.u32 s16, v0;
	_ =	sdelay $0x3  }
0x188: {  	s20 =	simm.s32 $0x6400;
	[tilespmem:$0x10E90] =	vst v29  }
0x189: {  	v29 =	vld.idx.msk [tilespmem:v30+s20+$0x0], $0xffff  }
0x18a: {  	v30 =	vor.u32 s16, v61;
	_ =	sdelay $0x3  }
0x18b: {  	s13 =	simm.s32 $0x6400;
	[tilespmem:$0x10700] =	vst v29  }
0x18c: {  	s26 =	sand.u32 $0x7F, s18;
	v29 =	vld.idx.msk [tilespmem:v30+s13+$0x0], $0xffff  }
0x18d: {  	v30 =	vor.u32 s26, v0;
	_ =	sdelay $0x3  }
0x18e: {  	s16 =	simm.s32 $0xE400;
	[tilespmem:$0x10710] =	vst v29  }
0x18f: {  	v29 =	vld.idx.msk [tilespmem:v30+s16+$0x0], $0xffff  }
0x190: {  	v30 =	vor.u32 s26, v61;
	_ =	sdelay $0x2  }
0x191: {  	(v2sf) =	vpush v63, $0xC  }
0x192: {  	s18 =	simm.s32 $0xE400;
	[tilespmem:$0x10F00] =	vst v29  }
0x193: {  	s20 =	sand.u32 $0x7F, s24;
	v29 =	vld.idx.msk [tilespmem:v30+s18+$0x0], $0xffff  }
0x194: {  	v30 =	vor.u32 s20, v0;
	_ =	sdelay $0x1  }
0x195: {  	(v2sf) =	vpush v62, $0xC;
	_ =	sdelay $0x1  }
0x196: {  	s24 =	simm.s32 $0x7400;
	[tilespmem:$0x10F10] =	vst v29  }
0x197: {  	v29 =	vld.idx.msk [tilespmem:v30+s24+$0x0], $0xffff  }
0x198: {  	v30 =	vor.u32 s20, v61;
	_ =	sdelay $0x3  }
0x199: {  	s16 =	simm.s32 $0x7400;
	[tilespmem:$0x10780] =	vst v29  }
0x19a: {  	s26 =	sand.u32 $0x7F, s22;
	v29 =	vld.idx.msk [tilespmem:v30+s16+$0x0], $0xffff  }
0x19b: {  	s12 =	spop (v2sf);
	(v2sf) =	vpush v63, $0xD;
	v30 =	vor.u32 s26, v0;
	_ =	sdelay $0x3  }
0x19c: {  	s18 =	simm.s32 $0xF400;
	s20 =	sshra.s32 s12, $0x1F;
	[tilespmem:$0x10790] =	vst v29  }
0x19d: {  	s9 =	spop (v2sf);
	s13 =	sshrl.u32 s20, $0x19;
	v29 =	vld.idx.msk [tilespmem:v30+s18+$0x0], $0xffff  }
0x19e: {  	(v2sf) =	vpush v62, $0xD;
	s24 =	sshra.s32 s9, $0x1F;
	s13 =	sadd.s32 s13, s12;
	v30 =	vor.u32 s26, v61  }
0x19f: {  	p1 =	slt.s32 s12, $0x1;
	s22 =	sand.u32 $0xFFFFFF80, s13;
	s18 =	sshrl.u32 s24, $0x19  }
0x1a0: {  	p3 =	slt.s32 s9, $0x1;
	p2 =	sne.s32 s12, s22;
	s26 =	sadd.s32 s18, s9  }
0x1a1: {  	s20 =	simm.s32 $0x1;
	p0 =	por !p1, !p2;
	s24 =	sand.u32 $0xFFFFFF80, s26  }
0x1a2: {  	s22 =	simm.s32 $0xF400;
	p0 =	por !p0, !p0;
	p4 =	sne.s32 s9, s24;
	[tilespmem:$0x10F80] =	vst v29  }
0x1a3: {  	s20 =	simm.s32 @!p0 $0x0;
	p0 =	por !p3, !p4;
	v29 =	vld.idx.msk [tilespmem:v30+s22+$0x0], $0xffff  }
0x1a4: {  	s13 =	sshrl.u32 s13, $0x7;
	s18 =	simm.s32 $0x1;
	p0 =	por !p0, !p0  }
0x1a5: {  	s13 =	ssub.s32 s13, s20;
	s16 =	sshrl.u32 s26, $0x7;
	s18 =	simm.s32 @!p0 $0x0  }
0x1a6: {  	s13 =	sshll.u32 s13, $0x7;
	s16 =	ssub.s32 s16, s18  }
0x1a7: {  	s13 =	sand.u32 $0x1FFFFF80, s13;
	s18 =	sshll.u32 s16, $0x7;
	s16 =	spop (v2sf)  }
0x1a8: {  	s13 =	sadd.s32 s7, s13;
	s26 =	simm.s32 $0x4400;
	s22 =	sshra.s32 s16, $0x1F;
	[tilespmem:$0x10F90] =	vst v29  }
0x1a9: {  	(v2sf) =	vpush v63, $0xE;
	[tilespmem:s26], [sflag:$0x3] =	stream.strided.gather [hbm4b:s13+s15], $0x1000, s14, s15, $0x38;
	[tilespmem:$0x11680] =	vst v63  }
0x1aa: {  	s24 =	sshrl.u32 s22, $0x19;
	s13 =	sand.u32 $0x1FFFFF80, s18  }
0x1ab: {  	s20 =	simm.s32 $0xC400;
	s18 =	sadd.s32 s24, s16;
	s13 =	sadd.s32 s2, s13  }
0x1ac: {  	[tilespmem:s20], [sflag:$0x3] =	stream.strided.gather [hbm4b:s13+s15], $0x1000, s14, s15, $0x38;
	[tilespmem:$0x11680] =	vst v63  }
0x1ad: {  	s26 =	sand.u32 $0xFFFFFF80, s18;
	s13 =	spop (v2sf);
	(v2sf) =	vpush v62, $0xE  }
0x1ae: {  	p5 =	slt.s32 s16, $0x1;
	p6 =	sne.s32 s16, s26;
	s24 =	sshra.s32 s13, $0x1F  }
0x1af: {  	p0 =	por !p5, !p6;
	s22 =	sshrl.u32 s24, $0x19  }
0x1b0: {  	p0 =	por !p0, !p0;
	s24 =	simm.s32 $0x1;
	s26 =	sadd.s32 s22, s13  }
0x1b1: {  	s18 =	sshrl.u32 s18, $0x7;
	s24 =	simm.s32 @!p0 $0x0;
	s22 =	sand.u32 $0xFFFFFF80, s26  }
0x1b2: {  	p2 =	slt.s32 s13, $0x1;
	s18 =	ssub.s32 s18, s24;
	p3 =	sne.s32 s13, s22  }
0x1b3: {  	s20 =	sshrl.u32 s26, $0x7;
	s18 =	sshll.u32 s18, $0x7;
	p0 =	por !p2, !p3  }
0x1b4: {  	s22 =	simm.s32 $0x1;
	s18 =	sand.u32 $0x1FFFFF80, s18;
	p0 =	por !p0, !p0  }
0x1b5: {  	s26 =	simm.s32 $0x5400;
	s18 =	sadd.s32 s7, s18;
	s22 =	simm.s32 @!p0 $0x0  }
0x1b6: {  	[tilespmem:s26], [sflag:$0x3] =	stream.strided.gather [hbm4b:s18+s15], $0x1000, s14, s15, $0x38;
	[tilespmem:$0x11680] =	vst v63  }
0x1b7: {  	s20 =	ssub.s32 s20, s22  }
0x1b8: {  	s24 =	sshll.u32 s20, $0x7;
	s20 =	spop (v2sf)  }
0x1b9: {  	s18 =	sand.u32 $0x1FFFFF80, s24;
	s22 =	sshra.s32 s20, $0x1F  }
0x1ba: {  	s26 =	simm.s32 $0xD400;
	(v2sf) =	vpush v63, $0xF;
	s18 =	sadd.s32 s2, s18;
	s24 =	sshrl.u32 s22, $0x19  }
0x1bb: {  	[tilespmem:s26], [sflag:$0x3] =	stream.strided.gather [hbm4b:s18+s15], $0x1000, s14, s15, $0x38;
	[tilespmem:$0x11680] =	vst v63  }
0x1bc: {  	s22 =	sadd.s32 s24, s20;
	s18 =	spop (v2sf)  }
0x1bd: {  	s24 =	sand.u32 $0xFFFFFF80, s22;
	(v2sf) =	vpush v62, $0xF;
	s26 =	sshra.s32 s18, $0x1F  }
0x1be: {  	p4 =	slt.s32 s20, $0x1;
	p5 =	sne.s32 s20, s24;
	s26 =	sshrl.u32 s26, $0x19  }
0x1bf: {  	s28 =	simm.s32 $0x1;
	p0 =	por !p4, !p5;
	s24 =	sadd.s32 s26, s18  }
0x1c0: {  	s22 =	sshrl.u32 s22, $0x7;
	p0 =	por !p0, !p0;
	s26 =	sand.u32 $0xFFFFFF80, s24  }
0x1c1: {  	p6 =	slt.s32 s18, $0x1;
	s28 =	simm.s32 @!p0 $0x0;
	p2 =	sne.s32 s18, s26  }
0x1c2: {  	s22 =	ssub.s32 s22, s28;
	p0 =	por !p6, !p2  }
0x1c3: {  	s26 =	simm.s32 $0x1;
	s22 =	sshll.u32 s22, $0x7;
	p0 =	por !p0, !p0  }
0x1c4: {  	s24 =	sshrl.u32 s24, $0x7;
	s22 =	sand.u32 $0x1FFFFF80, s22;
	s26 =	simm.s32 @!p0 $0x0  }
0x1c5: {  	s22 =	sadd.s32 s7, s22;
	s24 =	ssub.s32 s24, s26;
	s26 =	simm.s32 $0x6400  }
0x1c6: {  	[tilespmem:s26], [sflag:$0x3] =	stream.strided.gather [hbm4b:s22+s15], $0x1000, s14, s15, $0x38;
	[tilespmem:$0x11680] =	vst v63  }
0x1c7: {  	s26 =	sshll.u32 s24, $0x7  }
0x1c8: {  	s22 =	sand.u32 $0x1FFFFF80, s26  }
0x1c9: {  	s24 =	spop (v2sf);
	s26 =	simm.s32 $0xE400;
	s22 =	sadd.s32 s2, s22  }
0x1ca: {  	[tilespmem:s26], [sflag:$0x3] =	stream.strided.gather [hbm4b:s22+s15], $0x1000, s14, s15, $0x38;
	[tilespmem:$0x11680] =	vst v63  }
0x1cb: {  	s26 =	sshra.s32 s24, $0x1F  }
0x1cc: {  	s26 =	sshrl.u32 s26, $0x19;
	s22 =	spop (v2sf)  }
0x1cd: {  	s26 =	sadd.s32 s26, s24;
	s28 =	sshra.s32 s22, $0x1F  }
0x1ce: {  	s29 =	sand.u32 $0xFFFFFF80, s26;
	s28 =	sshrl.u32 s28, $0x19  }
0x1cf: {  	p3 =	slt.s32 s24, $0x1;
	p4 =	sne.s32 s24, s29;
	s28 =	sadd.s32 s28, s22  }
0x1d0: {  	p0 =	por !p3, !p4;
	s29 =	sand.u32 $0xFFFFFF80, s28  }
0x1d1: {  	p0 =	por !p0, !p0;
	p5 =	sne.s32 s22, s29;
	s29 =	simm.s32 $0x1  }
0x1d2: {  	s26 =	sshrl.u32 s26, $0x7;
	p6 =	slt.s32 s22, $0x1;
	s29 =	simm.s32 @!p0 $0x0  }
0x1d3: {  	p0 =	por !p6, !p5;
	s26 =	ssub.s32 s26, s29  }
0x1d4: {  	p0 =	por !p0, !p0;
	s29 =	simm.s32 $0x1;
	s26 =	sshll.u32 s26, $0x7  }
0x1d5: {  	s28 =	sshrl.u32 s28, $0x7;
	s29 =	simm.s32 @!p0 $0x0;
	s26 =	sand.u32 $0x1FFFFF80, s26  }
0x1d6: {  	s30 =	simm.s32 $0x7400;
	s28 =	ssub.s32 s28, s29;
	s26 =	sadd.s32 s7, s26  }
0x1d7: {  	[tilespmem:s30], [sflag:$0x3] =	stream.strided.gather [hbm4b:s26+s15], $0x1000, s14, s15, $0x38;
	[tilespmem:$0x11680] =	vst v63  }
0x1d8: {  	s26 =	sshll.u32 s28, $0x7  }
0x1d9: {  	s26 =	sand.u32 $0x1FFFFF80, s26  }
0x1da: {  	s30 =	simm.s32 $0xF400;
	s26 =	sadd.s32 s2, s26  }
0x1db: {  	[tilespmem:s30], [sflag:$0x3] =	stream.strided.gather [hbm4b:s26+s15], $0x1000, s14, s15, $0x38;
	[tilespmem:$0x11680] =	vst v63  }
0x1dc: {  	_ =	swait.ge [sflag:s0], $0x1000  }
0x1dd: {  	[sflag:s0] =	ssyncset.done $0x0  }
0x1de: {  	[sflag:s0] =	ssyncadd.s32 $0xFFFFF000  }
0x1df: {  	_ =	swait.ge [sflag:s0], $0x1000  }
0x1e0: {  	[sflag:s0] =	ssyncset.done $0x0  }
0x1e1: {  	[sflag:s0] =	ssyncadd.s32 $0xFFFFF000  }
0x1e2: {  	_ =	swait.ge [sflag:s0], $0x1000  }
0x1e3: {  	[sflag:s0] =	ssyncset.done $0x0  }
0x1e4: {  	[sflag:s0] =	ssyncadd.s32 $0xFFFFF000  }
0x1e5: {  	_ =	swait.ge [sflag:s0], $0x1000  }
0x1e6: {  	[sflag:s0] =	ssyncset.done $0x0  }
0x1e7: {  	[sflag:s0] =	ssyncadd.s32 $0xFFFFF000  }
0x1e8: {  	_ =	swait.ge [sflag:s0], $0x1000  }
0x1e9: {  	[sflag:s0] =	ssyncset.done $0x0  }
0x1ea: {  	[sflag:s0] =	ssyncadd.s32 $0xFFFFF000  }
0x1eb: {  	_ =	swait.ge [sflag:s0], $0x1000  }
0x1ec: {  	[sflag:s0] =	ssyncset.done $0x0  }
0x1ed: {  	[sflag:s0] =	ssyncadd.s32 $0xFFFFF000  }
0x1ee: {  	s4 =	sand.u32 $0x7F, s4;
	_ =	swait.ge [sflag:s0], $0x1000  }
0x1ef: {  	v29 =	vor.u32 s4, v0;
	[sflag:s0] =	ssyncset.done $0x0  }
0x1f0: {  	[sflag:s0] =	ssyncadd.s32 $0xFFFFF000  }
0x1f1: {  	_ =	swait.ge [sflag:s0], $0x1000  }
0x1f2: {  	[sflag:s0] =	ssyncset.done $0x0  }
0x1f3: {  	[sflag:s0] =	ssyncadd.s32 $0xFFFFF000  }
0x1f4: {  	v29 =	vld.idx.msk [tilespmem:v29+s15+$0x0], $0xffff  }
0x1f5: {  	v30 =	vor.u32 s4, v61;
	_ =	sdelay $0x3  }
0x1f6: {  	[tilespmem:$0x10800] =	vst v29  }
0x1f7: {  	s4 =	sand.u32 $0x7F, s8;
	v29 =	vld.idx.msk [tilespmem:v30+s15+$0x0], $0xffff  }
0x1f8: {  	v30 =	vor.u32 s4, v0;
	_ =	sdelay $0x3  }
0x1f9: {  	s26 =	simm.s32 $0x8400;
	[tilespmem:$0x10810] =	vst v29  }
0x1fa: {  	v29 =	vld.idx.msk [tilespmem:v30+s26+$0x0], $0xffff  }
0x1fb: {  	v30 =	vor.u32 s4, v61;
	_ =	sdelay $0x3  }
0x1fc: {  	[tilespmem:$0x11000] =	vst v29  }
0x1fd: {  	s17 =	sand.u32 $0x7F, s17;
	v29 =	vld.idx.msk [tilespmem:v30+s26+$0x0], $0xffff  }
0x1fe: {  	v30 =	vor.u32 s17, v0;
	_ =	sdelay $0x3  }
0x1ff: {  	s28 =	simm.s32 $0x1400;
	[tilespmem:$0x11010] =	vst v29  }
0x200: {  	v29 =	vld.idx.msk [tilespmem:v30+s28+$0x0], $0xffff  }
0x201: {  	v30 =	vor.u32 s17, v61;
	_ =	sdelay $0x3  }
0x202: {  	[tilespmem:$0x10880] =	vst v29  }
0x203: {  	s5 =	sand.u32 $0x7F, s5;
	v29 =	vld.idx.msk [tilespmem:v30+s28+$0x0], $0xffff  }
0x204: {  	v30 =	vor.u32 s5, v0;
	_ =	sdelay $0x3  }
0x205: {  	s29 =	simm.s32 $0x9400;
	[tilespmem:$0x10890] =	vst v29  }
0x206: {  	v29 =	vld.idx.msk [tilespmem:v30+s29+$0x0], $0xffff  }
0x207: {  	v30 =	vor.u32 s5, v61;
	_ =	sdelay $0x3  }
0x208: {  	[tilespmem:$0x11080] =	vst v29  }
0x209: {  	s17 =	sand.u32 $0x7F, s21;
	v29 =	vld.idx.msk [tilespmem:v30+s29+$0x0], $0xffff  }
0x20a: {  	v30 =	vor.u32 s17, v0;
	_ =	sdelay $0x3  }
0x20b: {  	[tilespmem:$0x11090] =	vst v29  }
0x20c: {  	v29 =	vld.idx.msk [tilespmem:v30+s1+$0x0], $0xffff  }
0x20d: {  	v30 =	vor.u32 s17, v61;
	_ =	sdelay $0x3  }
0x20e: {  	[tilespmem:$0x10900] =	vst v29  }
0x20f: {  	s19 =	sand.u32 $0x7F, s19;
	v29 =	vld.idx.msk [tilespmem:v30+s1+$0x0], $0xffff  }
0x210: {  	v30 =	vor.u32 s19, v0;
	_ =	sdelay $0x3  }
0x211: {  	s21 =	simm.s32 $0xA400;
	[tilespmem:$0x10910] =	vst v29  }
0x212: {  	v29 =	vld.idx.msk [tilespmem:v30+s21+$0x0], $0xffff  }
0x213: {  	v30 =	vor.u32 s19, v61;
	_ =	sdelay $0x3  }
0x214: {  	[tilespmem:$0x11100] =	vst v29  }
0x215: {  	s5 =	sand.u32 $0x7F, s25;
	v29 =	vld.idx.msk [tilespmem:v30+s21+$0x0], $0xffff  }
0x216: {  	v30 =	vor.u32 s5, v0;
	_ =	sdelay $0x3  }
0x217: {  	[tilespmem:$0x11110] =	vst v29  }
0x218: {  	v29 =	vld.idx.msk [tilespmem:v30+s31+$0x0], $0xffff  }
0x219: {  	v30 =	vor.u32 s5, v61;
	_ =	sdelay $0x3  }
0x21a: {  	[tilespmem:$0x10980] =	vst v29  }
0x21b: {  	s17 =	sand.u32 $0x7F, s23;
	v29 =	vld.idx.msk [tilespmem:v30+s31+$0x0], $0xffff  }
0x21c: {  	v30 =	vor.u32 s17, v0;
	_ =	sdelay $0x3  }
0x21d: {  	[tilespmem:$0x10990] =	vst v29  }
0x21e: {  	v29 =	vld.idx.msk [tilespmem:v30+s6+$0x0], $0xffff  }
0x21f: {  	v30 =	vor.u32 s17, v61;
	_ =	sdelay $0x3  }
0x220: {  	[tilespmem:$0x11180] =	vst v29  }
0x221: {  	v29 =	vld.idx.msk [tilespmem:v30+s6+$0x0], $0xffff;
	_ =	sdelay $0x4  }
0x222: {  	[tilespmem:$0x11190] =	vst v29  }
0x223: {  	_ =	swait.ge [sflag:s3], $0x1000  }
0x224: {  	[sflag:s3] =	ssyncset.done $0x0  }
0x225: {  	[sflag:s3] =	ssyncadd.s32 $0xFFFFF000  }
0x226: {  	_ =	swait.ge [sflag:s3], $0x1000  }
0x227: {  	[sflag:s3] =	ssyncset.done $0x0  }
0x228: {  	[sflag:s3] =	ssyncadd.s32 $0xFFFFF000  }
0x229: {  	_ =	swait.ge [sflag:s3], $0x1000  }
0x22a: {  	[sflag:s3] =	ssyncset.done $0x0  }
0x22b: {  	[sflag:s3] =	ssyncadd.s32 $0xFFFFF000  }
0x22c: {  	_ =	swait.ge [sflag:s3], $0x1000  }
0x22d: {  	[sflag:s3] =	ssyncset.done $0x0  }
0x22e: {  	[sflag:s3] =	ssyncadd.s32 $0xFFFFF000  }
0x22f: {  	_ =	swait.ge [sflag:s3], $0x1000  }
0x230: {  	[sflag:s3] =	ssyncset.done $0x0  }
0x231: {  	[sflag:s3] =	ssyncadd.s32 $0xFFFFF000  }
0x232: {  	_ =	swait.ge [sflag:s3], $0x1000  }
0x233: {  	[sflag:s3] =	ssyncset.done $0x0  }
0x234: {  	[sflag:s3] =	ssyncadd.s32 $0xFFFFF000  }
0x235: {  	s19 =	sand.u32 $0x7F, s12;
	_ =	swait.ge [sflag:s3], $0x1000  }
0x236: {  	v29 =	vor.u32 s19, v0;
	[sflag:s3] =	ssyncset.done $0x0  }
0x237: {  	[sflag:s3] =	ssyncadd.s32 $0xFFFFF000  }
0x238: {  	_ =	swait.ge [sflag:s3], $0x1000  }
0x239: {  	[sflag:s3] =	ssyncset.done $0x0  }
0x23a: {  	s8 =	simm.s32 $0x4400;
	[sflag:s3] =	ssyncadd.s32 $0xFFFFF000  }
0x23b: {  	v29 =	vld.idx.msk [tilespmem:v29+s8+$0x0], $0xffff  }
0x23c: {  	v30 =	vor.u32 s19, v61;
	_ =	sdelay $0x3  }
0x23d: {  	[tilespmem:$0x10A00] =	vst v29  }
0x23e: {  	s21 =	sand.u32 $0x7F, s9;
	v29 =	vld.idx.msk [tilespmem:v30+s8+$0x0], $0xffff  }
0x23f: {  	v30 =	vor.u32 s21, v0;
	_ =	sdelay $0x3  }
0x240: {  	s25 =	simm.s32 $0xC400;
	[tilespmem:$0x10A10] =	vst v29  }
0x241: {  	v29 =	vld.idx.msk [tilespmem:v30+s25+$0x0], $0xffff  }
0x242: {  	v30 =	vor.u32 s21, v61;
	_ =	sdelay $0x3  }
0x243: {  	[tilespmem:$0x11200] =	vst v29  }
0x244: {  	s9 =	sand.u32 $0x7F, s16;
	v29 =	vld.idx.msk [tilespmem:v30+s25+$0x0], $0xffff  }
0x245: {  	v30 =	vor.u32 s9, v0;
	_ =	sdelay $0x3  }
0x246: {  	s23 =	simm.s32 $0x5400;
	[tilespmem:$0x11210] =	vst v29  }
0x247: {  	v29 =	vld.idx.msk [tilespmem:v30+s23+$0x0], $0xffff  }
0x248: {  	v30 =	vor.u32 s9, v61;
	_ =	sdelay $0x3  }
0x249: {  	[tilespmem:$0x10A80] =	vst v29  }
0x24a: {  	s12 =	sand.u32 $0x7F, s13;
	v29 =	vld.idx.msk [tilespmem:v30+s23+$0x0], $0xffff  }
0x24b: {  	v30 =	vor.u32 s12, v0;
	_ =	sdelay $0x3  }
0x24c: {  	s16 =	simm.s32 $0xD400;
	[tilespmem:$0x10A90] =	vst v29  }
0x24d: {  	v29 =	vld.idx.msk [tilespmem:v30+s16+$0x0], $0xffff  }
0x24e: {  	v30 =	vor.u32 s12, v61;
	_ =	sdelay $0x3  }
0x24f: {  	[tilespmem:$0x11280] =	vst v29  }
0x250: {  	s17 =	sand.u32 $0x7F, s20;
	v29 =	vld.idx.msk [tilespmem:v30+s16+$0x0], $0xffff  }
0x251: {  	v30 =	vor.u32 s17, v0;
	_ =	sdelay $0x3  }
0x252: {  	s13 =	simm.s32 $0x6400;
	[tilespmem:$0x11290] =	vst v29  }
0x253: {  	v29 =	vld.idx.msk [tilespmem:v30+s13+$0x0], $0xffff  }
0x254: {  	v30 =	vor.u32 s17, v61;
	_ =	sdelay $0x3  }
0x255: {  	[tilespmem:$0x10B00] =	vst v29  }
0x256: {  	s18 =	sand.u32 $0x7F, s18;
	v29 =	vld.idx.msk [tilespmem:v30+s13+$0x0], $0xffff  }
0x257: {  	v30 =	vor.u32 s18, v0;
	_ =	sdelay $0x3  }
0x258: {  	s20 =	simm.s32 $0xE400;
	[tilespmem:$0x10B10] =	vst v29  }
0x259: {  	v29 =	vld.idx.msk [tilespmem:v30+s20+$0x0], $0xffff  }
0x25a: {  	v30 =	vor.u32 s18, v61;
	_ =	sdelay $0x3  }
0x25b: {  	[tilespmem:$0x11300] =	vst v29  }
0x25c: {  	s21 =	sand.u32 $0x7F, s24;
	v29 =	vld.idx.msk [tilespmem:v30+s20+$0x0], $0xffff  }
0x25d: {  	v30 =	vor.u32 s21, v0;
	_ =	sdelay $0x3  }
0x25e: {  	s19 =	simm.s32 $0x7400;
	[tilespmem:$0x11310] =	vst v29  }
0x25f: {  	v29 =	vld.idx.msk [tilespmem:v30+s19+$0x0], $0xffff  }
0x260: {  	v30 =	vor.u32 s21, v61;
	_ =	sdelay $0x3  }
0x261: {  	[tilespmem:$0x10B80] =	vst v29  }
0x262: {  	s22 =	sand.u32 $0x7F, s22;
	v29 =	vld.idx.msk [tilespmem:v30+s19+$0x0], $0xffff  }
0x263: {  	v30 =	vor.u32 s22, v0;
	_ =	sdelay $0x3  }
0x264: {  	s23 =	simm.s32 $0xF400;
	[tilespmem:$0x10B90] =	vst v29  }
0x265: {  	v29 =	vld.idx.msk [tilespmem:v30+s23+$0x0], $0xffff  }
0x266: {  	v30 =	vor.u32 s22, v61;
	_ =	sdelay $0x3  }
0x267: {  	[tilespmem:$0x11380] =	vst v29  }
0x268: {  	v29 =	vld.idx.msk [tilespmem:v30+s23+$0x0], $0xffff;
	_ =	sdelay $0x4  }
0x269: {  	[tilespmem:$0x11390] =	vst v29  }
0x26a: {  	v29 =	vld.idx.msk [tilespmem:v0+s10+$0x0], $0xffff  }
0x26b: {  	v30 =	vld.idx.msk [tilespmem:v0+s11+$0x0], $0xffff  }
0x26c: {  	v62 =	vld.idx.msk [tilespmem:v2+s10+$0x0], $0xffff  }
0x26d: {  	v63 =	vld.idx.msk [tilespmem:v2+s11+$0x0], $0xffff  }
0x26e: {  	v31 =	vld.idx.msk [tilespmem:v3+s10+$0x0], $0xffff  }
0x26f: {  	v32 =	vld.idx.msk [tilespmem:v3+s11+$0x0], $0xffff  }
0x270: {  	v33 =	vld.idx.msk [tilespmem:v4+s10+$0x0], $0xffff  }
0x271: {  	v34 =	vld.idx.msk [tilespmem:v4+s11+$0x0], $0xffff  }
0x272: {  	v35 =	vld.idx.msk [tilespmem:v5+s10+$0x0], $0xffff  }
0x273: {  	v36 =	vld.idx.msk [tilespmem:v5+s11+$0x0], $0xffff  }
0x274: {  	v37 =	vld.idx.msk [tilespmem:v6+s10+$0x0], $0xffff  }
0x275: {  	v38 =	vld.idx.msk [tilespmem:v6+s11+$0x0], $0xffff  }
0x276: {  	v39 =	vld.idx.msk [tilespmem:v7+s10+$0x0], $0xffff  }
0x277: {  	v40 =	vld.idx.msk [tilespmem:v7+s11+$0x0], $0xffff  }
0x278: {  	v41 =	vld.idx.msk [tilespmem:v8+s10+$0x0], $0xffff  }
0x279: {  	v42 =	vld.idx.msk [tilespmem:v8+s11+$0x0], $0xffff  }
0x27a: {  	v43 =	vld.idx.msk [tilespmem:v9+s10+$0x0], $0xffff  }
0x27b: {  	v44 =	vld.idx.msk [tilespmem:v9+s11+$0x0], $0xffff  }
0x27c: {  	v45 =	vld.idx.msk [tilespmem:v10+s10+$0x0], $0xffff  }
0x27d: {  	v46 =	vld.idx.msk [tilespmem:v10+s11+$0x0], $0xffff  }
0x27e: {  	v47 =	vld.idx.msk [tilespmem:v11+s10+$0x0], $0xffff  }
0x27f: {  	v48 =	vld.idx.msk [tilespmem:v11+s11+$0x0], $0xffff  }
0x280: {  	v49 =	vld.idx.msk [tilespmem:v12+s10+$0x0], $0xffff  }
0x281: {  	v51 =	vld.idx.msk [tilespmem:v13+s10+$0x0], $0xffff  }
0x282: {  	v52 =	vld.idx.msk [tilespmem:v13+s11+$0x0], $0xffff  }
0x283: {  	v53 =	vld.idx.msk [tilespmem:v14+s10+$0x0], $0xffff  }
0x284: {  	v54 =	vld.idx.msk [tilespmem:v14+s11+$0x0], $0xffff  }
0x285: {  	v55 =	vld.idx.msk [tilespmem:v15+s10+$0x0], $0xffff  }
0x286: {  	v1 =	vld.idx.msk [tilespmem:v18+s10+$0x0], $0xffff  }
0x287: {  	v56 =	vld.idx.msk [tilespmem:v15+s11+$0x0], $0xffff  }
0x288: {  	v57 =	vld.idx.msk [tilespmem:v16+s10+$0x0], $0xffff  }
0x289: {  	v58 =	vld.idx.msk [tilespmem:v16+s11+$0x0], $0xffff  }
0x28a: {  	v59 =	vld.idx.msk [tilespmem:v17+s10+$0x0], $0xffff  }
0x28b: {  	[tilespmem:$0x1FDE0] =	vst v1;
	v29 =	vmul.f32 v30, v29;
	v62 =	vmul.f32 v63, v62;
	v1 =	vmovc v28;
	v28 =	vmov v27  }
0x28c: {  	v30 =	vld.idx.msk [tilespmem:v18+s11+$0x0], $0xffff;
	v27 =	vmovc v26;
	v26 =	vmovc v25;
	v25 =	vmov v24;
	v24 =	vmov v23;
	v23 =	vmov v22  }
0x28d: {  	v63 =	vld.idx.msk [tilespmem:v19+s10+$0x0], $0xffff;
	v22 =	vmovc v21;
	v21 =	vmovc v20;
	v20 =	vmov v19;
	v19 =	vmov v18;
	v18 =	vmov v17  }
0x28e: {  	v60 =	vld.idx.msk [tilespmem:v17+s11+$0x0], $0xffff;
	v17 =	vmovc v16;
	v16 =	vmovc v15;
	v15 =	vmov v14;
	v14 =	vmov v13;
	v13 =	vmov v12  }
0x28f: {  	v50 =	vld.idx.msk [tilespmem:v12+s11+$0x0], $0xffff;
	v12 =	vmovc v11;
	v11 =	vmovc v10;
	v10 =	vmov v9;
	v9 =	vmov v8;
	v8 =	vmov v7  }
0x290: {  	v7 =	vmovc v6;
	v6 =	vmovc v5;
	v5 =	vmov v4;
	v4 =	vmov v3;
	v3 =	vmov v2;
	v2 =	vld [tilespmem:$0x1FDF0];
	_ =	sdelay $0x4  }
0x291: {  	v29 =	vmul.f32 v29, v2;
	v2 =	vmov v3;
	v3 =	vmov v4  }
0x292: {  	v4 =	vmovc v5;
	v5 =	vmovc v6;
	v6 =	vmov v7;
	v7 =	vmov v8;
	v8 =	vmov v9  }
0x293: {  	v9 =	vmovc v10;
	v10 =	vmovc v11;
	v11 =	vmov v12;
	v12 =	vmov v13;
	v13 =	vmov v14  }
0x294: {  	v14 =	vmovc v15;
	v15 =	vmovc v16;
	v16 =	vmov v17;
	v17 =	vmov v18;
	v18 =	vmov v19  }
0x295: {  	v19 =	vmovc v20;
	v20 =	vmovc v21;
	v21 =	vmov v22;
	v22 =	vmov v23;
	v23 =	vmov v24  }
0x296: {  	v24 =	vmovc v25;
	v25 =	vmovc v26;
	v26 =	vmov v27;
	v27 =	vmov v28;
	v28 =	vmov v1;
	v1 =	vld [tilespmem:$0x1FE00];
	_ =	sdelay $0x4  }
0x297: {  	v62 =	vmul.f32 v62, v1;
	v1 =	vld [tilespmem:$0x1FFF0];
	_ =	sdelay $0x4  }
0x298: {  	v29 =	vadd.f32 v29, v1;
	v1 =	vld [tilespmem:$0x1FE10];
	_ =	sdelay $0x2  }
0x299: {  	v31 =	vmul.f32 v32, v31;
	_ =	sdelay $0x1  }
0x29a: {  	v31 =	vmul.f32 v31, v1;
	v1 =	vld [tilespmem:$0x1FE20];
	_ =	sdelay $0x2  }
0x29b: {  	v33 =	vmul.f32 v34, v33;
	_ =	sdelay $0x1  }
0x29c: {  	v33 =	vmul.f32 v33, v1;
	v1 =	vld [tilespmem:$0x1FE30];
	_ =	sdelay $0x2  }
0x29d: {  	v35 =	vmul.f32 v36, v35;
	_ =	sdelay $0x1  }
0x29e: {  	v29 =	vadd.f32 v31, v29;
	v31 =	vmul.f32 v35, v1;
	v1 =	vld [tilespmem:$0x1FE40];
	_ =	sdelay $0x2  }
0x29f: {  	v37 =	vmul.f32 v38, v37;
	_ =	sdelay $0x1  }
0x2a0: {  	v37 =	vmul.f32 v37, v1;
	v1 =	vld [tilespmem:$0x1FE50];
	_ =	sdelay $0x2  }
0x2a1: {  	v35 =	vmul.f32 v40, v39;
	_ =	sdelay $0x1  }
0x2a2: {  	v29 =	vadd.f32 v31, v29;
	v31 =	vmul.f32 v35, v1;
	v1 =	vld [tilespmem:$0x1FE60]  }
0x2a3: {  	v62 =	vadd.f32 $0.0e+00, v62;
	_ =	sdelay $0x1  }
0x2a4: {  	v33 =	vadd.f32 v33, v62;
	v40 =	vmul.f32 v42, v41;
	_ =	sdelay $0x1  }
0x2a5: {  	v33 =	vadd.f32 v37, v33;
	v37 =	vmul.f32 v40, v1;
	v1 =	vld [tilespmem:$0x1FE70];
	_ =	sdelay $0x2  }
0x2a6: {  	v62 =	vmul.f32 v44, v43;
	_ =	sdelay $0x1  }
0x2a7: {  	v29 =	vadd.f32 v31, v29;
	v31 =	vmul.f32 v62, v1;
	v1 =	vld [tilespmem:$0x1FE80];
	_ =	sdelay $0x2  }
0x2a8: {  	v40 =	vmul.f32 v46, v45;
	_ =	sdelay $0x1  }
0x2a9: {  	v62 =	vmul.f32 v48, v47;
	v48 =	vmul.f32 v40, v1;
	v1 =	vld [tilespmem:$0x1FE90];
	_ =	sdelay $0x4  }
0x2aa: {  	v29 =	vadd.f32 v31, v29;
	v31 =	vmul.f32 v62, v1;
	v1 =	vld [tilespmem:$0x1FEA0];
	_ =	sdelay $0x2  }
0x2ab: {  	v49 =	vmul.f32 v50, v49;
	_ =	sdelay $0x1  }
0x2ac: {  	v50 =	vmul.f32 v49, v1;
	v1 =	vld [tilespmem:$0x1FEB0];
	_ =	sdelay $0x2  }
0x2ad: {  	v52 =	vmul.f32 v52, v51;
	_ =	sdelay $0x1  }
0x2ae: {  	v29 =	vadd.f32 v31, v29;
	v31 =	vmul.f32 v54, v53;
	v54 =	vmul.f32 v52, v1;
	v1 =	vld [tilespmem:$0x1FEC0];
	_ =	sdelay $0x4  }
0x2af: {  	v31 =	vmul.f32 v31, v1;
	v1 =	vld [tilespmem:$0x1FED0];
	_ =	sdelay $0x2  }
0x2b0: {  	v56 =	vmul.f32 v56, v55;
	_ =	sdelay $0x1  }
0x2b1: {  	v57 =	vmul.f32 v58, v57;
	v58 =	vmul.f32 v56, v1;
	v1 =	vld [tilespmem:$0x1FEE0];
	_ =	sdelay $0x4  }
0x2b2: {  	v59 =	vmul.f32 v60, v59;
	v60 =	vmul.f32 v57, v1;
	v1 =	vld [tilespmem:$0x1FEF0];
	_ =	sdelay $0x4  }
0x2b3: {  	v62 =	vmul.f32 v59, v1;
	v1 =	vld [tilespmem:$0x1FDE0];
	_ =	sdelay $0x4  }
0x2b4: {  	v30 =	vmul.f32 v30, v1;
	v1 =	vld [tilespmem:$0x1FF00];
	_ =	sdelay $0x2  }
0x2b5: {  	v32 =	vld.idx.msk [tilespmem:v19+s11+$0x0], $0xffff;
	_ =	sdelay $0x1  }
0x2b6: {  	v33 =	vadd.f32 v37, v33;
	v30 =	vmul.f32 v30, v1;
	v1 =	vld [tilespmem:$0x1FF10];
	_ =	sdelay $0x1  }
0x2b7: {  	v34 =	vld.idx.msk [tilespmem:v20+s10+$0x0], $0xffff;
	v33 =	vadd.f32 v48, v33  }
0x2b8: {  	v36 =	vld.idx.msk [tilespmem:v20+s11+$0x0], $0xffff;
	v32 =	vmul.f32 v32, v63  }
0x2b9: {  	v33 =	vadd.f32 v50, v33  }
0x2ba: {  	v32 =	vmul.f32 v32, v1;
	v1 =	vld [tilespmem:$0x1FF20]  }
0x2bb: {  	v31 =	vadd.f32 v31, v33  }
0x2bc: {  	v38 =	vld.idx.msk [tilespmem:v21+s10+$0x0], $0xffff  }
0x2bd: {  	v34 =	vmul.f32 v36, v34;
	v39 =	vld.idx.msk [tilespmem:v21+s11+$0x0], $0xffff;
	v31 =	vadd.f32 v60, v31;
	_ =	sdelay $0x1  }
0x2be: {  	v30 =	vadd.f32 v30, v31;
	v31 =	vmul.f32 v34, v1;
	v1 =	vld [tilespmem:$0x1FF30]  }
0x2bf: {  	v29 =	vadd.f32 v54, v29  }
0x2c0: {  	v41 =	vld.idx.msk [tilespmem:v22+s10+$0x0], $0xffff  }
0x2c1: {  	v42 =	vld.idx.msk [tilespmem:v22+s11+$0x0], $0xffff;
	v29 =	vadd.f32 v58, v29;
	v58 =	vmul.f32 v39, v38;
	_ =	sdelay $0x1  }
0x2c2: {  	v37 =	vmul.f32 v58, v1;
	v1 =	vld [tilespmem:$0x1FF40]  }
0x2c3: {  	v51 =	vor.u32 $0x1C, v0  }
0x2c4: {  	v43 =	vld.idx.msk [tilespmem:v23+s10+$0x0], $0xffff  }
0x2c5: {  	v44 =	vld.idx.msk [tilespmem:v23+s11+$0x0], $0xffff;
	v60 =	vmul.f32 v42, v41;
	_ =	sdelay $0x1  }
0x2c6: {  	v30 =	vadd.f32 v31, v30;
	v31 =	vmul.f32 v60, v1;
	v1 =	vld [tilespmem:$0x1FF50]  }
0x2c7: {  	v36 =	vld.idx.msk [tilespmem:v51+s10+$0x0], $0xffff  }
0x2c8: {  	v35 =	vld.idx.msk [tilespmem:v24+s11+$0x0], $0xffff  }
0x2c9: {  	v45 =	vld.idx.msk [tilespmem:v24+s10+$0x0], $0xffff;
	v29 =	vadd.f32 v62, v29;
	v62 =	vmul.f32 v44, v43  }
0x2ca: {  	v46 =	vld.idx.msk [tilespmem:v25+s10+$0x0], $0xffff  }
0x2cb: {  	v29 =	vadd.f32 v32, v29;
	v32 =	vmul.f32 v62, v1;
	v1 =	vld [tilespmem:$0x1FF60]  }
0x2cc: {  	v47 =	vld.idx.msk [tilespmem:v25+s11+$0x0], $0xffff;
	v53 =	vor.u32 $0x1D, v0  }
0x2cd: {  	v48 =	vld.idx.msk [tilespmem:v26+s10+$0x0], $0xffff  }
0x2ce: {  	v45 =	vmul.f32 v35, v45;
	v49 =	vld.idx.msk [tilespmem:v27+s11+$0x0], $0xffff  }
0x2cf: {  	v50 =	vld.idx.msk [tilespmem:v26+s11+$0x0], $0xffff  }
0x2d0: {  	v30 =	vadd.f32 v31, v30;
	v31 =	vmul.f32 v45, v1;
	v1 =	vld [tilespmem:$0x1FF70]  }
0x2d1: {  	v63 =	vld.idx.msk [tilespmem:v53+s11+$0x0], $0xffff;
	v57 =	vor.u32 $0x1E, v0  }
0x2d2: {  	v52 =	vld.idx.msk [tilespmem:v27+s10+$0x0], $0xffff  }
0x2d3: {  	v41 =	vld.idx.msk [tilespmem:v53+s10+$0x0], $0xffff;
	v53 =	vmul.f32 v47, v46;
	v59 =	vor.u32 $0x1F, v0  }
0x2d4: {  	v38 =	vld.idx.msk [tilespmem:v51+s11+$0x0], $0xffff  }
0x2d5: {  	v29 =	vadd.f32 v37, v29;
	v37 =	vmul.f32 v53, v1;
	v1 =	vld [tilespmem:$0x1FF80]  }
0x2d6: {  	v51 =	vld.idx.msk [tilespmem:v57+s10+$0x0], $0xffff  }
0x2d7: {  	v55 =	vld.idx.msk [tilespmem:v57+s11+$0x0], $0xffff  }
0x2d8: {  	v56 =	vmul.f32 v50, v48;
	v57 =	vld.idx.msk [tilespmem:v59+s10+$0x0], $0xffff  }
0x2d9: {  	v39 =	vld.idx.msk [tilespmem:v59+s11+$0x0], $0xffff  }
0x2da: {  	v59 =	vmul.f32 v56, v1;
	v1 =	vld [tilespmem:$0x1FF90];
	_ =	sdelay $0x1  }
0x2db: {  	v40 =	vld.idx.msk [tilespmem:v28+s10+$0x0], $0xffff  }
0x2dc: {  	v33 =	vld.idx.msk [tilespmem:v28+s11+$0x0], $0xffff;
	v58 =	vmul.f32 v49, v52;
	_ =	sdelay $0x1  }
0x2dd: {  	v29 =	vadd.f32 v32, v29;
	v32 =	vmul.f32 v58, v1;
	v1 =	vld [tilespmem:$0x1FFA0];
	_ =	sdelay $0x2  }
0x2de: {  	v30 =	vadd.f32 v31, v30;
	v31 =	vmul.f32 v33, v40;
	_ =	sdelay $0x1  }
0x2df: {  	v31 =	vmul.f32 v31, v1;
	v1 =	vld [tilespmem:$0x1FFB0];
	_ =	sdelay $0x2  }
0x2e0: {  	v60 =	vmul.f32 v38, v36;
	_ =	sdelay $0x1  }
0x2e1: {  	v34 =	vmul.f32 v60, v1;
	v1 =	vld [tilespmem:$0x1FFC0];
	_ =	sdelay $0x2  }
0x2e2: {  	v62 =	vmul.f32 v63, v41;
	_ =	sdelay $0x1  }
0x2e3: {  	v33 =	vmul.f32 v62, v1;
	v1 =	vld [tilespmem:$0x1FFD0];
	_ =	sdelay $0x2  }
0x2e4: {  	v63 =	vmul.f32 v55, v51;
	v29 =	vadd.f32 v37, v29;
	_ =	sdelay $0x1  }
0x2e5: {  	v29 =	vadd.f32 v32, v29;
	v32 =	vmul.f32 v63, v1;
	v1 =	vld [tilespmem:$0x1FFE0]  }
0x2e6: {  	v30 =	vadd.f32 v59, v30;
	_ =	sdelay $0x1  }
0x2e7: {  	v30 =	vadd.f32 v31, v30;
	v31 =	vmul.f32 v39, v57;
	_ =	sdelay $0x1  }
0x2e8: {  	v29 =	vadd.f32 v34, v29;
	v30 =	vadd.f32 v33, v30;
	v31 =	vmul.f32 v31, v1;
	_ =	sdelay $0x1  }
0x2e9: {  	v29 =	vadd.f32 v32, v29;
	v30 =	vadd.f32 v31, v30;
	_ =	sdelay $0x1  }
0x2ea: {  	v29 =	vadd.f32 v30, v29;
	_ =	sdelay $0x1  }
0x2eb: {  	v29 =	vsub.f32 $0.0e+00, v29;
	_ =	sdelay $0x1  }
0x2ec: {  	v29 =	vmul.f32 $1.442695020e+00, v29;
	_ =	sdelay $0x1  }
0x2ed: {  	(erf) = vpow2.f32 v29;
	_ =	sdelay $0x8  }
0x2ee: {  	v29 =	vpop (erf)  }
0x2ef: {  	v29 =	vadd.f32 $1.000000000e+00, v29;
	_ =	sdelay $0x1  }
0x2f0: {  	(erf) = vrcp.f32 v29;
	_ =	sdelay $0x3  }
0x2f1: {  	s24 =	rddreg [dreg:$0xd]  }
0x2f2: {  	p0 =	sne.s32 s24, $0x7C0  }
.Ltmp0:
0x2f3: {  	_ = 	snop;
	(pc) =	sbr.rel @p0 .LBB2_2-.Ltmp0, $3  }
0x2f4: {  	_ =	sdelay $0x1  }
0x2f5: {  	s25 =	rddreg [dreg:$0xe];
	v29 =	vpop (erf)  }
0x2f6: {  	s30 =	simm.s32 $0xA400;
	s4 =	sadd.s32 $0x40, s24;
	[tilespmem:s25+$0x11400] =	vst v29  }
0x2f7: {  	s12 =	simm.s32 $0x0  }
0x2f8: {  	s4 =	rddreg [dreg:$0xa];
	s5 =	simm.s32 $0x11400;
	s6 =	simm.s32 $0x4  }
0x2f9: {  	[hbm4b:s4+s12] =	stream.linear.scatter [tilespmem:s5], [sflag:$0x4], $0x200, $0x38;
	[tilespmem:$0x11680] =	vst v63  }
0x2fa: {  	_ =	swait.ge [sflag:s6], $0x200  }
0x2fb: {  	s24 =	rddreg [dreg:$0xc]  }
0x2fc: {  	s25 =	rddreg [dreg:$0xb];
	s5 =	sadd.s32 $0x1, s24  }
0x2fd: {  	p0 =	sne.s32 s5, s25  }
.Ltmp1:
0x2fe: {  	_ = 	snop;
	(pc) =	sbr.rel @p0 .LBB2_1-.Ltmp1, $3  }
0x2ff: {  	_ =	sdelay $0x1  }
0x300: {  	[sflag:s6] =	ssyncset.done $0x0  }
0x301: {  	[sflag:s6] =	ssyncadd.s32 $0xFFFFFE00  }
0x302: {  	_ =	sfence.sel $0x180000  }
0x303: {  	[bflag:$0x0] =	sbarrier.arrive $0xFFFF  }
0x304: {  	_ =	strace $0x90000047  }
0x305: {  	s0 =	stileid.u32;
	[bflag:$0x2] =	sbarrier.arrive $0xFFFF  }
0x306: {  	p0 =	sne.s32 s0, $0x0;
	s0 =	rddreg [dreg:$0x6]  }
0x307: {  	s0 =	sadd.s32 @!p0 $0x100000, s0  }
0x308: {  	[sflag:s0] =	ssyncadd.tile.s32 @!p0 $0x1;
	_ =	shalt  }
.Lfunc_end2:
_tile_overlayer_lowered:
.L_overlay_start_2:
0x309: {  	(tag) =	ssettag $0x2  }
0x30a: {  	s0 =	rddreg [dreg:$0x0];
	s2 =	stileid.u32  }
0x30b: {  	s1 =	rddreg [dreg:$0x1];
	p0 =	sne.s32 s2, $0x0  }
0x30c: {  	s3 =	rddreg [dreg:$0x2];
	[bflag:$0x3] =	sbarrier.arrive $0xFFFF;
	s2 =	simm.s32 @!p0 $0x1C04  }
0x30d: {  	[timem:s3], [sflag:s2] =	dma.local @!p0 [hbm:s0], s1  }
0x30e: {  	s0 =	simm.s32 @!p0 $0x4  }
0x30f: {  	_ =	swait.ge @!p0 [sflag:s0], s1  }
0x310: {  	s1 =	ssub.s32 @!p0 $0x0, s1;
	[sflag:s0] =	ssyncset.done @!p0 $0x0  }
0x311: {  	[sflag:s0] =	ssyncadd.s32 @!p0 s1  }
0x312: {  	[bflag:$0x3] =	sbarrier.arrive $0xFFFF  }
0x313: {  	_ =	shalt  }

</sc_bundles>
